<compile_context>
chip_gen: v7x
topology: tpu7x:2x2x1
jax: 0.10.2.dev20260603
libtpu: 0.0.44.dev20260713+nightly
codegen_flags: <defaults>
</compile_context>

<pallas_src>
import functools

import jax
import jax.numpy as jnp
from jax import lax
from jax.experimental import pallas as pl
from jax.experimental.pallas import tpu as pltpu
from jax.experimental.pallas import tpu_sc as plsc

B = 16384
F = 26
V = 100000
D = 64
VH0 = 51200
VB = 48768
TAIL = V - VH0 - VB
VH1 = VB + TAIL

NW = 32
PLANES = F * D
PPW = PLANES // NW
QB = B // 4

_mesh = plsc.VectorSubcoreMesh(core_axis_name="c", subcore_axis_name="s")


@functools.partial(
    pl.kernel,
    mesh=_mesh,
    compiler_params=pltpu.CompilerParams(needs_layout_passes=False),
    out_type=jax.ShapeDtypeStruct((F, D, B), jnp.float32),
    scratch_types=[
        pltpu.VMEM((VH0,), jnp.float32),
        pltpu.VMEM((VB,), jnp.float32),
        pltpu.VMEM((TAIL,), jnp.float32),
        pltpu.VMEM((B,), jnp.int32),
        pltpu.VMEM((QB,), jnp.float32),
        pltpu.VMEM((QB,), jnp.float32),
        pltpu.SemaphoreType.DMA,
        pltpu.SemaphoreType.DMA,
        pltpu.SemaphoreType.DMA,
        pltpu.SemaphoreType.DMA,
        pltpu.SemaphoreType.DMA,
        pltpu.SemaphoreType.DMA,
    ],
)
def _sc_plane_gather(tt_hbm, st_hbm, ttail_hbm, out_hbm,
                     h0, h1, tb, idx, ob0, ob1,
                     sem0, sem1, tsem, isem, ssem0, ssem1):
    wid = lax.axis_index("s") * 2 + lax.axis_index("c")
    p0 = wid * PPW
    f0 = lax.shift_right_logical(p0, 6)
    d0 = lax.bitwise_and(p0, D - 1)

    pltpu.async_copy(st_hbm.at[f0], idx, isem)
    pltpu.async_copy(tt_hbm.at[f0, d0].at[pl.ds(0, VH0)], h0, sem0)
    pltpu.async_copy(tt_hbm.at[f0, d0].at[pl.ds(VH0, VB)], h1, sem1)
    pltpu.async_copy(ttail_hbm.at[f0, d0], tb, tsem)

    def _passA(q, ob):
        @plsc.parallel_loop(0, QB // 16, unroll=16)
        def _vec(g):
            iv = idx[pl.ds(q * QB + g * 16, 16)]
            ivc = jnp.minimum(iv, VH0 - 1)
            ob[pl.ds(g * 16, 16)] = plsc.load_gather(h0, [ivc])

    def _passB(q, ob):
        @plsc.parallel_loop(0, QB // 16, unroll=16)
        def _vec(g):
            iv = idx[pl.ds(q * QB + g * 16, 16)]
            ivc = jnp.minimum(jnp.maximum(iv - VH0, 0), VB - 1)
            gb = plsc.load_gather(h1, [ivc])
            ivt = jnp.minimum(jnp.maximum(iv - (VH0 + VB), 0), TAIL - 1)
            gt = plsc.load_gather(tb, [ivt])
            gb = jnp.where(iv >= VH0 + VB, gt, gb)
            prev = ob[pl.ds(g * 16, 16)]
            ob[pl.ds(g * 16, 16)] = jnp.where(iv < VH0, prev, gb)

    def _plane(i, carry):
        p = p0 + i
        f = lax.shift_right_logical(p, 6)
        d = lax.bitwise_and(p, D - 1)

        pltpu.make_async_copy(
            tt_hbm.at[f, d].at[pl.ds(0, VH0)], h0, sem0).wait()

        @pl.when(jnp.logical_or(i == 0, d == 0))
        def _():
            pltpu.make_async_copy(st_hbm.at[f], idx, isem).wait()

        dr = [pltpu.make_async_copy(
                  ob, out_hbm.at[f, d, pl.ds(q * QB, QB)],
                  ssem0 if q % 2 == 0 else ssem1)
              for q, ob in ((0, ob0), (1, ob1), (2, ob0), (3, ob1))]

        for q, ob in ((0, ob0), (1, ob1)):
            @pl.when(i > 0)
            def _():
                dr[q].wait()
            _passA(q, ob)

        pltpu.make_async_copy(tt_hbm.at[f, d].at[pl.ds(VH0, VB)],
                              h1, sem1).wait()
        pltpu.make_async_copy(ttail_hbm.at[f, d], tb, tsem).wait()

        _passB(0, ob0)
        pltpu.async_copy(ob0, out_hbm.at[f, d, pl.ds(0, QB)], ssem0)
        _passB(1, ob1)
        pltpu.async_copy(ob1, out_hbm.at[f, d, pl.ds(QB, QB)], ssem1)

        dr[2].wait()
        _passA(2, ob0)
        dr[3].wait()
        _passA(3, ob1)

        pn = p + 1
        fn = lax.shift_right_logical(pn, 6)
        dn = lax.bitwise_and(pn, D - 1)

        @pl.when(i + 1 < PPW)
        def _():
            pltpu.async_copy(tt_hbm.at[fn, dn].at[pl.ds(0, VH0)], h0, sem0)

        _passB(2, ob0)
        pltpu.async_copy(ob0, out_hbm.at[f, d, pl.ds(2 * QB, QB)], ssem0)
        _passB(3, ob1)
        pltpu.async_copy(ob1, out_hbm.at[f, d, pl.ds(3 * QB, QB)], ssem1)

        @pl.when(i + 1 < PPW)
        def _():
            pltpu.async_copy(tt_hbm.at[fn, dn].at[pl.ds(VH0, VB)], h1, sem1)
            pltpu.async_copy(ttail_hbm.at[fn, dn], tb, tsem)

            @pl.when(dn == 0)
            def _():
                pltpu.async_copy(st_hbm.at[fn], idx, isem)

        return carry

    lax.fori_loop(0, PPW, _plane, 0)
    pltpu.make_async_copy(ob0, out_hbm.at[0, 0, pl.ds(0, QB)], ssem0).wait()
    pltpu.make_async_copy(ob1, out_hbm.at[0, 0, pl.ds(0, QB)], ssem1).wait()


def kernel(tables, s):
    tt = tables.transpose(0, 2, 1)
    st = s.T
    ttail = tt[:, :, VH0 + VB:]
    o = _sc_plane_gather(tt, st, ttail)
    return o.transpose(2, 0, 1)

# --- scband reference (transcript-rebuilt; emitter-appended) ---
"""Pipeline reference for scband-structured-entity-peripheral-87729001988354 (READ-ONLY COPY).

The authoritative reference and input builder live on the scoring server;
editing this copy changes nothing except your own understanding.
"""

import jax, jax.numpy as jnp
import numpy as np

B = 16384
F = 26
VOCAB = 100000
D = 64

def setup_inputs(seed: int = 0) -> dict:
    key = jax.random.key(seed)
    k1, k2 = jax.random.split(key)
    s = jax.random.randint(k1, (B, F), 0, VOCAB, dtype=jnp.int32)
    # 26 per-field embedding tables, each [VOCAB, D], stacked into one array.
    tables = jax.random.normal(k2, (F, VOCAB, D), dtype=jnp.float32) * 0.02
    return {"tables": tables, "s": s}

def reference(tables, s):
    # Faithful translation of StructuredEntityPeripheral.encode with
    # pretrained_path=None: per-column embedding lookup, stacked on dim=1.
    # Dropout is identity at eval time.
    cols = jnp.arange(tables.shape[0])[None, :]          # [1, F]
    entity_enc = tables[cols, s]                          # gather -> [B, F, D]
    return entity_enc

if __name__ == "__main__":
    import jax
    _d = setup_inputs()
    print(jax.jit(kernel)(*tuple(_d.values())))

</pallas_src>

<mosaic_0001>
#map = affine_map<(d0, d1) -> (0, 0, 0)>
#map1 = affine_map<(d0, d1) -> (0, 0)>
module attributes {stable_mosaic.version = 14 : i64} {
  func.func @_sc_plane_gather(%arg0: i32, %arg1: i32, %arg2: memref<26x64x100000xf32, #tpu.memory_space<hbm>>, %arg3: memref<26x16384xi32, #tpu.memory_space<hbm>>, %arg4: memref<26x64x32xf32, #tpu.memory_space<hbm>>, %arg5: memref<26x64x16384xf32, #tpu.memory_space<hbm>>, %arg6: memref<51200xf32, #tpu.memory_space<vmem>>, %arg7: memref<48768xf32, #tpu.memory_space<vmem>>, %arg8: memref<32xf32, #tpu.memory_space<vmem>>, %arg9: memref<16384xi32, #tpu.memory_space<vmem>>, %arg10: memref<4096xf32, #tpu.memory_space<vmem>>, %arg11: memref<4096xf32, #tpu.memory_space<vmem>>, %arg12: memref<!tpu.dma_semaphore, #tpu.memory_space<semaphore_mem>>, %arg13: memref<!tpu.dma_semaphore, #tpu.memory_space<semaphore_mem>>, %arg14: memref<!tpu.dma_semaphore, #tpu.memory_space<semaphore_mem>>, %arg15: memref<!tpu.dma_semaphore, #tpu.memory_space<semaphore_mem>>, %arg16: memref<!tpu.dma_semaphore, #tpu.memory_space<semaphore_mem>>, %arg17: memref<!tpu.dma_semaphore, #tpu.memory_space<semaphore_mem>>) attributes {dimension_semantics = [#tpu.dimension_semantics<core_parallel>, #tpu.dimension_semantics<subcore_parallel>], iteration_bounds = array<i64: 2, 16>, scalar_prefetch = 0 : i64, scratch_operands = 12 : i64, tpu.core_type = #tpu.core_type<sc_vector_subcore>, window_params = [{transform_indices = #map}, {transform_indices = #map1}, {transform_indices = #map}, {transform_indices = #map}]} {
    %mul3A = arith.constant 2 : i32
    %mul3A_0 = arith.muli %arg1, %mul3A : i32
    %add3A = arith.addi %mul3A_0, %arg0 : i32
    %mul3A_1 = arith.constant 52 : i32
    %mul3A_2 = arith.muli %add3A, %mul3A_1 : i32
    %shift_right_logical3A = arith.constant 6 : i32
    %shift_right_logical3A_3 = arith.shrui %mul3A_2, %shift_right_logical3A : i32
    %and3A = arith.constant 63 : i32
    %and3A_4 = arith.andi %mul3A_2, %and3A : i32
    %dma_start3A = arith.constant 0 : i32
    %dma_start3A_5 = tpu.memref_slice %arg3[%shift_right_logical3A_3, %dma_start3A] : memref<26x16384xi32, #tpu.memory_space<hbm>> -> memref<1x16384xi32, #tpu.memory_space<hbm>>
    %dma_start3A_6 = tpu.memref_squeeze %dma_start3A_5 : memref<1x16384xi32, #tpu.memory_space<hbm>> -> memref<16384xi32, #tpu.memory_space<hbm>>
    %dma_start3A_7 = arith.constant 0 : i32
    %dma_start3A_8 = tpu.memref_slice %arg3[%shift_right_logical3A_3, %dma_start3A_7] : memref<26x16384xi32, #tpu.memory_space<hbm>> -> memref<1x16384xi32, #tpu.memory_space<hbm>>
    %dma_start3A_9 = tpu.memref_squeeze %dma_start3A_8 : memref<1x16384xi32, #tpu.memory_space<hbm>> -> memref<16384xi32, #tpu.memory_space<hbm>>
    tpu.enqueue_dma source(%dma_start3A_9 : memref<16384xi32, #tpu.memory_space<hbm>>) target(%arg9 : memref<16384xi32, #tpu.memory_space<vmem>>) target_semaphore(%arg15 : memref<!tpu.dma_semaphore, #tpu.memory_space<semaphore_mem>>)
    %dma_start3A_10 = arith.constant 0 : i32
    %dma_start3A_11 = tpu.memref_slice %arg2[%shift_right_logical3A_3, %and3A_4, %dma_start3A_10] : memref<26x64x100000xf32, #tpu.memory_space<hbm>> -> memref<1x1x100000xf32, #tpu.memory_space<hbm>>
    %dma_start3A_12 = tpu.memref_squeeze %dma_start3A_11 : memref<1x1x100000xf32, #tpu.memory_space<hbm>> -> memref<100000xf32, #tpu.memory_space<hbm>>
    %dma_start3A_13 = arith.constant 0 : i32
    %dma_start3A_14 = tpu.memref_slice %dma_start3A_12[%dma_start3A_13] : memref<100000xf32, #tpu.memory_space<hbm>> -> memref<51200xf32, #tpu.memory_space<hbm>>
    %dma_start3A_15 = arith.constant 0 : i32
    %dma_start3A_16 = tpu.memref_slice %arg2[%shift_right_logical3A_3, %and3A_4, %dma_start3A_15] : memref<26x64x100000xf32, #tpu.memory_space<hbm>> -> memref<1x1x100000xf32, #tpu.memory_space<hbm>>
    %dma_start3A_17 = tpu.memref_squeeze %dma_start3A_16 : memref<1x1x100000xf32, #tpu.memory_space<hbm>> -> memref<100000xf32, #tpu.memory_space<hbm>>
    %dma_start3A_18 = arith.constant 0 : i32
    %dma_start3A_19 = tpu.memref_slice %dma_start3A_17[%dma_start3A_18] : memref<100000xf32, #tpu.memory_space<hbm>> -> memref<51200xf32, #tpu.memory_space<hbm>>
    tpu.enqueue_dma source(%dma_start3A_19 : memref<51200xf32, #tpu.memory_space<hbm>>) target(%arg6 : memref<51200xf32, #tpu.memory_space<vmem>>) target_semaphore(%arg12 : memref<!tpu.dma_semaphore, #tpu.memory_space<semaphore_mem>>)
    %dma_start3A_20 = arith.constant 0 : i32
    %dma_start3A_21 = tpu.memref_slice %arg2[%shift_right_logical3A_3, %and3A_4, %dma_start3A_20] : memref<26x64x100000xf32, #tpu.memory_space<hbm>> -> memref<1x1x100000xf32, #tpu.memory_space<hbm>>
    %dma_start3A_22 = tpu.memref_squeeze %dma_start3A_21 : memref<1x1x100000xf32, #tpu.memory_space<hbm>> -> memref<100000xf32, #tpu.memory_space<hbm>>
    %dma_start3A_23 = arith.constant 51200 : i32
    %dma_start3A_24 = tpu.memref_slice %dma_start3A_22[%dma_start3A_23] : memref<100000xf32, #tpu.memory_space<hbm>> -> memref<48768xf32, #tpu.memory_space<hbm>>
    %dma_start3A_25 = arith.constant 0 : i32
    %dma_start3A_26 = tpu.memref_slice %arg2[%shift_right_logical3A_3, %and3A_4, %dma_start3A_25] : memref<26x64x100000xf32, #tpu.memory_space<hbm>> -> memref<1x1x100000xf32, #tpu.memory_space<hbm>>
    %dma_start3A_27 = tpu.memref_squeeze %dma_start3A_26 : memref<1x1x100000xf32, #tpu.memory_space<hbm>> -> memref<100000xf32, #tpu.memory_space<hbm>>
    %dma_start3A_28 = arith.constant 51200 : i32
    %dma_start3A_29 = tpu.memref_slice %dma_start3A_27[%dma_start3A_28] : memref<100000xf32, #tpu.memory_space<hbm>> -> memref<48768xf32, #tpu.memory_space<hbm>>
    tpu.enqueue_dma source(%dma_start3A_29 : memref<48768xf32, #tpu.memory_space<hbm>>) target(%arg7 : memref<48768xf32, #tpu.memory_space<vmem>>) target_semaphore(%arg13 : memref<!tpu.dma_semaphore, #tpu.memory_space<semaphore_mem>>)
    %dma_start3A_30 = arith.constant 0 : i32
    %dma_start3A_31 = tpu.memref_slice %arg4[%shift_right_logical3A_3, %and3A_4, %dma_start3A_30] : memref<26x64x32xf32, #tpu.memory_space<hbm>> -> memref<1x1x32xf32, #tpu.memory_space<hbm>>
    %dma_start3A_32 = tpu.memref_squeeze %dma_start3A_31 : memref<1x1x32xf32, #tpu.memory_space<hbm>> -> memref<32xf32, #tpu.memory_space<hbm>>
    %dma_start3A_33 = arith.constant 0 : i32
    %dma_start3A_34 = tpu.memref_slice %arg4[%shift_right_logical3A_3, %and3A_4, %dma_start3A_33] : memref<26x64x32xf32, #tpu.memory_space<hbm>> -> memref<1x1x32xf32, #tpu.memory_space<hbm>>
    %dma_start3A_35 = tpu.memref_squeeze %dma_start3A_34 : memref<1x1x32xf32, #tpu.memory_space<hbm>> -> memref<32xf32, #tpu.memory_space<hbm>>
    tpu.enqueue_dma source(%dma_start3A_35 : memref<32xf32, #tpu.memory_space<hbm>>) target(%arg8 : memref<32xf32, #tpu.memory_space<vmem>>) target_semaphore(%arg14 : memref<!tpu.dma_semaphore, #tpu.memory_space<semaphore_mem>>)
    %scan3A = arith.constant 0 : i32
    %scan3A_36 = arith.constant 0 : i32
    %scan3A_37 = arith.constant 52 : i32
    %scan3A_38 = arith.addi %scan3A_36, %scan3A_37 : i32
    %scan3A_39 = arith.constant 1 : i32
    scf.for %scan3A_56 = %scan3A_36 to %scan3A_38 step %scan3A_39  : i32 {
      %add3A_57 = arith.addi %mul3A_2, %scan3A_56 : i32
      %shift_right_logical3A_58 = arith.constant 6 : i32
      %shift_right_logical3A_59 = arith.shrui %add3A_57, %shift_right_logical3A_58 : i32
      %and3A_60 = arith.constant 63 : i32
      %and3A_61 = arith.andi %add3A_57, %and3A_60 : i32
      %dma_wait3A_62 = arith.constant 0 : i32
      %dma_wait3A_63 = tpu.memref_slice %arg2[%shift_right_logical3A_59, %and3A_61, %dma_wait3A_62] : memref<26x64x100000xf32, #tpu.memory_space<hbm>> -> memref<1x1x100000xf32, #tpu.memory_space<hbm>>
      %dma_wait3A_64 = tpu.memref_squeeze %dma_wait3A_63 : memref<1x1x100000xf32, #tpu.memory_space<hbm>> -> memref<100000xf32, #tpu.memory_space<hbm>>
      %dma_wait3A_65 = arith.constant 0 : i32
      %dma_wait3A_66 = tpu.memref_slice %dma_wait3A_64[%dma_wait3A_65] : memref<100000xf32, #tpu.memory_space<hbm>> -> memref<51200xf32, #tpu.memory_space<hbm>>
      %dma_wait3A_67 = arith.constant 0 : i32
      %dma_wait3A_68 = tpu.memref_slice %arg2[%shift_right_logical3A_59, %and3A_61, %dma_wait3A_67] : memref<26x64x100000xf32, #tpu.memory_space<hbm>> -> memref<1x1x100000xf32, #tpu.memory_space<hbm>>
      %dma_wait3A_69 = tpu.memref_squeeze %dma_wait3A_68 : memref<1x1x100000xf32, #tpu.memory_space<hbm>> -> memref<100000xf32, #tpu.memory_space<hbm>>
      %dma_wait3A_70 = arith.constant 0 : i32
      %dma_wait3A_71 = tpu.memref_slice %dma_wait3A_69[%dma_wait3A_70] : memref<100000xf32, #tpu.memory_space<hbm>> -> memref<51200xf32, #tpu.memory_space<hbm>>
      tpu.wait_dma2 semaphore(%arg12 : memref<!tpu.dma_semaphore, #tpu.memory_space<semaphore_mem>>) src(%dma_wait3A_71 : memref<51200xf32, #tpu.memory_space<hbm>>) dst(%arg6 : memref<51200xf32, #tpu.memory_space<vmem>>)
      %eq3A = arith.constant 0 : i32
      %eq3A_72 = arith.cmpi eq, %scan3A_56, %eq3A : i32
      %eq3A_73 = arith.constant 0 : i32
      %eq3A_74 = arith.cmpi eq, %and3A_61, %eq3A_73 : i32
      %or3A = arith.ori %eq3A_72, %eq3A_74 : i1
      %convert_element_type3A = arith.extui %or3A : i1 to i32
      %cond3A = arith.constant 0 : i32
      %cond3A_75 = arith.cmpi ne, %convert_element_type3A, %cond3A : i32
      scf.if %cond3A_75 {
        %dma_wait3A_179 = arith.constant 0 : i32
        %dma_wait3A_180 = tpu.memref_slice %arg3[%shift_right_logical3A_59, %dma_wait3A_179] : memref<26x16384xi32, #tpu.memory_space<hbm>> -> memref<1x16384xi32, #tpu.memory_space<hbm>>
        %dma_wait3A_181 = tpu.memref_squeeze %dma_wait3A_180 : memref<1x16384xi32, #tpu.memory_space<hbm>> -> memref<16384xi32, #tpu.memory_space<hbm>>
        %dma_wait3A_182 = arith.constant 0 : i32
        %dma_wait3A_183 = tpu.memref_slice %arg3[%shift_right_logical3A_59, %dma_wait3A_182] : memref<26x16384xi32, #tpu.memory_space<hbm>> -> memref<1x16384xi32, #tpu.memory_space<hbm>>
        %dma_wait3A_184 = tpu.memref_squeeze %dma_wait3A_183 : memref<1x16384xi32, #tpu.memory_space<hbm>> -> memref<16384xi32, #tpu.memory_space<hbm>>
        tpu.wait_dma2 semaphore(%arg15 : memref<!tpu.dma_semaphore, #tpu.memory_space<semaphore_mem>>) src(%dma_wait3A_184 : memref<16384xi32, #tpu.memory_space<hbm>>) dst(%arg9 : memref<16384xi32, #tpu.memory_space<vmem>>)
      } else {
      }
      %gt3A = arith.constant 0 : i32
      %gt3A_76 = arith.cmpi sgt, %scan3A_56, %gt3A : i32
      %convert_element_type3A_77 = arith.extui %gt3A_76 : i1 to i32
      %cond3A_78 = arith.constant 0 : i32
      %cond3A_79 = arith.cmpi ne, %convert_element_type3A_77, %cond3A_78 : i32
      scf.if %cond3A_79 {
        %dma_wait3A_179 = arith.constant 0 : i32
        %dma_wait3A_180 = tpu.memref_slice %arg5[%shift_right_logical3A_59, %and3A_61, %dma_wait3A_179] : memref<26x64x16384xf32, #tpu.memory_space<hbm>> -> memref<1x1x4096xf32, #tpu.memory_space<hbm>>
        %dma_wait3A_181 = tpu.memref_squeeze %dma_wait3A_180 : memref<1x1x4096xf32, #tpu.memory_space<hbm>> -> memref<4096xf32, #tpu.memory_space<hbm>>
        %dma_wait3A_182 = arith.constant 0 : i32
        %dma_wait3A_183 = tpu.memref_slice %arg5[%shift_right_logical3A_59, %and3A_61, %dma_wait3A_182] : memref<26x64x16384xf32, #tpu.memory_space<hbm>> -> memref<1x1x4096xf32, #tpu.memory_space<hbm>>
        %dma_wait3A_184 = tpu.memref_squeeze %dma_wait3A_183 : memref<1x1x4096xf32, #tpu.memory_space<hbm>> -> memref<4096xf32, #tpu.memory_space<hbm>>
        tpu.wait_dma2 semaphore(%arg16 : memref<!tpu.dma_semaphore, #tpu.memory_space<semaphore_mem>>) src(%arg10 : memref<4096xf32, #tpu.memory_space<vmem>>) dst(%dma_wait3A_184 : memref<4096xf32, #tpu.memory_space<hbm>>)
      } else {
      }
      %parallel_loop3A = arith.constant 0 : i32
      %parallel_loop3A_80 = arith.constant 256 : i32
      %parallel_loop3A_81 = arith.constant 1 : i32
      scf.for %parallel_loop3A_179 = %parallel_loop3A to %parallel_loop3A_80 step %parallel_loop3A_81  : i32 {
        %parallel_loop3A_180 = arith.constant 16 : i32
        %parallel_loop3A_181 = arith.muli %parallel_loop3A_179, %parallel_loop3A_180 : i32
        %parallel_loop3A_182 = arith.constant 0 : i32
        %parallel_loop3A_183 = arith.addi %parallel_loop3A_182, %parallel_loop3A_181 : i32
        %parallel_loop3A_184 = arith.index_cast %parallel_loop3A_183 : i32 to index
        %parallel_loop3A_185 = tpu.vector_load %arg9[%parallel_loop3A_184] {strides = array<i32>} : memref<16384xi32, #tpu.memory_space<vmem>>, vector<16xi32>,
        %parallel_loop3A_186 = arith.constant 51199 : i32
        %parallel_loop3A_187 = vector.broadcast %parallel_loop3A_186 : i32 to vector<16xi32>
        %parallel_loop3A_188 = arith.minsi %parallel_loop3A_185, %parallel_loop3A_187 : vector<16xi32>
        %parallel_loop3A_189 = tpu.vector_load_idx %arg6[%parallel_loop3A_188] : memref<51200xf32, #tpu.memory_space<vmem>>[vector<16xi32>], vector<16xf32>,
        %parallel_loop3A_190 = arith.constant 16 : i32
        %parallel_loop3A_191 = arith.muli %parallel_loop3A_179, %parallel_loop3A_190 : i32
        %parallel_loop3A_192 = arith.index_cast %parallel_loop3A_191 : i32 to index
        %parallel_loop3A_193 = tpu.vector_load %arg10[%parallel_loop3A_192] {strides = array<i32>} : memref<4096xf32, #tpu.memory_space<vmem>>, vector<16xf32>,
        tpu.vector_store %arg10[%parallel_loop3A_192], %parallel_loop3A_189 {strides = array<i32>} : memref<4096xf32, #tpu.memory_space<vmem>>, vector<16xf32>,
      } {sc.loop_unroll_factor = 16 : i64, sc.parallel_access}
      %gt3A_82 = arith.constant 0 : i32
      %gt3A_83 = arith.cmpi sgt, %scan3A_56, %gt3A_82 : i32
      %convert_element_type3A_84 = arith.extui %gt3A_83 : i1 to i32
      %cond3A_85 = arith.constant 0 : i32
      %cond3A_86 = arith.cmpi ne, %convert_element_type3A_84, %cond3A_85 : i32
      scf.if %cond3A_86 {
        %dma_wait3A_179 = arith.constant 4096 : i32
        %dma_wait3A_180 = tpu.memref_slice %arg5[%shift_right_logical3A_59, %and3A_61, %dma_wait3A_179] : memref<26x64x16384xf32, #tpu.memory_space<hbm>> -> memref<1x1x4096xf32, #tpu.memory_space<hbm>>
        %dma_wait3A_181 = tpu.memref_squeeze %dma_wait3A_180 : memref<1x1x4096xf32, #tpu.memory_space<hbm>> -> memref<4096xf32, #tpu.memory_space<hbm>>
        %dma_wait3A_182 = arith.constant 4096 : i32
        %dma_wait3A_183 = tpu.memref_slice %arg5[%shift_right_logical3A_59, %and3A_61, %dma_wait3A_182] : memref<26x64x16384xf32, #tpu.memory_space<hbm>> -> memref<1x1x4096xf32, #tpu.memory_space<hbm>>
        %dma_wait3A_184 = tpu.memref_squeeze %dma_wait3A_183 : memref<1x1x4096xf32, #tpu.memory_space<hbm>> -> memref<4096xf32, #tpu.memory_space<hbm>>
        tpu.wait_dma2 semaphore(%arg17 : memref<!tpu.dma_semaphore, #tpu.memory_space<semaphore_mem>>) src(%arg11 : memref<4096xf32, #tpu.memory_space<vmem>>) dst(%dma_wait3A_184 : memref<4096xf32, #tpu.memory_space<hbm>>)
      } else {
      }
      %parallel_loop3A_87 = arith.constant 0 : i32
      %parallel_loop3A_88 = arith.constant 256 : i32
      %parallel_loop3A_89 = arith.constant 1 : i32
      scf.for %parallel_loop3A_179 = %parallel_loop3A_87 to %parallel_loop3A_88 step %parallel_loop3A_89  : i32 {
        %parallel_loop3A_180 = arith.constant 16 : i32
        %parallel_loop3A_181 = arith.muli %parallel_loop3A_179, %parallel_loop3A_180 : i32
        %parallel_loop3A_182 = arith.constant 4096 : i32
        %parallel_loop3A_183 = arith.addi %parallel_loop3A_182, %parallel_loop3A_181 : i32
        %parallel_loop3A_184 = arith.index_cast %parallel_loop3A_183 : i32 to index
        %parallel_loop3A_185 = tpu.vector_load %arg9[%parallel_loop3A_184] {strides = array<i32>} : memref<16384xi32, #tpu.memory_space<vmem>>, vector<16xi32>,
        %parallel_loop3A_186 = arith.constant 51199 : i32
        %parallel_loop3A_187 = vector.broadcast %parallel_loop3A_186 : i32 to vector<16xi32>
        %parallel_loop3A_188 = arith.minsi %parallel_loop3A_185, %parallel_loop3A_187 : vector<16xi32>
        %parallel_loop3A_189 = tpu.vector_load_idx %arg6[%parallel_loop3A_188] : memref<51200xf32, #tpu.memory_space<vmem>>[vector<16xi32>], vector<16xf32>,
        %parallel_loop3A_190 = arith.constant 16 : i32
        %parallel_loop3A_191 = arith.muli %parallel_loop3A_179, %parallel_loop3A_190 : i32
        %parallel_loop3A_192 = arith.index_cast %parallel_loop3A_191 : i32 to index
        %parallel_loop3A_193 = tpu.vector_load %arg11[%parallel_loop3A_192] {strides = array<i32>} : memref<4096xf32, #tpu.memory_space<vmem>>, vector<16xf32>,
        tpu.vector_store %arg11[%parallel_loop3A_192], %parallel_loop3A_189 {strides = array<i32>} : memref<4096xf32, #tpu.memory_space<vmem>>, vector<16xf32>,
      } {sc.loop_unroll_factor = 16 : i64, sc.parallel_access}
      %dma_wait3A_90 = arith.constant 0 : i32
      %dma_wait3A_91 = tpu.memref_slice %arg2[%shift_right_logical3A_59, %and3A_61, %dma_wait3A_90] : memref<26x64x100000xf32, #tpu.memory_space<hbm>> -> memref<1x1x100000xf32, #tpu.memory_space<hbm>>
      %dma_wait3A_92 = tpu.memref_squeeze %dma_wait3A_91 : memref<1x1x100000xf32, #tpu.memory_space<hbm>> -> memref<100000xf32, #tpu.memory_space<hbm>>
      %dma_wait3A_93 = arith.constant 51200 : i32
      %dma_wait3A_94 = tpu.memref_slice %dma_wait3A_92[%dma_wait3A_93] : memref<100000xf32, #tpu.memory_space<hbm>> -> memref<48768xf32, #tpu.memory_space<hbm>>
      %dma_wait3A_95 = arith.constant 0 : i32
      %dma_wait3A_96 = tpu.memref_slice %arg2[%shift_right_logical3A_59, %and3A_61, %dma_wait3A_95] : memref<26x64x100000xf32, #tpu.memory_space<hbm>> -> memref<1x1x100000xf32, #tpu.memory_space<hbm>>
      %dma_wait3A_97 = tpu.memref_squeeze %dma_wait3A_96 : memref<1x1x100000xf32, #tpu.memory_space<hbm>> -> memref<100000xf32, #tpu.memory_space<hbm>>
      %dma_wait3A_98 = arith.constant 51200 : i32
      %dma_wait3A_99 = tpu.memref_slice %dma_wait3A_97[%dma_wait3A_98] : memref<100000xf32, #tpu.memory_space<hbm>> -> memref<48768xf32, #tpu.memory_space<hbm>>
      tpu.wait_dma2 semaphore(%arg13 : memref<!tpu.dma_semaphore, #tpu.memory_space<semaphore_mem>>) src(%dma_wait3A_99 : memref<48768xf32, #tpu.memory_space<hbm>>) dst(%arg7 : memref<48768xf32, #tpu.memory_space<vmem>>)
      %dma_wait3A_100 = arith.constant 0 : i32
      %dma_wait3A_101 = tpu.memref_slice %arg4[%shift_right_logical3A_59, %and3A_61, %dma_wait3A_100] : memref<26x64x32xf32, #tpu.memory_space<hbm>> -> memref<1x1x32xf32, #tpu.memory_space<hbm>>
      %dma_wait3A_102 = tpu.memref_squeeze %dma_wait3A_101 : memref<1x1x32xf32, #tpu.memory_space<hbm>> -> memref<32xf32, #tpu.memory_space<hbm>>
      %dma_wait3A_103 = arith.constant 0 : i32
      %dma_wait3A_104 = tpu.memref_slice %arg4[%shift_right_logical3A_59, %and3A_61, %dma_wait3A_103] : memref<26x64x32xf32, #tpu.memory_space<hbm>> -> memref<1x1x32xf32, #tpu.memory_space<hbm>>
      %dma_wait3A_105 = tpu.memref_squeeze %dma_wait3A_104 : memref<1x1x32xf32, #tpu.memory_space<hbm>> -> memref<32xf32, #tpu.memory_space<hbm>>
      tpu.wait_dma2 semaphore(%arg14 : memref<!tpu.dma_semaphore, #tpu.memory_space<semaphore_mem>>) src(%dma_wait3A_105 : memref<32xf32, #tpu.memory_space<hbm>>) dst(%arg8 : memref<32xf32, #tpu.memory_space<vmem>>)
      %parallel_loop3A_106 = arith.constant 0 : i32
      %parallel_loop3A_107 = arith.constant 256 : i32
      %parallel_loop3A_108 = arith.constant 1 : i32
      scf.for %parallel_loop3A_179 = %parallel_loop3A_106 to %parallel_loop3A_107 step %parallel_loop3A_108  : i32 {
        %parallel_loop3A_180 = arith.constant 16 : i32
        %parallel_loop3A_181 = arith.muli %parallel_loop3A_179, %parallel_loop3A_180 : i32
        %parallel_loop3A_182 = arith.constant 0 : i32
        %parallel_loop3A_183 = arith.addi %parallel_loop3A_182, %parallel_loop3A_181 : i32
        %parallel_loop3A_184 = arith.index_cast %parallel_loop3A_183 : i32 to index
        %parallel_loop3A_185 = tpu.vector_load %arg9[%parallel_loop3A_184] {strides = array<i32>} : memref<16384xi32, #tpu.memory_space<vmem>>, vector<16xi32>,
        %parallel_loop3A_186 = arith.constant 51200 : i32
        %parallel_loop3A_187 = vector.broadcast %parallel_loop3A_186 : i32 to vector<16xi32>
        %parallel_loop3A_188 = arith.subi %parallel_loop3A_185, %parallel_loop3A_187 : vector<16xi32>
        %parallel_loop3A_189 = arith.constant 0 : i32
        %parallel_loop3A_190 = vector.broadcast %parallel_loop3A_189 : i32 to vector<16xi32>
        %parallel_loop3A_191 = arith.maxsi %parallel_loop3A_188, %parallel_loop3A_190 : vector<16xi32>
        %parallel_loop3A_192 = arith.constant 48767 : i32
        %parallel_loop3A_193 = vector.broadcast %parallel_loop3A_192 : i32 to vector<16xi32>
        %parallel_loop3A_194 = arith.minsi %parallel_loop3A_191, %parallel_loop3A_193 : vector<16xi32>
        %parallel_loop3A_195 = tpu.vector_load_idx %arg7[%parallel_loop3A_194] : memref<48768xf32, #tpu.memory_space<vmem>>[vector<16xi32>], vector<16xf32>,
        %parallel_loop3A_196 = arith.constant 99968 : i32
        %parallel_loop3A_197 = vector.broadcast %parallel_loop3A_196 : i32 to vector<16xi32>
        %parallel_loop3A_198 = arith.subi %parallel_loop3A_185, %parallel_loop3A_197 : vector<16xi32>
        %parallel_loop3A_199 = arith.constant 0 : i32
        %parallel_loop3A_200 = vector.broadcast %parallel_loop3A_199 : i32 to vector<16xi32>
        %parallel_loop3A_201 = arith.maxsi %parallel_loop3A_198, %parallel_loop3A_200 : vector<16xi32>
        %parallel_loop3A_202 = arith.constant 31 : i32
        %parallel_loop3A_203 = vector.broadcast %parallel_loop3A_202 : i32 to vector<16xi32>
        %parallel_loop3A_204 = arith.minsi %parallel_loop3A_201, %parallel_loop3A_203 : vector<16xi32>
        %parallel_loop3A_205 = tpu.vector_load_idx %arg8[%parallel_loop3A_204] : memref<32xf32, #tpu.memory_space<vmem>>[vector<16xi32>], vector<16xf32>,
        %parallel_loop3A_206 = arith.constant 99968 : i32
        %parallel_loop3A_207 = vector.broadcast %parallel_loop3A_206 : i32 to vector<16xi32>
        %parallel_loop3A_208 = arith.cmpi sge, %parallel_loop3A_185, %parallel_loop3A_207 : vector<16xi32>
        %parallel_loop3A_209 = arith.select %parallel_loop3A_208, %parallel_loop3A_205, %parallel_loop3A_195 : vector<16xi1>, vector<16xf32>
        %parallel_loop3A_210 = arith.constant 16 : i32
        %parallel_loop3A_211 = arith.muli %parallel_loop3A_179, %parallel_loop3A_210 : i32
        %parallel_loop3A_212 = arith.index_cast %parallel_loop3A_211 : i32 to index
        %parallel_loop3A_213 = tpu.vector_load %arg10[%parallel_loop3A_212] {strides = array<i32>} : memref<4096xf32, #tpu.memory_space<vmem>>, vector<16xf32>,
        %parallel_loop3A_214 = arith.constant 51200 : i32
        %parallel_loop3A_215 = vector.broadcast %parallel_loop3A_214 : i32 to vector<16xi32>
        %parallel_loop3A_216 = arith.cmpi slt, %parallel_loop3A_185, %parallel_loop3A_215 : vector<16xi32>
        %parallel_loop3A_217 = arith.select %parallel_loop3A_216, %parallel_loop3A_213, %parallel_loop3A_209 : vector<16xi1>, vector<16xf32>
        %parallel_loop3A_218 = arith.constant 16 : i32
        %parallel_loop3A_219 = arith.muli %parallel_loop3A_179, %parallel_loop3A_218 : i32
        %parallel_loop3A_220 = arith.index_cast %parallel_loop3A_219 : i32 to index
        %parallel_loop3A_221 = tpu.vector_load %arg10[%parallel_loop3A_220] {strides = array<i32>} : memref<4096xf32, #tpu.memory_space<vmem>>, vector<16xf32>,
        tpu.vector_store %arg10[%parallel_loop3A_220], %parallel_loop3A_217 {strides = array<i32>} : memref<4096xf32, #tpu.memory_space<vmem>>, vector<16xf32>,
      } {sc.loop_unroll_factor = 16 : i64, sc.parallel_access}
      %dma_start3A_109 = arith.constant 0 : i32
      %dma_start3A_110 = tpu.memref_slice %arg5[%shift_right_logical3A_59, %and3A_61, %dma_start3A_109] : memref<26x64x16384xf32, #tpu.memory_space<hbm>> -> memref<1x1x4096xf32, #tpu.memory_space<hbm>>
      %dma_start3A_111 = tpu.memref_squeeze %dma_start3A_110 : memref<1x1x4096xf32, #tpu.memory_space<hbm>> -> memref<4096xf32, #tpu.memory_space<hbm>>
      %dma_start3A_112 = arith.constant 0 : i32
      %dma_start3A_113 = tpu.memref_slice %arg5[%shift_right_logical3A_59, %and3A_61, %dma_start3A_112] : memref<26x64x16384xf32, #tpu.memory_space<hbm>> -> memref<1x1x4096xf32, #tpu.memory_space<hbm>>
      %dma_start3A_114 = tpu.memref_squeeze %dma_start3A_113 : memref<1x1x4096xf32, #tpu.memory_space<hbm>> -> memref<4096xf32, #tpu.memory_space<hbm>>
      tpu.enqueue_dma source(%arg10 : memref<4096xf32, #tpu.memory_space<vmem>>) target(%dma_start3A_114 : memref<4096xf32, #tpu.memory_space<hbm>>) target_semaphore(%arg16 : memref<!tpu.dma_semaphore, #tpu.memory_space<semaphore_mem>>)
      %parallel_loop3A_115 = arith.constant 0 : i32
      %parallel_loop3A_116 = arith.constant 256 : i32
      %parallel_loop3A_117 = arith.constant 1 : i32
      scf.for %parallel_loop3A_179 = %parallel_loop3A_115 to %parallel_loop3A_116 step %parallel_loop3A_117  : i32 {
        %parallel_loop3A_180 = arith.constant 16 : i32
        %parallel_loop3A_181 = arith.muli %parallel_loop3A_179, %parallel_loop3A_180 : i32
        %parallel_loop3A_182 = arith.constant 4096 : i32
        %parallel_loop3A_183 = arith.addi %parallel_loop3A_182, %parallel_loop3A_181 : i32
        %parallel_loop3A_184 = arith.index_cast %parallel_loop3A_183 : i32 to index
        %parallel_loop3A_185 = tpu.vector_load %arg9[%parallel_loop3A_184] {strides = array<i32>} : memref<16384xi32, #tpu.memory_space<vmem>>, vector<16xi32>,
        %parallel_loop3A_186 = arith.constant 51200 : i32
        %parallel_loop3A_187 = vector.broadcast %parallel_loop3A_186 : i32 to vector<16xi32>
        %parallel_loop3A_188 = arith.subi %parallel_loop3A_185, %parallel_loop3A_187 : vector<16xi32>
        %parallel_loop3A_189 = arith.constant 0 : i32
        %parallel_loop3A_190 = vector.broadcast %parallel_loop3A_189 : i32 to vector<16xi32>
        %parallel_loop3A_191 = arith.maxsi %parallel_loop3A_188, %parallel_loop3A_190 : vector<16xi32>
        %parallel_loop3A_192 = arith.constant 48767 : i32
        %parallel_loop3A_193 = vector.broadcast %parallel_loop3A_192 : i32 to vector<16xi32>
        %parallel_loop3A_194 = arith.minsi %parallel_loop3A_191, %parallel_loop3A_193 : vector<16xi32>
        %parallel_loop3A_195 = tpu.vector_load_idx %arg7[%parallel_loop3A_194] : memref<48768xf32, #tpu.memory_space<vmem>>[vector<16xi32>], vector<16xf32>,
        %parallel_loop3A_196 = arith.constant 99968 : i32
        %parallel_loop3A_197 = vector.broadcast %parallel_loop3A_196 : i32 to vector<16xi32>
        %parallel_loop3A_198 = arith.subi %parallel_loop3A_185, %parallel_loop3A_197 : vector<16xi32>
        %parallel_loop3A_199 = arith.constant 0 : i32
        %parallel_loop3A_200 = vector.broadcast %parallel_loop3A_199 : i32 to vector<16xi32>
        %parallel_loop3A_201 = arith.maxsi %parallel_loop3A_198, %parallel_loop3A_200 : vector<16xi32>
        %parallel_loop3A_202 = arith.constant 31 : i32
        %parallel_loop3A_203 = vector.broadcast %parallel_loop3A_202 : i32 to vector<16xi32>
        %parallel_loop3A_204 = arith.minsi %parallel_loop3A_201, %parallel_loop3A_203 : vector<16xi32>
        %parallel_loop3A_205 = tpu.vector_load_idx %arg8[%parallel_loop3A_204] : memref<32xf32, #tpu.memory_space<vmem>>[vector<16xi32>], vector<16xf32>,
        %parallel_loop3A_206 = arith.constant 99968 : i32
        %parallel_loop3A_207 = vector.broadcast %parallel_loop3A_206 : i32 to vector<16xi32>
        %parallel_loop3A_208 = arith.cmpi sge, %parallel_loop3A_185, %parallel_loop3A_207 : vector<16xi32>
        %parallel_loop3A_209 = arith.select %parallel_loop3A_208, %parallel_loop3A_205, %parallel_loop3A_195 : vector<16xi1>, vector<16xf32>
        %parallel_loop3A_210 = arith.constant 16 : i32
        %parallel_loop3A_211 = arith.muli %parallel_loop3A_179, %parallel_loop3A_210 : i32
        %parallel_loop3A_212 = arith.index_cast %parallel_loop3A_211 : i32 to index
        %parallel_loop3A_213 = tpu.vector_load %arg11[%parallel_loop3A_212] {strides = array<i32>} : memref<4096xf32, #tpu.memory_space<vmem>>, vector<16xf32>,
        %parallel_loop3A_214 = arith.constant 51200 : i32
        %parallel_loop3A_215 = vector.broadcast %parallel_loop3A_214 : i32 to vector<16xi32>
        %parallel_loop3A_216 = arith.cmpi slt, %parallel_loop3A_185, %parallel_loop3A_215 : vector<16xi32>
        %parallel_loop3A_217 = arith.select %parallel_loop3A_216, %parallel_loop3A_213, %parallel_loop3A_209 : vector<16xi1>, vector<16xf32>
        %parallel_loop3A_218 = arith.constant 16 : i32
        %parallel_loop3A_219 = arith.muli %parallel_loop3A_179, %parallel_loop3A_218 : i32
        %parallel_loop3A_220 = arith.index_cast %parallel_loop3A_219 : i32 to index
        %parallel_loop3A_221 = tpu.vector_load %arg11[%parallel_loop3A_220] {strides = array<i32>} : memref<4096xf32, #tpu.memory_space<vmem>>, vector<16xf32>,
        tpu.vector_store %arg11[%parallel_loop3A_220], %parallel_loop3A_217 {strides = array<i32>} : memref<4096xf32, #tpu.memory_space<vmem>>, vector<16xf32>,
      } {sc.loop_unroll_factor = 16 : i64, sc.parallel_access}
      %dma_start3A_118 = arith.constant 4096 : i32
      %dma_start3A_119 = tpu.memref_slice %arg5[%shift_right_logical3A_59, %and3A_61, %dma_start3A_118] : memref<26x64x16384xf32, #tpu.memory_space<hbm>> -> memref<1x1x4096xf32, #tpu.memory_space<hbm>>
      %dma_start3A_120 = tpu.memref_squeeze %dma_start3A_119 : memref<1x1x4096xf32, #tpu.memory_space<hbm>> -> memref<4096xf32, #tpu.memory_space<hbm>>
      %dma_start3A_121 = arith.constant 4096 : i32
      %dma_start3A_122 = tpu.memref_slice %arg5[%shift_right_logical3A_59, %and3A_61, %dma_start3A_121] : memref<26x64x16384xf32, #tpu.memory_space<hbm>> -> memref<1x1x4096xf32, #tpu.memory_space<hbm>>
      %dma_start3A_123 = tpu.memref_squeeze %dma_start3A_122 : memref<1x1x4096xf32, #tpu.memory_space<hbm>> -> memref<4096xf32, #tpu.memory_space<hbm>>
      tpu.enqueue_dma source(%arg11 : memref<4096xf32, #tpu.memory_space<vmem>>) target(%dma_start3A_123 : memref<4096xf32, #tpu.memory_space<hbm>>) target_semaphore(%arg17 : memref<!tpu.dma_semaphore, #tpu.memory_space<semaphore_mem>>)
      %dma_wait3A_124 = arith.constant 8192 : i32
      %dma_wait3A_125 = tpu.memref_slice %arg5[%shift_right_logical3A_59, %and3A_61, %dma_wait3A_124] : memref<26x64x16384xf32, #tpu.memory_space<hbm>> -> memref<1x1x4096xf32, #tpu.memory_space<hbm>>
      %dma_wait3A_126 = tpu.memref_squeeze %dma_wait3A_125 : memref<1x1x4096xf32, #tpu.memory_space<hbm>> -> memref<4096xf32, #tpu.memory_space<hbm>>
      %dma_wait3A_127 = arith.constant 8192 : i32
      %dma_wait3A_128 = tpu.memref_slice %arg5[%shift_right_logical3A_59, %and3A_61, %dma_wait3A_127] : memref<26x64x16384xf32, #tpu.memory_space<hbm>> -> memref<1x1x4096xf32, #tpu.memory_space<hbm>>
      %dma_wait3A_129 = tpu.memref_squeeze %dma_wait3A_128 : memref<1x1x4096xf32, #tpu.memory_space<hbm>> -> memref<4096xf32, #tpu.memory_space<hbm>>
      tpu.wait_dma2 semaphore(%arg16 : memref<!tpu.dma_semaphore, #tpu.memory_space<semaphore_mem>>) src(%arg10 : memref<4096xf32, #tpu.memory_space<vmem>>) dst(%dma_wait3A_129 : memref<4096xf32, #tpu.memory_space<hbm>>)
      %parallel_loop3A_130 = arith.constant 0 : i32
      %parallel_loop3A_131 = arith.constant 256 : i32
      %parallel_loop3A_132 = arith.constant 1 : i32
      scf.for %parallel_loop3A_179 = %parallel_loop3A_130 to %parallel_loop3A_131 step %parallel_loop3A_132  : i32 {
        %parallel_loop3A_180 = arith.constant 16 : i32
        %parallel_loop3A_181 = arith.muli %parallel_loop3A_179, %parallel_loop3A_180 : i32
        %parallel_loop3A_182 = arith.constant 8192 : i32
        %parallel_loop3A_183 = arith.addi %parallel_loop3A_182, %parallel_loop3A_181 : i32
        %parallel_loop3A_184 = arith.index_cast %parallel_loop3A_183 : i32 to index
        %parallel_loop3A_185 = tpu.vector_load %arg9[%parallel_loop3A_184] {strides = array<i32>} : memref<16384xi32, #tpu.memory_space<vmem>>, vector<16xi32>,
        %parallel_loop3A_186 = arith.constant 51199 : i32
        %parallel_loop3A_187 = vector.broadcast %parallel_loop3A_186 : i32 to vector<16xi32>
        %parallel_loop3A_188 = arith.minsi %parallel_loop3A_185, %parallel_loop3A_187 : vector<16xi32>
        %parallel_loop3A_189 = tpu.vector_load_idx %arg6[%parallel_loop3A_188] : memref<51200xf32, #tpu.memory_space<vmem>>[vector<16xi32>], vector<16xf32>,
        %parallel_loop3A_190 = arith.constant 16 : i32
        %parallel_loop3A_191 = arith.muli %parallel_loop3A_179, %parallel_loop3A_190 : i32
        %parallel_loop3A_192 = arith.index_cast %parallel_loop3A_191 : i32 to index
        %parallel_loop3A_193 = tpu.vector_load %arg10[%parallel_loop3A_192] {strides = array<i32>} : memref<4096xf32, #tpu.memory_space<vmem>>, vector<16xf32>,
        tpu.vector_store %arg10[%parallel_loop3A_192], %parallel_loop3A_189 {strides = array<i32>} : memref<4096xf32, #tpu.memory_space<vmem>>, vector<16xf32>,
      } {sc.loop_unroll_factor = 16 : i64, sc.parallel_access}
      %dma_wait3A_133 = arith.constant 12288 : i32
      %dma_wait3A_134 = tpu.memref_slice %arg5[%shift_right_logical3A_59, %and3A_61, %dma_wait3A_133] : memref<26x64x16384xf32, #tpu.memory_space<hbm>> -> memref<1x1x4096xf32, #tpu.memory_space<hbm>>
      %dma_wait3A_135 = tpu.memref_squeeze %dma_wait3A_134 : memref<1x1x4096xf32, #tpu.memory_space<hbm>> -> memref<4096xf32, #tpu.memory_space<hbm>>
      %dma_wait3A_136 = arith.constant 12288 : i32
      %dma_wait3A_137 = tpu.memref_slice %arg5[%shift_right_logical3A_59, %and3A_61, %dma_wait3A_136] : memref<26x64x16384xf32, #tpu.memory_space<hbm>> -> memref<1x1x4096xf32, #tpu.memory_space<hbm>>
      %dma_wait3A_138 = tpu.memref_squeeze %dma_wait3A_137 : memref<1x1x4096xf32, #tpu.memory_space<hbm>> -> memref<4096xf32, #tpu.memory_space<hbm>>
      tpu.wait_dma2 semaphore(%arg17 : memref<!tpu.dma_semaphore, #tpu.memory_space<semaphore_mem>>) src(%arg11 : memref<4096xf32, #tpu.memory_space<vmem>>) dst(%dma_wait3A_138 : memref<4096xf32, #tpu.memory_space<hbm>>)
      %parallel_loop3A_139 = arith.constant 0 : i32
      %parallel_loop3A_140 = arith.constant 256 : i32
      %parallel_loop3A_141 = arith.constant 1 : i32
      scf.for %parallel_loop3A_179 = %parallel_loop3A_139 to %parallel_loop3A_140 step %parallel_loop3A_141  : i32 {
        %parallel_loop3A_180 = arith.constant 16 : i32
        %parallel_loop3A_181 = arith.muli %parallel_loop3A_179, %parallel_loop3A_180 : i32
        %parallel_loop3A_182 = arith.constant 12288 : i32
        %parallel_loop3A_183 = arith.addi %parallel_loop3A_182, %parallel_loop3A_181 : i32
        %parallel_loop3A_184 = arith.index_cast %parallel_loop3A_183 : i32 to index
        %parallel_loop3A_185 = tpu.vector_load %arg9[%parallel_loop3A_184] {strides = array<i32>} : memref<16384xi32, #tpu.memory_space<vmem>>, vector<16xi32>,
        %parallel_loop3A_186 = arith.constant 51199 : i32
        %parallel_loop3A_187 = vector.broadcast %parallel_loop3A_186 : i32 to vector<16xi32>
        %parallel_loop3A_188 = arith.minsi %parallel_loop3A_185, %parallel_loop3A_187 : vector<16xi32>
        %parallel_loop3A_189 = tpu.vector_load_idx %arg6[%parallel_loop3A_188] : memref<51200xf32, #tpu.memory_space<vmem>>[vector<16xi32>], vector<16xf32>,
        %parallel_loop3A_190 = arith.constant 16 : i32
        %parallel_loop3A_191 = arith.muli %parallel_loop3A_179, %parallel_loop3A_190 : i32
        %parallel_loop3A_192 = arith.index_cast %parallel_loop3A_191 : i32 to index
        %parallel_loop3A_193 = tpu.vector_load %arg11[%parallel_loop3A_192] {strides = array<i32>} : memref<4096xf32, #tpu.memory_space<vmem>>, vector<16xf32>,
        tpu.vector_store %arg11[%parallel_loop3A_192], %parallel_loop3A_189 {strides = array<i32>} : memref<4096xf32, #tpu.memory_space<vmem>>, vector<16xf32>,
      } {sc.loop_unroll_factor = 16 : i64, sc.parallel_access}
      %add3A_142 = arith.constant 1 : i32
      %add3A_143 = arith.addi %add3A_57, %add3A_142 : i32
      %shift_right_logical3A_144 = arith.constant 6 : i32
      %shift_right_logical3A_145 = arith.shrui %add3A_143, %shift_right_logical3A_144 : i32
      %and3A_146 = arith.constant 63 : i32
      %and3A_147 = arith.andi %add3A_143, %and3A_146 : i32
      %add3A_148 = arith.constant 1 : i32
      %add3A_149 = arith.addi %scan3A_56, %add3A_148 : i32
      %lt3A = arith.constant 52 : i32
      %lt3A_150 = arith.cmpi slt, %add3A_149, %lt3A : i32
      %convert_element_type3A_151 = arith.extui %lt3A_150 : i1 to i32
      %cond3A_152 = arith.constant 0 : i32
      %cond3A_153 = arith.cmpi ne, %convert_element_type3A_151, %cond3A_152 : i32
      scf.if %cond3A_153 {
        %dma_start3A_179 = arith.constant 0 : i32
        %dma_start3A_180 = tpu.memref_slice %arg2[%shift_right_logical3A_145, %and3A_147, %dma_start3A_179] : memref<26x64x100000xf32, #tpu.memory_space<hbm>> -> memref<1x1x100000xf32, #tpu.memory_space<hbm>>
        %dma_start3A_181 = tpu.memref_squeeze %dma_start3A_180 : memref<1x1x100000xf32, #tpu.memory_space<hbm>> -> memref<100000xf32, #tpu.memory_space<hbm>>
        %dma_start3A_182 = arith.constant 0 : i32
        %dma_start3A_183 = tpu.memref_slice %dma_start3A_181[%dma_start3A_182] : memref<100000xf32, #tpu.memory_space<hbm>> -> memref<51200xf32, #tpu.memory_space<hbm>>
        %dma_start3A_184 = arith.constant 0 : i32
        %dma_start3A_185 = tpu.memref_slice %arg2[%shift_right_logical3A_145, %and3A_147, %dma_start3A_184] : memref<26x64x100000xf32, #tpu.memory_space<hbm>> -> memref<1x1x100000xf32, #tpu.memory_space<hbm>>
        %dma_start3A_186 = tpu.memref_squeeze %dma_start3A_185 : memref<1x1x100000xf32, #tpu.memory_space<hbm>> -> memref<100000xf32, #tpu.memory_space<hbm>>
        %dma_start3A_187 = arith.constant 0 : i32
        %dma_start3A_188 = tpu.memref_slice %dma_start3A_186[%dma_start3A_187] : memref<100000xf32, #tpu.memory_space<hbm>> -> memref<51200xf32, #tpu.memory_space<hbm>>
        tpu.enqueue_dma source(%dma_start3A_188 : memref<51200xf32, #tpu.memory_space<hbm>>) target(%arg6 : memref<51200xf32, #tpu.memory_space<vmem>>) target_semaphore(%arg12 : memref<!tpu.dma_semaphore, #tpu.memory_space<semaphore_mem>>)
      } else {
      }
      %parallel_loop3A_154 = arith.constant 0 : i32
      %parallel_loop3A_155 = arith.constant 256 : i32
      %parallel_loop3A_156 = arith.constant 1 : i32
      scf.for %parallel_loop3A_179 = %parallel_loop3A_154 to %parallel_loop3A_155 step %parallel_loop3A_156  : i32 {
        %parallel_loop3A_180 = arith.constant 16 : i32
        %parallel_loop3A_181 = arith.muli %parallel_loop3A_179, %parallel_loop3A_180 : i32
        %parallel_loop3A_182 = arith.constant 8192 : i32
        %parallel_loop3A_183 = arith.addi %parallel_loop3A_182, %parallel_loop3A_181 : i32
        %parallel_loop3A_184 = arith.index_cast %parallel_loop3A_183 : i32 to index
        %parallel_loop3A_185 = tpu.vector_load %arg9[%parallel_loop3A_184] {strides = array<i32>} : memref<16384xi32, #tpu.memory_space<vmem>>, vector<16xi32>,
        %parallel_loop3A_186 = arith.constant 51200 : i32
        %parallel_loop3A_187 = vector.broadcast %parallel_loop3A_186 : i32 to vector<16xi32>
        %parallel_loop3A_188 = arith.subi %parallel_loop3A_185, %parallel_loop3A_187 : vector<16xi32>
        %parallel_loop3A_189 = arith.constant 0 : i32
        %parallel_loop3A_190 = vector.broadcast %parallel_loop3A_189 : i32 to vector<16xi32>
        %parallel_loop3A_191 = arith.maxsi %parallel_loop3A_188, %parallel_loop3A_190 : vector<16xi32>
        %parallel_loop3A_192 = arith.constant 48767 : i32
        %parallel_loop3A_193 = vector.broadcast %parallel_loop3A_192 : i32 to vector<16xi32>
        %parallel_loop3A_194 = arith.minsi %parallel_loop3A_191, %parallel_loop3A_193 : vector<16xi32>
        %parallel_loop3A_195 = tpu.vector_load_idx %arg7[%parallel_loop3A_194] : memref<48768xf32, #tpu.memory_space<vmem>>[vector<16xi32>], vector<16xf32>,
        %parallel_loop3A_196 = arith.constant 99968 : i32
        %parallel_loop3A_197 = vector.broadcast %parallel_loop3A_196 : i32 to vector<16xi32>
        %parallel_loop3A_198 = arith.subi %parallel_loop3A_185, %parallel_loop3A_197 : vector<16xi32>
        %parallel_loop3A_199 = arith.constant 0 : i32
        %parallel_loop3A_200 = vector.broadcast %parallel_loop3A_199 : i32 to vector<16xi32>
        %parallel_loop3A_201 = arith.maxsi %parallel_loop3A_198, %parallel_loop3A_200 : vector<16xi32>
        %parallel_loop3A_202 = arith.constant 31 : i32
        %parallel_loop3A_203 = vector.broadcast %parallel_loop3A_202 : i32 to vector<16xi32>
        %parallel_loop3A_204 = arith.minsi %parallel_loop3A_201, %parallel_loop3A_203 : vector<16xi32>
        %parallel_loop3A_205 = tpu.vector_load_idx %arg8[%parallel_loop3A_204] : memref<32xf32, #tpu.memory_space<vmem>>[vector<16xi32>], vector<16xf32>,
        %parallel_loop3A_206 = arith.constant 99968 : i32
        %parallel_loop3A_207 = vector.broadcast %parallel_loop3A_206 : i32 to vector<16xi32>
        %parallel_loop3A_208 = arith.cmpi sge, %parallel_loop3A_185, %parallel_loop3A_207 : vector<16xi32>
        %parallel_loop3A_209 = arith.select %parallel_loop3A_208, %parallel_loop3A_205, %parallel_loop3A_195 : vector<16xi1>, vector<16xf32>
        %parallel_loop3A_210 = arith.constant 16 : i32
        %parallel_loop3A_211 = arith.muli %parallel_loop3A_179, %parallel_loop3A_210 : i32
        %parallel_loop3A_212 = arith.index_cast %parallel_loop3A_211 : i32 to index
        %parallel_loop3A_213 = tpu.vector_load %arg10[%parallel_loop3A_212] {strides = array<i32>} : memref<4096xf32, #tpu.memory_space<vmem>>, vector<16xf32>,
        %parallel_loop3A_214 = arith.constant 51200 : i32
        %parallel_loop3A_215 = vector.broadcast %parallel_loop3A_214 : i32 to vector<16xi32>
        %parallel_loop3A_216 = arith.cmpi slt, %parallel_loop3A_185, %parallel_loop3A_215 : vector<16xi32>
        %parallel_loop3A_217 = arith.select %parallel_loop3A_216, %parallel_loop3A_213, %parallel_loop3A_209 : vector<16xi1>, vector<16xf32>
        %parallel_loop3A_218 = arith.constant 16 : i32
        %parallel_loop3A_219 = arith.muli %parallel_loop3A_179, %parallel_loop3A_218 : i32
        %parallel_loop3A_220 = arith.index_cast %parallel_loop3A_219 : i32 to index
        %parallel_loop3A_221 = tpu.vector_load %arg10[%parallel_loop3A_220] {strides = array<i32>} : memref<4096xf32, #tpu.memory_space<vmem>>, vector<16xf32>,
        tpu.vector_store %arg10[%parallel_loop3A_220], %parallel_loop3A_217 {strides = array<i32>} : memref<4096xf32, #tpu.memory_space<vmem>>, vector<16xf32>,
      } {sc.loop_unroll_factor = 16 : i64, sc.parallel_access}
      %dma_start3A_157 = arith.constant 8192 : i32
      %dma_start3A_158 = tpu.memref_slice %arg5[%shift_right_logical3A_59, %and3A_61, %dma_start3A_157] : memref<26x64x16384xf32, #tpu.memory_space<hbm>> -> memref<1x1x4096xf32, #tpu.memory_space<hbm>>
      %dma_start3A_159 = tpu.memref_squeeze %dma_start3A_158 : memref<1x1x4096xf32, #tpu.memory_space<hbm>> -> memref<4096xf32, #tpu.memory_space<hbm>>
      %dma_start3A_160 = arith.constant 8192 : i32
      %dma_start3A_161 = tpu.memref_slice %arg5[%shift_right_logical3A_59, %and3A_61, %dma_start3A_160] : memref<26x64x16384xf32, #tpu.memory_space<hbm>> -> memref<1x1x4096xf32, #tpu.memory_space<hbm>>
      %dma_start3A_162 = tpu.memref_squeeze %dma_start3A_161 : memref<1x1x4096xf32, #tpu.memory_space<hbm>> -> memref<4096xf32, #tpu.memory_space<hbm>>
      tpu.enqueue_dma source(%arg10 : memref<4096xf32, #tpu.memory_space<vmem>>) target(%dma_start3A_162 : memref<4096xf32, #tpu.memory_space<hbm>>) target_semaphore(%arg16 : memref<!tpu.dma_semaphore, #tpu.memory_space<semaphore_mem>>)
      %parallel_loop3A_163 = arith.constant 0 : i32
      %parallel_loop3A_164 = arith.constant 256 : i32
      %parallel_loop3A_165 = arith.constant 1 : i32
      scf.for %parallel_loop3A_179 = %parallel_loop3A_163 to %parallel_loop3A_164 step %parallel_loop3A_165  : i32 {
        %parallel_loop3A_180 = arith.constant 16 : i32
        %parallel_loop3A_181 = arith.muli %parallel_loop3A_179, %parallel_loop3A_180 : i32
        %parallel_loop3A_182 = arith.constant 12288 : i32
        %parallel_loop3A_183 = arith.addi %parallel_loop3A_182, %parallel_loop3A_181 : i32
        %parallel_loop3A_184 = arith.index_cast %parallel_loop3A_183 : i32 to index
        %parallel_loop3A_185 = tpu.vector_load %arg9[%parallel_loop3A_184] {strides = array<i32>} : memref<16384xi32, #tpu.memory_space<vmem>>, vector<16xi32>,
        %parallel_loop3A_186 = arith.constant 51200 : i32
        %parallel_loop3A_187 = vector.broadcast %parallel_loop3A_186 : i32 to vector<16xi32>
        %parallel_loop3A_188 = arith.subi %parallel_loop3A_185, %parallel_loop3A_187 : vector<16xi32>
        %parallel_loop3A_189 = arith.constant 0 : i32
        %parallel_loop3A_190 = vector.broadcast %parallel_loop3A_189 : i32 to vector<16xi32>
        %parallel_loop3A_191 = arith.maxsi %parallel_loop3A_188, %parallel_loop3A_190 : vector<16xi32>
        %parallel_loop3A_192 = arith.constant 48767 : i32
        %parallel_loop3A_193 = vector.broadcast %parallel_loop3A_192 : i32 to vector<16xi32>
        %parallel_loop3A_194 = arith.minsi %parallel_loop3A_191, %parallel_loop3A_193 : vector<16xi32>
        %parallel_loop3A_195 = tpu.vector_load_idx %arg7[%parallel_loop3A_194] : memref<48768xf32, #tpu.memory_space<vmem>>[vector<16xi32>], vector<16xf32>,
        %parallel_loop3A_196 = arith.constant 99968 : i32
        %parallel_loop3A_197 = vector.broadcast %parallel_loop3A_196 : i32 to vector<16xi32>
        %parallel_loop3A_198 = arith.subi %parallel_loop3A_185, %parallel_loop3A_197 : vector<16xi32>
        %parallel_loop3A_199 = arith.constant 0 : i32
        %parallel_loop3A_200 = vector.broadcast %parallel_loop3A_199 : i32 to vector<16xi32>
        %parallel_loop3A_201 = arith.maxsi %parallel_loop3A_198, %parallel_loop3A_200 : vector<16xi32>
        %parallel_loop3A_202 = arith.constant 31 : i32
        %parallel_loop3A_203 = vector.broadcast %parallel_loop3A_202 : i32 to vector<16xi32>
        %parallel_loop3A_204 = arith.minsi %parallel_loop3A_201, %parallel_loop3A_203 : vector<16xi32>
        %parallel_loop3A_205 = tpu.vector_load_idx %arg8[%parallel_loop3A_204] : memref<32xf32, #tpu.memory_space<vmem>>[vector<16xi32>], vector<16xf32>,
        %parallel_loop3A_206 = arith.constant 99968 : i32
        %parallel_loop3A_207 = vector.broadcast %parallel_loop3A_206 : i32 to vector<16xi32>
        %parallel_loop3A_208 = arith.cmpi sge, %parallel_loop3A_185, %parallel_loop3A_207 : vector<16xi32>
        %parallel_loop3A_209 = arith.select %parallel_loop3A_208, %parallel_loop3A_205, %parallel_loop3A_195 : vector<16xi1>, vector<16xf32>
        %parallel_loop3A_210 = arith.constant 16 : i32
        %parallel_loop3A_211 = arith.muli %parallel_loop3A_179, %parallel_loop3A_210 : i32
        %parallel_loop3A_212 = arith.index_cast %parallel_loop3A_211 : i32 to index
        %parallel_loop3A_213 = tpu.vector_load %arg11[%parallel_loop3A_212] {strides = array<i32>} : memref<4096xf32, #tpu.memory_space<vmem>>, vector<16xf32>,
        %parallel_loop3A_214 = arith.constant 51200 : i32
        %parallel_loop3A_215 = vector.broadcast %parallel_loop3A_214 : i32 to vector<16xi32>
        %parallel_loop3A_216 = arith.cmpi slt, %parallel_loop3A_185, %parallel_loop3A_215 : vector<16xi32>
        %parallel_loop3A_217 = arith.select %parallel_loop3A_216, %parallel_loop3A_213, %parallel_loop3A_209 : vector<16xi1>, vector<16xf32>
        %parallel_loop3A_218 = arith.constant 16 : i32
        %parallel_loop3A_219 = arith.muli %parallel_loop3A_179, %parallel_loop3A_218 : i32
        %parallel_loop3A_220 = arith.index_cast %parallel_loop3A_219 : i32 to index
        %parallel_loop3A_221 = tpu.vector_load %arg11[%parallel_loop3A_220] {strides = array<i32>} : memref<4096xf32, #tpu.memory_space<vmem>>, vector<16xf32>,
        tpu.vector_store %arg11[%parallel_loop3A_220], %parallel_loop3A_217 {strides = array<i32>} : memref<4096xf32, #tpu.memory_space<vmem>>, vector<16xf32>,
      } {sc.loop_unroll_factor = 16 : i64, sc.parallel_access}
      %dma_start3A_166 = arith.constant 12288 : i32
      %dma_start3A_167 = tpu.memref_slice %arg5[%shift_right_logical3A_59, %and3A_61, %dma_start3A_166] : memref<26x64x16384xf32, #tpu.memory_space<hbm>> -> memref<1x1x4096xf32, #tpu.memory_space<hbm>>
      %dma_start3A_168 = tpu.memref_squeeze %dma_start3A_167 : memref<1x1x4096xf32, #tpu.memory_space<hbm>> -> memref<4096xf32, #tpu.memory_space<hbm>>
      %dma_start3A_169 = arith.constant 12288 : i32
      %dma_start3A_170 = tpu.memref_slice %arg5[%shift_right_logical3A_59, %and3A_61, %dma_start3A_169] : memref<26x64x16384xf32, #tpu.memory_space<hbm>> -> memref<1x1x4096xf32, #tpu.memory_space<hbm>>
      %dma_start3A_171 = tpu.memref_squeeze %dma_start3A_170 : memref<1x1x4096xf32, #tpu.memory_space<hbm>> -> memref<4096xf32, #tpu.memory_space<hbm>>
      tpu.enqueue_dma source(%arg11 : memref<4096xf32, #tpu.memory_space<vmem>>) target(%dma_start3A_171 : memref<4096xf32, #tpu.memory_space<hbm>>) target_semaphore(%arg17 : memref<!tpu.dma_semaphore, #tpu.memory_space<semaphore_mem>>)
      %add3A_172 = arith.constant 1 : i32
      %add3A_173 = arith.addi %scan3A_56, %add3A_172 : i32
      %lt3A_174 = arith.constant 52 : i32
      %lt3A_175 = arith.cmpi slt, %add3A_173, %lt3A_174 : i32
      %convert_element_type3A_176 = arith.extui %lt3A_175 : i1 to i32
      %cond3A_177 = arith.constant 0 : i32
      %cond3A_178 = arith.cmpi ne, %convert_element_type3A_176, %cond3A_177 : i32
      scf.if %cond3A_178 {
        %dma_start3A_179 = arith.constant 0 : i32
        %dma_start3A_180 = tpu.memref_slice %arg2[%shift_right_logical3A_145, %and3A_147, %dma_start3A_179] : memref<26x64x100000xf32, #tpu.memory_space<hbm>> -> memref<1x1x100000xf32, #tpu.memory_space<hbm>>
        %dma_start3A_181 = tpu.memref_squeeze %dma_start3A_180 : memref<1x1x100000xf32, #tpu.memory_space<hbm>> -> memref<100000xf32, #tpu.memory_space<hbm>>
        %dma_start3A_182 = arith.constant 51200 : i32
        %dma_start3A_183 = tpu.memref_slice %dma_start3A_181[%dma_start3A_182] : memref<100000xf32, #tpu.memory_space<hbm>> -> memref<48768xf32, #tpu.memory_space<hbm>>
        %dma_start3A_184 = arith.constant 0 : i32
        %dma_start3A_185 = tpu.memref_slice %arg2[%shift_right_logical3A_145, %and3A_147, %dma_start3A_184] : memref<26x64x100000xf32, #tpu.memory_space<hbm>> -> memref<1x1x100000xf32, #tpu.memory_space<hbm>>
        %dma_start3A_186 = tpu.memref_squeeze %dma_start3A_185 : memref<1x1x100000xf32, #tpu.memory_space<hbm>> -> memref<100000xf32, #tpu.memory_space<hbm>>
        %dma_start3A_187 = arith.constant 51200 : i32
        %dma_start3A_188 = tpu.memref_slice %dma_start3A_186[%dma_start3A_187] : memref<100000xf32, #tpu.memory_space<hbm>> -> memref<48768xf32, #tpu.memory_space<hbm>>
        tpu.enqueue_dma source(%dma_start3A_188 : memref<48768xf32, #tpu.memory_space<hbm>>) target(%arg7 : memref<48768xf32, #tpu.memory_space<vmem>>) target_semaphore(%arg13 : memref<!tpu.dma_semaphore, #tpu.memory_space<semaphore_mem>>)
        %dma_start3A_189 = arith.constant 0 : i32
        %dma_start3A_190 = tpu.memref_slice %arg4[%shift_right_logical3A_145, %and3A_147, %dma_start3A_189] : memref<26x64x32xf32, #tpu.memory_space<hbm>> -> memref<1x1x32xf32, #tpu.memory_space<hbm>>
        %dma_start3A_191 = tpu.memref_squeeze %dma_start3A_190 : memref<1x1x32xf32, #tpu.memory_space<hbm>> -> memref<32xf32, #tpu.memory_space<hbm>>
        %dma_start3A_192 = arith.constant 0 : i32
        %dma_start3A_193 = tpu.memref_slice %arg4[%shift_right_logical3A_145, %and3A_147, %dma_start3A_192] : memref<26x64x32xf32, #tpu.memory_space<hbm>> -> memref<1x1x32xf32, #tpu.memory_space<hbm>>
        %dma_start3A_194 = tpu.memref_squeeze %dma_start3A_193 : memref<1x1x32xf32, #tpu.memory_space<hbm>> -> memref<32xf32, #tpu.memory_space<hbm>>
        tpu.enqueue_dma source(%dma_start3A_194 : memref<32xf32, #tpu.memory_space<hbm>>) target(%arg8 : memref<32xf32, #tpu.memory_space<vmem>>) target_semaphore(%arg14 : memref<!tpu.dma_semaphore, #tpu.memory_space<semaphore_mem>>)
        %eq3A_195 = arith.constant 0 : i32
        %eq3A_196 = arith.cmpi eq, %and3A_147, %eq3A_195 : i32
        %convert_element_type3A_197 = arith.extui %eq3A_196 : i1 to i32
        %cond3A_198 = arith.constant 0 : i32
        %cond3A_199 = arith.cmpi ne, %convert_element_type3A_197, %cond3A_198 : i32
        scf.if %cond3A_199 {
          %dma_start3A_200 = arith.constant 0 : i32
          %dma_start3A_201 = tpu.memref_slice %arg3[%shift_right_logical3A_145, %dma_start3A_200] : memref<26x16384xi32, #tpu.memory_space<hbm>> -> memref<1x16384xi32, #tpu.memory_space<hbm>>
          %dma_start3A_202 = tpu.memref_squeeze %dma_start3A_201 : memref<1x16384xi32, #tpu.memory_space<hbm>> -> memref<16384xi32, #tpu.memory_space<hbm>>
          %dma_start3A_203 = arith.constant 0 : i32
          %dma_start3A_204 = tpu.memref_slice %arg3[%shift_right_logical3A_145, %dma_start3A_203] : memref<26x16384xi32, #tpu.memory_space<hbm>> -> memref<1x16384xi32, #tpu.memory_space<hbm>>
          %dma_start3A_205 = tpu.memref_squeeze %dma_start3A_204 : memref<1x16384xi32, #tpu.memory_space<hbm>> -> memref<16384xi32, #tpu.memory_space<hbm>>
          tpu.enqueue_dma source(%dma_start3A_205 : memref<16384xi32, #tpu.memory_space<hbm>>) target(%arg9 : memref<16384xi32, #tpu.memory_space<vmem>>) target_semaphore(%arg15 : memref<!tpu.dma_semaphore, #tpu.memory_space<semaphore_mem>>)
        } else {
        }
      } else {
      }
    }
    %scan3A_40 = arith.constant 52 : i32
    %dma_wait3A = arith.constant 0 : i32
    %dma_wait3A_41 = arith.constant 0 : i32
    %dma_wait3A_42 = arith.constant 0 : i32
    %dma_wait3A_43 = tpu.memref_slice %arg5[%dma_wait3A, %dma_wait3A_41, %dma_wait3A_42] : memref<26x64x16384xf32, #tpu.memory_space<hbm>> -> memref<1x1x4096xf32, #tpu.memory_space<hbm>>
    %dma_wait3A_44 = tpu.memref_squeeze %dma_wait3A_43 : memref<1x1x4096xf32, #tpu.memory_space<hbm>> -> memref<4096xf32, #tpu.memory_space<hbm>>
    %dma_wait3A_45 = arith.constant 0 : i32
    %dma_wait3A_46 = tpu.memref_slice %arg5[%dma_wait3A, %dma_wait3A_41, %dma_wait3A_45] : memref<26x64x16384xf32, #tpu.memory_space<hbm>> -> memref<1x1x4096xf32, #tpu.memory_space<hbm>>
    %dma_wait3A_47 = tpu.memref_squeeze %dma_wait3A_46 : memref<1x1x4096xf32, #tpu.memory_space<hbm>> -> memref<4096xf32, #tpu.memory_space<hbm>>
    tpu.wait_dma2 semaphore(%arg16 : memref<!tpu.dma_semaphore, #tpu.memory_space<semaphore_mem>>) src(%arg10 : memref<4096xf32, #tpu.memory_space<vmem>>) dst(%dma_wait3A_47 : memref<4096xf32, #tpu.memory_space<hbm>>)
    %dma_wait3A_48 = arith.constant 0 : i32
    %dma_wait3A_49 = arith.constant 0 : i32
    %dma_wait3A_50 = arith.constant 0 : i32
    %dma_wait3A_51 = tpu.memref_slice %arg5[%dma_wait3A_48, %dma_wait3A_49, %dma_wait3A_50] : memref<26x64x16384xf32, #tpu.memory_space<hbm>> -> memref<1x1x4096xf32, #tpu.memory_space<hbm>>
    %dma_wait3A_52 = tpu.memref_squeeze %dma_wait3A_51 : memref<1x1x4096xf32, #tpu.memory_space<hbm>> -> memref<4096xf32, #tpu.memory_space<hbm>>
    %dma_wait3A_53 = arith.constant 0 : i32
    %dma_wait3A_54 = tpu.memref_slice %arg5[%dma_wait3A_48, %dma_wait3A_49, %dma_wait3A_53] : memref<26x64x16384xf32, #tpu.memory_space<hbm>> -> memref<1x1x4096xf32, #tpu.memory_space<hbm>>
    %dma_wait3A_55 = tpu.memref_squeeze %dma_wait3A_54 : memref<1x1x4096xf32, #tpu.memory_space<hbm>> -> memref<4096xf32, #tpu.memory_space<hbm>>
    tpu.wait_dma2 semaphore(%arg17 : memref<!tpu.dma_semaphore, #tpu.memory_space<semaphore_mem>>) src(%arg11 : memref<4096xf32, #tpu.memory_space<vmem>>) dst(%dma_wait3A_55 : memref<4096xf32, #tpu.memory_space<hbm>>)
    return
  }
}

</mosaic_0001>

<sc_bundles>
// kernel: kernel.3.cloned.1.call-start
scs
__scs_entry_jumppad:
0x0: {  	(pc) =	sbr.rel $0x88, $3  }
0x1: {  	(tag) =	ssettag $0x0;
	lr =	simm.s32 $0x1  }
0x2: {  	[smem:$0x3F9F] =	sst lr;
	_ =	strace $0xD0000000  }
0x3: {  	_ = 	snop  }
0x4: {  	_ = 	snop  }
0x5: {  	_ = 	snop  }
0x6: {  	_ = 	snop  }
0x7: {  	_ = 	snop  }
__scs_overlays_trampoline_lowered:
0x8: {  	[smem:$0x3FAE] =	sst s0  }
0x9: {  	[smem:$0x3FAF] =	sst s1  }
0xa: {  	[smem:$0x3FB0] =	sst s2  }
0xb: {  	[smem:$0x3FB1] =	sst s3  }
0xc: {  	[smem:$0x3FB2] =	sst s4  }
0xd: {  	[smem:$0x3FB3] =	sst s5  }
0xe: {  	[smem:$0x3FB4] =	sst s6  }
0xf: {  	[smem:$0x3FB5] =	sst s7  }
0x10: {  	[smem:$0x3FB6] =	sst s8  }
0x11: {  	[smem:$0x3FB7] =	sst s9;
	s0 =	simm.s32 @!p0 $0x0  }
0x12: {  	s1 =	sld [smem:$0x3F9D];
	s0 =	simm.s32 @p0 $0x1  }
0x13: {  	[smem:$0x3FB8] =	sst s0;
	s0 =	simm.s32 @!p1 $0x0  }
0x14: {  	s2 =	sld [smem:$0x3F9C];
	s0 =	simm.s32 @p1 $0x1  }
0x15: {  	[smem:$0x3FB9] =	sst s0;
	s0 =	simm.s32 @!p2 $0x0  }
0x16: {  	s3 =	sld [smem:$0x3FDB];
	s0 =	simm.s32 @p2 $0x1  }
0x17: {  	s4 =	simm.s32 $0x1BF5;
	[smem:$0x3FBB] =	sst s0  }
0x18: {  	s0 =	sld [smem:$0x3F9E];
	_ =	swait.ge [sflag:s4], $0x0  }
0x19: {  	s7 =	sld [smem:$0x3F9F]  }
0x1a: {  	s8 =	sadd.s32 $0xFFFFE003, lr  }
0x1b: {  	s9 =	sadd.s32 $0xFFFFFEF7, lr;
	s5 =	simm.s32 $0xFFFFFFFF;
	p2 =	slt.u32 s8, $0xFFFFF086  }
0x1c: {  	p1 =	slt.u32 s9, $0xF7A;
	s5 =	simm.s32 @!p2 $0x0  }
0x1d: {  	s5 =	simm.s32 @p1 $0x1;
	p0 =	seq.s32 s7, s2  }
0x1e: {  	s7 =	smul.u32 @!p0 $0xF7A, s2;
	p2 =	seq.s32 @!p0 s5, $0x0  }
0x1f: {  	s9 =	smul.u32 $0xF7A, s1;
	s8 =	simm.s32 @!p0 $0x1BF5;
	p2 =	por !p2, p0  }
0x20: {  	[sflag:s8] =	ssyncset.s32 @!p0 $0xFFFFF086;
	s6 =	sadd.s32 @!p0 s3, s7;
	s7 =	simm.s32 @!p0 $0x108  }
0x21: {  	s3 =	sadd.s32 s3, s9;
	s6 =	sadd.s32 @!p0 $0x88, s6;
	s7 =	simm.s32 @p2 $0x1082  }
0x22: {  	[simem:s7], [sflag:s8] =	dma.local @!p0 [hbm:s6], $0xF7A  }
0x23: {  	s9 =	sor.u32 $0xD0000000, s2;
	s6 =	simm.s32 $0x108;
	_ =	swait.ge @!p0 [sflag:s8], $0x0  }
0x24: {  	s3 =	sadd.s32 $0x88, s3;
	s6 =	simm.s32 @!p1 $0x1082;
	[sflag:s4] =	ssyncset.s32 $0xFFFFF086  }
0x25: {  	[simem:s6], [sflag:s4] =	dma.local [hbm:s3], $0xF7A  }
0x26: {  	[smem:$0x3F9F] =	sst s1;
	(tag) =	ssettag s2;
	_ =	strace s9  }
0x27: {  	s1 =	sld [smem:$0x3FAF]  }
0x28: {  	s2 =	sld [smem:$0x3FB0]  }
0x29: {  	s4 =	sld [smem:$0x3FB2]  }
0x2a: {  	p0 =	seq.s32 s5, $0x0;
	s5 =	sld [smem:$0x3FB3]  }
0x2b: {  	s6 =	sld [smem:$0x3FB4]  }
0x2c: {  	s7 =	sld [smem:$0x3FB5]  }
0x2d: {  	s3 =	simm.s32 $0x108;
	s8 =	sld [smem:$0x3FB6]  }
0x2e: {  	s3 =	simm.s32 @!p0 $0x1082;
	s9 =	sld [smem:$0x3FB7]  }
0x2f: {  	lr =	sadd.s32 s0, s3;
	s0 =	sld [smem:$0x3FAE]  }
0x30: {  	s3 =	sld [smem:$0x3FB1]  }
0x31: {  	[smem:$0x3FBA] =	sst s10  }
0x32: {  	s10 =	sld [smem:$0x3FB8];
	_ =	sdelay $0x3  }
0x33: {  	p0 =	seq.s32 s10, $0x1;
	s10 =	sld [smem:$0x3FBA];
	_ =	sdelay $0x3  }
0x34: {  	[smem:$0x3FBA] =	sst s10  }
0x35: {  	s10 =	sld [smem:$0x3FB9];
	_ =	sdelay $0x3  }
0x36: {  	p1 =	seq.s32 s10, $0x1;
	s10 =	sld [smem:$0x3FBA];
	_ =	sdelay $0x3  }
0x37: {  	[smem:$0x3FBA] =	sst s10  }
0x38: {  	s10 =	sld [smem:$0x3FBB]  }
0x39: {  	_ = 	snop;
	(pc) =	sbr.ind lr, $3  }
0x3a: {  	_ = 	snop  }
0x3b: {  	_ = 	snop  }
0x3c: {  	p2 =	seq.s32 s10, $0x1;
	s10 =	sld [smem:$0x3FBA]  }
0x3d: {  	_ =	shalt  }
0x3e: {  	_ =	shalt  }
0x3f: {  	_ =	shalt  }
0x40: {  	_ =	shalt  }
0x41: {  	_ =	shalt  }
0x42: {  	_ =	shalt  }
0x43: {  	_ =	shalt  }
0x44: {  	_ =	shalt  }
0x45: {  	_ =	shalt  }
0x46: {  	_ =	shalt  }
0x47: {  	_ =	shalt  }
0x48: {  	_ =	shalt  }
0x49: {  	_ =	shalt  }
0x4a: {  	_ =	shalt  }
0x4b: {  	_ =	shalt  }
0x4c: {  	_ =	shalt  }
0x4d: {  	_ =	shalt  }
0x4e: {  	_ =	shalt  }
0x4f: {  	_ =	shalt  }
0x50: {  	_ =	shalt  }
0x51: {  	_ =	shalt  }
0x52: {  	_ =	shalt  }
0x53: {  	_ =	shalt  }
0x54: {  	_ =	shalt  }
0x55: {  	_ =	shalt  }
0x56: {  	_ =	shalt  }
0x57: {  	_ =	shalt  }
0x58: {  	_ =	shalt  }
0x59: {  	_ =	shalt  }
0x5a: {  	_ =	shalt  }
0x5b: {  	_ =	shalt  }
0x5c: {  	_ =	shalt  }
0x5d: {  	_ =	shalt  }
0x5e: {  	_ =	shalt  }
0x5f: {  	_ =	shalt  }
0x60: {  	_ =	shalt  }
0x61: {  	_ =	shalt  }
0x62: {  	_ =	shalt  }
0x63: {  	_ =	shalt  }
0x64: {  	_ =	shalt  }
0x65: {  	_ =	shalt  }
0x66: {  	_ =	shalt  }
0x67: {  	_ =	shalt  }
0x68: {  	_ =	shalt  }
0x69: {  	_ =	shalt  }
0x6a: {  	_ =	shalt  }
0x6b: {  	_ =	shalt  }
0x6c: {  	_ =	shalt  }
0x6d: {  	_ =	shalt  }
0x6e: {  	_ =	shalt  }
0x6f: {  	_ =	shalt  }
0x70: {  	_ =	shalt  }
0x71: {  	_ =	shalt  }
0x72: {  	_ =	shalt  }
0x73: {  	_ =	shalt  }
0x74: {  	_ =	shalt  }
0x75: {  	_ =	shalt  }
0x76: {  	_ =	shalt  }
0x77: {  	_ =	shalt  }
0x78: {  	_ =	shalt  }
0x79: {  	_ =	shalt  }
0x7a: {  	_ =	shalt  }
0x7b: {  	_ =	shalt  }
0x7c: {  	_ =	shalt  }
0x7d: {  	_ =	shalt  }
0x7e: {  	_ =	shalt  }
0x7f: {  	_ =	shalt  }
0x80: {  	_ =	shalt  }
0x81: {  	_ =	shalt  }
0x82: {  	_ =	shalt  }
0x83: {  	_ =	shalt  }
0x84: {  	_ =	shalt  }
0x85: {  	_ =	shalt  }
0x86: {  	_ =	shalt  }
0x87: {  	_ =	shalt  }
.Lfunc_end0:
.L_simem_size_0:
called_computation_lowered:
.L_overlay_start_0:
0x88: {  	s2 =	sld [smem:$0x3FD9]  }
0x89: {  	s3 =	sld [smem:$0x3FFE];
	_ =	sdelay $0x1  }
0x8a: {  	s1 =	srdreg.scid  }
0x8b: {  	s0 =	sand.u32 $0x1, s1  }
0x8c: {  	s17 =	sshll.u32 s0, $0xA;
	s2 =	sadd.s32 s3, s2  }
0x8d: {  	s2 =	sadd.s32 s2, s17  }
0x8e: {  	[smem:$0x3FC6] =	sst s2  }
0x8f: {  	_ = 	snop  }
0x90: {  	s2 =	sld [smem:$0x3FC9]  }
0x91: {  	s18 =	sld [smem:$0x3FC8]  }
0x92: {  	s4 =	sld [smem:$0x3FD0];
	(tm) =	ssettm $0x1  }
0x93: {  	s5 =	sld [smem:$0x3FFB];
	_ =	sdelay $0x3  }
0x94: {  	_ =	strace s5  }
0x95: {  	s5 =	sld [smem:$0x3FFC];
	_ =	sdelay $0x3  }
0x96: {  	_ =	strace s5  }
0x97: {  	s5 =	sld [smem:$0x3FFD];
	_ =	sdelay $0x3  }
0x98: {  	_ =	strace s5  }
0x99: {  	_ =	strace $0x8FFFFFFF  }
0x9a: {  	s19 =	sld [smem:$0x3FDB];
	_ =	sdelay $0x1  }
0x9b: {  	s6 =	simm.s32 $_scs_section_size  }
0x9c: {  	s7 =	simm.s32 $_size__tile_overlayer_lowered;
	s8 =	simm.s32 $_tile_overlayer_lowered  }
0x9d: {  	s22 =	simm.s32 $0x1BFF;
	s21 =	sshll.u32 s8, $0x1;
	s5 =	sadd.s32 s6, s19  }
0x9e: {  	s9 =	simm.s32 $0x0;
	s20 =	sshll.u32 s7, $0x1;
	s7 =	sadd.s32 s21, s5  }
0x9f: {  	[timem:s9], [sflag:s22] =	dma.local [hbm:s7], s20  }
0xa0: {  	_ =	swait.ge [sflag:s22], s20  }
0xa1: {  	s6 =	ssub.s32 $0x0, s20;
	[sflag:s22] =	ssyncset.done $0x0  }
0xa2: {  	[sflag:s22] =	ssyncadd.s32 s6;
	_ =	sdelay $0x1  }
0xa3: {  	s23 =	simm.s32 $0x1B8B  }
0xa4: {  	_ =	swait.ge [sflag:s23], $0x1  }
0xa5: {  	[sflag:s23] =	ssyncset.done $0x0  }
0xa6: {  	s25 =	simm.s32 $0x1B8E;
	s24 =	sld [smem:$0x3FFE];
	[sflag:s23] =	ssyncadd.s32 $0xFFFFFFFF  }
0xa7: {  	s26 =	simm.s32 $execute0_lowered;
	[smem:$0x3FD2] =	sst s25  }
0xa8: {  	s7 =	sshll.u32 s26, $0x1;
	_ =	strace $0x80000046;
	[dreg:$0x1] =	wrdreg $0xFFFFFFFF  }
0xa9: {  	s28 =	simm.s32 $_size_execute0_lowered;
	s5 =	sadd.s32 s5, s7;
	[dreg:$0x0] =	wrdreg $0x0  }
0xaa: {  	s7 =	sshll.u32 s28, $0x1;
	[dreg:$0x2] =	wrdreg s5  }
0xab: {  	[dreg:$0x3] =	wrdreg s7  }
0xac: {  	[dreg:$0x4] =	wrdreg $0xC0  }
0xad: {  	_ =	task [dreg:s9], $0x5FFFF  }
0xae: {  	[dreg:$0x1] =	wrdreg $0xFFFFFFFF  }
0xaf: {  	[dreg:$0x0] =	wrdreg $0x60  }
0xb0: {  	[dreg:$0x2] =	wrdreg s2  }
0xb1: {  	[dreg:$0x3] =	wrdreg s18  }
0xb2: {  	[dreg:$0x4] =	wrdreg s24  }
0xb3: {  	[dreg:$0x5] =	wrdreg s4  }
0xb4: {  	[dreg:$0x6] =	wrdreg $0x9  }
0xb5: {  	_ =	task.clear_ibuf [dreg:s9], $0x7FFFF;
	_ =	strace $0x90000046  }
0xb6: {  	s29 =	simm.s32 $0x9;
	_ =	strace $0x80000048  }
0xb7: {  	_ =	swait.ge [sflag:s29], $0x1  }
0xb8: {  	[sflag:s29] =	ssyncadd.s32 $0xFFFFFFFF  }
0xb9: {  	_ =	strace $0x90000048  }
0xba: {  	_ =	sfence  }
0xbb: {  	s30 =	sld [smem:$0x0];
	_ =	sdelay $0x2  }
0xbc: {  	s31 =	sshll.u32 s1, $0xD;
	s1 =	sshrl.u32 s1, $0x2  }
0xbd: {  	s3 =	sand.u32 $0x4000, s31;
	s1 =	sadd.s32 s1, s30  }
0xbe: {  	s0 =	sor.u32 s3, s0;
	s1 =	sshll.u32 s1, $0x11  }
0xbf: {  	s0 =	sor.u32 s1, s0  }
0xc0: {  	s0 =	sadd.s32 $0x8F2B, s0  }
0xc1: {  	[sflag:s0] =	ssyncadd.remote.s32 $0x1  }
0xc2: {  	_ =	sfence.sel $0xFFFF  }
0xc3: {  	[dreg:$0x0] =	wrdreg $0xFFFFFFFF;
	(pc) =	sbr.abs _section_cstart, $3  }
0xc4: {  	[dreg:$0x1] =	wrdreg $0xFFFFFFFF  }
0xc5: {  	_ =	task.clear_ibuf [dreg:s9], $0x2FFFF;
	_ =	strace $0x9FFFFFFF  }
0xc6: {  	(tm) =	ssettm $0x7FFFFFFF  }
0xc7: {  	_ =	shalt  }
tec
execute0_lowered:
.L_overlay_start_1:
0x0: {  	(tag) =	ssettag $0x1  }
0x1: {  	s4 =	rddreg [dreg:$0x0]  }
0x2: {  	s13 =	rddreg [dreg:$0x1];
	s0 =	srdreg.scid  }
0x3: {  	s2 =	stileid.u32;
	s1 =	rddreg [dreg:$0x2]  }
0x4: {  	s14 =	rddreg [dreg:$0x3];
	s5 =	simm.s32 $0x0;
	s16 =	simm.s32 $0x80  }
0x5: {  	s17 =	simm.s32 $0x400;
	s19 =	simm.s32 $0xC800;
	s20 =	simm.s32 $0x18680  }
0x6: {  	s21 =	simm.s32 $0x1;
	s22 =	simm.s32 $0x2;
	s23 =	simm.s32 $0x3  }
0x7: {  	s24 =	simm.s32 $0x1C700;
	s0 =	sand.u32 $0x1, s0;
	s2 =	sshll.u32 s2, $0x1  }
0x8: {  	s28 =	simm.s32 $0x6;
	[smem:$0x7FF] =	sst s5;
	s2 =	sor.u32 s0, s2  }
0x9: {  	s8 =	ssub.s32 $0x2, s0;
	_ =	strace $0x80000047;
	s6 =	smul.u32 $0x34, s2  }
0xa: {  	s0 =	sshll.u32 s0, $0x9;
	s2 =	smul.u32 $0x3400, s2;
	s11 =	sshrl.u32 s8, $0x1  }
0xb: {  	s25 =	ssub.s32 s8, s11;
	s3 =	sshrl.u32 s6, $0x6;
	s7 =	sshrl.u32 s6, $0x3  }
0xc: {  	s26 =	sshll.u32 s6, $0x1;
	s31 =	smax.u32 s25, $0x1;
	s25 =	simm.s32 $0x1D700  }
0xd: {  	s9 =	sand.u32 $0x7, s7;
	s10 =	smul.u32 $0x61C000, s3;
	s7 =	sadd.s32 $0x400, s1  }
0xe: {  	s2 =	sor.u32 s2, s26;
	s3 =	sshll.u32 s3, $0xD;
	s12 =	smul.u32 $0xC3800, s9  }
0xf: {  	[dreg:$0x9] =	wrdreg s31;
	s26 =	simm.s32 $0x5;
	s1 =	simm.s32 $0x0  }
0x10: {  	s9 =	sshll.u32 s9, $0xA;
	s2 =	sand.u32 $0x60380, s2;
	s29 =	sadd.s32 s10, s12  }
0x11: {  	s3 =	sor.u32 s3, s9;
	s2 =	sshrl.u32 s2, $0x3;
	s8 =	sor.u32 s0, s29  }
0x12: {  	s2 =	sadd.s32 s13, s2;
	s0 =	sor.u32 s0, s3;
	s8 =	sshrl.u32 s8, $0x3  }
0x13: {  	[dreg:$0x6] =	wrdreg s2;
	s0 =	sshrl.u32 s0, $0x3;
	s4 =	sadd.s32 s4, s8  }
0x14: {  	s12 =	sadd.s32 $0x1000, s14;
	s0 =	sadd.s32 s7, s0;
	[dreg:$0x5] =	wrdreg s4  }
0x15: {  	s13 =	sadd.s32 $0x2000, s14;
	s30 =	sadd.s32 $0xC800, s4;
	[dreg:$0x8] =	wrdreg s0  }
0x16: {  	s4 =	smov.u32 s14;
	s14 =	sadd.s32 $0x3000, s14;
	[dreg:$0x7] =	wrdreg s30  }
.LBB2_1:
0x17: {  	[dreg:$0xa] =	wrdreg s1  }
0x18: {  	s0 =	rddreg [dreg:$0x6];
	s15 =	simm.s32 $0x18700  }
0x19: {  	[tilespmem:s15], [sflag:$0x4] =	stream.strided.gather [hbm4b:s0+s16], $0x4000, s17, s16, $0x38;
	[tilespmem:$0x1E700] =	vst v63  }
0x1a: {  	s18 =	rddreg [dreg:$0x5]  }
0x1b: {  	[tilespmem:s5], [sflag:$0x1] =	stream.strided.gather [hbm4b:s18+s16], $0xC800, s17, s16, $0x38;
	[tilespmem:$0x1E700] =	vst v63  }
0x1c: {  	s29 =	rddreg [dreg:$0x7]  }
0x1d: {  	[tilespmem:s19], [sflag:$0x2] =	stream.strided.gather [hbm4b:s29+s16], $0xBE80, s17, s16, $0x38;
	[tilespmem:$0x1E700] =	vst v63  }
0x1e: {  	s31 =	rddreg [dreg:$0x8];
	s30 =	simm.s32 $0x0  }
0x1f: {  	[tilespmem:s20], [sflag:$0x3] =	stream.linear.gather [hbm4b:s31+s5], $0x80, $0x38;
	[tilespmem:$0x1E700] =	vst v63  }
.LBB2_2:
0x20: {  	s31 =	sadd.s32 s6, s30  }
0x21: {  	p0 =	seq.s32 s30, $0x0;
	s0 =	sand.u32 $0x3F, s31  }
0x22: {  	_ =	swait.ge [sflag:s21], $0xC800;
	p1 =	sne.s32 @!p0 s0, $0x0  }
0x23: {  	[sflag:s21] =	ssyncset.done $0x0;
	p1 =	por p0, !p1  }
0x24: {  	[sflag:s21] =	ssyncadd.s32 $0xFFFF3800;
	s1 =	simm.s32 @p1 $0x4  }
0x25: {  	_ =	swait.ge @p1 [sflag:s1], $0x4000  }
0x26: {  	p2 =	seq.s32 @p1 s30, $0x0;
	[sflag:s1] =	ssyncset.done @p1 $0x0  }
0x27: {  	p2 =	por !p1, !p2;
	[sflag:s1] =	ssyncadd.s32 @p1 $0xFFFFC000  }
0x28: {  	_ =	swait.ge @p2 [sflag:s26], $0x1000  }
0x29: {  	[sflag:s26] =	ssyncset.done @p2 $0x0  }
0x2a: {  	s29 =	simm.s32 $0x18780;
	[sflag:s26] =	ssyncadd.s32 @p2 $0xFFFFF000  }
0x2b: {  	v0 =	vld [tilespmem:s29+$0x70]  }
0x2c: {  	v1 =	vld [tilespmem:s29+$0xFFFFFF90]  }
0x2d: {  	v2 =	vld [tilespmem:s29+$0xFFFFFFA0]  }
0x2e: {  	v3 =	vld [tilespmem:s29+$0xFFFFFFB0]  }
0x2f: {  	v4 =	vld [tilespmem:s29+$0xFFFFFFC0]  }
0x30: {  	v5 =	vld [tilespmem:s29+$0xFFFFFFD0]  }
0x31: {  	v6 =	vld [tilespmem:s29+$0xFFFFFFE0]  }
0x32: {  	v7 =	vld [tilespmem:s29+$0xFFFFFFF0]  }
0x33: {  	v8 =	vld [tilespmem:s29+$0x0]  }
0x34: {  	v9 =	vld [tilespmem:s29+$0x10]  }
0x35: {  	v10 =	vld [tilespmem:s29+$0x20];
	vm0 =	vlt.s32 v0, $0xC7FF  }
0x36: {  	v11 =	vld [tilespmem:s29+$0x30];
	vm14 =	vlt.s32 v1, $0xC7FF;
	v0 =	vnsel vm0, $0xC7FF, v0  }
0x37: {  	v12 =	vld [tilespmem:s29+$0x40];
	vm15 =	vlt.s32 v2, $0xC7FF;
	v1 =	vnsel vm14, $0xC7FF, v1  }
0x38: {  	v13 =	vld [tilespmem:s29+$0x50];
	vm4 =	vlt.s32 v3, $0xC7FF;
	v2 =	vnsel vm15, $0xC7FF, v2  }
0x39: {  	v14 =	vld [tilespmem:s29+$0x60];
	vm5 =	vlt.s32 v4, $0xC7FF;
	v3 =	vnsel vm4, $0xC7FF, v3  }
0x3a: {  	v15 =	vld [tilespmem:s29+$0xFFFFFF80];
	vm6 =	vlt.s32 v5, $0xC7FF;
	v4 =	vnsel vm5, $0xC7FF, v4  }
0x3b: {  	vm7 =	vlt.s32 v6, $0xC7FF;
	v5 =	vnsel vm6, $0xC7FF, v5;
	v0 =	vld.idx.msk [tilespmem:v0+s5+$0x0], $0xffff  }
0x3c: {  	vm8 =	vlt.s32 v7, $0xC7FF;
	v6 =	vnsel vm7, $0xC7FF, v6;
	v1 =	vld.idx.msk [tilespmem:v1+s5+$0x0], $0xffff  }
0x3d: {  	vm9 =	vlt.s32 v8, $0xC7FF;
	v7 =	vnsel vm8, $0xC7FF, v7;
	v2 =	vld.idx.msk [tilespmem:v2+s5+$0x0], $0xffff  }
0x3e: {  	vm10 =	vlt.s32 v9, $0xC7FF;
	v8 =	vnsel vm9, $0xC7FF, v8;
	v3 =	vld.idx.msk [tilespmem:v3+s5+$0x0], $0xffff  }
0x3f: {  	vm11 =	vlt.s32 v10, $0xC7FF;
	v9 =	vnsel vm10, $0xC7FF, v9;
	v4 =	vld.idx.msk [tilespmem:v4+s5+$0x0], $0xffff  }
0x40: {  	s1 =	simm.s32 $0x1C780;
	vm1 =	vlt.s32 v11, $0xC7FF;
	v10 =	vnsel vm11, $0xC7FF, v10;
	v5 =	vld.idx.msk [tilespmem:v5+s5+$0x0], $0xffff  }
0x41: {  	vm12 =	vlt.s32 v15, $0xC7FF;
	v11 =	vnsel vm1, $0xC7FF, v11;
	v6 =	vld.idx.msk [tilespmem:v6+s5+$0x0], $0xffff;
	[tilespmem:s1+$0x70] =	vst v0  }
0x42: {  	vm13 =	vlt.s32 v12, $0xC7FF;
	v7 =	vld.idx.msk [tilespmem:v7+s5+$0x0], $0xffff;
	v0 =	vnsel vm12, $0xC7FF, v15;
	[tilespmem:s1+$0xFFFFFF90] =	vst v1  }
0x43: {  	v12 =	vnsel vm13, $0xC7FF, v12;
	vm14 =	vlt.s32 v13, $0xC7FF;
	v8 =	vld.idx.msk [tilespmem:v8+s5+$0x0], $0xffff;
	[tilespmem:s1+$0xFFFFFFA0] =	vst v2  }
0x44: {  	vm15 =	vlt.s32 v14, $0xC7FF;
	v13 =	vnsel vm14, $0xC7FF, v13;
	v9 =	vld.idx.msk [tilespmem:v9+s5+$0x0], $0xffff;
	[tilespmem:s1+$0xFFFFFFB0] =	vst v3  }
0x45: {  	v14 =	vnsel vm15, $0xC7FF, v14;
	[tilespmem:s1+$0xFFFFFFC0] =	vst v4;
	v1 =	vld.idx.msk [tilespmem:v10+s5+$0x0], $0xffff  }
0x46: {  	[tilespmem:s1+$0xFFFFFFD0] =	vst v5;
	v2 =	vld.idx.msk [tilespmem:v11+s5+$0x0], $0xffff  }
0x47: {  	[tilespmem:s1+$0xFFFFFFE0] =	vst v6;
	v0 =	vld.idx.msk [tilespmem:v0+s5+$0x0], $0xffff  }
0x48: {  	[tilespmem:s1+$0xFFFFFFF0] =	vst v7;
	v3 =	vld.idx.msk [tilespmem:v12+s5+$0x0], $0xffff  }
0x49: {  	s2 =	sshll.u32 s31, $0x4;
	[tilespmem:s1+$0x0] =	vst v8;
	v4 =	vld.idx.msk [tilespmem:v13+s5+$0x0], $0xffff  }
0x4a: {  	s8 =	simm.s32 $0x18880;
	s3 =	sand.u32 $0x70, s2;
	s2 =	simm.s32 $0x0;
	[tilespmem:s1+$0x10] =	vst v9;
	v5 =	vld.idx.msk [tilespmem:v14+s5+$0x0], $0xffff  }
.LBB2_3:
0x4b: {  	v6 =	vld [tilespmem:s8+$0x70];
	s2 =	sadd.s32 $0x10, s2;
	[tilespmem:s1+$0x20] =	vst v1  }
0x4c: {  	v1 =	vld [tilespmem:s8+$0xFFFFFF90];
	p1 =	slt.u32 s2, $0xF0;
	[tilespmem:s1+$0xFFFFFF80] =	vst v0  }
0x4d: {  	v0 =	vld [tilespmem:s8+$0xFFFFFFA0];
	[tilespmem:s1+$0x30] =	vst v2  }
0x4e: {  	v2 =	vld [tilespmem:s8+$0xFFFFFFB0];
	[tilespmem:s1+$0x40] =	vst v3  }
0x4f: {  	v3 =	vld [tilespmem:s8+$0xFFFFFFC0];
	[tilespmem:s1+$0x50] =	vst v4  }
0x50: {  	v4 =	vld [tilespmem:s8+$0xFFFFFFD0];
	vm0 =	vlt.s32 v6, $0xC7FF;
	[tilespmem:s1+$0x60] =	vst v5  }
0x51: {  	vm1 =	vlt.s32 v1, $0xC7FF;
	v5 =	vld [tilespmem:s8+$0xFFFFFFE0];
	v6 =	vnsel vm0, $0xC7FF, v6  }
0x52: {  	v1 =	vnsel vm1, $0xC7FF, v1;
	vm0 =	vlt.s32 v0, $0xC7FF;
	v7 =	vld [tilespmem:s8+$0xFFFFFFF0]  }
0x53: {  	v0 =	vnsel vm0, $0xC7FF, v0;
	vm0 =	vlt.s32 v2, $0xC7FF;
	v8 =	vld [tilespmem:s8+$0x0]  }
0x54: {  	v2 =	vnsel vm0, $0xC7FF, v2;
	vm0 =	vlt.s32 v3, $0xC7FF;
	v9 =	vld [tilespmem:s8+$0x10]  }
0x55: {  	v3 =	vnsel vm0, $0xC7FF, v3;
	vm0 =	vlt.s32 v4, $0xC7FF;
	v10 =	vld [tilespmem:s8+$0x20]  }
0x56: {  	v4 =	vnsel vm0, $0xC7FF, v4;
	vm0 =	vlt.s32 v5, $0xC7FF;
	v6 =	vld.idx.msk [tilespmem:v6+s5+$0x0], $0xffff  }
0x57: {  	v5 =	vnsel vm0, $0xC7FF, v5;
	vm0 =	vlt.s32 v7, $0xC7FF;
	v11 =	vld [tilespmem:s8+$0x30]  }
0x58: {  	v7 =	vnsel vm0, $0xC7FF, v7;
	vm0 =	vlt.s32 v8, $0xC7FF;
	v12 =	vld [tilespmem:s8+$0x40]  }
0x59: {  	v8 =	vnsel vm0, $0xC7FF, v8;
	vm0 =	vlt.s32 v9, $0xC7FF;
	v13 =	vld [tilespmem:s8+$0x50]  }
0x5a: {  	v9 =	vnsel vm0, $0xC7FF, v9;
	vm0 =	vlt.s32 v10, $0xC7FF;
	v14 =	vld [tilespmem:s8+$0x60]  }
0x5b: {  	s1 =	sadd.s32 $0x100, s1;
	v15 =	vld [tilespmem:s8+$0xFFFFFF80];
	v10 =	vnsel vm0, $0xC7FF, v10  }
0x5c: {  	v1 =	vld.idx.msk [tilespmem:v1+s5+$0x0], $0xffff;
	vm0 =	vlt.s32 v11, $0xC7FF;
	[tilespmem:s1+$0x70] =	vst v6  }
0x5d: {  	v0 =	vld.idx.msk [tilespmem:v0+s5+$0x0], $0xffff;
	v6 =	vnsel vm0, $0xC7FF, v11;
	vm0 =	vlt.s32 v12, $0xC7FF  }
0x5e: {  	v2 =	vld.idx.msk [tilespmem:v2+s5+$0x0], $0xffff;
	v11 =	vnsel vm0, $0xC7FF, v12;
	vm0 =	vlt.s32 v13, $0xC7FF  }
0x5f: {  	v3 =	vld.idx.msk [tilespmem:v3+s5+$0x0], $0xffff;
	v12 =	vnsel vm0, $0xC7FF, v13;
	vm0 =	vlt.s32 v14, $0xC7FF  }
0x60: {  	vm1 =	vlt.s32 v15, $0xC7FF;
	v4 =	vld.idx.msk [tilespmem:v4+s5+$0x0], $0xffff;
	v13 =	vnsel vm0, $0xC7FF, v14  }
0x61: {  	v14 =	vnsel vm1, $0xC7FF, v15;
	v5 =	vld.idx.msk [tilespmem:v5+s5+$0x0], $0xffff  }
0x62: {  	[tilespmem:s1+$0xFFFFFF90] =	vst v1;
	v7 =	vld.idx.msk [tilespmem:v7+s5+$0x0], $0xffff  }
0x63: {  	[tilespmem:s1+$0xFFFFFFA0] =	vst v0;
	v8 =	vld.idx.msk [tilespmem:v8+s5+$0x0], $0xffff  }
0x64: {  	[tilespmem:s1+$0xFFFFFFB0] =	vst v2;
	v9 =	vld.idx.msk [tilespmem:v9+s5+$0x0], $0xffff  }
0x65: {  	[tilespmem:s1+$0xFFFFFFC0] =	vst v3;
	v1 =	vld.idx.msk [tilespmem:v10+s5+$0x0], $0xffff  }
.Ltmp0:
0x66: {  	v0 =	vld.idx.msk [tilespmem:v14+s5+$0x0], $0xffff;
	[tilespmem:s1+$0xFFFFFFD0] =	vst v4;
	(pc) =	sbr.rel @p1 .LBB2_3-.Ltmp0, $4  }
0x67: {  	[tilespmem:s1+$0xFFFFFFE0] =	vst v5;
	v2 =	vld.idx.msk [tilespmem:v6+s5+$0x0], $0xffff  }
0x68: {  	[tilespmem:s1+$0xFFFFFFF0] =	vst v7;
	v3 =	vld.idx.msk [tilespmem:v11+s5+$0x0], $0xffff  }
0x69: {  	[tilespmem:s1+$0x0] =	vst v8;
	v4 =	vld.idx.msk [tilespmem:v12+s5+$0x0], $0xffff  }
0x6a: {  	s8 =	sadd.s32 $0x100, s8;
	[tilespmem:s1+$0x10] =	vst v9;
	v5 =	vld.idx.msk [tilespmem:v13+s5+$0x0], $0xffff  }
0x6b: {  	[tilespmem:s1+$0x20] =	vst v1  }
0x6c: {  	[tilespmem:s1+$0xFFFFFF80] =	vst v0  }
0x6d: {  	[tilespmem:s1+$0x30] =	vst v2  }
0x6e: {  	[tilespmem:s1+$0x40] =	vst v3  }
0x6f: {  	[tilespmem:s1+$0x50] =	vst v4  }
0x70: {  	[tilespmem:s1+$0x60] =	vst v5;
	s1 =	simm.s32 @!p0 $0x6  }
0x71: {  	_ =	swait.ge @!p0 [sflag:s1], $0x1000  }
0x72: {  	[sflag:s1] =	ssyncset.done @!p0 $0x0  }
0x73: {  	s29 =	simm.s32 $0x197F0;
	[sflag:s1] =	ssyncadd.s32 @!p0 $0xFFFFF000  }
0x74: {  	v0 =	vld [tilespmem:s29+$0x0]  }
0x75: {  	v1 =	vld [tilespmem:s29+$0xFFFFFF20]  }
0x76: {  	v2 =	vld [tilespmem:s29+$0xFFFFFF30]  }
0x77: {  	v3 =	vld [tilespmem:s29+$0xFFFFFF40]  }
0x78: {  	v4 =	vld [tilespmem:s29+$0xFFFFFF50]  }
0x79: {  	v5 =	vld [tilespmem:s29+$0xFFFFFF60]  }
0x7a: {  	v6 =	vld [tilespmem:s29+$0xFFFFFF70]  }
0x7b: {  	v7 =	vld [tilespmem:s29+$0xFFFFFF80]  }
0x7c: {  	v8 =	vld [tilespmem:s29+$0xFFFFFF90]  }
0x7d: {  	v9 =	vld [tilespmem:s29+$0xFFFFFFA0]  }
0x7e: {  	v10 =	vld [tilespmem:s29+$0xFFFFFFB0];
	vm0 =	vlt.s32 v0, $0xC7FF  }
0x7f: {  	v11 =	vld [tilespmem:s29+$0xFFFFFFC0];
	vm14 =	vlt.s32 v1, $0xC7FF;
	v0 =	vnsel vm0, $0xC7FF, v0  }
0x80: {  	v12 =	vld [tilespmem:s29+$0xFFFFFFD0];
	vm15 =	vlt.s32 v2, $0xC7FF;
	v1 =	vnsel vm14, $0xC7FF, v1  }
0x81: {  	v13 =	vld [tilespmem:s29+$0xFFFFFFE0];
	vm4 =	vlt.s32 v3, $0xC7FF;
	v2 =	vnsel vm15, $0xC7FF, v2  }
0x82: {  	v14 =	vld [tilespmem:s29+$0xFFFFFFF0];
	vm5 =	vlt.s32 v4, $0xC7FF;
	v3 =	vnsel vm4, $0xC7FF, v3  }
0x83: {  	v15 =	vld [tilespmem:s29+$0xFFFFFF10];
	vm6 =	vlt.s32 v5, $0xC7FF;
	v4 =	vnsel vm5, $0xC7FF, v4  }
0x84: {  	vm7 =	vlt.s32 v6, $0xC7FF;
	v5 =	vnsel vm6, $0xC7FF, v5;
	v0 =	vld.idx.msk [tilespmem:v0+s5+$0x0], $0xffff  }
0x85: {  	vm8 =	vlt.s32 v7, $0xC7FF;
	v6 =	vnsel vm7, $0xC7FF, v6;
	v1 =	vld.idx.msk [tilespmem:v1+s5+$0x0], $0xffff  }
0x86: {  	vm9 =	vlt.s32 v8, $0xC7FF;
	v7 =	vnsel vm8, $0xC7FF, v7;
	v2 =	vld.idx.msk [tilespmem:v2+s5+$0x0], $0xffff  }
0x87: {  	vm10 =	vlt.s32 v9, $0xC7FF;
	v8 =	vnsel vm9, $0xC7FF, v8;
	v3 =	vld.idx.msk [tilespmem:v3+s5+$0x0], $0xffff  }
0x88: {  	vm11 =	vlt.s32 v10, $0xC7FF;
	v9 =	vnsel vm10, $0xC7FF, v9;
	v4 =	vld.idx.msk [tilespmem:v4+s5+$0x0], $0xffff  }
0x89: {  	s1 =	simm.s32 $0x1D780;
	vm1 =	vlt.s32 v11, $0xC7FF;
	v10 =	vnsel vm11, $0xC7FF, v10;
	v5 =	vld.idx.msk [tilespmem:v5+s5+$0x0], $0xffff  }
0x8a: {  	vm12 =	vlt.s32 v15, $0xC7FF;
	v11 =	vnsel vm1, $0xC7FF, v11;
	v6 =	vld.idx.msk [tilespmem:v6+s5+$0x0], $0xffff;
	[tilespmem:s1+$0x70] =	vst v0  }
0x8b: {  	vm13 =	vlt.s32 v12, $0xC7FF;
	v7 =	vld.idx.msk [tilespmem:v7+s5+$0x0], $0xffff;
	v0 =	vnsel vm12, $0xC7FF, v15;
	[tilespmem:s1+$0xFFFFFF90] =	vst v1  }
0x8c: {  	v12 =	vnsel vm13, $0xC7FF, v12;
	vm14 =	vlt.s32 v13, $0xC7FF;
	v8 =	vld.idx.msk [tilespmem:v8+s5+$0x0], $0xffff;
	[tilespmem:s1+$0xFFFFFFA0] =	vst v2  }
0x8d: {  	vm15 =	vlt.s32 v14, $0xC7FF;
	v13 =	vnsel vm14, $0xC7FF, v13;
	v9 =	vld.idx.msk [tilespmem:v9+s5+$0x0], $0xffff;
	[tilespmem:s1+$0xFFFFFFB0] =	vst v3  }
0x8e: {  	v14 =	vnsel vm15, $0xC7FF, v14;
	[tilespmem:s1+$0xFFFFFFC0] =	vst v4;
	v1 =	vld.idx.msk [tilespmem:v10+s5+$0x0], $0xffff  }
0x8f: {  	[tilespmem:s1+$0xFFFFFFD0] =	vst v5;
	v2 =	vld.idx.msk [tilespmem:v11+s5+$0x0], $0xffff  }
0x90: {  	[tilespmem:s1+$0xFFFFFFE0] =	vst v6;
	v0 =	vld.idx.msk [tilespmem:v0+s5+$0x0], $0xffff  }
0x91: {  	[tilespmem:s1+$0xFFFFFFF0] =	vst v7;
	v3 =	vld.idx.msk [tilespmem:v12+s5+$0x0], $0xffff  }
0x92: {  	[tilespmem:s1+$0x0] =	vst v8;
	v4 =	vld.idx.msk [tilespmem:v13+s5+$0x0], $0xffff  }
0x93: {  	s2 =	simm.s32 $0x0;
	s8 =	simm.s32 $0x198F0;
	[tilespmem:s1+$0x10] =	vst v9;
	v5 =	vld.idx.msk [tilespmem:v14+s5+$0x0], $0xffff  }
.LBB2_5:
0x94: {  	v6 =	vld [tilespmem:s8+$0x0];
	s2 =	sadd.s32 $0x10, s2;
	[tilespmem:s1+$0x20] =	vst v1  }
0x95: {  	v1 =	vld [tilespmem:s8+$0xFFFFFF20];
	p0 =	slt.u32 s2, $0xF0;
	[tilespmem:s1+$0xFFFFFF80] =	vst v0  }
0x96: {  	v0 =	vld [tilespmem:s8+$0xFFFFFF30];
	[tilespmem:s1+$0x30] =	vst v2  }
0x97: {  	v2 =	vld [tilespmem:s8+$0xFFFFFF40];
	[tilespmem:s1+$0x40] =	vst v3  }
0x98: {  	v3 =	vld [tilespmem:s8+$0xFFFFFF50];
	[tilespmem:s1+$0x50] =	vst v4  }
0x99: {  	v4 =	vld [tilespmem:s8+$0xFFFFFF60];
	vm0 =	vlt.s32 v6, $0xC7FF;
	[tilespmem:s1+$0x60] =	vst v5  }
0x9a: {  	vm1 =	vlt.s32 v1, $0xC7FF;
	v5 =	vld [tilespmem:s8+$0xFFFFFF70];
	v6 =	vnsel vm0, $0xC7FF, v6  }
0x9b: {  	v1 =	vnsel vm1, $0xC7FF, v1;
	vm0 =	vlt.s32 v0, $0xC7FF;
	v7 =	vld [tilespmem:s8+$0xFFFFFF80]  }
0x9c: {  	v0 =	vnsel vm0, $0xC7FF, v0;
	vm0 =	vlt.s32 v2, $0xC7FF;
	v8 =	vld [tilespmem:s8+$0xFFFFFF90]  }
0x9d: {  	v2 =	vnsel vm0, $0xC7FF, v2;
	vm0 =	vlt.s32 v3, $0xC7FF;
	v9 =	vld [tilespmem:s8+$0xFFFFFFA0]  }
0x9e: {  	v3 =	vnsel vm0, $0xC7FF, v3;
	vm0 =	vlt.s32 v4, $0xC7FF;
	v10 =	vld [tilespmem:s8+$0xFFFFFFB0]  }
0x9f: {  	v4 =	vnsel vm0, $0xC7FF, v4;
	vm0 =	vlt.s32 v5, $0xC7FF;
	v6 =	vld.idx.msk [tilespmem:v6+s5+$0x0], $0xffff  }
0xa0: {  	v5 =	vnsel vm0, $0xC7FF, v5;
	vm0 =	vlt.s32 v7, $0xC7FF;
	v11 =	vld [tilespmem:s8+$0xFFFFFFC0]  }
0xa1: {  	v7 =	vnsel vm0, $0xC7FF, v7;
	vm0 =	vlt.s32 v8, $0xC7FF;
	v12 =	vld [tilespmem:s8+$0xFFFFFFD0]  }
0xa2: {  	v8 =	vnsel vm0, $0xC7FF, v8;
	vm0 =	vlt.s32 v9, $0xC7FF;
	v13 =	vld [tilespmem:s8+$0xFFFFFFE0]  }
0xa3: {  	v9 =	vnsel vm0, $0xC7FF, v9;
	vm0 =	vlt.s32 v10, $0xC7FF;
	v14 =	vld [tilespmem:s8+$0xFFFFFFF0]  }
0xa4: {  	s1 =	sadd.s32 $0x100, s1;
	v15 =	vld [tilespmem:s8+$0xFFFFFF10];
	v10 =	vnsel vm0, $0xC7FF, v10  }
0xa5: {  	v1 =	vld.idx.msk [tilespmem:v1+s5+$0x0], $0xffff;
	vm0 =	vlt.s32 v11, $0xC7FF;
	[tilespmem:s1+$0x70] =	vst v6  }
0xa6: {  	v0 =	vld.idx.msk [tilespmem:v0+s5+$0x0], $0xffff;
	v6 =	vnsel vm0, $0xC7FF, v11;
	vm0 =	vlt.s32 v12, $0xC7FF  }
0xa7: {  	v2 =	vld.idx.msk [tilespmem:v2+s5+$0x0], $0xffff;
	v11 =	vnsel vm0, $0xC7FF, v12;
	vm0 =	vlt.s32 v13, $0xC7FF  }
0xa8: {  	v3 =	vld.idx.msk [tilespmem:v3+s5+$0x0], $0xffff;
	v12 =	vnsel vm0, $0xC7FF, v13;
	vm0 =	vlt.s32 v14, $0xC7FF  }
0xa9: {  	vm1 =	vlt.s32 v15, $0xC7FF;
	v4 =	vld.idx.msk [tilespmem:v4+s5+$0x0], $0xffff;
	v13 =	vnsel vm0, $0xC7FF, v14  }
0xaa: {  	v14 =	vnsel vm1, $0xC7FF, v15;
	v5 =	vld.idx.msk [tilespmem:v5+s5+$0x0], $0xffff  }
0xab: {  	[tilespmem:s1+$0xFFFFFF90] =	vst v1;
	v7 =	vld.idx.msk [tilespmem:v7+s5+$0x0], $0xffff  }
0xac: {  	[tilespmem:s1+$0xFFFFFFA0] =	vst v0;
	v8 =	vld.idx.msk [tilespmem:v8+s5+$0x0], $0xffff  }
0xad: {  	[tilespmem:s1+$0xFFFFFFB0] =	vst v2;
	v9 =	vld.idx.msk [tilespmem:v9+s5+$0x0], $0xffff  }
0xae: {  	[tilespmem:s1+$0xFFFFFFC0] =	vst v3;
	v1 =	vld.idx.msk [tilespmem:v10+s5+$0x0], $0xffff  }
.Ltmp1:
0xaf: {  	v0 =	vld.idx.msk [tilespmem:v14+s5+$0x0], $0xffff;
	[tilespmem:s1+$0xFFFFFFD0] =	vst v4;
	(pc) =	sbr.rel @p0 .LBB2_5-.Ltmp1, $4  }
0xb0: {  	[tilespmem:s1+$0xFFFFFFE0] =	vst v5;
	v2 =	vld.idx.msk [tilespmem:v6+s5+$0x0], $0xffff  }
0xb1: {  	[tilespmem:s1+$0xFFFFFFF0] =	vst v7;
	v3 =	vld.idx.msk [tilespmem:v11+s5+$0x0], $0xffff  }
0xb2: {  	[tilespmem:s1+$0x0] =	vst v8;
	v4 =	vld.idx.msk [tilespmem:v12+s5+$0x0], $0xffff  }
0xb3: {  	s8 =	sadd.s32 $0x100, s8;
	[tilespmem:s1+$0x10] =	vst v9;
	v5 =	vld.idx.msk [tilespmem:v13+s5+$0x0], $0xffff  }
0xb4: {  	[tilespmem:s1+$0x20] =	vst v1  }
0xb5: {  	[tilespmem:s1+$0xFFFFFF80] =	vst v0  }
0xb6: {  	[tilespmem:s1+$0x30] =	vst v2  }
0xb7: {  	[tilespmem:s1+$0x40] =	vst v3  }
0xb8: {  	[tilespmem:s1+$0x50] =	vst v4  }
0xb9: {  	[tilespmem:s1+$0x60] =	vst v5  }
0xba: {  	_ =	swait.ge [sflag:s22], $0xBE80  }
0xbb: {  	[sflag:s22] =	ssyncset.done $0x0  }
0xbc: {  	[sflag:s22] =	ssyncadd.s32 $0xFFFF4180  }
0xbd: {  	_ =	swait.ge [sflag:s23], $0x80  }
0xbe: {  	[sflag:s23] =	ssyncset.done $0x0  }
0xbf: {  	s18 =	simm.s32 $0x18780;
	[sflag:s23] =	ssyncadd.s32 $0xFFFFFF80  }
0xc0: {  	v2 =	vld [tilespmem:s18+$0x70]  }
0xc1: {  	v10 =	vld [tilespmem:s18+$0xFFFFFF90]  }
0xc2: {  	v8 =	vld [tilespmem:s18+$0xFFFFFFA0]  }
0xc3: {  	v5 =	vld [tilespmem:s18+$0xFFFFFFB0]  }
0xc4: {  	v1 =	vld [tilespmem:s18+$0xFFFFFFC0]  }
0xc5: {  	v3 =	vld [tilespmem:s18+$0xFFFFFFD0]  }
0xc6: {  	v4 =	vld [tilespmem:s18+$0xFFFFFFE0]  }
0xc7: {  	v6 =	vld [tilespmem:s18+$0xFFFFFFF0]  }
0xc8: {  	v7 =	vld [tilespmem:s18+$0x0]  }
0xc9: {  	v23 =	vld [tilespmem:s18+$0xFFFFFF80];
	v0 =	vadd.s32 $0xFFFF3800, v2;
	v14 =	vadd.s32 $0xFFFF3800, v10;
	v9 =	vadd.s32 $0xFFFE7980, v2  }
0xca: {  	v12 =	vld [tilespmem:s18+$0x30];
	v15 =	vadd.s32 $0xFFFE7980, v10;
	v16 =	vadd.s32 $0xFFFF3800, v8;
	v17 =	vadd.s32 $0xFFFE7980, v8  }
0xcb: {  	v13 =	vld [tilespmem:s18+$0x40];
	v18 =	vadd.s32 $0xFFFF3800, v5;
	v20 =	vadd.s32 $0xFFFE7980, v5;
	v21 =	vadd.s32 $0xFFFF3800, v1  }
0xcc: {  	v22 =	vadd.s32 $0xFFFE7980, v1;
	v24 =	vadd.s32 $0xFFFF3800, v3;
	v25 =	vadd.s32 $0xFFFE7980, v3  }
0xcd: {  	v26 =	vadd.s32 $0xFFFF3800, v4;
	v27 =	vadd.s32 $0xFFFE7980, v4;
	v28 =	vadd.s32 $0xFFFF3800, v6  }
0xce: {  	v29 =	vadd.s32 $0xFFFE7980, v6;
	v30 =	vadd.s32 $0xFFFF3800, v7;
	v31 =	vadd.s32 $0xFFFE7980, v7  }
0xcf: {  	v35 =	vadd.s32 $0xFFFF3800, v23;
	v37 =	vadd.s32 $0xFFFE7980, v23;
	v39 =	vadd.s32 $0xFFFF3800, v12  }
0xd0: {  	v61 =	vadd.s32 $0xFFFE7980, v12;
	v42 =	vadd.s32 $0xFFFF3800, v13;
	v44 =	vadd.s32 $0xFFFE7980, v13  }
0xd1: {  	vm12 =	vgt.s32 v6, $0x1867F;
	vm13 =	vlt.s32 v3, $0xC800;
	vm14 =	vlt.s32 v4, $0xC800  }
0xd2: {  	vm15 =	vlt.s32 v6, $0xC800;
	vm0 =	vgt.s32 v0, $0x0;
	vm1 =	vgt.s32 v15, $0x0  }
0xd3: {  	vm2 =	vgt.s32 v16, $0x0;
	vm3 =	vgt.s32 v35, $0x0;
	v0 =	vnsel vm0, $0x0, v0  }
0xd4: {  	vm4 =	vgt.s32 v17, $0x0;
	vm5 =	vgt.s32 v37, $0x0;
	v0 =	vmin.u32 v0, $0xBE7F  }
0xd5: {  	s8 =	simm.s32 $0x1C780;
	vm6 =	vgt.s32 v18, $0x0;
	vm8 =	vgt.s32 v20, $0x0;
	v35 =	vnsel vm3, $0x0, v35  }
0xd6: {  	v62 =	vld [tilespmem:s8+$0x70];
	vm0 =	vgt.s32 v9, $0x0;
	v16 =	vnsel vm2, $0x0, v16;
	v35 =	vmin.u32 v35, $0xBE7F  }
0xd7: {  	vm9 =	vgt.s32 v21, $0x0;
	v11 =	vnsel vm0, $0x0, v9;
	v9 =	vld [tilespmem:s18+$0x10];
	v16 =	vmin.u32 v16, $0xBE7F  }
0xd8: {  	vm7 =	vgt.s32 v22, $0x0;
	v17 =	vnsel vm4, $0x0, v17;
	v19 =	vmin.u32 v11, $0x1F;
	v11 =	vld [tilespmem:s18+$0x20]  }
0xd9: {  	vm4 =	vgt.s32 v25, $0x0;
	vm0 =	vgt.s32 v14, $0x0;
	v38 =	vld.idx.msk [tilespmem:v0+s19+$0x0], $0xffff;
	v0 =	vnsel vm5, $0x0, v37  }
0xda: {  	vm2 =	vlt.s32 v2, $0xC800;
	v40 =	vnsel vm0, $0x0, v14;
	v14 =	vld [tilespmem:s18+$0x50];
	v41 =	vmin.u32 v0, $0x1F  }
0xdb: {  	vm3 =	vgt.s32 v29, $0x0;
	v35 =	vld.idx.msk [tilespmem:v35+s19+$0x0], $0xffff;
	v0 =	vnsel vm1, $0x0, v15;
	v15 =	vmin.u32 v40, $0xBE7F  }
0xdc: {  	v18 =	vnsel vm6, $0x0, v18;
	v20 =	vnsel vm8, $0x0, v20;
	v16 =	vld.idx.msk [tilespmem:v16+s19+$0x0], $0xffff;
	v43 =	vmin.u32 v0, $0x1F  }
0xdd: {  	vm6 =	vgt.s32 v23, $0x1867F;
	vm8 =	vgt.s32 v10, $0x1867F;
	v17 =	vmin.u32 v17, $0x1F;
	v19 =	vld.idx.msk [tilespmem:v19+s20+$0x0], $0xffff  }
0xde: {  	v21 =	vnsel vm9, $0x0, v21;
	vm9 =	vgt.s32 v31, $0x0;
	v18 =	vmin.u32 v18, $0xBE7F;
	v0 =	vld [tilespmem:s18+$0x60]  }
0xdf: {  	v20 =	vmin.u32 v20, $0x1F;
	v21 =	vmin.u32 v21, $0xBE7F;
	vm0 =	vgt.s32 v24, $0x0;
	v41 =	vld.idx.msk [tilespmem:v41+s20+$0x0], $0xffff  }
0xe0: {  	v32 =	vadd.s32 $0xFFFF3800, v9;
	v33 =	vadd.s32 $0xFFFE7980, v9;
	vm5 =	vgt.s32 v28, $0x0;
	v15 =	vld.idx.msk [tilespmem:v15+s19+$0x0], $0xffff  }
0xe1: {  	v34 =	vadd.s32 $0xFFFF3800, v11;
	v36 =	vadd.s32 $0xFFFE7980, v11;
	vm1 =	vgt.s32 v2, $0x1867F;
	v43 =	vld.idx.msk [tilespmem:v43+s20+$0x0], $0xffff  }
0xe2: {  	v17 =	vld.idx.msk [tilespmem:v17+s20+$0x0], $0xffff;
	v45 =	vadd.s32 $0xFFFF3800, v14;
	v63 =	vadd.s32 $0xFFFE7980, v14;
	vm10 =	vgt.s32 v32, $0x0  }
0xe3: {  	vm11 =	vgt.s32 v33, $0x0;
	v2 =	vimm.s32 $0x0;
	v19 =	vsel vm1, v19, v38  }
0xe4: {  	vm1 =	vgt.s32 v26, $0x0;
	v56 =	vsel vm2, v62, v19;
	vm2 =	vgt.s32 v27, $0x0  }
0xe5: {  	v46 =	vld [tilespmem:s8+$0xFFFFFF80];
	v19 =	vadd.s32 $0xFFFF3800, v0;
	v55 =	vadd.s32 $0xFFFE7980, v0;
	v35 =	vsel vm6, v41, v35  }
0xe6: {  	v47 =	vld [tilespmem:s8+$0xFFFFFF90];
	vm6 =	vgt.s32 v8, $0x1867F;
	v43 =	vsel vm8, v43, v15;
	v15 =	vnsel vm7, $0x0, v22  }
0xe7: {  	v48 =	vld [tilespmem:s8+$0xFFFFFFB0];
	v16 =	vsel vm6, v17, v16;
	v22 =	vnsel vm0, $0x0, v24;
	vm0 =	vlt.s32 v23, $0xC800  }
0xe8: {  	v18 =	vld.idx.msk [tilespmem:v18+s19+$0x0], $0xffff;
	v24 =	vnsel vm4, $0x0, v25;
	vm7 =	vgt.s32 v30, $0x0;
	vm8 =	vgt.s32 v34, $0x0  }
0xe9: {  	v20 =	vld.idx.msk [tilespmem:v20+s20+$0x0], $0xffff;
	vm6 =	vgt.s32 v36, $0x0;
	v25 =	vnsel vm1, $0x0, v26;
	v15 =	vmin.u32 v15, $0x1F  }
0xea: {  	v21 =	vld.idx.msk [tilespmem:v21+s19+$0x0], $0xffff;
	vm4 =	vgt.s32 v39, $0x0;
	v26 =	vnsel vm2, $0x0, v27;
	v22 =	vmin.u32 v22, $0xBE7F  }
0xeb: {  	v41 =	vld [tilespmem:s8+$0xFFFFFFA0];
	vm2 =	vgt.s32 v61, $0x0;
	v27 =	vnsel vm5, $0x0, v28;
	v24 =	vmin.u32 v24, $0x1F  }
0xec: {  	v17 =	vld [tilespmem:s8+$0xFFFFFFC0];
	vm5 =	vgt.s32 v42, $0x0;
	v28 =	vnsel vm3, $0x0, v29;
	vm3 =	vgt.s32 v44, $0x0  }
0xed: {  	v23 =	vld [tilespmem:s8+$0xFFFFFFD0];
	vm1 =	vlt.s32 v10, $0xC800;
	v29 =	vnsel vm7, $0x0, v30;
	v30 =	vnsel vm9, $0x0, v31  }
0xee: {  	vm7 =	vgt.s32 v5, $0x1867F;
	v2 =	vsel vm1, $0xFFFFFFFF, v2;
	v26 =	vmin.u32 v26, $0x1F;
	v15 =	vld.idx.msk [tilespmem:v15+s20+$0x0], $0xffff  }
0xef: {  	v18 =	vsel vm7, v20, v18;
	vm7 =	vlt.s32 v8, $0xC800;
	v8 =	vmin.u32 v27, $0xBE7F;
	v22 =	vld.idx.msk [tilespmem:v22+s19+$0x0], $0xffff  }
0xf0: {  	v10 =	vmin.u32 v25, $0xBE7F;
	v25 =	vnsel vm10, $0x0, v32;
	v28 =	vmin.u32 v28, $0x1F;
	v24 =	vld.idx.msk [tilespmem:v24+s20+$0x0], $0xffff;
	[tilespmem:$0x1FFE0] =	vst v2  }
0xf1: {  	vm9 =	vgt.s32 v1, $0x1867F;
	vm10 =	vgt.s32 v45, $0x0;
	vm1 =	vlt.s32 v7, $0xC800;
	v49 =	vld [tilespmem:s8+$0xFFFFFFE0]  }
0xf2: {  	v27 =	vnsel vm11, $0x0, v33;
	v25 =	vmin.u32 v25, $0xBE7F;
	v31 =	vnsel vm10, $0x0, v45;
	v50 =	vld [tilespmem:s8+$0xFFFFFFF0]  }
0xf3: {  	vm11 =	vgt.s32 v7, $0x1867F;
	vm10 =	vgt.s32 v9, $0x1867F;
	v27 =	vmin.u32 v27, $0x1F;
	v57 =	vld.idx.msk [tilespmem:v26+s20+$0x0], $0xffff  }
0xf4: {  	v31 =	vmin.u32 v31, $0xBE7F;
	v26 =	vnsel vm4, $0x0, v39;
	v58 =	vld.idx.msk [tilespmem:v8+s19+$0x0], $0xffff;
	v8 =	vnsel vm2, $0x0, v61  }
0xf5: {  	v59 =	vld.idx.msk [tilespmem:v28+s20+$0x0], $0xffff;
	v28 =	vnsel vm3, $0x0, v44;
	vm3 =	vgt.s32 v11, $0x1867F;
	vm2 =	vgt.s32 v12, $0x1867F  }
0xf6: {  	v51 =	vld [tilespmem:s8+$0x0];
	vm4 =	vgt.s32 v13, $0x1867F;
	v26 =	vmin.u32 v26, $0xBE7F;
	v40 =	vmin.u32 v8, $0x1F  }
0xf7: {  	s29 =	simm.s32 $0x18880;
	v20 =	vld [tilespmem:s8+$0x20];
	v52 =	vmin.u32 v28, $0x1F;
	v21 =	vsel vm9, v15, v21;
	vm9 =	vgt.s32 v3, $0x1867F  }
0xf8: {  	v8 =	vsel vm0, v46, v35;
	v35 =	vld [tilespmem:s29+$0x70];
	vm0 =	vlt.s32 v1, $0xC800;
	v33 =	vsel vm9, v24, v22  }
0xf9: {  	v1 =	vld [tilespmem:$0x1FFE0];
	v22 =	vmin.u32 v29, $0xBE7F;
	vm9 =	vgt.s32 v63, $0x0;
	v24 =	vnsel vm8, $0x0, v34  }
0xfa: {  	v29 =	vmin.u32 v30, $0x1F;
	v34 =	vld.idx.msk [tilespmem:v10+s19+$0x0], $0xffff;
	vm8 =	vgt.s32 v19, $0x0;
	v10 =	vnsel vm6, $0x0, v36  }
0xfb: {  	v53 =	vld.idx.msk [tilespmem:v27+s20+$0x0], $0xffff;
	vm6 =	vgt.s32 v55, $0x0;
	v30 =	vnsel vm5, $0x0, v42;
	vm5 =	vgt.s32 v14, $0x1867F  }
0xfc: {  	v28 =	vld [tilespmem:s29+$0xFFFFFF90];
	v7 =	vsel vm0, v17, v21;
	vm0 =	vlt.s32 v14, $0xC800;
	v24 =	vmin.u32 v24, $0xBE7F  }
0xfd: {  	v31 =	vld.idx.msk [tilespmem:v31+s19+$0x0], $0xffff;
	v10 =	vmin.u32 v10, $0x1F;
	v19 =	vnsel vm8, $0x0, v19;
	v62 =	vnsel vm6, $0x0, v55  }
0xfe: {  	v17 =	vld [tilespmem:s29+$0x30];
	v44 =	vmin.u32 v30, $0xBE7F;
	vm6 =	vgt.s32 v4, $0x1867F;
	vm8 =	vnez.u8 v1  }
0xff: {  	v32 =	vld.idx.msk [tilespmem:v26+s19+$0x0], $0xffff;
	v4 =	vsel vm12, v59, v58;
	v6 =	vadd.s32 $0xFFFE7980, v35;
	vm0 =	vmmov vm0  }
0x100: {  	v27 =	vmin.u32 v62, $0x1F;
	v4 =	vsel vm15, v50, v4;
	v60 =	vld.idx.msk [tilespmem:v22+s19+$0x0], $0xffff;
	v22 =	vnsel vm9, $0x0, v63  }
0x101: {  	v61 =	vld.idx.msk [tilespmem:v29+s20+$0x0], $0xffff;
	v29 =	vmin.u32 v19, $0xBE7F;
	vm9 =	vlt.s32 v5, $0xC800;
	v1 =	vsel vm6, v57, v34  }
0x102: {  	v26 =	vld [tilespmem:s29+$0xFFFFFFA0];
	vm6 =	vlt.s32 v11, $0xC800;
	v11 =	vsel vm7, v41, v16;
	vm7 =	vlt.s32 v12, $0xC800  }
0x103: {  	v40 =	vld.idx.msk [tilespmem:v40+s20+$0x0], $0xffff;
	v5 =	vsel vm13, v23, v33;
	v19 =	vadd.s32 $0xFFFF3800, v28;
	vm13 =	vgt.s32 v0, $0x1867F  }
0x104: {  	vm15 =	vlt.s32 v17, $0xC800;
	v30 =	vmin.u32 v22, $0x1F;
	v55 =	vld.idx.msk [tilespmem:v10+s20+$0x0], $0xffff;
	v10 =	vsel vm8, v47, v43  }
0x105: {  	v33 =	vld [tilespmem:s29+$0xFFFFFF80];
	vm8 =	vlt.s32 v9, $0xC800;
	v2 =	vsel vm14, v49, v1;
	v1 =	vadd.s32 $0xFFFF3800, v35  }
0x106: {  	v63 =	vld.idx.msk [tilespmem:v25+s19+$0x0], $0xffff;
	v9 =	vsel vm9, v48, v18;
	vm9 =	vlt.s32 v13, $0xC800;
	vm12 =	vgt.s32 v1, $0x0  }
0x107: {  	v25 =	vld [tilespmem:s29+$0xFFFFFFC0];
	v58 =	vadd.s32 $0xFFFF3800, v26;
	v12 =	vnsel vm12, $0x0, v1;
	vm12 =	vgt.s32 v6, $0x0  }
0x108: {  	v15 =	vld [tilespmem:s8+$0x10];
	[tilespmem:s8+$0xFFFFFFA0] =	vst v11;
	v11 =	vimm.s32 $0x0;
	v14 =	vmin.u32 v12, $0xBE7F;
	v12 =	vnsel vm12, $0x0, v6  }
0x109: {  	v54 =	vld.idx.msk [tilespmem:v24+s19+$0x0], $0xffff;
	vm12 =	vmmov vm2;
	vm2 =	vmmov vm7;
	v13 =	vsel vm11, v61, v60  }
0x10a: {  	v1 =	vld [tilespmem:s29+$0x0];
	v57 =	vadd.s32 $0xFFFF3800, v33;
	v59 =	vadd.s32 $0xFFFE7980, v33;
	v60 =	vadd.s32 $0xFFFE7980, v26  }
0x10b: {  	v24 =	vld [tilespmem:s29+$0xFFFFFFD0];
	vm11 =	vmmov vm4;
	vm4 =	vmmov vm9;
	v32 =	vsel vm12, v40, v32  }
0x10c: {  	v22 =	vld [tilespmem:s29+$0xFFFFFFB0];
	vm9 =	vlt.s32 v25, $0xC800;
	v6 =	vsel vm1, v51, v13;
	v51 =	vsel vm10, v53, v63  }
0x10d: {  	v21 =	vld [tilespmem:s29+$0xFFFFFFF0];
	v13 =	vmin.u32 v12, $0x1F;
	v53 =	vadd.s32 $0xFFFE7980, v28;
	vm1 =	vgt.s32 v57, $0x0  }
0x10e: {  	v12 =	vld [tilespmem:s29+$0x20];
	vm10 =	vgt.s32 v59, $0x0;
	v37 =	vnsel vm1, $0x0, v57;
	vm1 =	vgt.s32 v19, $0x0  }
0x10f: {  	v37 =	vmin.u32 v37, $0xBE7F;
	vm12 =	vgt.s32 v1, $0x1867F;
	v61 =	vld.idx.msk [tilespmem:v14+s19+$0x0], $0xffff;
	v14 =	vnsel vm10, $0x0, v59  }
0x110: {  	v23 =	vld [tilespmem:s29+$0xFFFFFFE0];
	vm10 =	vgt.s32 v53, $0x0;
	v59 =	vadd.s32 $0xFFFE7980, v24;
	v14 =	vmin.u32 v14, $0x1F  }
0x111: {  	v16 =	vld [tilespmem:s29+$0x40];
	v36 =	vnsel vm10, $0x0, v53;
	vm10 =	vgt.s32 v60, $0x0;
	v53 =	vadd.s32 $0xFFFE7980, v22  }
0x112: {  	v62 =	vld.idx.msk [tilespmem:v13+s20+$0x0], $0xffff;
	v13 =	vnsel vm1, $0x0, v19;
	vm1 =	vgt.s32 v58, $0x0;
	v36 =	vmin.u32 v36, $0x1F  }
0x113: {  	s9 =	simm.s32 $0x1C880;
	v18 =	vld [tilespmem:s29+$0x10];
	vm14 =	vlt.s32 v12, $0xC800;
	v63 =	vmin.u32 v13, $0xBE7F;
	v38 =	vnsel vm1, $0x0, v58  }
0x114: {  	v48 =	vld [tilespmem:s9+$0x70];
	vm1 =	vlt.s32 v0, $0xC800;
	v0 =	vnsel vm10, $0x0, v60;
	vm10 =	vmmov vm5  }
0x115: {  	v44 =	vld.idx.msk [tilespmem:v44+s19+$0x0], $0xffff;
	vm5 =	vmmov vm13;
	v58 =	vadd.s32 $0xFFFF3800, v24;
	v60 =	vadd.s32 $0xFFFF3800, v23  }
0x116: {  	v13 =	vld [tilespmem:s29+$0x60];
	v38 =	vmin.u32 v38, $0xBE7F;
	v0 =	vmin.u32 v0, $0x1F;
	vm7 =	vgt.s32 v58, $0x0  }
0x117: {  	vm1 =	vmmov vm1;
	v49 =	vld.idx.msk [tilespmem:v14+s20+$0x0], $0xffff;
	v14 =	vsel vm8, v15, v51;
	v15 =	vsel vm3, v55, v54  }
0x118: {  	v37 =	vld.idx.msk [tilespmem:v37+s19+$0x0], $0xffff;
	v51 =	vadd.s32 $0xFFFF3800, v22;
	v54 =	vadd.s32 $0xFFFF3800, v25;
	vm3 =	vgt.s32 v35, $0x1867F  }
0x119: {  	v55 =	vadd.s32 $0xFFFE7980, v25;
	vm8 =	vgt.s32 v59, $0x0;
	v15 =	vsel vm6, v20, v15;
	v36 =	vld.idx.msk [tilespmem:v36+s20+$0x0], $0xffff  }
0x11a: {  	v20 =	vsel vm3, v62, v61;
	vm3 =	vlt.s32 v35, $0xC800;
	vm6 =	vgt.s32 v28, $0x1867F;
	v50 =	vld.idx.msk [tilespmem:v63+s19+$0x0], $0xffff  }
0x11b: {  	v62 =	vadd.s32 $0xFFFE7980, v23;
	v42 =	vnsel vm8, $0x0, v59;
	v59 =	vadd.s32 $0xFFFE7980, v21;
	v57 =	vld.idx.msk [tilespmem:v38+s19+$0x0], $0xffff  }
0x11c: {  	vm8 =	vlt.s32 v22, $0xC800;
	v20 =	vsel vm3, v48, v20;
	vm3 =	vgt.s32 v33, $0x1867F;
	v0 =	vld.idx.msk [tilespmem:v0+s20+$0x0], $0xffff  }
0x11d: {  	v29 =	vld.idx.msk [tilespmem:v29+s19+$0x0], $0xffff;
	v63 =	vadd.s32 $0xFFFF3800, v21;
	v42 =	vmin.u32 v42, $0x1F;
	v48 =	vadd.s32 $0xFFFE7980, v18  }
0x11e: {  	v61 =	vld.idx.msk [tilespmem:v52+s20+$0x0], $0xffff;
	v3 =	vadd.s32 $0xFFFF3800, v13;
	v37 =	vsel vm3, v49, v37;
	vm3 =	vgt.s32 v51, $0x0  }
0x11f: {  	v30 =	vld.idx.msk [tilespmem:v30+s20+$0x0], $0xffff;
	v43 =	vnsel vm3, $0x0, v51;
	v34 =	vsel vm6, v36, v50;
	vm6 =	vgt.s32 v53, $0x0  }
0x120: {  	v19 =	vld [tilespmem:s29+$0x50];
	vm3 =	vgt.s32 v26, $0x1867F;
	v43 =	vmin.u32 v43, $0xBE7F;
	v46 =	vnsel vm6, $0x0, v53  }
0x121: {  	v52 =	vld.idx.msk [tilespmem:v27+s20+$0x0], $0xffff;
	v0 =	vsel vm3, v0, v57;
	vm3 =	vgt.s32 v54, $0x0;
	v46 =	vmin.u32 v46, $0x1F  }
0x122: {  	v49 =	vadd.s32 $0xFFFE7980, v12;
	v42 =	vld.idx.msk [tilespmem:v42+s20+$0x0], $0xffff;
	vm6 =	vgt.s32 v55, $0x0;
	v27 =	vnsel vm3, $0x0, v54  }
0x123: {  	v44 =	vsel vm11, v61, v44;
	v53 =	vld [tilespmem:s9+$0xFFFFFF80];
	v39 =	vnsel vm6, $0x0, v55;
	v47 =	vmin.u32 v27, $0xBE7F  }
0x124: {  	v54 =	vld [tilespmem:s9+$0xFFFFFF90];
	vm3 =	vgt.s32 v60, $0x0;
	vm6 =	vgt.s32 v62, $0x0;
	v55 =	vmin.u32 v39, $0x1F  }
0x125: {  	v27 =	vnsel vm7, $0x0, v58;
	v41 =	vnsel vm3, $0x0, v60;
	v36 =	vnsel vm6, $0x0, v62;
	v57 =	vld.idx.msk [tilespmem:v43+s19+$0x0], $0xffff  }
0x126: {  	vm3 =	vlt.s32 v28, $0xC800;
	v28 =	vadd.s32 $0xFFFF3800, v1;
	v58 =	vmin.u32 v27, $0xBE7F;
	v46 =	vld.idx.msk [tilespmem:v46+s20+$0x0], $0xffff  }
0x127: {  	vm6 =	vgt.s32 v22, $0x1867F;
	vm7 =	vgt.s32 v59, $0x0;
	v22 =	vld [tilespmem:s9+$0xFFFFFFC0];
	v27 =	vsel vm10, v30, v31  }
0x128: {  	v30 =	vsel vm5, v52, v29;
	v41 =	vmin.u32 v41, $0xBE7F;
	vm5 =	vlt.s32 v33, $0xC800;
	v47 =	vld.idx.msk [tilespmem:v47+s19+$0x0], $0xffff  }
0x129: {  	v36 =	vmin.u32 v36, $0x1F;
	v33 =	vnsel vm7, $0x0, v59;
	vm7 =	vgt.s32 v25, $0x1867F;
	v38 =	vld.idx.msk [tilespmem:v55+s20+$0x0], $0xffff  }
0x12a: {  	v29 =	vld [tilespmem:s9+$0xFFFFFFB0];
	vm10 =	vlt.s32 v24, $0xC800;
	v59 =	vadd.s32 $0xFFFE7980, v13;
	v33 =	vmin.u32 v33, $0x1F  }
0x12b: {  	v43 =	vld.idx.msk [tilespmem:v58+s19+$0x0], $0xffff;
	v58 =	vadd.s32 $0xFFFE7980, v19;
	v39 =	vsel vm6, v46, v57;
	vm6 =	vgt.s32 v63, $0x0  }
0x12c: {  	v31 =	vld [tilespmem:s9+$0xFFFFFFA0];
	v46 =	vadd.s32 $0xFFFE7980, v1;
	v57 =	vadd.s32 $0xFFFE7980, v16;
	v35 =	vnsel vm6, $0x0, v63  }
0x12d: {  	v41 =	vld.idx.msk [tilespmem:v41+s19+$0x0], $0xffff;
	vm6 =	vlt.s32 v26, $0xC800;
	v26 =	vadd.s32 $0xFFFF3800, v18;
	v35 =	vmin.u32 v35, $0xBE7F  }
0x12e: {  	v36 =	vld.idx.msk [tilespmem:v36+s20+$0x0], $0xffff;
	v25 =	vsel vm7, v38, v47;
	v47 =	vadd.s32 $0xFFFF3800, v12;
	vm7 =	vgt.s32 v24, $0x1867F  }
0x12f: {  	v60 =	vld [tilespmem:s9+$0xFFFFFFE0];
	v63 =	vadd.s32 $0xFFFF3800, v16;
	v38 =	vsel vm8, v29, v39;
	v29 =	vadd.s32 $0xFFFF3800, v19  }
0x130: {  	v33 =	vld.idx.msk [tilespmem:v33+s20+$0x0], $0xffff;
	vm8 =	vgt.s32 v48, $0x0;
	v43 =	vsel vm7, v42, v43;
	v42 =	vsel vm5, v53, v37  }
0x131: {  	v24 =	vld [tilespmem:s9+$0xFFFFFFD0];
	vm5 =	vgt.s32 v23, $0x1867F;
	vm7 =	vlt.s32 v23, $0xC800;
	v23 =	vadd.s32 $0xFFFF3800, v17  }
0x132: {  	v37 =	vsel vm3, v54, v34;
	v53 =	vadd.s32 $0xFFFE7980, v17;
	vm3 =	vgt.s32 v21, $0x1867F;
	v61 =	vld.idx.msk [tilespmem:v35+s19+$0x0], $0xffff  }
0x133: {  	v40 =	vsel vm6, v31, v0;
	v0 =	vld [tilespmem:s9+$0xFFFFFFF0];
	vm6 =	vgt.s32 v46, $0x0;
	v62 =	vsel vm5, v36, v41  }
0x134: {  	vm5 =	vlt.s32 v21, $0xC800;
	v36 =	vsel vm9, v22, v25;
	vm9 =	vgt.s32 v47, $0x0  }
0x135: {  	v21 =	vld [tilespmem:s8+$0x30];
	vm11 =	vgt.s32 v23, $0x0;
	vm13 =	vgt.s32 v53, $0x0;
	v22 =	vsel vm7, v60, v62  }
0x136: {  	vm7 =	vgt.s32 v26, $0x0;
	v60 =	vnsel vm8, $0x0, v48;
	v35 =	vsel vm10, v24, v43  }
0x137: {  	v45 =	vld [tilespmem:s8+$0x50];
	vm10 =	vgt.s32 v49, $0x0;
	v24 =	vsel vm3, v33, v61;
	vm3 =	vgt.s32 v28, $0x0  }
0x138: {  	v50 =	vld [tilespmem:s8+$0x60];
	v61 =	vnsel vm9, $0x0, v47;
	vm9 =	vgt.s32 v18, $0x1867F;
	v34 =	vsel vm5, v0, v24  }
0x139: {  	v31 =	vld [tilespmem:s8+$0x40];
	v25 =	vnsel vm3, $0x0, v28;
	v28 =	vnsel vm6, $0x0, v46;
	vm3 =	vgt.s32 v63, $0x0  }
0x13a: {  	[tilespmem:s8+$0x70] =	vst v56;
	v47 =	vld [tilespmem:s9+$0x20];
	v24 =	vsel vm2, v21, v32;
	vm6 =	vlt.s32 v1, $0xC800;
	v1 =	vnsel vm10, $0x0, v49  }
0x13b: {  	[tilespmem:s8+$0xFFFFFF80] =	vst v8;
	v21 =	vld [tilespmem:s9+$0x0];
	vm10 =	vgt.s32 v17, $0x1867F;
	v17 =	vnsel vm3, $0x0, v63;
	vm3 =	vlt.s32 v16, $0xC800  }
0x13c: {  	[tilespmem:s8+$0xFFFFFF90] =	vst v10;
	vm2 =	vlt.s32 v18, $0xC800;
	v18 =	vld [tilespmem:s9+$0x10];
	v8 =	vmin.u32 v25, $0xBE7F;
	v11 =	vsel vm3, $0xFFFFFFFF, v11  }
0x13d: {  	vm8 =	vgt.s32 v12, $0x1867F;
	v0 =	vnsel vm11, $0x0, v23;
	v25 =	vld [tilespmem:s9+$0x30];
	v10 =	vmin.u32 v28, $0x1F;
	[tilespmem:$0x1FFF0] =	vst v11  }
0x13e: {  	v26 =	vnsel vm7, $0x0, v26;
	vm7 =	vgt.s32 v29, $0x0;
	v0 =	vmin.u32 v0, $0xBE7F;
	v28 =	vld [tilespmem:s9+$0x40]  }
0x13f: {  	vm5 =	vgt.s32 v57, $0x0;
	v32 =	vsel vm4, v31, v44;
	v11 =	vmin.u32 v26, $0xBE7F;
	[tilespmem:s8+$0xFFFFFFB0] =	vst v9;
	v31 =	vld [tilespmem:s9+$0x50]  }
0x140: {  	v23 =	vnsel vm13, $0x0, v53;
	vm11 =	vgt.s32 v16, $0x1867F;
	v62 =	vmin.u32 v1, $0x1F;
	[tilespmem:s8+$0xFFFFFFC0] =	vst v7;
	v33 =	vld [tilespmem:s9+$0x60]  }
0x141: {  	vm13 =	vgt.s32 v19, $0x1867F;
	vm4 =	vgt.s32 v13, $0x1867F;
	v9 =	vmin.u32 v60, $0x1F;
	[tilespmem:s8+$0xFFFFFFD0] =	vst v5;
	v5 =	vld.idx.msk [tilespmem:v8+s19+$0x0], $0xffff  }
0x142: {  	v16 =	vmin.u32 v61, $0xBE7F;
	vm3 =	vlt.s32 v19, $0xC800;
	v19 =	vnsel vm5, $0x0, v57;
	[tilespmem:s8+$0xFFFFFFE0] =	vst v2;
	v8 =	vld.idx.msk [tilespmem:v10+s20+$0x0], $0xffff  }
0x143: {  	vm5 =	vgt.s32 v58, $0x0;
	v26 =	vmin.u32 v17, $0xBE7F;
	v2 =	vnsel vm7, $0x0, v29;
	[tilespmem:s8+$0xFFFFFFF0] =	vst v4;
	v12 =	vld.idx.msk [tilespmem:v0+s19+$0x0], $0xffff  }
0x144: {  	vm7 =	vgt.s32 v3, $0x0;
	v4 =	vnsel vm5, $0x0, v58;
	vm5 =	vgt.s32 v59, $0x0;
	[tilespmem:s8+$0x0] =	vst v6;
	v7 =	vld.idx.msk [tilespmem:v11+s19+$0x0], $0xffff  }
0x145: {  	[tilespmem:s8+$0x10] =	vst v14;
	v29 =	vmin.u32 v23, $0x1F;
	v23 =	vmin.u32 v19, $0x1F;
	v63 =	vnsel vm7, $0x0, v3;
	v11 =	vld.idx.msk [tilespmem:v62+s20+$0x0], $0xffff  }
0x146: {  	[tilespmem:s8+$0x20] =	vst v15;
	v6 =	vnsel vm5, $0x0, v59;
	vm7 =	vlt.s32 v13, $0xC800;
	v19 =	vmin.u32 v2, $0xBE7F;
	v10 =	vld.idx.msk [tilespmem:v9+s20+$0x0], $0xffff  }
0x147: {  	s10 =	simm.s32 $0x10;
	s1 =	simm.s32 $0x18980;
	[tilespmem:s9+$0x70] =	vst v20;
	v3 =	vmin.u32 v63, $0xBE7F;
	v2 =	vmin.u32 v6, $0x1F;
	v9 =	vld.idx.msk [tilespmem:v16+s19+$0x0], $0xffff;
	v16 =	vmin.u32 v4, $0x1F  }
.LBB2_7:
0x148: {  	v0 =	vmov v33  }
0x149: {  	v27 =	vsel vm0, v45, v27;
	vm0 =	vmmov vm10;
	[tilespmem:$0x1FE20] =	vst v0;
	v0 =	vimm.s32 $0x0  }
0x14a: {  	v0 =	vsel vm0, $0xFFFFFFFF, v0  }
0x14b: {  	vm0 =	vmmov vm11;
	[tilespmem:$0x1FE30] =	vst v0;
	v0 =	vimm.s32 $0x0  }
0x14c: {  	v0 =	vsel vm0, $0xFFFFFFFF, v0  }
0x14d: {  	vm0 =	vmmov vm13;
	[tilespmem:$0x1FE60] =	vst v0;
	v0 =	vimm.s32 $0x0  }
0x14e: {  	v0 =	vsel vm0, $0xFFFFFFFF, v0  }
0x14f: {  	vm0 =	vmmov vm4;
	[tilespmem:$0x1FE80] =	vst v0;
	v0 =	vimm.s32 $0x0  }
0x150: {  	v0 =	vsel vm0, $0xFFFFFFFF, v0  }
0x151: {  	vm0 =	vmmov vm15;
	[tilespmem:$0x1FE90] =	vst v0;
	v0 =	vimm.s32 $0x0  }
0x152: {  	v0 =	vsel vm0, $0xFFFFFFFF, v0  }
0x153: {  	[tilespmem:$0x1FFA0] =	vst v0;
	v0 =	vld [tilespmem:$0x1FFF0];
	_ =	sdelay $0x3  }
0x154: {  	v39 =	vld [tilespmem:s1+$0x70]  }
0x155: {  	v30 =	vsel vm1, v50, v30;
	vm1 =	vnez.u8 v0  }
0x156: {  	v6 =	vsel vm12, v8, v5;
	v5 =	vmovc v25;
	v0 =	vimm.s32 $0x0;
	vm0 =	vmmov vm1  }
0x157: {  	v8 =	vsel vm9, v10, v7;
	[tilespmem:$0x1FF90] =	vst v5;
	v5 =	vld [tilespmem:s1+$0xFFFFFF90];
	v0 =	vsel vm0, $0xFFFFFFFF, v0  }
0x158: {  	v10 =	vsel vm8, v11, v9;
	vm0 =	vmmov vm3;
	[tilespmem:$0x1FFC0] =	vst v0;
	v0 =	vimm.s32 $0x0  }
0x159: {  	v17 =	vsel vm6, v21, v6;
	v14 =	vadd.s32 $0xFFFF3800, v39;
	v0 =	vsel vm0, $0xFFFFFFFF, v0  }
0x15a: {  	v21 =	vsel vm14, v47, v10;
	vm0 =	vmmov vm7;
	[tilespmem:$0x1FF50] =	vst v0;
	v0 =	vimm.s32 $0x0  }
0x15b: {  	[tilespmem:$0x1FE40] =	vst v12;
	v6 =	vld [tilespmem:s1+$0xFFFFFFA0];
	v20 =	vadd.s32 $0xFFFE7980, v39;
	v0 =	vsel vm0, $0xFFFFFFFF, v0;
	vm0 =	vgt.s32 v14, $0x0  }
0x15c: {  	v10 =	vld [tilespmem:s1+$0xFFFFFFE0];
	[tilespmem:s9+$0xFFFFFFE0] =	vst v22;
	v12 =	vadd.s32 $0xFFFF3800, v5;
	v22 =	vnsel vm0, $0x0, v14;
	vm0 =	vgt.s32 v20, $0x0  }
0x15d: {  	[tilespmem:$0x1FED0] =	vst v0;
	v0 =	vimm.s32 $0x0;
	v20 =	vnsel vm0, $0x0, v20;
	vm0 =	vgt.s32 v12, $0x0  }
0x15e: {  	v25 =	vadd.s32 $0xFFFE7980, v5;
	v0 =	vsel vm0, $0xFFFFFFFF, v0  }
0x15f: {  	v7 =	vld [tilespmem:s1+$0xFFFFFFB0];
	vm0 =	vgt.s32 v25, $0x0;
	[tilespmem:$0x1FD50] =	vst v0;
	v0 =	vimm.s32 $0x0  }
0x160: {  	[tilespmem:s9+$0xFFFFFF80] =	vst v42;
	v4 =	vmov v28;
	v28 =	vadd.s32 $0xFFFF3800, v6;
	v0 =	vsel vm0, $0xFFFFFFFF, v0  }
0x161: {  	vm0 =	vgt.s32 v28, $0x0;
	[tilespmem:$0x1FD60] =	vst v0;
	v0 =	vimm.s32 $0x0  }
0x162: {  	[tilespmem:s9+$0xFFFFFFB0] =	vst v38;
	v33 =	vadd.s32 $0xFFFE7980, v6;
	v0 =	vsel vm0, $0xFFFFFFFF, v0  }
0x163: {  	v18 =	vsel vm2, v18, v8;
	v8 =	vld [tilespmem:s1+$0xFFFFFFC0];
	vm0 =	vgt.s32 v33, $0x0;
	[tilespmem:$0x1FD70] =	vst v0;
	v0 =	vimm.s32 $0x0  }
0x164: {  	v43 =	vadd.s32 $0xFFFF3800, v7;
	v14 =	vld [tilespmem:s1+$0x0];
	[tilespmem:s9+$0x0] =	vst v17;
	v0 =	vsel vm0, $0xFFFFFFFF, v0  }
0x165: {  	vm0 =	vgt.s32 v43, $0x0;
	[tilespmem:$0x1FD80] =	vst v0;
	v0 =	vimm.s32 $0x0  }
0x166: {  	v17 =	vld [tilespmem:s1+$0x10];
	[tilespmem:s9+$0x10] =	vst v18;
	v18 =	vadd.s32 $0xFFFE7980, v7;
	v0 =	vsel vm0, $0xFFFFFFFF, v0  }
0x167: {  	v9 =	vld [tilespmem:s1+$0xFFFFFFD0];
	vm0 =	vgt.s32 v18, $0x0;
	[tilespmem:$0x1FD90] =	vst v0;
	v0 =	vimm.s32 $0x0  }
0x168: {  	[tilespmem:s9+$0xFFFFFFD0] =	vst v35;
	v45 =	vadd.s32 $0xFFFF3800, v8;
	v0 =	vsel vm0, $0xFFFFFFFF, v0  }
0x169: {  	vm0 =	vgt.s32 v45, $0x0;
	[tilespmem:$0x1FDA0] =	vst v0;
	v0 =	vimm.s32 $0x0  }
0x16a: {  	v11 =	vld [tilespmem:s1+$0xFFFFFFF0];
	[tilespmem:s9+$0xFFFFFFF0] =	vst v34;
	v46 =	vadd.s32 $0xFFFE7980, v8;
	v0 =	vsel vm0, $0xFFFFFFFF, v0  }
0x16b: {  	vm0 =	vgt.s32 v46, $0x0;
	[tilespmem:$0x1FDB0] =	vst v0;
	v0 =	vimm.s32 $0x0  }
0x16c: {  	v42 =	vmin.u32 v20, $0x1F;
	v20 =	vld [tilespmem:s1+$0x20];
	[tilespmem:s9+$0x20] =	vst v21;
	v21 =	vadd.s32 $0xFFFF3800, v9;
	v0 =	vsel vm0, $0xFFFFFFFF, v0  }
0x16d: {  	vm0 =	vgt.s32 v21, $0x0;
	[tilespmem:$0x1FDC0] =	vst v0;
	v0 =	vimm.s32 $0x0  }
0x16e: {  	[tilespmem:s9+$0xFFFFFF90] =	vst v37;
	v49 =	vadd.s32 $0xFFFE7980, v9;
	v0 =	vsel vm0, $0xFFFFFFFF, v0  }
0x16f: {  	vm0 =	vgt.s32 v49, $0x0;
	[tilespmem:$0x1FDD0] =	vst v0;
	v0 =	vimm.s32 $0x0  }
0x170: {  	v1 =	vmov v31;
	v31 =	vmin.u32 v22, $0xBE7F;
	v22 =	vld [tilespmem:s1+$0x30];
	[tilespmem:s8+$0x30] =	vst v24;
	v0 =	vsel vm0, $0xFFFFFFFF, v0  }
0x171: {  	[tilespmem:$0x1FDE0] =	vst v0;
	v0 =	vld.idx.msk [tilespmem:v29+s20+$0x0], $0xffff  }
0x172: {  	[tilespmem:s9+$0xFFFFFFA0] =	vst v40  }
0x173: {  	[tilespmem:s9+$0xFFFFFFC0] =	vst v36  }
0x174: {  	[tilespmem:s8+$0x50] =	vst v27;
	v24 =	vld [tilespmem:s1+$0x40]  }
0x175: {  	[tilespmem:s8+$0x40] =	vst v32;
	v31 =	vld.idx.msk [tilespmem:v31+s19+$0x0], $0xffff  }
0x176: {  	[tilespmem:$0x1FE50] =	vst v0;
	v0 =	vld.idx.msk [tilespmem:v26+s19+$0x0], $0xffff  }
0x177: {  	[tilespmem:s8+$0x60] =	vst v30;
	s8 =	smov.u32 s9;
	s9 =	sadd.s32 $0x100, s9;
	v47 =	vld.idx.msk [tilespmem:v42+s20+$0x0], $0xffff  }
0x178: {  	v48 =	vld [tilespmem:s9+$0x70];
	_ =	sdelay $0x1  }
0x179: {  	v52 =	vadd.s32 $0xFFFF3800, v11;
	v50 =	vadd.s32 $0xFFFF3800, v10;
	v51 =	vadd.s32 $0xFFFE7980, v10  }
0x17a: {  	vm1 =	vgt.s32 v50, $0x0;
	vm0 =	vgt.s32 v39, $0x1867F;
	[tilespmem:$0x1FE70] =	vst v0;
	v0 =	vimm.s32 $0x0  }
0x17b: {  	v31 =	vsel vm0, v47, v31;
	vm0 =	vlt.s32 v39, $0xC800;
	v0 =	vsel vm1, $0xFFFFFFFF, v0  }
0x17c: {  	v31 =	vsel vm0, v48, v31;
	vm0 =	vgt.s32 v51, $0x0;
	[tilespmem:$0x1FDF0] =	vst v0;
	v0 =	vimm.s32 $0x0  }
0x17d: {  	[tilespmem:$0x1FEA0] =	vst v1;
	v1 =	vimm.s32 $0x0;
	v0 =	vsel vm0, $0xFFFFFFFF, v0;
	vm0 =	vgt.s32 v52, $0x0  }
0x17e: {  	v1 =	vsel vm0, $0xFFFFFFFF, v1  }
0x17f: {  	[tilespmem:$0x1FE10] =	vst v1;
	v1 =	vld [tilespmem:s9+$0xFFFFFF80];
	_ =	sdelay $0x4  }
0x180: {  	[tilespmem:$0x1FEB0] =	vst v1;
	v1 =	vld [tilespmem:s9+$0xFFFFFFA0];
	_ =	sdelay $0x2  }
0x181: {  	v35 =	vld [tilespmem:s1+$0xFFFFFF80];
	_ =	sdelay $0x1  }
0x182: {  	[tilespmem:$0x1FEE0] =	vst v1;
	v1 =	vld [tilespmem:$0x1FD50];
	_ =	sdelay $0x2  }
0x183: {  	[tilespmem:s9+$0x70] =	vst v31;
	v31 =	vadd.s32 $0xFFFE7980, v35  }
0x184: {  	vm0 =	vgt.s32 v31, $0x0  }
0x185: {  	v15 =	vnsel vm0, $0x0, v31;
	vm0 =	vnez.u8 v1;
	v1 =	vld [tilespmem:$0x1FD60];
	_ =	sdelay $0x3  }
0x186: {  	v27 =	vld.idx.msk [tilespmem:v16+s20+$0x0], $0xffff  }
0x187: {  	v16 =	vnsel vm0, $0x0, v12;
	vm0 =	vnez.u8 v1;
	v1 =	vld [tilespmem:s9+$0xFFFFFFC0];
	_ =	sdelay $0x4  }
0x188: {  	[tilespmem:$0x1FF10] =	vst v1;
	v1 =	vld [tilespmem:$0x1FD70];
	_ =	sdelay $0x2  }
0x189: {  	v42 =	vld.idx.msk [tilespmem:v19+s19+$0x0], $0xffff;
	v19 =	vadd.s32 $0xFFFF3800, v35  }
0x18a: {  	vm6 =	vgt.s32 v19, $0x0  }
0x18b: {  	v13 =	vnsel vm6, $0x0, v19;
	v19 =	vnsel vm0, $0x0, v25;
	vm0 =	vnez.u8 v1;
	v1 =	vld [tilespmem:$0x1FD80]  }
0x18c: {  	[tilespmem:$0x1FFB0] =	vst v4;
	v4 =	vld [tilespmem:s9+$0xFFFFFFD0];
	_ =	sdelay $0x2  }
0x18d: {  	v30 =	vld.idx.msk [tilespmem:v2+s20+$0x0], $0xffff  }
0x18e: {  	v2 =	vnsel vm0, $0x0, v28;
	vm0 =	vnez.u8 v1;
	v1 =	vld [tilespmem:$0x1FD90]  }
0x18f: {  	[tilespmem:$0x1FF30] =	vst v4;
	v4 =	vld [tilespmem:$0x1FDA0]  }
0x190: {  	v12 =	vld [tilespmem:$0x1FDB0];
	_ =	sdelay $0x2  }
0x191: {  	v36 =	vld.idx.msk [tilespmem:v3+s19+$0x0], $0xffff;
	v3 =	vnsel vm0, $0x0, v33;
	vm0 =	vnez.u8 v1  }
0x192: {  	v1 =	vnsel vm0, $0x0, v43;
	vm0 =	vnez.u8 v4  }
0x193: {  	v4 =	vnsel vm0, $0x0, v18;
	vm0 =	vnez.u8 v12;
	v12 =	vld [tilespmem:$0x1FDC0];
	_ =	sdelay $0x4  }
0x194: {  	v41 =	vnsel vm0, $0x0, v45;
	vm0 =	vnez.u8 v12;
	v12 =	vld [tilespmem:s9+$0xFFFFFFE0];
	_ =	sdelay $0x2  }
0x195: {  	v34 =	vld [tilespmem:s1+$0x60];
	_ =	sdelay $0x1  }
0x196: {  	[tilespmem:$0x1FF40] =	vst v12;
	v12 =	vld [tilespmem:$0x1FDD0];
	_ =	sdelay $0x1  }
0x197: {  	v15 =	vmin.u32 v15, $0x1F  }
0x198: {  	v40 =	vld.idx.msk [tilespmem:v23+s20+$0x0], $0xffff;
	v23 =	vadd.s32 $0xFFFF3800, v34;
	v16 =	vmin.u32 v16, $0xBE7F  }
0x199: {  	v32 =	vld [tilespmem:s1+$0x50];
	vm12 =	vgt.s32 v23, $0x0;
	v19 =	vmin.u32 v19, $0x1F  }
0x19a: {  	v57 =	vadd.s32 $0xFFFE7980, v17;
	v46 =	vnsel vm0, $0x0, v46;
	vm0 =	vnez.u8 v12;
	v12 =	vld [tilespmem:$0x1FDE0]  }
0x19b: {  	v61 =	vadd.s32 $0xFFFE7980, v22;
	v62 =	vadd.s32 $0xFFFF3800, v24;
	v63 =	vadd.s32 $0xFFFE7980, v24;
	v18 =	vld [tilespmem:s9+$0xFFFFFFF0]  }
0x19c: {  	vm7 =	vgt.s32 v57, $0x0;
	vm4 =	vgt.s32 v61, $0x0;
	vm9 =	vgt.s32 v62, $0x0;
	v47 =	vld.idx.msk [tilespmem:v15+s20+$0x0], $0xffff  }
0x19d: {  	vm5 =	vgt.s32 v63, $0x0;
	v57 =	vnsel vm7, $0x0, v57;
	vm7 =	vgt.s32 v6, $0x1867F;
	v48 =	vld.idx.msk [tilespmem:v16+s19+$0x0], $0xffff  }
0x19e: {  	v61 =	vnsel vm4, $0x0, v61;
	v62 =	vnsel vm9, $0x0, v62;
	v63 =	vnsel vm5, $0x0, v63;
	v15 =	vld.idx.msk [tilespmem:v19+s20+$0x0], $0xffff  }
0x19f: {  	v29 =	vadd.s32 $0xFFFF3800, v32;
	[tilespmem:$0x1FE00] =	vst v0;
	v44 =	vnsel vm0, $0x0, v21;
	vm0 =	vnez.u8 v12;
	v12 =	vld [tilespmem:$0x1FDF0]  }
0x1a0: {  	vm4 =	vgt.s32 v7, $0x1867F;
	v13 =	vmin.u32 v13, $0xBE7F;
	vm10 =	vgt.s32 v29, $0x0;
	[tilespmem:$0x1FF70] =	vst v18;
	v18 =	vld [tilespmem:$0x1FE00]  }
0x1a1: {  	v26 =	vadd.s32 $0xFFFE7980, v32;
	v0 =	vadd.s32 $0xFFFE7980, v34;
	v2 =	vmin.u32 v2, $0xBE7F  }
0x1a2: {  	vm11 =	vgt.s32 v26, $0x0;
	vm6 =	vgt.s32 v0, $0x0;
	v3 =	vmin.u32 v3, $0x1F  }
0x1a3: {  	v0 =	vnsel vm6, $0x0, v0;
	vm6 =	vgt.s32 v5, $0x1867F;
	v1 =	vmin.u32 v1, $0xBE7F  }
0x1a4: {  	v4 =	vmin.u32 v4, $0x1F;
	v49 =	vnsel vm0, $0x0, v49;
	vm0 =	vnez.u8 v12  }
0x1a5: {  	v15 =	vsel vm6, v15, v48;
	v12 =	vnsel vm0, $0x0, v50;
	vm0 =	vnez.u8 v18;
	v18 =	vld [tilespmem:$0x1FE10]  }
0x1a6: {  	v43 =	vnsel vm10, $0x0, v29;
	v29 =	vmin.u32 v61, $0x1F;
	v61 =	vld.idx.msk [tilespmem:v2+s19+$0x0], $0xffff;
	v2 =	vmin.u32 v0, $0x1F  }
0x1a7: {  	v19 =	vmin.u32 v43, $0xBE7F;
	v43 =	vld.idx.msk [tilespmem:v3+s20+$0x0], $0xffff;
	v45 =	vnsel vm11, $0x0, v26;
	v26 =	vmin.u32 v62, $0xBE7F  }
0x1a8: {  	v62 =	vimm.s32 $0x0;
	v41 =	vmin.u32 v41, $0xBE7F;
	v16 =	vmin.u32 v45, $0x1F;
	v0 =	vld.idx.msk [tilespmem:v1+s19+$0x0], $0xffff  }
0x1a9: {  	v45 =	vimm.s32 $0x0;
	v1 =	vld.idx.msk [tilespmem:v4+s20+$0x0], $0xffff;
	v4 =	vimm.s32 $0x0;
	v46 =	vmin.u32 v46, $0x1F  }
0x1aa: {  	v50 =	vnsel vm12, $0x0, v23;
	v51 =	vnsel vm0, $0x0, v51;
	vm0 =	vnez.u8 v18  }
0x1ab: {  	v38 =	vld [tilespmem:s9+$0xFFFFFFB0];
	v23 =	vmin.u32 v63, $0x1F;
	v52 =	vnsel vm0, $0x0, v52;
	vm0 =	vgt.s32 v10, $0x1867F  }
0x1ac: {  	v13 =	vld.idx.msk [tilespmem:v13+s19+$0x0], $0xffff;
	v63 =	vimm.s32 $0x0;
	v4 =	vsel vm0, $0xFFFFFFFF, v4;
	vm0 =	vgt.s32 v11, $0x1867F  }
0x1ad: {  	v43 =	vsel vm7, v43, v61;
	[tilespmem:$0x1FEC0] =	vst v4;
	v4 =	vld.idx.msk [tilespmem:v41+s19+$0x0], $0xffff;
	v41 =	vsel vm0, $0xFFFFFFFF, v63;
	vm0 =	vgt.s32 v14, $0x1867F  }
0x1ae: {  	v48 =	vld [tilespmem:$0x1FE60];
	v49 =	vmin.u32 v49, $0x1F;
	[tilespmem:$0x1FF60] =	vst v41;
	v41 =	vsel vm0, $0xFFFFFFFF, v45;
	vm0 =	vgt.s32 v20, $0x1867F  }
0x1af: {  	v61 =	vld [tilespmem:$0x1FE30];
	v63 =	vimm.s32 $0x0;
	[tilespmem:$0x1FF20] =	vst v41;
	v45 =	vsel vm0, $0xFFFFFFFF, v62;
	vm0 =	vgt.s32 v22, $0x1867F  }
0x1b0: {  	v41 =	vld.idx.msk [tilespmem:v46+s20+$0x0], $0xffff;
	v62 =	vimm.s32 $0x0;
	[tilespmem:$0x1FFD0] =	vst v45;
	v45 =	vsel vm0, $0xFFFFFFFF, v63;
	vm0 =	vgt.s32 v24, $0x1867F  }
0x1b1: {  	v63 =	vimm.s32 $0x0;
	[tilespmem:$0x1FEF0] =	vst v45;
	v45 =	vsel vm0, $0xFFFFFFFF, v62;
	vm0 =	vgt.s32 v34, $0x1867F;
	v62 =	vld [tilespmem:$0x1FE40]  }
0x1b2: {  	vm11 =	vlt.s32 v7, $0xC800;
	v0 =	vsel vm4, v1, v0;
	[tilespmem:$0x1FF00] =	vst v45;
	v45 =	vsel vm0, $0xFFFFFFFF, v63;
	v63 =	vld [tilespmem:$0x1FE50]  }
0x1b3: {  	v38 =	vsel vm11, v38, v0;
	v0 =	vld [tilespmem:$0x1FF00]  }
0x1b4: {  	v44 =	vmin.u32 v44, $0xBE7F;
	vm0 =	vnez.u8 v61;
	v61 =	vld [tilespmem:$0x1FE80]  }
0x1b5: {  	v53 =	vadd.s32 $0xFFFE7980, v11;
	v55 =	vadd.s32 $0xFFFE7980, v14;
	v60 =	vadd.s32 $0xFFFF3800, v22;
	[tilespmem:$0x1FF80] =	vst v45;
	v45 =	vld.idx.msk [tilespmem:v49+s20+$0x0], $0xffff  }
0x1b6: {  	vm13 =	vgt.s32 v55, $0x0;
	v59 =	vadd.s32 $0xFFFE7980, v20;
	vm3 =	vgt.s32 v60, $0x0;
	v49 =	vld [tilespmem:$0x1FE70]  }
0x1b7: {  	v55 =	vnsel vm13, $0x0, v55;
	vm13 =	vlt.s32 v9, $0xC800;
	v46 =	vsel vm0, v63, v62;
	v62 =	vld [tilespmem:$0x1FE90]  }
0x1b8: {  	vm2 =	vgt.s32 v59, $0x0;
	v60 =	vnsel vm3, $0x0, v60;
	vm11 =	vnez.u8 v0;
	v0 =	vld [tilespmem:$0x1FF10]  }
0x1b9: {  	vm5 =	vgt.s32 v35, $0x1867F;
	vm3 =	vgt.s32 v9, $0x1867F;
	v59 =	vnsel vm2, $0x0, v59;
	v44 =	vld.idx.msk [tilespmem:v44+s19+$0x0], $0xffff  }
0x1ba: {  	vm2 =	vgt.s32 v8, $0x1867F;
	v13 =	vsel vm5, v47, v13;
	vm0 =	vnez.u8 v48  }
0x1bb: {  	vm12 =	vlt.s32 v8, $0xC800;
	v47 =	vsel vm0, v40, v49;
	vm0 =	vnez.u8 v61  }
0x1bc: {  	v4 =	vsel vm2, v41, v4;
	v27 =	vsel vm0, v27, v42;
	vm0 =	vnez.u8 v62  }
0x1bd: {  	v9 =	vimm.s32 $0x0;
	v30 =	vsel vm0, v30, v36;
	v36 =	vsel vm12, v0, v4;
	v0 =	vld [tilespmem:$0x1FF20]  }
0x1be: {  	vm4 =	vlt.s32 v11, $0xC800;
	v11 =	vsel vm3, v45, v44;
	vm3 =	vlt.s32 v24, $0xC800  }
0x1bf: {  	v12 =	vmin.u32 v12, $0xBE7F;
	v9 =	vsel vm3, $0xFFFFFFFF, v9  }
0x1c0: {  	[tilespmem:$0x1FFF0] =	vst v9;
	v9 =	vld [tilespmem:$0x1FEB0]  }
0x1c1: {  	v51 =	vmin.u32 v51, $0x1F  }
0x1c2: {  	v56 =	vadd.s32 $0xFFFF3800, v17;
	vm12 =	vnez.u8 v0;
	v0 =	vld [tilespmem:$0x1FF30]  }
0x1c3: {  	v37 =	vld [tilespmem:s9+$0xFFFFFF90];
	vm8 =	vgt.s32 v56, $0x0  }
0x1c4: {  	v56 =	vnsel vm8, $0x0, v56;
	vm8 =	vlt.s32 v35, $0xC800;
	v12 =	vld.idx.msk [tilespmem:v12+s19+$0x0], $0xffff  }
0x1c5: {  	v42 =	vsel vm8, v9, v13;
	v9 =	vld [tilespmem:$0x1FEC0]  }
0x1c6: {  	vm14 =	vgt.s32 v53, $0x0;
	v1 =	vld.idx.msk [tilespmem:v51+s20+$0x0], $0xffff  }
0x1c7: {  	v54 =	vadd.s32 $0xFFFF3800, v14;
	v58 =	vadd.s32 $0xFFFF3800, v20;
	v35 =	vsel vm13, v0, v11;
	v0 =	vld [tilespmem:$0x1FF40]  }
0x1c8: {  	v53 =	vnsel vm14, $0x0, v53;
	vm15 =	vgt.s32 v54, $0x0;
	vm1 =	vgt.s32 v58, $0x0  }
0x1c9: {  	vm9 =	vlt.s32 v5, $0xC800;
	v58 =	vnsel vm1, $0x0, v58;
	vm1 =	vgt.s32 v17, $0x1867F  }
0x1ca: {  	v37 =	vsel vm9, v37, v15;
	vm9 =	vmmov vm1;
	vm1 =	vnez.u8 v9  }
0x1cb: {  	v52 =	vmin.u32 v52, $0xBE7F;
	vm0 =	vlt.s32 v10, $0xC800;
	v1 =	vsel vm1, v1, v12  }
0x1cc: {  	v54 =	vnsel vm15, $0x0, v54;
	vm15 =	vlt.s32 v22, $0xC800;
	v22 =	vsel vm0, v0, v1;
	v0 =	vld [tilespmem:$0x1FF50]  }
0x1cd: {  	v53 =	vmin.u32 v53, $0x1F;
	_ =	sdelay $0x2  }
0x1ce: {  	vm10 =	vlt.s32 v6, $0xC800;
	v6 =	vld.idx.msk [tilespmem:v52+s19+$0x0], $0xffff  }
0x1cf: {  	v54 =	vmin.u32 v54, $0xBE7F;
	vm0 =	vnez.u8 v0;
	v0 =	vld [tilespmem:$0x1FF60]  }
0x1d0: {  	v63 =	vld.idx.msk [tilespmem:v53+s20+$0x0], $0xffff  }
0x1d1: {  	v1 =	vld [tilespmem:$0x1FF70]  }
0x1d2: {  	v39 =	vld [tilespmem:s9+$0x20]  }
0x1d3: {  	v31 =	vld [tilespmem:s9+$0x50];
	vm5 =	vgt.s32 v32, $0x1867F  }
0x1d4: {  	v5 =	vld.idx.msk [tilespmem:v54+s19+$0x0], $0xffff;
	vm13 =	vmmov vm5;
	vm5 =	vnez.u8 v0  }
0x1d5: {  	v25 =	vld [tilespmem:s9+$0x30];
	v0 =	vsel vm5, v63, v6  }
0x1d6: {  	vm7 =	vlt.s32 v34, $0xC800;
	v34 =	vsel vm4, v1, v0;
	v0 =	vld [tilespmem:$0x1FF80]  }
0x1d7: {  	v56 =	vmin.u32 v56, $0xBE7F;
	v28 =	vld [tilespmem:s9+$0x40]  }
0x1d8: {  	v33 =	vld [tilespmem:s9+$0x60]  }
0x1d9: {  	v9 =	vld [tilespmem:$0x1FED0]  }
0x1da: {  	v1 =	vld [tilespmem:$0x1FFA0]  }
0x1db: {  	vm4 =	vnez.u8 v0;
	v0 =	vld [tilespmem:$0x1FF90]  }
0x1dc: {  	v55 =	vmin.u32 v55, $0x1F;
	v7 =	vld.idx.msk [tilespmem:v56+s19+$0x0], $0xffff  }
0x1dd: {  	v21 =	vld [tilespmem:s9+$0x0]  }
0x1de: {  	vm1 =	vnez.u8 v9;
	v9 =	vld [tilespmem:$0x1FEE0]  }
0x1df: {  	vm8 =	vnez.u8 v1;
	v1 =	vld [tilespmem:$0x1FFC0]  }
0x1e0: {  	v24 =	vsel vm8, v0, v46;
	v0 =	vld [tilespmem:$0x1FFB0]  }
0x1e1: {  	v8 =	vld.idx.msk [tilespmem:v55+s20+$0x0], $0xffff  }
0x1e2: {  	v57 =	vmin.u32 v57, $0x1F;
	v3 =	vmin.u32 v50, $0xBE7F;
	v50 =	vld [tilespmem:$0x1FE20]  }
0x1e3: {  	v60 =	vmin.u32 v60, $0xBE7F;
	v18 =	vld [tilespmem:s9+$0x10]  }
0x1e4: {  	s10 =	sadd.s32 $0x10, s10;
	v59 =	vmin.u32 v59, $0x1F;
	v40 =	vsel vm10, v9, v43;
	v9 =	vld [tilespmem:$0x1FEF0];
	vm8 =	vnez.u8 v1  }
0x1e5: {  	p0 =	slt.u32 s10, $0xF0;
	v58 =	vmin.u32 v58, $0xBE7F;
	vm3 =	vlt.s32 v32, $0xC800;
	v32 =	vsel vm8, v0, v47;
	v0 =	vld [tilespmem:$0x1FFD0]  }
.Ltmp2:
0x1e6: {  	v45 =	vld [tilespmem:$0x1FEA0];
	(pc) =	sbr.rel @p0 .LBB2_7-.Ltmp2, $4  }
0x1e7: {  	v10 =	vld.idx.msk [tilespmem:v57+s20+$0x0], $0xffff  }
0x1e8: {  	v12 =	vld.idx.msk [tilespmem:v60+s19+$0x0], $0xffff  }
0x1e9: {  	vm14 =	vlt.s32 v20, $0xC800;
	vm6 =	vlt.s32 v14, $0xC800;
	v11 =	vld.idx.msk [tilespmem:v59+s20+$0x0], $0xffff  }
0x1ea: {  	s1 =	sadd.s32 $0x100, s1;
	vm2 =	vlt.s32 v17, $0xC800;
	vm10 =	vnez.u8 v9;
	v9 =	vld.idx.msk [tilespmem:v58+s19+$0x0], $0xffff;
	v47 =	vmovc v39;
	vm8 =	vnez.u8 v0  }
0x1eb: {  	[tilespmem:s9+$0xFFFFFF80] =	vst v42  }
0x1ec: {  	[tilespmem:s9+$0xFFFFFF90] =	vst v37  }
0x1ed: {  	[tilespmem:s9+$0xFFFFFFA0] =	vst v40  }
0x1ee: {  	[tilespmem:s9+$0xFFFFFFB0] =	vst v38  }
0x1ef: {  	[tilespmem:s9+$0xFFFFFFC0] =	vst v36  }
0x1f0: {  	[tilespmem:s9+$0xFFFFFFD0] =	vst v35  }
0x1f1: {  	[tilespmem:s9+$0xFFFFFFE0] =	vst v22  }
0x1f2: {  	[tilespmem:s9+$0xFFFFFFF0] =	vst v34  }
0x1f3: {  	v1 =	vsel vm12, v8, v5;
	[tilespmem:s8+$0x30] =	vst v24  }
0x1f4: {  	v0 =	vld.idx.msk [tilespmem:v29+s20+$0x0], $0xffff;
	[tilespmem:s8+$0x40] =	vst v32;
	v1 =	vsel vm6, v21, v1;
	v5 =	vsel vm9, v10, v7  }
0x1f5: {  	v4 =	vld.idx.msk [tilespmem:v26+s19+$0x0], $0xffff;
	v5 =	vsel vm2, v18, v5;
	[tilespmem:s9+$0x0] =	vst v1;
	v7 =	vsel vm8, v11, v9  }
0x1f6: {  	v6 =	vld.idx.msk [tilespmem:v23+s20+$0x0], $0xffff;
	[tilespmem:s9+$0x10] =	vst v5;
	v7 =	vsel vm14, v47, v7  }
0x1f7: {  	v1 =	vld.idx.msk [tilespmem:v19+s19+$0x0], $0xffff;
	[tilespmem:s9+$0x20] =	vst v7;
	v7 =	vsel vm0, v45, v27  }
0x1f8: {  	v5 =	vld.idx.msk [tilespmem:v16+s20+$0x0], $0xffff;
	[tilespmem:s8+$0x50] =	vst v7  }
0x1f9: {  	v7 =	vld [tilespmem:$0x1FFF0]  }
0x1fa: {  	v3 =	vld.idx.msk [tilespmem:v3+s19+$0x0], $0xffff  }
0x1fb: {  	v8 =	vsel vm1, v50, v30;
	v2 =	vld.idx.msk [tilespmem:v2+s20+$0x0], $0xffff;
	vm1 =	vmmov vm11  }
0x1fc: {  	vm6 =	vmmov vm15;
	vm2 =	vmmov vm13;
	vm0 =	vmmov vm10  }
0x1fd: {  	v4 =	vsel vm1, v6, v4;
	vm1 =	vmmov vm3;
	v0 =	vsel vm0, v0, v12  }
0x1fe: {  	s1 =	sshll.u32 s31, $0xB;
	[tilespmem:s8+$0x60] =	vst v8;
	v0 =	vsel vm6, v25, v0;
	v1 =	vsel vm2, v5, v1;
	vm0 =	vnez.u8 v7  }
0x1ff: {  	vm5 =	vmmov vm4;
	s0 =	sshll.u32 s0, $0xB;
	s1 =	sand.u32 $0xFFE0000, s1;
	[tilespmem:s9+$0x30] =	vst v0;
	v1 =	vsel vm1, v31, v1;
	vm0 =	vmmov vm0  }
0x200: {  	s0 =	sand.u32 $0x1C000, s0;
	s1 =	sor.u32 s1, s3;
	v0 =	vsel vm5, v2, v3;
	[tilespmem:s9+$0x50] =	vst v1;
	v4 =	vsel vm0, v28, v4;
	vm0 =	vmmov vm7  }
0x201: {  	s0 =	sor.u32 s0, s1;
	[tilespmem:s9+$0x40] =	vst v4;
	v0 =	vsel vm0, v33, v0  }
0x202: {  	s18 =	simm.s32 $0x197F0;
	s1 =	sadd.s32 s4, s0;
	[tilespmem:s9+$0x60] =	vst v0  }
0x203: {  	[hbm4b:s1+s16] =	stream.strided.scatter [tilespmem:s24], [sflag:$0x5], $0x1000, s17, s16, $0x38;
	[tilespmem:$0x1E700] =	vst v63  }
0x204: {  	v2 =	vld [tilespmem:s18+$0x0]  }
0x205: {  	v10 =	vld [tilespmem:s18+$0xFFFFFF20]  }
0x206: {  	v8 =	vld [tilespmem:s18+$0xFFFFFF30]  }
0x207: {  	v5 =	vld [tilespmem:s18+$0xFFFFFF40]  }
0x208: {  	v1 =	vld [tilespmem:s18+$0xFFFFFF50]  }
0x209: {  	v3 =	vld [tilespmem:s18+$0xFFFFFF60]  }
0x20a: {  	v4 =	vld [tilespmem:s18+$0xFFFFFF70]  }
0x20b: {  	v6 =	vld [tilespmem:s18+$0xFFFFFF80]  }
0x20c: {  	v7 =	vld [tilespmem:s18+$0xFFFFFF90]  }
0x20d: {  	v23 =	vld [tilespmem:s18+$0xFFFFFF10];
	v0 =	vadd.s32 $0xFFFF3800, v2;
	v14 =	vadd.s32 $0xFFFF3800, v10;
	v9 =	vadd.s32 $0xFFFE7980, v2  }
0x20e: {  	v12 =	vld [tilespmem:s18+$0xFFFFFFC0];
	v15 =	vadd.s32 $0xFFFE7980, v10;
	v16 =	vadd.s32 $0xFFFF3800, v8;
	v17 =	vadd.s32 $0xFFFE7980, v8  }
0x20f: {  	v13 =	vld [tilespmem:s18+$0xFFFFFFD0];
	v18 =	vadd.s32 $0xFFFF3800, v5;
	v20 =	vadd.s32 $0xFFFE7980, v5;
	v21 =	vadd.s32 $0xFFFF3800, v1  }
0x210: {  	v22 =	vadd.s32 $0xFFFE7980, v1;
	v24 =	vadd.s32 $0xFFFF3800, v3;
	v25 =	vadd.s32 $0xFFFE7980, v3  }
0x211: {  	v26 =	vadd.s32 $0xFFFF3800, v4;
	v27 =	vadd.s32 $0xFFFE7980, v4;
	v28 =	vadd.s32 $0xFFFF3800, v6  }
0x212: {  	v29 =	vadd.s32 $0xFFFE7980, v6;
	v30 =	vadd.s32 $0xFFFF3800, v7;
	v31 =	vadd.s32 $0xFFFE7980, v7  }
0x213: {  	v62 =	vadd.s32 $0xFFFF3800, v23;
	v57 =	vadd.s32 $0xFFFE7980, v23;
	v39 =	vadd.s32 $0xFFFF3800, v12  }
0x214: {  	v37 =	vadd.s32 $0xFFFE7980, v12;
	v42 =	vadd.s32 $0xFFFF3800, v13;
	v44 =	vadd.s32 $0xFFFE7980, v13  }
0x215: {  	vm12 =	vgt.s32 v6, $0x1867F;
	vm13 =	vlt.s32 v3, $0xC800;
	vm14 =	vlt.s32 v4, $0xC800  }
0x216: {  	vm15 =	vlt.s32 v6, $0xC800;
	vm0 =	vgt.s32 v0, $0x0;
	vm1 =	vgt.s32 v15, $0x0  }
0x217: {  	vm2 =	vgt.s32 v16, $0x0;
	vm3 =	vgt.s32 v62, $0x0;
	v0 =	vnsel vm0, $0x0, v0  }
0x218: {  	vm4 =	vgt.s32 v17, $0x0;
	vm5 =	vgt.s32 v57, $0x0;
	v0 =	vmin.u32 v0, $0xBE7F  }
0x219: {  	s3 =	simm.s32 $0x1D780;
	vm6 =	vgt.s32 v18, $0x0;
	vm8 =	vgt.s32 v20, $0x0;
	v35 =	vnsel vm3, $0x0, v62  }
0x21a: {  	v59 =	vld [tilespmem:s3+$0x70];
	vm0 =	vgt.s32 v9, $0x0;
	v16 =	vnsel vm2, $0x0, v16;
	v35 =	vmin.u32 v35, $0xBE7F  }
0x21b: {  	vm9 =	vgt.s32 v21, $0x0;
	v11 =	vnsel vm0, $0x0, v9;
	v9 =	vld [tilespmem:s18+$0xFFFFFFA0];
	v16 =	vmin.u32 v16, $0xBE7F  }
0x21c: {  	vm7 =	vgt.s32 v22, $0x0;
	v17 =	vnsel vm4, $0x0, v17;
	v19 =	vmin.u32 v11, $0x1F;
	v11 =	vld [tilespmem:s18+$0xFFFFFFB0]  }
0x21d: {  	vm4 =	vgt.s32 v25, $0x0;
	vm0 =	vgt.s32 v14, $0x0;
	v38 =	vld.idx.msk [tilespmem:v0+s19+$0x0], $0xffff;
	v0 =	vnsel vm5, $0x0, v57  }
0x21e: {  	vm2 =	vlt.s32 v2, $0xC800;
	v58 =	vnsel vm0, $0x0, v14;
	v14 =	vld [tilespmem:s18+$0xFFFFFFE0];
	v41 =	vmin.u32 v0, $0x1F  }
0x21f: {  	vm3 =	vgt.s32 v29, $0x0;
	v35 =	vld.idx.msk [tilespmem:v35+s19+$0x0], $0xffff;
	v0 =	vnsel vm1, $0x0, v15;
	v15 =	vmin.u32 v58, $0xBE7F  }
0x220: {  	v18 =	vnsel vm6, $0x0, v18;
	v20 =	vnsel vm8, $0x0, v20;
	v16 =	vld.idx.msk [tilespmem:v16+s19+$0x0], $0xffff;
	v43 =	vmin.u32 v0, $0x1F  }
0x221: {  	vm6 =	vgt.s32 v23, $0x1867F;
	vm8 =	vgt.s32 v10, $0x1867F;
	v17 =	vmin.u32 v17, $0x1F;
	v19 =	vld.idx.msk [tilespmem:v19+s20+$0x0], $0xffff  }
0x222: {  	v21 =	vnsel vm9, $0x0, v21;
	vm9 =	vgt.s32 v31, $0x0;
	v18 =	vmin.u32 v18, $0xBE7F;
	v0 =	vld [tilespmem:s18+$0xFFFFFFF0]  }
0x223: {  	v20 =	vmin.u32 v20, $0x1F;
	v21 =	vmin.u32 v21, $0xBE7F;
	vm0 =	vgt.s32 v24, $0x0;
	v41 =	vld.idx.msk [tilespmem:v41+s20+$0x0], $0xffff  }
0x224: {  	v53 =	vadd.s32 $0xFFFF3800, v9;
	v33 =	vadd.s32 $0xFFFE7980, v9;
	vm5 =	vgt.s32 v28, $0x0;
	v15 =	vld.idx.msk [tilespmem:v15+s19+$0x0], $0xffff  }
0x225: {  	v34 =	vadd.s32 $0xFFFF3800, v11;
	v63 =	vadd.s32 $0xFFFE7980, v11;
	vm1 =	vgt.s32 v2, $0x1867F;
	v43 =	vld.idx.msk [tilespmem:v43+s20+$0x0], $0xffff  }
0x226: {  	v17 =	vld.idx.msk [tilespmem:v17+s20+$0x0], $0xffff;
	v60 =	vadd.s32 $0xFFFF3800, v14;
	v61 =	vadd.s32 $0xFFFE7980, v14;
	vm10 =	vgt.s32 v53, $0x0  }
0x227: {  	vm11 =	vgt.s32 v33, $0x0;
	v2 =	vimm.s32 $0x0;
	v19 =	vsel vm1, v19, v38  }
0x228: {  	v46 =	vld [tilespmem:s3+$0xFFFFFF80];
	vm1 =	vgt.s32 v26, $0x0;
	v56 =	vsel vm2, v59, v19;
	vm2 =	vgt.s32 v27, $0x0  }
0x229: {  	v47 =	vld [tilespmem:s3+$0xFFFFFF90];
	v19 =	vadd.s32 $0xFFFF3800, v0;
	v62 =	vadd.s32 $0xFFFE7980, v0;
	v35 =	vsel vm6, v41, v35  }
0x22a: {  	v48 =	vld [tilespmem:s3+$0xFFFFFFB0];
	vm6 =	vgt.s32 v8, $0x1867F;
	v43 =	vsel vm8, v43, v15;
	v15 =	vnsel vm7, $0x0, v22  }
0x22b: {  	v18 =	vld.idx.msk [tilespmem:v18+s19+$0x0], $0xffff;
	v16 =	vsel vm6, v17, v16;
	v22 =	vnsel vm0, $0x0, v24;
	vm0 =	vlt.s32 v23, $0xC800  }
0x22c: {  	v20 =	vld.idx.msk [tilespmem:v20+s20+$0x0], $0xffff;
	v24 =	vnsel vm4, $0x0, v25;
	vm7 =	vgt.s32 v30, $0x0;
	v15 =	vmin.u32 v15, $0x1F  }
0x22d: {  	v21 =	vld.idx.msk [tilespmem:v21+s19+$0x0], $0xffff;
	vm8 =	vgt.s32 v34, $0x0;
	vm6 =	vgt.s32 v63, $0x0;
	v22 =	vmin.u32 v22, $0xBE7F  }
0x22e: {  	v41 =	vld [tilespmem:s3+$0xFFFFFFA0];
	v25 =	vnsel vm1, $0x0, v26;
	vm4 =	vgt.s32 v39, $0x0;
	v24 =	vmin.u32 v24, $0x1F  }
0x22f: {  	v17 =	vld [tilespmem:s3+$0xFFFFFFC0];
	v26 =	vnsel vm2, $0x0, v27;
	vm2 =	vgt.s32 v37, $0x0;
	v27 =	vnsel vm5, $0x0, v28  }
0x230: {  	v23 =	vld [tilespmem:s3+$0xFFFFFFD0];
	vm5 =	vgt.s32 v42, $0x0;
	v28 =	vnsel vm3, $0x0, v29;
	vm3 =	vgt.s32 v44, $0x0  }
0x231: {  	vm1 =	vlt.s32 v10, $0xC800;
	v29 =	vnsel vm7, $0x0, v30;
	v30 =	vnsel vm9, $0x0, v31;
	v15 =	vld.idx.msk [tilespmem:v15+s20+$0x0], $0xffff  }
0x232: {  	vm7 =	vgt.s32 v5, $0x1867F;
	v2 =	vsel vm1, $0xFFFFFFFF, v2;
	v10 =	vmin.u32 v25, $0xBE7F;
	v22 =	vld.idx.msk [tilespmem:v22+s19+$0x0], $0xffff  }
0x233: {  	v18 =	vsel vm7, v20, v18;
	vm7 =	vlt.s32 v8, $0xC800;
	v8 =	vmin.u32 v27, $0xBE7F;
	v24 =	vld.idx.msk [tilespmem:v24+s20+$0x0], $0xffff;
	[tilespmem:$0x1FD20] =	vst v2  }
0x234: {  	v25 =	vnsel vm10, $0x0, v53;
	v28 =	vmin.u32 v28, $0x1F;
	v27 =	vnsel vm11, $0x0, v33;
	v49 =	vld [tilespmem:s3+$0xFFFFFFE0]  }
0x235: {  	v26 =	vmin.u32 v26, $0x1F;
	vm9 =	vgt.s32 v1, $0x1867F;
	v27 =	vmin.u32 v27, $0x1F;
	v50 =	vld [tilespmem:s3+$0xFFFFFFF0]  }
0x236: {  	vm10 =	vgt.s32 v60, $0x0;
	vm1 =	vlt.s32 v7, $0xC800;
	v25 =	vmin.u32 v25, $0xBE7F;
	v51 =	vld [tilespmem:s3+$0x0]  }
0x237: {  	v31 =	vnsel vm10, $0x0, v60;
	vm11 =	vgt.s32 v7, $0x1867F;
	vm10 =	vgt.s32 v9, $0x1867F;
	v20 =	vld [tilespmem:s3+$0x20]  }
0x238: {  	v31 =	vmin.u32 v31, $0xBE7F;
	v2 =	vimm.s32 $0x0;
	v57 =	vld.idx.msk [tilespmem:v8+s19+$0x0], $0xffff;
	v8 =	vnsel vm2, $0x0, v37  }
0x239: {  	v58 =	vld.idx.msk [tilespmem:v28+s20+$0x0], $0xffff;
	v28 =	vnsel vm3, $0x0, v44;
	vm3 =	vgt.s32 v11, $0x1867F;
	vm2 =	vgt.s32 v12, $0x1867F  }
0x23a: {  	s29 =	simm.s32 $0x198F0;
	v40 =	vmin.u32 v8, $0x1F;
	v52 =	vmin.u32 v28, $0x1F;
	v53 =	vld.idx.msk [tilespmem:v27+s20+$0x0], $0xffff;
	v8 =	vsel vm0, v46, v35  }
0x23b: {  	v35 =	vld [tilespmem:s29+$0x0];
	vm0 =	vlt.s32 v1, $0xC800;
	v21 =	vsel vm9, v15, v21;
	vm9 =	vgt.s32 v3, $0x1867F  }
0x23c: {  	v1 =	vld [tilespmem:$0x1FD20];
	v33 =	vsel vm9, v24, v22;
	v22 =	vmin.u32 v29, $0xBE7F;
	vm9 =	vgt.s32 v61, $0x0  }
0x23d: {  	v24 =	vnsel vm8, $0x0, v34;
	v29 =	vmin.u32 v30, $0x1F;
	v34 =	vld.idx.msk [tilespmem:v10+s19+$0x0], $0xffff;
	vm8 =	vgt.s32 v19, $0x0  }
0x23e: {  	v10 =	vnsel vm6, $0x0, v63;
	v63 =	vld.idx.msk [tilespmem:v26+s20+$0x0], $0xffff;
	vm6 =	vgt.s32 v62, $0x0;
	v26 =	vnsel vm4, $0x0, v39  }
0x23f: {  	v28 =	vld [tilespmem:s29+$0xFFFFFF20];
	v30 =	vnsel vm5, $0x0, v42;
	vm4 =	vgt.s32 v13, $0x1867F;
	vm5 =	vgt.s32 v14, $0x1867F  }
0x240: {  	v15 =	vld [tilespmem:s3+$0x10];
	v7 =	vsel vm0, v17, v21;
	vm0 =	vlt.s32 v14, $0xC800;
	v24 =	vmin.u32 v24, $0xBE7F  }
0x241: {  	v10 =	vmin.u32 v10, $0x1F;
	v19 =	vnsel vm8, $0x0, v19;
	v26 =	vmin.u32 v26, $0xBE7F;
	v59 =	vld.idx.msk [tilespmem:v22+s19+$0x0], $0xffff  }
0x242: {  	v44 =	vmin.u32 v30, $0xBE7F;
	vm8 =	vnez.u8 v1;
	v2 =	vsel vm0, $0xFFFFFFFF, v2;
	v60 =	vld.idx.msk [tilespmem:v29+s20+$0x0], $0xffff  }
0x243: {  	v6 =	vadd.s32 $0xFFFE7980, v35;
	v22 =	vnsel vm9, $0x0, v61;
	v61 =	vnsel vm6, $0x0, v62;
	v62 =	vld.idx.msk [tilespmem:v25+s19+$0x0], $0xffff  }
0x244: {  	v46 =	vadd.s32 $0xFFFE7980, v28;
	v29 =	vmin.u32 v19, $0xBE7F;
	vm6 =	vgt.s32 v4, $0x1867F;
	v25 =	vld [tilespmem:s29+$0xFFFFFF50]  }
0x245: {  	vm9 =	vlt.s32 v5, $0xC800;
	v5 =	vsel vm13, v23, v33;
	v4 =	vsel vm12, v58, v57;
	v54 =	vld.idx.msk [tilespmem:v24+s19+$0x0], $0xffff  }
0x246: {  	v19 =	vadd.s32 $0xFFFF3800, v28;
	vm13 =	vgt.s32 v0, $0x1867F;
	v30 =	vmin.u32 v22, $0x1F;
	v55 =	vld.idx.msk [tilespmem:v10+s20+$0x0], $0xffff  }
0x247: {  	v27 =	vmin.u32 v61, $0x1F;
	v32 =	vld.idx.msk [tilespmem:v26+s19+$0x0], $0xffff;
	v10 =	vsel vm8, v47, v43;
	vm8 =	vlt.s32 v9, $0xC800  }
0x248: {  	v26 =	vld [tilespmem:s29+$0xFFFFFF30];
	v1 =	vsel vm6, v63, v34;
	vm6 =	vlt.s32 v11, $0xC800;
	v11 =	vsel vm7, v41, v16  }
0x249: {  	v22 =	vld [tilespmem:s29+$0xFFFFFF40];
	vm7 =	vlt.s32 v12, $0xC800;
	[tilespmem:$0x1FD40] =	vst v2;
	v2 =	vsel vm14, v49, v1;
	v1 =	vadd.s32 $0xFFFF3800, v35  }
0x24a: {  	v9 =	vsel vm9, v48, v18;
	vm9 =	vlt.s32 v13, $0xC800;
	v24 =	vld [tilespmem:s29+$0xFFFFFF60];
	vm12 =	vgt.s32 v1, $0x0  }
0x24b: {  	v4 =	vsel vm15, v50, v4;
	v33 =	vld [tilespmem:s29+$0xFFFFFF10];
	v12 =	vnsel vm12, $0x0, v1;
	vm12 =	vgt.s32 v6, $0x0  }
0x24c: {  	v40 =	vld.idx.msk [tilespmem:v40+s20+$0x0], $0xffff;
	v13 =	vsel vm11, v60, v59;
	v14 =	vmin.u32 v12, $0xBE7F;
	v12 =	vnsel vm12, $0x0, v6  }
0x24d: {  	v17 =	vld [tilespmem:s29+$0xFFFFFFC0];
	v63 =	vsel vm10, v53, v62;
	vm12 =	vmmov vm2;
	vm11 =	vmmov vm4  }
0x24e: {  	v23 =	vld [tilespmem:s29+$0xFFFFFF70];
	vm2 =	vmmov vm7;
	vm4 =	vmmov vm9;
	vm9 =	vlt.s32 v25, $0xC800  }
0x24f: {  	v1 =	vld [tilespmem:s29+$0xFFFFFF90];
	v6 =	vsel vm1, v51, v13;
	v13 =	vmin.u32 v12, $0x1F;
	v48 =	vadd.s32 $0xFFFF3800, v26  }
0x250: {  	v21 =	vld [tilespmem:s29+$0xFFFFFF80];
	v50 =	vadd.s32 $0xFFFE7980, v26;
	v61 =	vadd.s32 $0xFFFF3800, v22;
	v62 =	vadd.s32 $0xFFFE7980, v22  }
0x251: {  	v18 =	vld [tilespmem:s29+$0xFFFFFFA0];
	v47 =	vadd.s32 $0xFFFF3800, v33;
	v49 =	vadd.s32 $0xFFFE7980, v33;
	v32 =	vsel vm12, v40, v32  }
0x252: {  	v12 =	vld [tilespmem:s29+$0xFFFFFFB0];
	v3 =	vadd.s32 $0xFFFE7980, v17;
	vm15 =	vlt.s32 v17, $0xC800;
	vm1 =	vgt.s32 v47, $0x0  }
0x253: {  	v16 =	vld [tilespmem:s29+$0xFFFFFFD0];
	vm10 =	vgt.s32 v49, $0x0;
	v37 =	vnsel vm1, $0x0, v47;
	vm1 =	vgt.s32 v19, $0x0  }
0x254: {  	vm12 =	vgt.s32 v1, $0x1867F;
	v51 =	vld.idx.msk [tilespmem:v14+s19+$0x0], $0xffff;
	v14 =	vnsel vm10, $0x0, v49;
	v37 =	vmin.u32 v37, $0xBE7F  }
0x255: {  	s8 =	simm.s32 $0x1D880;
	vm10 =	vgt.s32 v46, $0x0;
	v53 =	vld.idx.msk [tilespmem:v13+s20+$0x0], $0xffff;
	v13 =	vnsel vm1, $0x0, v19;
	v14 =	vmin.u32 v14, $0x1F  }
0x256: {  	v58 =	vld [tilespmem:s8+$0x70];
	vm1 =	vgt.s32 v48, $0x0;
	v36 =	vnsel vm10, $0x0, v46;
	vm10 =	vgt.s32 v50, $0x0  }
0x257: {  	v19 =	vld [tilespmem:s29+$0xFFFFFFE0];
	v49 =	vadd.s32 $0xFFFF3800, v12;
	vm14 =	vlt.s32 v12, $0xC800;
	v57 =	vmin.u32 v13, $0xBE7F  }
0x258: {  	v44 =	vld.idx.msk [tilespmem:v44+s19+$0x0], $0xffff;
	v38 =	vnsel vm1, $0x0, v48;
	v36 =	vmin.u32 v36, $0x1F;
	vm1 =	vlt.s32 v0, $0xC800  }
0x259: {  	v31 =	vld.idx.msk [tilespmem:v31+s19+$0x0], $0xffff;
	v0 =	vnsel vm10, $0x0, v50;
	vm10 =	vmmov vm5;
	vm5 =	vmmov vm13  }
0x25a: {  	v38 =	vmin.u32 v38, $0xBE7F;
	v0 =	vmin.u32 v0, $0x1F;
	vm1 =	vmmov vm1;
	v37 =	vld.idx.msk [tilespmem:v37+s19+$0x0], $0xffff  }
0x25b: {  	v59 =	vld.idx.msk [tilespmem:v14+s20+$0x0], $0xffff;
	v14 =	vsel vm8, v15, v63;
	v15 =	vsel vm3, v55, v54;
	v63 =	vadd.s32 $0xFFFF3800, v25  }
0x25c: {  	vm3 =	vgt.s32 v35, $0x1867F;
	v55 =	vadd.s32 $0xFFFF3800, v24;
	vm13 =	vgt.s32 v19, $0x1867F;
	v60 =	vld.idx.msk [tilespmem:v57+s19+$0x0], $0xffff  }
0x25d: {  	v15 =	vsel vm6, v20, v15;
	v36 =	vld.idx.msk [tilespmem:v36+s20+$0x0], $0xffff;
	v20 =	vsel vm3, v53, v51;
	v53 =	vadd.s32 $0xFFFE7980, v25  }
0x25e: {  	v29 =	vld.idx.msk [tilespmem:v29+s19+$0x0], $0xffff;
	vm3 =	vlt.s32 v35, $0xC800;
	v57 =	vadd.s32 $0xFFFE7980, v24;
	vm6 =	vgt.s32 v28, $0x1867F  }
0x25f: {  	vm7 =	vgt.s32 v55, $0x0;
	v54 =	vld.idx.msk [tilespmem:v38+s19+$0x0], $0xffff;
	v20 =	vsel vm3, v58, v20;
	vm8 =	vgt.s32 v57, $0x0  }
0x260: {  	vm3 =	vgt.s32 v33, $0x1867F;
	v0 =	vld.idx.msk [tilespmem:v0+s20+$0x0], $0xffff;
	v58 =	vadd.s32 $0xFFFF3800, v23;
	v42 =	vnsel vm8, $0x0, v57  }
0x261: {  	v30 =	vld.idx.msk [tilespmem:v30+s20+$0x0], $0xffff;
	vm8 =	vlt.s32 v22, $0xC800;
	v37 =	vsel vm3, v59, v37;
	vm3 =	vgt.s32 v61, $0x0  }
0x262: {  	v13 =	vld [tilespmem:s29+$0xFFFFFFF0];
	v34 =	vsel vm6, v36, v60;
	vm6 =	vgt.s32 v62, $0x0;
	v43 =	vnsel vm3, $0x0, v61  }
0x263: {  	v48 =	vld [tilespmem:s3+$0x50];
	v57 =	vmin.u32 v42, $0x1F;
	v46 =	vnsel vm6, $0x0, v62;
	v43 =	vmin.u32 v43, $0xBE7F  }
0x264: {  	v59 =	vld.idx.msk [tilespmem:v52+s20+$0x0], $0xffff;
	v52 =	vadd.s32 $0xFFFF3800, v21;
	vm3 =	vgt.s32 v26, $0x1867F;
	v46 =	vmin.u32 v46, $0x1F  }
0x265: {  	v61 =	vld.idx.msk [tilespmem:v27+s20+$0x0], $0xffff;
	v0 =	vsel vm3, v0, v54;
	vm3 =	vgt.s32 v63, $0x0;
	vm6 =	vgt.s32 v53, $0x0  }
0x266: {  	v60 =	vadd.s32 $0xFFFE7980, v23;
	v62 =	vld [tilespmem:s8+$0xFFFFFF80];
	v27 =	vnsel vm3, $0x0, v63;
	v39 =	vnsel vm6, $0x0, v53  }
0x267: {  	v63 =	vld [tilespmem:s8+$0xFFFFFF90];
	vm3 =	vgt.s32 v58, $0x0;
	vm6 =	vgt.s32 v60, $0x0;
	v47 =	vmin.u32 v27, $0xBE7F  }
0x268: {  	v27 =	vnsel vm7, $0x0, v55;
	v53 =	vmin.u32 v39, $0x1F;
	v36 =	vnsel vm6, $0x0, v60;
	v54 =	vld.idx.msk [tilespmem:v43+s19+$0x0], $0xffff  }
0x269: {  	vm6 =	vgt.s32 v22, $0x1867F;
	v44 =	vsel vm11, v59, v44;
	v55 =	vmin.u32 v27, $0xBE7F;
	v46 =	vld.idx.msk [tilespmem:v46+s20+$0x0], $0xffff  }
0x26a: {  	v41 =	vld.idx.msk [tilespmem:v57+s20+$0x0], $0xffff;
	v27 =	vsel vm10, v30, v31;
	v31 =	vnsel vm3, $0x0, v58;
	v59 =	vadd.s32 $0xFFFE7980, v21  }
0x26b: {  	v22 =	vld [tilespmem:s8+$0xFFFFFFC0];
	v36 =	vmin.u32 v36, $0x1F;
	vm3 =	vlt.s32 v28, $0xC800;
	v28 =	vadd.s32 $0xFFFF3800, v1  }
0x26c: {  	v30 =	vld [tilespmem:s8+$0xFFFFFFA0];
	vm10 =	vlt.s32 v24, $0xC800;
	v31 =	vmin.u32 v31, $0xBE7F;
	vm7 =	vgt.s32 v59, $0x0  }
0x26d: {  	v29 =	vsel vm5, v61, v29;
	vm5 =	vlt.s32 v33, $0xC800;
	v33 =	vnsel vm7, $0x0, v59;
	v60 =	vld.idx.msk [tilespmem:v47+s19+$0x0], $0xffff  }
0x26e: {  	v33 =	vmin.u32 v33, $0x1F;
	v38 =	vld.idx.msk [tilespmem:v53+s20+$0x0], $0xffff;
	v39 =	vsel vm6, v46, v54;
	vm6 =	vgt.s32 v52, $0x0  }
0x26f: {  	vm11 =	vgt.s32 v3, $0x0;
	vm7 =	vgt.s32 v25, $0x1867F;
	v43 =	vld.idx.msk [tilespmem:v55+s19+$0x0], $0xffff;
	v35 =	vnsel vm6, $0x0, v52  }
0x270: {  	v42 =	vsel vm5, v62, v37;
	vm5 =	vgt.s32 v23, $0x1867F;
	v36 =	vld.idx.msk [tilespmem:v36+s20+$0x0], $0xffff;
	v35 =	vmin.u32 v35, $0xBE7F  }
0x271: {  	v37 =	vsel vm3, v63, v34;
	vm3 =	vgt.s32 v21, $0x1867F;
	v47 =	vadd.s32 $0xFFFE7980, v18;
	v31 =	vld.idx.msk [tilespmem:v31+s19+$0x0], $0xffff  }
0x272: {  	v61 =	vld [tilespmem:s8+$0xFFFFFFE0];
	v46 =	vadd.s32 $0xFFFE7980, v1;
	vm6 =	vlt.s32 v26, $0xC800;
	v26 =	vadd.s32 $0xFFFF3800, v18  }
0x273: {  	v33 =	vld.idx.msk [tilespmem:v33+s20+$0x0], $0xffff;
	v25 =	vsel vm7, v38, v60;
	vm7 =	vgt.s32 v24, $0x1867F;
	v52 =	vadd.s32 $0xFFFF3800, v16  }
0x274: {  	v24 =	vld [tilespmem:s8+$0xFFFFFFD0];
	v41 =	vsel vm7, v41, v43;
	v43 =	vadd.s32 $0xFFFE7980, v12;
	vm7 =	vlt.s32 v23, $0xC800  }
0x275: {  	v23 =	vadd.s32 $0xFFFF3800, v17;
	v40 =	vsel vm6, v30, v0;
	vm6 =	vgt.s32 v46, $0x0;
	v62 =	vld.idx.msk [tilespmem:v35+s19+$0x0], $0xffff  }
0x276: {  	v0 =	vld [tilespmem:s8+$0xFFFFFFF0];
	v31 =	vsel vm5, v36, v31;
	vm5 =	vlt.s32 v21, $0xC800;
	v36 =	vsel vm9, v22, v25  }
0x277: {  	v51 =	vld [tilespmem:s3+$0x60];
	vm9 =	vgt.s32 v49, $0x0;
	v30 =	vnsel vm6, $0x0, v46;
	vm6 =	vlt.s32 v1, $0xC800  }
0x278: {  	[tilespmem:s3+$0xFFFFFF90] =	vst v10;
	v21 =	vld [tilespmem:s3+$0x30];
	v22 =	vsel vm7, v61, v31;
	vm7 =	vgt.s32 v26, $0x0;
	v10 =	vmin.u32 v30, $0x1F  }
0x279: {  	v58 =	vld [tilespmem:s8+$0xFFFFFFB0];
	v26 =	vnsel vm7, $0x0, v26;
	v35 =	vsel vm10, v24, v41;
	vm10 =	vgt.s32 v43, $0x0  }
0x27a: {  	v30 =	vld [tilespmem:s8+$0x40];
	v1 =	vnsel vm10, $0x0, v43;
	vm10 =	vgt.s32 v17, $0x1867F;
	v24 =	vsel vm3, v33, v62  }
0x27b: {  	[tilespmem:s3+$0x70] =	vst v56;
	v31 =	vld [tilespmem:s8+$0x50];
	vm3 =	vgt.s32 v28, $0x0;
	v62 =	vnsel vm9, $0x0, v49;
	v34 =	vsel vm5, v0, v24  }
0x27c: {  	[tilespmem:s3+$0xFFFFFF80] =	vst v8;
	v43 =	vld [tilespmem:s8+$0x20];
	vm5 =	vgt.s32 v23, $0x0;
	v25 =	vnsel vm3, $0x0, v28;
	vm3 =	vgt.s32 v52, $0x0  }
0x27d: {  	[tilespmem:s3+$0xFFFFFFA0] =	vst v11;
	v28 =	vld [tilespmem:s3+$0x40];
	v24 =	vsel vm2, v21, v32;
	v0 =	vnsel vm5, $0x0, v23;
	v23 =	vnsel vm11, $0x0, v3  }
0x27e: {  	[tilespmem:s3+$0xFFFFFFB0] =	vst v9;
	v21 =	vld [tilespmem:s8+$0x0];
	v17 =	vnsel vm3, $0x0, v52;
	vm3 =	vlt.s32 v19, $0xC800;
	v3 =	vimm.s32 $0x0  }
0x27f: {  	[tilespmem:s3+$0xFFFFFFC0] =	vst v7;
	vm9 =	vgt.s32 v18, $0x1867F;
	vm2 =	vlt.s32 v18, $0xC800;
	v18 =	vld [tilespmem:s8+$0x10];
	v3 =	vsel vm3, $0xFFFFFFFF, v3  }
0x280: {  	v57 =	vadd.s32 $0xFFFF3800, v19;
	v11 =	vmin.u32 v26, $0xBE7F;
	v8 =	vmin.u32 v25, $0xBE7F;
	v25 =	vld [tilespmem:s8+$0x30];
	[tilespmem:$0x1FD30] =	vst v3  }
0x281: {  	vm0 =	vgt.s32 v57, $0x0;
	v59 =	vadd.s32 $0xFFFF3800, v13;
	v63 =	vadd.s32 $0xFFFE7980, v16;
	[tilespmem:s3+$0xFFFFFFD0] =	vst v5  }
0x282: {  	v38 =	vsel vm8, v58, v39;
	vm8 =	vgt.s32 v47, $0x0;
	v1 =	vmin.u32 v1, $0x1F;
	[tilespmem:s3+$0xFFFFFFE0] =	vst v2  }
0x283: {  	v58 =	vadd.s32 $0xFFFE7980, v19;
	v60 =	vadd.s32 $0xFFFE7980, v13;
	v61 =	vnsel vm8, $0x0, v47;
	[tilespmem:s3+$0xFFFFFFF0] =	vst v4  }
0x284: {  	vm8 =	vgt.s32 v12, $0x1867F;
	vm7 =	vgt.s32 v63, $0x0;
	v9 =	vmin.u32 v61, $0x1F;
	v33 =	vld [tilespmem:s8+$0x60];
	[tilespmem:s3+$0x0] =	vst v6  }
0x285: {  	vm11 =	vgt.s32 v16, $0x1867F;
	vm5 =	vlt.s32 v16, $0xC800;
	v16 =	vmin.u32 v62, $0xBE7F;
	v7 =	vld.idx.msk [tilespmem:v11+s19+$0x0], $0xffff;
	[tilespmem:s3+$0x10] =	vst v14  }
0x286: {  	v19 =	vnsel vm7, $0x0, v63;
	v0 =	vmin.u32 v0, $0xBE7F;
	vm3 =	vlt.s32 v13, $0xC800;
	v3 =	vld [tilespmem:$0x1FD40]  }
0x287: {  	v26 =	vmin.u32 v17, $0xBE7F;
	v2 =	vnsel vm0, $0x0, v57;
	vm0 =	vgt.s32 v59, $0x0;
	v11 =	vld.idx.msk [tilespmem:v1+s20+$0x0], $0xffff  }
0x288: {  	v32 =	vsel vm4, v28, v44;
	vm4 =	vgt.s32 v58, $0x0;
	v63 =	vnsel vm0, $0x0, v59;
	v5 =	vld.idx.msk [tilespmem:v8+s19+$0x0], $0xffff  }
0x289: {  	vm0 =	vgt.s32 v60, $0x0;
	v28 =	vmin.u32 v23, $0x1F;
	v23 =	vmin.u32 v19, $0x1F;
	v8 =	vld.idx.msk [tilespmem:v10+s20+$0x0], $0xffff  }
0x28a: {  	v19 =	vmin.u32 v2, $0xBE7F;
	v4 =	vnsel vm4, $0x0, v58;
	v6 =	vnsel vm0, $0x0, v60;
	v10 =	vld.idx.msk [tilespmem:v9+s20+$0x0], $0xffff  }
0x28b: {  	[tilespmem:s3+$0x20] =	vst v15;
	vm4 =	vgt.s32 v13, $0x1867F;
	v9 =	vld.idx.msk [tilespmem:v16+s19+$0x0], $0xffff;
	v16 =	vmin.u32 v4, $0x1F;
	vm0 =	vnez.u8 v3  }
0x28c: {  	s9 =	simm.s32 $0x10;
	s1 =	simm.s32 $0x199F0;
	[tilespmem:s8+$0x70] =	vst v20;
	v2 =	vmin.u32 v6, $0x1F;
	v12 =	vld.idx.msk [tilespmem:v0+s19+$0x0], $0xffff;
	v3 =	vmin.u32 v63, $0xBE7F;
	vm0 =	vmmov vm0  }
.LBB2_9:
0x28d: {  	v0 =	vmov v33  }
0x28e: {  	v27 =	vsel vm0, v48, v27;
	vm0 =	vmmov vm10;
	[tilespmem:$0x1FBE0] =	vst v0;
	v0 =	vimm.s32 $0x0  }
0x28f: {  	v0 =	vsel vm0, $0xFFFFFFFF, v0  }
0x290: {  	vm0 =	vmmov vm11;
	[tilespmem:$0x1FB70] =	vst v0;
	v0 =	vimm.s32 $0x0  }
0x291: {  	v0 =	vsel vm0, $0xFFFFFFFF, v0  }
0x292: {  	vm0 =	vmmov vm13;
	[tilespmem:$0x1FBA0] =	vst v0;
	v0 =	vimm.s32 $0x0  }
0x293: {  	v0 =	vsel vm0, $0xFFFFFFFF, v0  }
0x294: {  	vm0 =	vmmov vm4;
	[tilespmem:$0x1FBC0] =	vst v0;
	v0 =	vimm.s32 $0x0  }
0x295: {  	v0 =	vsel vm0, $0xFFFFFFFF, v0  }
0x296: {  	vm0 =	vmmov vm15;
	[tilespmem:$0x1FBD0] =	vst v0;
	v0 =	vimm.s32 $0x0  }
0x297: {  	v0 =	vsel vm0, $0xFFFFFFFF, v0  }
0x298: {  	vm0 =	vmmov vm5;
	[tilespmem:$0x1FCE0] =	vst v0;
	v0 =	vimm.s32 $0x0  }
0x299: {  	v0 =	vsel vm0, $0xFFFFFFFF, v0  }
0x29a: {  	[tilespmem:$0x1FD00] =	vst v0;
	v0 =	vld [tilespmem:$0x1FD30];
	_ =	sdelay $0x1  }
0x29b: {  	v39 =	vld [tilespmem:s1+$0x0];
	_ =	sdelay $0x1  }
0x29c: {  	v6 =	vsel vm12, v8, v5;
	v5 =	vmov v25  }
0x29d: {  	v29 =	vsel vm1, v51, v29;
	v8 =	vsel vm9, v10, v7;
	[tilespmem:$0x1FCD0] =	vst v5;
	v5 =	vld [tilespmem:s1+$0xFFFFFF20];
	vm1 =	vnez.u8 v0  }
0x29e: {  	v10 =	vsel vm8, v11, v9;
	v0 =	vimm.s32 $0x0;
	vm0 =	vmmov vm1  }
0x29f: {  	v17 =	vsel vm6, v21, v6;
	v14 =	vadd.s32 $0xFFFF3800, v39;
	v0 =	vsel vm0, $0xFFFFFFFF, v0  }
0x2a0: {  	v21 =	vsel vm14, v43, v10;
	vm0 =	vmmov vm3;
	[tilespmem:$0x1FCB0] =	vst v0;
	v0 =	vimm.s32 $0x0  }
0x2a1: {  	[tilespmem:$0x1FB80] =	vst v12;
	v6 =	vld [tilespmem:s1+$0xFFFFFF30];
	v20 =	vadd.s32 $0xFFFE7980, v39;
	v0 =	vsel vm0, $0xFFFFFFFF, v0;
	vm0 =	vgt.s32 v14, $0x0  }
0x2a2: {  	v10 =	vld [tilespmem:s1+$0xFFFFFF70];
	[tilespmem:s8+$0xFFFFFFE0] =	vst v22;
	v12 =	vadd.s32 $0xFFFF3800, v5;
	v22 =	vnsel vm0, $0x0, v14;
	vm0 =	vgt.s32 v20, $0x0  }
0x2a3: {  	[tilespmem:$0x1FC20] =	vst v0;
	v0 =	vimm.s32 $0x0;
	v20 =	vnsel vm0, $0x0, v20;
	vm0 =	vgt.s32 v12, $0x0  }
0x2a4: {  	v25 =	vadd.s32 $0xFFFE7980, v5;
	v0 =	vsel vm0, $0xFFFFFFFF, v0  }
0x2a5: {  	v7 =	vld [tilespmem:s1+$0xFFFFFF40];
	vm0 =	vgt.s32 v25, $0x0;
	[tilespmem:$0x1FA90] =	vst v0;
	v0 =	vimm.s32 $0x0  }
0x2a6: {  	[tilespmem:s8+$0xFFFFFF80] =	vst v42;
	v4 =	vmov v30;
	v30 =	vadd.s32 $0xFFFF3800, v6;
	v0 =	vsel vm0, $0xFFFFFFFF, v0  }
0x2a7: {  	vm0 =	vgt.s32 v30, $0x0;
	[tilespmem:$0x1FAA0] =	vst v0;
	v0 =	vimm.s32 $0x0  }
0x2a8: {  	[tilespmem:s8+$0xFFFFFFB0] =	vst v38;
	v33 =	vadd.s32 $0xFFFE7980, v6;
	v0 =	vsel vm0, $0xFFFFFFFF, v0  }
0x2a9: {  	v18 =	vsel vm2, v18, v8;
	v8 =	vld [tilespmem:s1+$0xFFFFFF50];
	vm0 =	vgt.s32 v33, $0x0;
	[tilespmem:$0x1FAB0] =	vst v0;
	v0 =	vimm.s32 $0x0  }
0x2aa: {  	v43 =	vadd.s32 $0xFFFF3800, v7;
	v14 =	vld [tilespmem:s1+$0xFFFFFF90];
	[tilespmem:s8+$0x0] =	vst v17;
	v0 =	vsel vm0, $0xFFFFFFFF, v0  }
0x2ab: {  	vm0 =	vgt.s32 v43, $0x0;
	[tilespmem:$0x1FAC0] =	vst v0;
	v0 =	vimm.s32 $0x0  }
0x2ac: {  	v17 =	vld [tilespmem:s1+$0xFFFFFFA0];
	[tilespmem:s8+$0x10] =	vst v18;
	v18 =	vadd.s32 $0xFFFE7980, v7;
	v0 =	vsel vm0, $0xFFFFFFFF, v0  }
0x2ad: {  	v9 =	vld [tilespmem:s1+$0xFFFFFF60];
	vm0 =	vgt.s32 v18, $0x0;
	[tilespmem:$0x1FAD0] =	vst v0;
	v0 =	vimm.s32 $0x0  }
0x2ae: {  	[tilespmem:s8+$0xFFFFFFD0] =	vst v35;
	v45 =	vadd.s32 $0xFFFF3800, v8;
	v0 =	vsel vm0, $0xFFFFFFFF, v0  }
0x2af: {  	vm0 =	vgt.s32 v45, $0x0;
	[tilespmem:$0x1FAE0] =	vst v0;
	v0 =	vimm.s32 $0x0  }
0x2b0: {  	v11 =	vld [tilespmem:s1+$0xFFFFFF80];
	[tilespmem:s8+$0xFFFFFFF0] =	vst v34;
	v46 =	vadd.s32 $0xFFFE7980, v8;
	v0 =	vsel vm0, $0xFFFFFFFF, v0  }
0x2b1: {  	vm0 =	vgt.s32 v46, $0x0;
	[tilespmem:$0x1FAF0] =	vst v0;
	v0 =	vimm.s32 $0x0  }
0x2b2: {  	v42 =	vmin.u32 v20, $0x1F;
	v20 =	vld [tilespmem:s1+$0xFFFFFFB0];
	[tilespmem:s8+$0x20] =	vst v21;
	v21 =	vadd.s32 $0xFFFF3800, v9;
	v0 =	vsel vm0, $0xFFFFFFFF, v0  }
0x2b3: {  	vm0 =	vgt.s32 v21, $0x0;
	[tilespmem:$0x1FB00] =	vst v0;
	v0 =	vimm.s32 $0x0  }
0x2b4: {  	[tilespmem:s8+$0xFFFFFF90] =	vst v37;
	v49 =	vadd.s32 $0xFFFE7980, v9;
	v0 =	vsel vm0, $0xFFFFFFFF, v0  }
0x2b5: {  	vm0 =	vgt.s32 v49, $0x0;
	[tilespmem:$0x1FB10] =	vst v0;
	v0 =	vimm.s32 $0x0  }
0x2b6: {  	v1 =	vmov v31;
	v31 =	vmin.u32 v22, $0xBE7F;
	v22 =	vld [tilespmem:s1+$0xFFFFFFC0];
	[tilespmem:s3+$0x30] =	vst v24;
	v0 =	vsel vm0, $0xFFFFFFFF, v0  }
0x2b7: {  	[tilespmem:$0x1FB20] =	vst v0;
	v0 =	vld.idx.msk [tilespmem:v28+s20+$0x0], $0xffff  }
0x2b8: {  	[tilespmem:s8+$0xFFFFFFA0] =	vst v40  }
0x2b9: {  	[tilespmem:s8+$0xFFFFFFC0] =	vst v36  }
0x2ba: {  	[tilespmem:s3+$0x50] =	vst v27;
	v24 =	vld [tilespmem:s1+$0xFFFFFFD0]  }
0x2bb: {  	[tilespmem:s3+$0x40] =	vst v32;
	v31 =	vld.idx.msk [tilespmem:v31+s19+$0x0], $0xffff  }
0x2bc: {  	[tilespmem:$0x1FB90] =	vst v0;
	v0 =	vld.idx.msk [tilespmem:v26+s19+$0x0], $0xffff  }
0x2bd: {  	[tilespmem:s3+$0x60] =	vst v29;
	s3 =	smov.u32 s8;
	s8 =	sadd.s32 $0x100, s8;
	v47 =	vld.idx.msk [tilespmem:v42+s20+$0x0], $0xffff  }
0x2be: {  	v48 =	vld [tilespmem:s8+$0x70];
	_ =	sdelay $0x1  }
0x2bf: {  	v52 =	vadd.s32 $0xFFFF3800, v11;
	v50 =	vadd.s32 $0xFFFF3800, v10;
	v51 =	vadd.s32 $0xFFFE7980, v10  }
0x2c0: {  	vm1 =	vgt.s32 v50, $0x0;
	vm0 =	vgt.s32 v39, $0x1867F;
	[tilespmem:$0x1FBB0] =	vst v0;
	v0 =	vimm.s32 $0x0  }
0x2c1: {  	v31 =	vsel vm0, v47, v31;
	vm0 =	vlt.s32 v39, $0xC800;
	v0 =	vsel vm1, $0xFFFFFFFF, v0  }
0x2c2: {  	v31 =	vsel vm0, v48, v31;
	vm0 =	vgt.s32 v51, $0x0;
	[tilespmem:$0x1FB30] =	vst v0;
	v0 =	vimm.s32 $0x0  }
0x2c3: {  	[tilespmem:$0x1FB60] =	vst v1;
	v1 =	vimm.s32 $0x0;
	v0 =	vsel vm0, $0xFFFFFFFF, v0;
	vm0 =	vgt.s32 v52, $0x0  }
0x2c4: {  	v1 =	vsel vm0, $0xFFFFFFFF, v1  }
0x2c5: {  	[tilespmem:$0x1FB50] =	vst v1;
	v1 =	vld [tilespmem:s8+$0xFFFFFF80];
	_ =	sdelay $0x4  }
0x2c6: {  	[tilespmem:$0x1FBF0] =	vst v1;
	v1 =	vld [tilespmem:s8+$0xFFFFFF90];
	_ =	sdelay $0x4  }
0x2c7: {  	[tilespmem:$0x1FC00] =	vst v1;
	v1 =	vld [tilespmem:s8+$0xFFFFFFA0];
	_ =	sdelay $0x2  }
0x2c8: {  	v35 =	vld [tilespmem:s1+$0xFFFFFF10];
	_ =	sdelay $0x1  }
0x2c9: {  	[tilespmem:$0x1FC30] =	vst v1;
	v1 =	vld [tilespmem:$0x1FA90];
	_ =	sdelay $0x2  }
0x2ca: {  	[tilespmem:s8+$0x70] =	vst v31;
	v31 =	vadd.s32 $0xFFFE7980, v35  }
0x2cb: {  	vm0 =	vgt.s32 v31, $0x0  }
0x2cc: {  	v15 =	vnsel vm0, $0x0, v31;
	vm0 =	vnez.u8 v1;
	v1 =	vld [tilespmem:$0x1FAA0];
	_ =	sdelay $0x3  }
0x2cd: {  	v27 =	vld.idx.msk [tilespmem:v16+s20+$0x0], $0xffff  }
0x2ce: {  	v16 =	vnsel vm0, $0x0, v12;
	vm0 =	vnez.u8 v1;
	v1 =	vld [tilespmem:s8+$0xFFFFFFC0];
	_ =	sdelay $0x4  }
0x2cf: {  	[tilespmem:$0x1FC60] =	vst v1;
	v1 =	vld [tilespmem:$0x1FAB0];
	_ =	sdelay $0x2  }
0x2d0: {  	v42 =	vld.idx.msk [tilespmem:v19+s19+$0x0], $0xffff;
	v19 =	vadd.s32 $0xFFFF3800, v35  }
0x2d1: {  	vm6 =	vgt.s32 v19, $0x0  }
0x2d2: {  	v13 =	vnsel vm6, $0x0, v19;
	v19 =	vnsel vm0, $0x0, v25;
	vm0 =	vnez.u8 v1;
	v1 =	vld [tilespmem:$0x1FAC0]  }
0x2d3: {  	[tilespmem:$0x1FCF0] =	vst v4;
	v4 =	vld [tilespmem:s8+$0xFFFFFFD0];
	_ =	sdelay $0x2  }
0x2d4: {  	v29 =	vld.idx.msk [tilespmem:v2+s20+$0x0], $0xffff  }
0x2d5: {  	v2 =	vnsel vm0, $0x0, v30;
	vm0 =	vnez.u8 v1;
	v1 =	vld [tilespmem:$0x1FAD0]  }
0x2d6: {  	[tilespmem:$0x1FC80] =	vst v4;
	v4 =	vld [tilespmem:$0x1FAE0]  }
0x2d7: {  	v12 =	vld [tilespmem:$0x1FAF0];
	_ =	sdelay $0x2  }
0x2d8: {  	v37 =	vld.idx.msk [tilespmem:v3+s19+$0x0], $0xffff;
	v3 =	vnsel vm0, $0x0, v33;
	vm0 =	vnez.u8 v1  }
0x2d9: {  	v1 =	vnsel vm0, $0x0, v43;
	vm0 =	vnez.u8 v4  }
0x2da: {  	v4 =	vnsel vm0, $0x0, v18;
	vm0 =	vnez.u8 v12;
	v12 =	vld [tilespmem:$0x1FB00];
	_ =	sdelay $0x4  }
0x2db: {  	v41 =	vnsel vm0, $0x0, v45;
	vm0 =	vnez.u8 v12;
	v12 =	vld [tilespmem:s8+$0xFFFFFFE0];
	_ =	sdelay $0x3  }
0x2dc: {  	v34 =	vld [tilespmem:s1+$0xFFFFFFF0]  }
0x2dd: {  	[tilespmem:$0x1FCA0] =	vst v12;
	v12 =	vld [tilespmem:$0x1FB10];
	_ =	sdelay $0x3  }
0x2de: {  	v40 =	vld.idx.msk [tilespmem:v23+s20+$0x0], $0xffff  }
0x2df: {  	v23 =	vadd.s32 $0xFFFF3800, v34;
	v46 =	vnsel vm0, $0x0, v46;
	vm0 =	vnez.u8 v12;
	v12 =	vld [tilespmem:$0x1FB20]  }
0x2e0: {  	v32 =	vld [tilespmem:s1+$0xFFFFFFE0];
	vm12 =	vgt.s32 v23, $0x0;
	v57 =	vadd.s32 $0xFFFE7980, v17  }
0x2e1: {  	v61 =	vadd.s32 $0xFFFE7980, v22;
	v62 =	vadd.s32 $0xFFFF3800, v24;
	v63 =	vadd.s32 $0xFFFE7980, v24  }
0x2e2: {  	vm4 =	vgt.s32 v61, $0x0;
	vm9 =	vgt.s32 v62, $0x0;
	vm5 =	vgt.s32 v63, $0x0  }
0x2e3: {  	v61 =	vnsel vm4, $0x0, v61;
	v62 =	vnsel vm9, $0x0, v62;
	v15 =	vmin.u32 v15, $0x1F  }
0x2e4: {  	[tilespmem:$0x1FB40] =	vst v0;
	v16 =	vmin.u32 v16, $0xBE7F;
	v44 =	vnsel vm0, $0x0, v21;
	vm0 =	vnez.u8 v12;
	v12 =	vld [tilespmem:$0x1FB30]  }
0x2e5: {  	v63 =	vnsel vm5, $0x0, v63;
	v13 =	vmin.u32 v13, $0xBE7F;
	v28 =	vadd.s32 $0xFFFF3800, v32;
	v18 =	vld [tilespmem:$0x1FB40]  }
0x2e6: {  	vm10 =	vgt.s32 v28, $0x0;
	v0 =	vadd.s32 $0xFFFE7980, v34;
	v2 =	vmin.u32 v2, $0xBE7F  }
0x2e7: {  	v26 =	vadd.s32 $0xFFFE7980, v32;
	vm6 =	vgt.s32 v0, $0x0;
	v19 =	vmin.u32 v19, $0x1F  }
0x2e8: {  	vm11 =	vgt.s32 v26, $0x0;
	v0 =	vnsel vm6, $0x0, v0;
	v47 =	vld.idx.msk [tilespmem:v15+s20+$0x0], $0xffff;
	v1 =	vmin.u32 v1, $0xBE7F  }
0x2e9: {  	v48 =	vld.idx.msk [tilespmem:v16+s19+$0x0], $0xffff;
	v4 =	vmin.u32 v4, $0x1F;
	v49 =	vnsel vm0, $0x0, v49;
	vm0 =	vnez.u8 v12  }
0x2ea: {  	v3 =	vmin.u32 v3, $0x1F;
	v12 =	vnsel vm0, $0x0, v50;
	vm0 =	vnez.u8 v18;
	v18 =	vld [tilespmem:$0x1FB50]  }
0x2eb: {  	v43 =	vnsel vm10, $0x0, v28;
	v28 =	vmin.u32 v61, $0x1F;
	v61 =	vld.idx.msk [tilespmem:v2+s19+$0x0], $0xffff;
	v2 =	vmin.u32 v0, $0x1F  }
0x2ec: {  	v15 =	vld.idx.msk [tilespmem:v19+s20+$0x0], $0xffff;
	v19 =	vmin.u32 v43, $0xBE7F;
	v45 =	vnsel vm11, $0x0, v26;
	v26 =	vmin.u32 v62, $0xBE7F  }
0x2ed: {  	v41 =	vmin.u32 v41, $0xBE7F;
	v16 =	vmin.u32 v45, $0x1F;
	v45 =	vimm.s32 $0x0;
	v0 =	vld.idx.msk [tilespmem:v1+s19+$0x0], $0xffff  }
0x2ee: {  	v1 =	vld.idx.msk [tilespmem:v4+s20+$0x0], $0xffff;
	v4 =	vimm.s32 $0x0;
	v44 =	vmin.u32 v44, $0xBE7F;
	v49 =	vmin.u32 v49, $0x1F  }
0x2ef: {  	v50 =	vnsel vm12, $0x0, v23;
	v51 =	vnsel vm0, $0x0, v51;
	vm0 =	vnez.u8 v18  }
0x2f0: {  	v23 =	vmin.u32 v63, $0x1F;
	v52 =	vnsel vm0, $0x0, v52;
	vm0 =	vgt.s32 v10, $0x1867F  }
0x2f1: {  	v43 =	vld.idx.msk [tilespmem:v3+s20+$0x0], $0xffff;
	v63 =	vimm.s32 $0x0;
	v4 =	vsel vm0, $0xFFFFFFFF, v4;
	vm0 =	vgt.s32 v11, $0x1867F  }
0x2f2: {  	v3 =	vmin.u32 v50, $0xBE7F;
	[tilespmem:$0x1FC10] =	vst v4;
	v4 =	vld.idx.msk [tilespmem:v41+s19+$0x0], $0xffff;
	v41 =	vsel vm0, $0xFFFFFFFF, v63;
	vm0 =	vgt.s32 v14, $0x1867F  }
0x2f3: {  	v50 =	vimm.s32 $0x0;
	[tilespmem:$0x1FCC0] =	vst v41;
	v41 =	vsel vm0, $0xFFFFFFFF, v45;
	vm0 =	vgt.s32 v20, $0x1867F  }
0x2f4: {  	v62 =	vimm.s32 $0x0;
	v45 =	vsel vm0, $0xFFFFFFFF, v50;
	vm0 =	vgt.s32 v22, $0x1867F  }
0x2f5: {  	v63 =	vimm.s32 $0x0;
	[tilespmem:$0x1FD10] =	vst v45;
	v45 =	vsel vm0, $0xFFFFFFFF, v62;
	vm0 =	vgt.s32 v24, $0x1867F  }
0x2f6: {  	v13 =	vld.idx.msk [tilespmem:v13+s19+$0x0], $0xffff;
	v50 =	vimm.s32 $0x0;
	[tilespmem:$0x1FC40] =	vst v45;
	v45 =	vsel vm0, $0xFFFFFFFF, v63;
	vm0 =	vgt.s32 v34, $0x1867F  }
0x2f7: {  	vm7 =	vgt.s32 v57, $0x0;
	v44 =	vld.idx.msk [tilespmem:v44+s19+$0x0], $0xffff;
	[tilespmem:$0x1FC50] =	vst v45;
	v45 =	vsel vm0, $0xFFFFFFFF, v50  }
0x2f8: {  	v57 =	vnsel vm7, $0x0, v57;
	vm7 =	vgt.s32 v6, $0x1867F;
	[tilespmem:$0x1FC90] =	vst v45;
	v45 =	vld.idx.msk [tilespmem:v49+s20+$0x0], $0xffff  }
0x2f9: {  	v55 =	vadd.s32 $0xFFFE7980, v14;
	v60 =	vadd.s32 $0xFFFF3800, v22;
	v43 =	vsel vm7, v43, v61;
	v61 =	vld [tilespmem:$0x1FB70]  }
0x2fa: {  	v53 =	vadd.s32 $0xFFFE7980, v11;
	vm13 =	vgt.s32 v55, $0x0;
	vm3 =	vgt.s32 v60, $0x0;
	v62 =	vld [tilespmem:$0x1FB80]  }
0x2fb: {  	v55 =	vnsel vm13, $0x0, v55;
	vm13 =	vlt.s32 v9, $0xC800;
	v60 =	vnsel vm3, $0x0, v60;
	v63 =	vld [tilespmem:$0x1FB90]  }
0x2fc: {  	vm3 =	vgt.s32 v9, $0x1867F;
	v9 =	vimm.s32 $0x0;
	vm7 =	vlt.s32 v11, $0xC800;
	v50 =	vld [tilespmem:$0x1FBB0]  }
0x2fd: {  	v46 =	vmin.u32 v46, $0x1F;
	v49 =	vld [tilespmem:$0x1FBA0];
	v11 =	vsel vm3, v45, v44;
	vm3 =	vlt.s32 v32, $0xC800  }
0x2fe: {  	vm0 =	vnez.u8 v61;
	v61 =	vld [tilespmem:$0x1FBC0];
	v9 =	vsel vm3, $0xFFFFFFFF, v9  }
0x2ff: {  	v56 =	vadd.s32 $0xFFFF3800, v17;
	[tilespmem:$0x1FD30] =	vst v9;
	v9 =	vld [tilespmem:$0x1FBF0]  }
0x300: {  	vm8 =	vgt.s32 v56, $0x0  }
0x301: {  	v56 =	vnsel vm8, $0x0, v56;
	vm8 =	vlt.s32 v35, $0xC800  }
0x302: {  	vm4 =	vgt.s32 v35, $0x1867F;
	[tilespmem:$0x1FC70] =	vst v41;
	v41 =	vld.idx.msk [tilespmem:v46+s20+$0x0], $0xffff;
	v46 =	vsel vm0, v63, v62;
	vm0 =	vnez.u8 v49  }
0x303: {  	v13 =	vsel vm4, v47, v13;
	v62 =	vld [tilespmem:$0x1FBD0];
	v47 =	vsel vm0, v40, v50;
	vm0 =	vnez.u8 v61  }
0x304: {  	v27 =	vsel vm0, v27, v42;
	v42 =	vsel vm8, v9, v13;
	v9 =	vld [tilespmem:$0x1FC00];
	_ =	sdelay $0x1  }
0x305: {  	v12 =	vmin.u32 v12, $0xBE7F  }
0x306: {  	vm6 =	vgt.s32 v5, $0x1867F;
	v51 =	vmin.u32 v51, $0x1F  }
0x307: {  	v38 =	vld [tilespmem:s8+$0xFFFFFFB0];
	vm9 =	vlt.s32 v5, $0xC800;
	v15 =	vsel vm6, v15, v48;
	vm0 =	vnez.u8 v62  }
0x308: {  	v29 =	vsel vm0, v29, v37;
	v37 =	vsel vm9, v9, v15;
	v9 =	vld [tilespmem:$0x1FC10];
	_ =	sdelay $0x1  }
0x309: {  	v58 =	vadd.s32 $0xFFFF3800, v20;
	vm5 =	vgt.s32 v7, $0x1867F;
	v12 =	vld.idx.msk [tilespmem:v12+s19+$0x0], $0xffff  }
0x30a: {  	vm1 =	vgt.s32 v58, $0x0;
	vm11 =	vlt.s32 v7, $0xC800;
	v0 =	vsel vm5, v1, v0;
	v1 =	vld.idx.msk [tilespmem:v51+s20+$0x0], $0xffff  }
0x30b: {  	v58 =	vnsel vm1, $0x0, v58;
	vm1 =	vgt.s32 v17, $0x1867F;
	v38 =	vsel vm11, v38, v0;
	v0 =	vld [tilespmem:$0x1FC50]  }
0x30c: {  	vm9 =	vmmov vm1;
	vm1 =	vnez.u8 v9;
	v9 =	vld [tilespmem:$0x1FC20];
	_ =	sdelay $0x2  }
0x30d: {  	v36 =	vld [tilespmem:s8+$0x20]  }
0x30e: {  	vm11 =	vnez.u8 v0;
	v0 =	vld [tilespmem:$0x1FC60]  }
0x30f: {  	v1 =	vsel vm1, v1, v12;
	vm1 =	vnez.u8 v9;
	v9 =	vld [tilespmem:$0x1FC30]  }
0x310: {  	v59 =	vadd.s32 $0xFFFE7980, v20  }
0x311: {  	vm2 =	vgt.s32 v59, $0x0  }
0x312: {  	v59 =	vnsel vm2, $0x0, v59;
	vm2 =	vgt.s32 v8, $0x1867F  }
0x313: {  	vm10 =	vlt.s32 v6, $0xC800;
	vm12 =	vlt.s32 v8, $0xC800;
	v4 =	vsel vm2, v41, v4  }
0x314: {  	v40 =	vsel vm10, v9, v43;
	v43 =	vmov v36;
	v36 =	vsel vm12, v0, v4;
	v0 =	vld [tilespmem:$0x1FC70];
	_ =	sdelay $0x4  }
0x315: {  	vm12 =	vnez.u8 v0;
	v0 =	vld [tilespmem:$0x1FC80];
	_ =	sdelay $0x4  }
0x316: {  	v35 =	vsel vm13, v0, v11;
	v0 =	vld [tilespmem:$0x1FC90];
	_ =	sdelay $0x3  }
0x317: {  	vm4 =	vgt.s32 v32, $0x1867F  }
0x318: {  	vm13 =	vmmov vm4;
	vm4 =	vnez.u8 v0;
	v0 =	vld [tilespmem:$0x1FCA0];
	_ =	sdelay $0x1  }
0x319: {  	vm14 =	vgt.s32 v53, $0x0  }
0x31a: {  	v53 =	vnsel vm14, $0x0, v53;
	v54 =	vadd.s32 $0xFFFF3800, v14  }
0x31b: {  	vm15 =	vgt.s32 v54, $0x0;
	v52 =	vmin.u32 v52, $0xBE7F;
	vm0 =	vlt.s32 v10, $0xC800  }
0x31c: {  	v54 =	vnsel vm15, $0x0, v54;
	vm15 =	vlt.s32 v22, $0xC800;
	v22 =	vsel vm0, v0, v1;
	v0 =	vld [tilespmem:$0x1FCB0]  }
0x31d: {  	v53 =	vmin.u32 v53, $0x1F;
	_ =	sdelay $0x1  }
0x31e: {  	v54 =	vmin.u32 v54, $0xBE7F;
	v39 =	vld [tilespmem:s8+$0xFFFFFFF0]  }
0x31f: {  	v6 =	vld.idx.msk [tilespmem:v52+s19+$0x0], $0xffff  }
0x320: {  	vm0 =	vnez.u8 v0;
	v0 =	vld [tilespmem:$0x1FCC0]  }
0x321: {  	v63 =	vld.idx.msk [tilespmem:v53+s20+$0x0], $0xffff  }
0x322: {  	v31 =	vld [tilespmem:s8+$0x50]  }
0x323: {  	v5 =	vld.idx.msk [tilespmem:v54+s19+$0x0], $0xffff  }
0x324: {  	v25 =	vld [tilespmem:s8+$0x30]  }
0x325: {  	v56 =	vmin.u32 v56, $0xBE7F;
	v30 =	vld [tilespmem:s8+$0x40];
	vm8 =	vnez.u8 v0  }
0x326: {  	v1 =	vld [tilespmem:$0x1FCE0];
	v0 =	vsel vm8, v63, v6  }
0x327: {  	vm3 =	vlt.s32 v34, $0xC800;
	v34 =	vsel vm7, v39, v0;
	v0 =	vld [tilespmem:$0x1FCD0]  }
0x328: {  	v48 =	vld [tilespmem:$0x1FB60]  }
0x329: {  	v55 =	vmin.u32 v55, $0x1F;
	v33 =	vld [tilespmem:s8+$0x60]  }
0x32a: {  	v7 =	vld.idx.msk [tilespmem:v56+s19+$0x0], $0xffff  }
0x32b: {  	vm8 =	vnez.u8 v1;
	v1 =	vld [tilespmem:$0x1FD00]  }
0x32c: {  	vm5 =	vlt.s32 v24, $0xC800;
	v24 =	vsel vm8, v0, v46;
	v0 =	vld [tilespmem:$0x1FCF0]  }
0x32d: {  	v21 =	vld [tilespmem:s8+$0x0]  }
0x32e: {  	v57 =	vmin.u32 v57, $0x1F;
	v8 =	vld.idx.msk [tilespmem:v55+s20+$0x0], $0xffff  }
0x32f: {  	v60 =	vmin.u32 v60, $0xBE7F;
	v18 =	vld [tilespmem:s8+$0x10]  }
0x330: {  	s9 =	sadd.s32 $0x10, s9;
	v58 =	vmin.u32 v58, $0xBE7F;
	v9 =	vld [tilespmem:$0x1FC40];
	vm8 =	vnez.u8 v1  }
0x331: {  	p0 =	slt.u32 s9, $0xF0;
	v59 =	vmin.u32 v59, $0x1F;
	v32 =	vsel vm8, v0, v47;
	v0 =	vld [tilespmem:$0x1FD10]  }
.Ltmp3:
0x332: {  	v51 =	vld [tilespmem:$0x1FBE0];
	(pc) =	sbr.rel @p0 .LBB2_9-.Ltmp3, $4  }
0x333: {  	v10 =	vld.idx.msk [tilespmem:v57+s20+$0x0], $0xffff  }
0x334: {  	v12 =	vld.idx.msk [tilespmem:v60+s19+$0x0], $0xffff  }
0x335: {  	vm14 =	vlt.s32 v20, $0xC800;
	vm10 =	vnez.u8 v9;
	v9 =	vld.idx.msk [tilespmem:v58+s19+$0x0], $0xffff  }
0x336: {  	s1 =	sadd.s32 $0x100, s1;
	vm6 =	vlt.s32 v14, $0xC800;
	vm2 =	vlt.s32 v17, $0xC800;
	v11 =	vld.idx.msk [tilespmem:v59+s20+$0x0], $0xffff;
	vm8 =	vnez.u8 v0  }
0x337: {  	[tilespmem:s8+$0xFFFFFF80] =	vst v42  }
0x338: {  	[tilespmem:s8+$0xFFFFFF90] =	vst v37  }
0x339: {  	[tilespmem:s8+$0xFFFFFFA0] =	vst v40  }
0x33a: {  	[tilespmem:s8+$0xFFFFFFB0] =	vst v38  }
0x33b: {  	[tilespmem:s8+$0xFFFFFFC0] =	vst v36  }
0x33c: {  	[tilespmem:s8+$0xFFFFFFD0] =	vst v35  }
0x33d: {  	[tilespmem:s8+$0xFFFFFFE0] =	vst v22  }
0x33e: {  	[tilespmem:s8+$0xFFFFFFF0] =	vst v34  }
0x33f: {  	[tilespmem:s3+$0x30] =	vst v24  }
0x340: {  	v1 =	vsel vm12, v8, v5;
	v4 =	vld.idx.msk [tilespmem:v26+s19+$0x0], $0xffff;
	v58 =	vsel vm1, v51, v29;
	[tilespmem:s3+$0x40] =	vst v32  }
0x341: {  	v6 =	vld.idx.msk [tilespmem:v23+s20+$0x0], $0xffff;
	v1 =	vsel vm6, v21, v1;
	v5 =	vsel vm9, v10, v7;
	[tilespmem:s3+$0x60] =	vst v58  }
0x342: {  	v0 =	vld.idx.msk [tilespmem:v28+s20+$0x0], $0xffff;
	v5 =	vsel vm2, v18, v5;
	[tilespmem:s8+$0x0] =	vst v1;
	v7 =	vsel vm8, v11, v9  }
0x343: {  	v3 =	vld.idx.msk [tilespmem:v3+s19+$0x0], $0xffff;
	[tilespmem:s8+$0x10] =	vst v5;
	v7 =	vsel vm14, v43, v7  }
0x344: {  	v2 =	vld.idx.msk [tilespmem:v2+s20+$0x0], $0xffff;
	[tilespmem:s8+$0x20] =	vst v7;
	v7 =	vsel vm0, v48, v27  }
0x345: {  	vm12 =	vmmov vm11;
	v1 =	vld.idx.msk [tilespmem:v19+s19+$0x0], $0xffff;
	[tilespmem:s3+$0x50] =	vst v7  }
0x346: {  	v4 =	vsel vm12, v6, v4;
	v6 =	vld [tilespmem:$0x1FD30]  }
0x347: {  	v5 =	vld.idx.msk [tilespmem:v16+s20+$0x0], $0xffff  }
0x348: {  	vm10 =	vmmov vm10;
	vm4 =	vmmov vm4  }
0x349: {  	vm15 =	vmmov vm15;
	vm11 =	vmmov vm3;
	v0 =	vsel vm10, v0, v12  }
0x34a: {  	vm9 =	vmmov vm5;
	vm14 =	vmmov vm13;
	v0 =	vsel vm15, v25, v0  }
0x34b: {  	v4 =	vsel vm9, v30, v4;
	[tilespmem:s8+$0x30] =	vst v0;
	v0 =	vsel vm4, v2, v3;
	vm10 =	vnez.u8 v6  }
0x34c: {  	v1 =	vsel vm14, v5, v1;
	[tilespmem:s8+$0x40] =	vst v4;
	v0 =	vsel vm11, v33, v0;
	vm1 =	vmmov vm10  }
0x34d: {  	[tilespmem:s8+$0x60] =	vst v0;
	v1 =	vsel vm1, v31, v1  }
0x34e: {  	s1 =	sadd.s32 s0, s12;
	[tilespmem:s8+$0x50] =	vst v1  }
0x34f: {  	[hbm4b:s1+s16] =	stream.strided.scatter [tilespmem:s25], [sflag:$0x6], $0x1000, s17, s16, $0x38;
	[tilespmem:$0x1E700] =	vst v63  }
0x350: {  	_ =	swait.ge [sflag:s26], $0x1000  }
0x351: {  	[sflag:s26] =	ssyncset.done $0x0  }
0x352: {  	s29 =	simm.s32 $0x1A7F0;
	[sflag:s26] =	ssyncadd.s32 $0xFFFFF000  }
0x353: {  	v0 =	vld [tilespmem:s29+$0x0]  }
0x354: {  	v1 =	vld [tilespmem:s29+$0xFFFFFF20]  }
0x355: {  	v2 =	vld [tilespmem:s29+$0xFFFFFF30]  }
0x356: {  	v3 =	vld [tilespmem:s29+$0xFFFFFF40]  }
0x357: {  	v4 =	vld [tilespmem:s29+$0xFFFFFF50]  }
0x358: {  	v5 =	vld [tilespmem:s29+$0xFFFFFF60]  }
0x359: {  	v6 =	vld [tilespmem:s29+$0xFFFFFF70]  }
0x35a: {  	v7 =	vld [tilespmem:s29+$0xFFFFFF80]  }
0x35b: {  	v59 =	vld [tilespmem:s29+$0xFFFFFF90]  }
0x35c: {  	v60 =	vld [tilespmem:s29+$0xFFFFFFA0]  }
0x35d: {  	v61 =	vld [tilespmem:s29+$0xFFFFFFB0];
	vm12 =	vlt.s32 v0, $0xC7FF  }
0x35e: {  	v62 =	vld [tilespmem:s29+$0xFFFFFFC0];
	vm13 =	vlt.s32 v1, $0xC7FF;
	v0 =	vnsel vm12, $0xC7FF, v0  }
0x35f: {  	v63 =	vld [tilespmem:s29+$0xFFFFFFD0];
	vm14 =	vlt.s32 v2, $0xC7FF;
	v1 =	vnsel vm13, $0xC7FF, v1  }
0x360: {  	v13 =	vld [tilespmem:s29+$0xFFFFFFE0];
	vm15 =	vlt.s32 v3, $0xC7FF;
	v2 =	vnsel vm14, $0xC7FF, v2  }
0x361: {  	v14 =	vld [tilespmem:s29+$0xFFFFFFF0];
	vm4 =	vlt.s32 v4, $0xC7FF;
	v3 =	vnsel vm15, $0xC7FF, v3  }
0x362: {  	v15 =	vld [tilespmem:s29+$0xFFFFFF10];
	vm5 =	vlt.s32 v5, $0xC7FF;
	v4 =	vnsel vm4, $0xC7FF, v4  }
0x363: {  	vm6 =	vlt.s32 v6, $0xC7FF;
	v5 =	vnsel vm5, $0xC7FF, v5;
	v0 =	vld.idx.msk [tilespmem:v0+s5+$0x0], $0xffff  }
0x364: {  	vm7 =	vlt.s32 v7, $0xC7FF;
	v6 =	vnsel vm6, $0xC7FF, v6;
	v1 =	vld.idx.msk [tilespmem:v1+s5+$0x0], $0xffff  }
0x365: {  	vm8 =	vlt.s32 v59, $0xC7FF;
	v7 =	vnsel vm7, $0xC7FF, v7;
	v2 =	vld.idx.msk [tilespmem:v2+s5+$0x0], $0xffff  }
0x366: {  	vm9 =	vlt.s32 v60, $0xC7FF;
	v8 =	vnsel vm8, $0xC7FF, v59;
	v3 =	vld.idx.msk [tilespmem:v3+s5+$0x0], $0xffff  }
0x367: {  	vm10 =	vlt.s32 v61, $0xC7FF;
	v9 =	vnsel vm9, $0xC7FF, v60;
	v4 =	vld.idx.msk [tilespmem:v4+s5+$0x0], $0xffff  }
0x368: {  	s1 =	simm.s32 $0x1C780;
	v10 =	vnsel vm10, $0xC7FF, v61;
	vm12 =	vlt.s32 v62, $0xC7FF;
	v5 =	vld.idx.msk [tilespmem:v5+s5+$0x0], $0xffff  }
0x369: {  	vm11 =	vlt.s32 v15, $0xC7FF;
	v11 =	vnsel vm12, $0xC7FF, v62;
	v6 =	vld.idx.msk [tilespmem:v6+s5+$0x0], $0xffff;
	[tilespmem:s1+$0x70] =	vst v0  }
0x36a: {  	vm13 =	vlt.s32 v63, $0xC7FF;
	v7 =	vld.idx.msk [tilespmem:v7+s5+$0x0], $0xffff;
	v0 =	vnsel vm11, $0xC7FF, v15;
	[tilespmem:s1+$0xFFFFFF90] =	vst v1  }
0x36b: {  	vm14 =	vlt.s32 v13, $0xC7FF;
	v12 =	vnsel vm13, $0xC7FF, v63;
	v8 =	vld.idx.msk [tilespmem:v8+s5+$0x0], $0xffff;
	[tilespmem:s1+$0xFFFFFFA0] =	vst v2  }
0x36c: {  	vm15 =	vlt.s32 v14, $0xC7FF;
	v13 =	vnsel vm14, $0xC7FF, v13;
	v9 =	vld.idx.msk [tilespmem:v9+s5+$0x0], $0xffff;
	[tilespmem:s1+$0xFFFFFFB0] =	vst v3  }
0x36d: {  	v14 =	vnsel vm15, $0xC7FF, v14;
	[tilespmem:s1+$0xFFFFFFC0] =	vst v4;
	v1 =	vld.idx.msk [tilespmem:v10+s5+$0x0], $0xffff  }
0x36e: {  	[tilespmem:s1+$0xFFFFFFD0] =	vst v5;
	v2 =	vld.idx.msk [tilespmem:v11+s5+$0x0], $0xffff  }
0x36f: {  	[tilespmem:s1+$0xFFFFFFE0] =	vst v6;
	v0 =	vld.idx.msk [tilespmem:v0+s5+$0x0], $0xffff  }
0x370: {  	[tilespmem:s1+$0xFFFFFFF0] =	vst v7;
	v3 =	vld.idx.msk [tilespmem:v12+s5+$0x0], $0xffff  }
0x371: {  	[tilespmem:s1+$0x0] =	vst v8;
	v4 =	vld.idx.msk [tilespmem:v13+s5+$0x0], $0xffff  }
0x372: {  	s15 =	sadd.s32 s0, s13;
	s2 =	simm.s32 $0x0;
	s3 =	simm.s32 $0x1A8F0;
	[tilespmem:s1+$0x10] =	vst v9;
	v5 =	vld.idx.msk [tilespmem:v14+s5+$0x0], $0xffff  }
.LBB2_11:
0x373: {  	v6 =	vld [tilespmem:s3+$0x0];
	s2 =	sadd.s32 $0x10, s2;
	[tilespmem:s1+$0x20] =	vst v1  }
0x374: {  	v1 =	vld [tilespmem:s3+$0xFFFFFF20];
	p0 =	slt.u32 s2, $0xF0;
	[tilespmem:s1+$0xFFFFFF80] =	vst v0  }
0x375: {  	v0 =	vld [tilespmem:s3+$0xFFFFFF30];
	[tilespmem:s1+$0x30] =	vst v2  }
0x376: {  	v2 =	vld [tilespmem:s3+$0xFFFFFF40];
	[tilespmem:s1+$0x40] =	vst v3  }
0x377: {  	v3 =	vld [tilespmem:s3+$0xFFFFFF50];
	[tilespmem:s1+$0x50] =	vst v4  }
0x378: {  	v4 =	vld [tilespmem:s3+$0xFFFFFF60];
	vm0 =	vlt.s32 v6, $0xC7FF;
	[tilespmem:s1+$0x60] =	vst v5  }
0x379: {  	vm1 =	vlt.s32 v1, $0xC7FF;
	v5 =	vld [tilespmem:s3+$0xFFFFFF70];
	v6 =	vnsel vm0, $0xC7FF, v6  }
0x37a: {  	v1 =	vnsel vm1, $0xC7FF, v1;
	vm0 =	vlt.s32 v0, $0xC7FF;
	v7 =	vld [tilespmem:s3+$0xFFFFFF80]  }
0x37b: {  	v0 =	vnsel vm0, $0xC7FF, v0;
	vm0 =	vlt.s32 v2, $0xC7FF;
	v8 =	vld [tilespmem:s3+$0xFFFFFF90]  }
0x37c: {  	v2 =	vnsel vm0, $0xC7FF, v2;
	vm0 =	vlt.s32 v3, $0xC7FF;
	v9 =	vld [tilespmem:s3+$0xFFFFFFA0]  }
0x37d: {  	v3 =	vnsel vm0, $0xC7FF, v3;
	vm0 =	vlt.s32 v4, $0xC7FF;
	v10 =	vld [tilespmem:s3+$0xFFFFFFB0]  }
0x37e: {  	v4 =	vnsel vm0, $0xC7FF, v4;
	vm0 =	vlt.s32 v5, $0xC7FF;
	v6 =	vld.idx.msk [tilespmem:v6+s5+$0x0], $0xffff  }
0x37f: {  	v5 =	vnsel vm0, $0xC7FF, v5;
	vm0 =	vlt.s32 v7, $0xC7FF;
	v11 =	vld [tilespmem:s3+$0xFFFFFFC0]  }
0x380: {  	v7 =	vnsel vm0, $0xC7FF, v7;
	vm0 =	vlt.s32 v8, $0xC7FF;
	v12 =	vld [tilespmem:s3+$0xFFFFFFD0]  }
0x381: {  	v8 =	vnsel vm0, $0xC7FF, v8;
	vm0 =	vlt.s32 v9, $0xC7FF;
	v13 =	vld [tilespmem:s3+$0xFFFFFFE0]  }
0x382: {  	v9 =	vnsel vm0, $0xC7FF, v9;
	vm0 =	vlt.s32 v10, $0xC7FF;
	v14 =	vld [tilespmem:s3+$0xFFFFFFF0]  }
0x383: {  	s1 =	sadd.s32 $0x100, s1;
	v15 =	vld [tilespmem:s3+$0xFFFFFF10];
	v10 =	vnsel vm0, $0xC7FF, v10  }
0x384: {  	v1 =	vld.idx.msk [tilespmem:v1+s5+$0x0], $0xffff;
	vm0 =	vlt.s32 v11, $0xC7FF;
	[tilespmem:s1+$0x70] =	vst v6  }
0x385: {  	v0 =	vld.idx.msk [tilespmem:v0+s5+$0x0], $0xffff;
	v6 =	vnsel vm0, $0xC7FF, v11;
	vm0 =	vlt.s32 v12, $0xC7FF  }
0x386: {  	v2 =	vld.idx.msk [tilespmem:v2+s5+$0x0], $0xffff;
	v11 =	vnsel vm0, $0xC7FF, v12;
	vm0 =	vlt.s32 v13, $0xC7FF  }
0x387: {  	v3 =	vld.idx.msk [tilespmem:v3+s5+$0x0], $0xffff;
	v12 =	vnsel vm0, $0xC7FF, v13;
	vm0 =	vlt.s32 v14, $0xC7FF  }
0x388: {  	vm1 =	vlt.s32 v15, $0xC7FF;
	v4 =	vld.idx.msk [tilespmem:v4+s5+$0x0], $0xffff;
	v13 =	vnsel vm0, $0xC7FF, v14  }
0x389: {  	v14 =	vnsel vm1, $0xC7FF, v15;
	v5 =	vld.idx.msk [tilespmem:v5+s5+$0x0], $0xffff  }
0x38a: {  	[tilespmem:s1+$0xFFFFFF90] =	vst v1;
	v7 =	vld.idx.msk [tilespmem:v7+s5+$0x0], $0xffff  }
0x38b: {  	[tilespmem:s1+$0xFFFFFFA0] =	vst v0;
	v8 =	vld.idx.msk [tilespmem:v8+s5+$0x0], $0xffff  }
0x38c: {  	[tilespmem:s1+$0xFFFFFFB0] =	vst v2;
	v9 =	vld.idx.msk [tilespmem:v9+s5+$0x0], $0xffff  }
0x38d: {  	[tilespmem:s1+$0xFFFFFFC0] =	vst v3;
	v1 =	vld.idx.msk [tilespmem:v10+s5+$0x0], $0xffff  }
.Ltmp4:
0x38e: {  	v0 =	vld.idx.msk [tilespmem:v14+s5+$0x0], $0xffff;
	[tilespmem:s1+$0xFFFFFFD0] =	vst v4;
	(pc) =	sbr.rel @p0 .LBB2_11-.Ltmp4, $4  }
0x38f: {  	[tilespmem:s1+$0xFFFFFFE0] =	vst v5;
	v2 =	vld.idx.msk [tilespmem:v6+s5+$0x0], $0xffff  }
0x390: {  	[tilespmem:s1+$0xFFFFFFF0] =	vst v7;
	v3 =	vld.idx.msk [tilespmem:v11+s5+$0x0], $0xffff  }
0x391: {  	[tilespmem:s1+$0x0] =	vst v8;
	v4 =	vld.idx.msk [tilespmem:v12+s5+$0x0], $0xffff  }
0x392: {  	s3 =	sadd.s32 $0x100, s3;
	[tilespmem:s1+$0x10] =	vst v9;
	v5 =	vld.idx.msk [tilespmem:v13+s5+$0x0], $0xffff  }
0x393: {  	[tilespmem:s1+$0x20] =	vst v1  }
0x394: {  	[tilespmem:s1+$0xFFFFFF80] =	vst v0  }
0x395: {  	[tilespmem:s1+$0x30] =	vst v2  }
0x396: {  	[tilespmem:s1+$0x40] =	vst v3  }
0x397: {  	[tilespmem:s1+$0x50] =	vst v4  }
0x398: {  	[tilespmem:s1+$0x60] =	vst v5  }
0x399: {  	_ =	swait.ge [sflag:s28], $0x1000  }
0x39a: {  	[sflag:s28] =	ssyncset.done $0x0  }
0x39b: {  	s29 =	simm.s32 $0x1B7F0;
	[sflag:s28] =	ssyncadd.s32 $0xFFFFF000  }
0x39c: {  	v0 =	vld [tilespmem:s29+$0x0]  }
0x39d: {  	v1 =	vld [tilespmem:s29+$0xFFFFFF20]  }
0x39e: {  	v2 =	vld [tilespmem:s29+$0xFFFFFF30]  }
0x39f: {  	v3 =	vld [tilespmem:s29+$0xFFFFFF40]  }
0x3a0: {  	v4 =	vld [tilespmem:s29+$0xFFFFFF50]  }
0x3a1: {  	v5 =	vld [tilespmem:s29+$0xFFFFFF60]  }
0x3a2: {  	v6 =	vld [tilespmem:s29+$0xFFFFFF70]  }
0x3a3: {  	v7 =	vld [tilespmem:s29+$0xFFFFFF80]  }
0x3a4: {  	v8 =	vld [tilespmem:s29+$0xFFFFFF90]  }
0x3a5: {  	v9 =	vld [tilespmem:s29+$0xFFFFFFA0]  }
0x3a6: {  	v10 =	vld [tilespmem:s29+$0xFFFFFFB0];
	vm0 =	vlt.s32 v0, $0xC7FF  }
0x3a7: {  	v11 =	vld [tilespmem:s29+$0xFFFFFFC0];
	vm14 =	vlt.s32 v1, $0xC7FF;
	v0 =	vnsel vm0, $0xC7FF, v0  }
0x3a8: {  	v12 =	vld [tilespmem:s29+$0xFFFFFFD0];
	vm15 =	vlt.s32 v2, $0xC7FF;
	v1 =	vnsel vm14, $0xC7FF, v1  }
0x3a9: {  	v13 =	vld [tilespmem:s29+$0xFFFFFFE0];
	vm4 =	vlt.s32 v3, $0xC7FF;
	v2 =	vnsel vm15, $0xC7FF, v2  }
0x3aa: {  	v14 =	vld [tilespmem:s29+$0xFFFFFFF0];
	vm5 =	vlt.s32 v4, $0xC7FF;
	v3 =	vnsel vm4, $0xC7FF, v3  }
0x3ab: {  	v15 =	vld [tilespmem:s29+$0xFFFFFF10];
	vm6 =	vlt.s32 v5, $0xC7FF;
	v4 =	vnsel vm5, $0xC7FF, v4  }
0x3ac: {  	vm7 =	vlt.s32 v6, $0xC7FF;
	v5 =	vnsel vm6, $0xC7FF, v5;
	v0 =	vld.idx.msk [tilespmem:v0+s5+$0x0], $0xffff  }
0x3ad: {  	vm8 =	vlt.s32 v7, $0xC7FF;
	v6 =	vnsel vm7, $0xC7FF, v6;
	v1 =	vld.idx.msk [tilespmem:v1+s5+$0x0], $0xffff  }
0x3ae: {  	vm9 =	vlt.s32 v8, $0xC7FF;
	v7 =	vnsel vm8, $0xC7FF, v7;
	v2 =	vld.idx.msk [tilespmem:v2+s5+$0x0], $0xffff  }
0x3af: {  	vm10 =	vlt.s32 v9, $0xC7FF;
	v8 =	vnsel vm9, $0xC7FF, v8;
	v3 =	vld.idx.msk [tilespmem:v3+s5+$0x0], $0xffff  }
0x3b0: {  	vm11 =	vlt.s32 v10, $0xC7FF;
	v9 =	vnsel vm10, $0xC7FF, v9;
	v4 =	vld.idx.msk [tilespmem:v4+s5+$0x0], $0xffff  }
0x3b1: {  	s1 =	simm.s32 $0x1D780;
	vm1 =	vlt.s32 v11, $0xC7FF;
	v10 =	vnsel vm11, $0xC7FF, v10;
	v16 =	vld.idx.msk [tilespmem:v5+s5+$0x0], $0xffff  }
0x3b2: {  	vm12 =	vlt.s32 v15, $0xC7FF;
	v11 =	vnsel vm1, $0xC7FF, v11;
	v6 =	vld.idx.msk [tilespmem:v6+s5+$0x0], $0xffff;
	[tilespmem:s1+$0x70] =	vst v0  }
0x3b3: {  	vm13 =	vlt.s32 v12, $0xC7FF;
	v7 =	vld.idx.msk [tilespmem:v7+s5+$0x0], $0xffff;
	v0 =	vnsel vm12, $0xC7FF, v15;
	[tilespmem:s1+$0xFFFFFF90] =	vst v1  }
0x3b4: {  	v12 =	vnsel vm13, $0xC7FF, v12;
	vm14 =	vlt.s32 v13, $0xC7FF;
	v8 =	vld.idx.msk [tilespmem:v8+s5+$0x0], $0xffff;
	[tilespmem:s1+$0xFFFFFFA0] =	vst v2  }
0x3b5: {  	vm15 =	vlt.s32 v14, $0xC7FF;
	v13 =	vnsel vm14, $0xC7FF, v13;
	v9 =	vld.idx.msk [tilespmem:v9+s5+$0x0], $0xffff;
	[tilespmem:s1+$0xFFFFFFB0] =	vst v3  }
0x3b6: {  	v14 =	vnsel vm15, $0xC7FF, v14;
	v5 =	vld.idx.msk [tilespmem:v10+s5+$0x0], $0xffff;
	[tilespmem:s1+$0xFFFFFFC0] =	vst v4  }
0x3b7: {  	[tilespmem:s1+$0xFFFFFFD0] =	vst v16;
	v1 =	vld.idx.msk [tilespmem:v11+s5+$0x0], $0xffff  }
0x3b8: {  	[tilespmem:s1+$0xFFFFFFE0] =	vst v6;
	v0 =	vld.idx.msk [tilespmem:v0+s5+$0x0], $0xffff  }
0x3b9: {  	[tilespmem:s1+$0xFFFFFFF0] =	vst v7;
	v2 =	vld.idx.msk [tilespmem:v12+s5+$0x0], $0xffff  }
0x3ba: {  	[tilespmem:s1+$0x0] =	vst v8;
	v3 =	vld.idx.msk [tilespmem:v13+s5+$0x0], $0xffff  }
0x3bb: {  	s3 =	sadd.s32 s0, s14;
	s0 =	simm.s32 $0x0;
	s2 =	simm.s32 $0x1B8F0;
	[tilespmem:s1+$0x10] =	vst v9;
	v4 =	vld.idx.msk [tilespmem:v14+s5+$0x0], $0xffff  }
.LBB2_13:
0x3bc: {  	v6 =	vld [tilespmem:s2+$0x0];
	s0 =	sadd.s32 $0x10, s0;
	[tilespmem:s1+$0x20] =	vst v5  }
0x3bd: {  	v5 =	vld [tilespmem:s2+$0xFFFFFF20];
	p0 =	slt.u32 s0, $0xF0;
	[tilespmem:s1+$0xFFFFFF80] =	vst v0  }
0x3be: {  	v0 =	vld [tilespmem:s2+$0xFFFFFF30];
	[tilespmem:s1+$0x30] =	vst v1  }
0x3bf: {  	v1 =	vld [tilespmem:s2+$0xFFFFFF40];
	[tilespmem:s1+$0x40] =	vst v2  }
0x3c0: {  	v2 =	vld [tilespmem:s2+$0xFFFFFF50];
	[tilespmem:s1+$0x50] =	vst v3  }
0x3c1: {  	v3 =	vld [tilespmem:s2+$0xFFFFFF60];
	vm0 =	vlt.s32 v6, $0xC7FF;
	[tilespmem:s1+$0x60] =	vst v4  }
0x3c2: {  	vm1 =	vlt.s32 v5, $0xC7FF;
	v4 =	vld [tilespmem:s2+$0xFFFFFF70];
	v6 =	vnsel vm0, $0xC7FF, v6  }
0x3c3: {  	v5 =	vnsel vm1, $0xC7FF, v5;
	vm0 =	vlt.s32 v0, $0xC7FF;
	v7 =	vld [tilespmem:s2+$0xFFFFFF80]  }
0x3c4: {  	v0 =	vnsel vm0, $0xC7FF, v0;
	vm0 =	vlt.s32 v1, $0xC7FF;
	v8 =	vld [tilespmem:s2+$0xFFFFFF90]  }
0x3c5: {  	v1 =	vnsel vm0, $0xC7FF, v1;
	vm0 =	vlt.s32 v2, $0xC7FF;
	v9 =	vld [tilespmem:s2+$0xFFFFFFA0]  }
0x3c6: {  	v2 =	vnsel vm0, $0xC7FF, v2;
	vm0 =	vlt.s32 v3, $0xC7FF;
	v10 =	vld [tilespmem:s2+$0xFFFFFFB0]  }
0x3c7: {  	v3 =	vnsel vm0, $0xC7FF, v3;
	vm0 =	vlt.s32 v4, $0xC7FF;
	v6 =	vld.idx.msk [tilespmem:v6+s5+$0x0], $0xffff  }
0x3c8: {  	v4 =	vnsel vm0, $0xC7FF, v4;
	vm0 =	vlt.s32 v7, $0xC7FF;
	v11 =	vld [tilespmem:s2+$0xFFFFFFC0]  }
0x3c9: {  	v7 =	vnsel vm0, $0xC7FF, v7;
	vm0 =	vlt.s32 v8, $0xC7FF;
	v12 =	vld [tilespmem:s2+$0xFFFFFFD0]  }
0x3ca: {  	v8 =	vnsel vm0, $0xC7FF, v8;
	vm0 =	vlt.s32 v9, $0xC7FF;
	v13 =	vld [tilespmem:s2+$0xFFFFFFE0]  }
0x3cb: {  	v9 =	vnsel vm0, $0xC7FF, v9;
	vm0 =	vlt.s32 v10, $0xC7FF;
	v14 =	vld [tilespmem:s2+$0xFFFFFFF0]  }
0x3cc: {  	s1 =	sadd.s32 $0x100, s1;
	v15 =	vld [tilespmem:s2+$0xFFFFFF10];
	v10 =	vnsel vm0, $0xC7FF, v10  }
0x3cd: {  	v5 =	vld.idx.msk [tilespmem:v5+s5+$0x0], $0xffff;
	vm0 =	vlt.s32 v11, $0xC7FF;
	[tilespmem:s1+$0x70] =	vst v6  }
0x3ce: {  	v0 =	vld.idx.msk [tilespmem:v0+s5+$0x0], $0xffff;
	v6 =	vnsel vm0, $0xC7FF, v11;
	vm0 =	vlt.s32 v12, $0xC7FF  }
0x3cf: {  	v1 =	vld.idx.msk [tilespmem:v1+s5+$0x0], $0xffff;
	v11 =	vnsel vm0, $0xC7FF, v12;
	vm0 =	vlt.s32 v13, $0xC7FF  }
0x3d0: {  	v2 =	vld.idx.msk [tilespmem:v2+s5+$0x0], $0xffff;
	v12 =	vnsel vm0, $0xC7FF, v13;
	vm0 =	vlt.s32 v14, $0xC7FF  }
0x3d1: {  	vm1 =	vlt.s32 v15, $0xC7FF;
	v3 =	vld.idx.msk [tilespmem:v3+s5+$0x0], $0xffff;
	v13 =	vnsel vm0, $0xC7FF, v14  }
0x3d2: {  	v14 =	vnsel vm1, $0xC7FF, v15;
	v4 =	vld.idx.msk [tilespmem:v4+s5+$0x0], $0xffff  }
0x3d3: {  	[tilespmem:s1+$0xFFFFFF90] =	vst v5;
	v7 =	vld.idx.msk [tilespmem:v7+s5+$0x0], $0xffff  }
0x3d4: {  	[tilespmem:s1+$0xFFFFFFA0] =	vst v0;
	v8 =	vld.idx.msk [tilespmem:v8+s5+$0x0], $0xffff  }
0x3d5: {  	[tilespmem:s1+$0xFFFFFFB0] =	vst v1;
	v9 =	vld.idx.msk [tilespmem:v9+s5+$0x0], $0xffff  }
0x3d6: {  	[tilespmem:s1+$0xFFFFFFC0] =	vst v2;
	v5 =	vld.idx.msk [tilespmem:v10+s5+$0x0], $0xffff  }
.Ltmp5:
0x3d7: {  	v0 =	vld.idx.msk [tilespmem:v14+s5+$0x0], $0xffff;
	[tilespmem:s1+$0xFFFFFFD0] =	vst v3;
	(pc) =	sbr.rel @p0 .LBB2_13-.Ltmp5, $4  }
0x3d8: {  	[tilespmem:s1+$0xFFFFFFE0] =	vst v4;
	v1 =	vld.idx.msk [tilespmem:v6+s5+$0x0], $0xffff  }
0x3d9: {  	[tilespmem:s1+$0xFFFFFFF0] =	vst v7;
	v2 =	vld.idx.msk [tilespmem:v11+s5+$0x0], $0xffff  }
0x3da: {  	[tilespmem:s1+$0x0] =	vst v8;
	v3 =	vld.idx.msk [tilespmem:v12+s5+$0x0], $0xffff  }
0x3db: {  	s2 =	sadd.s32 $0x100, s2;
	[tilespmem:s1+$0x10] =	vst v9;
	v4 =	vld.idx.msk [tilespmem:v13+s5+$0x0], $0xffff  }
0x3dc: {  	s0 =	sadd.s32 $0x1, s31  }
0x3dd: {  	p0 =	seq.s32 s30, $0x33;
	s31 =	sshrl.u32 s0, $0x6;
	s18 =	sand.u32 $0x3F, s0  }
0x3de: {  	[tilespmem:s1+$0x20] =	vst v5;
	s2 =	smul.u32 @!p0 $0x61C000, s31;
	s9 =	sshrl.u32 @!p0 s18, $0x3  }
0x3df: {  	[tilespmem:s1+$0xFFFFFF80] =	vst v0;
	s8 =	smul.u32 @!p0 $0xC3800, s9  }
0x3e0: {  	s10 =	sshll.u32 @!p0 s0, $0x7;
	[tilespmem:s1+$0x30] =	vst v1  }
0x3e1: {  	s10 =	sand.u32 @!p0 $0x380, s10;
	[tilespmem:s1+$0x40] =	vst v2;
	s2 =	sadd.s32 @!p0 s2, s8  }
0x3e2: {  	[tilespmem:s1+$0x50] =	vst v3;
	s2 =	sor.u32 @!p0 s10, s2  }
0x3e3: {  	[tilespmem:s1+$0x60] =	vst v4;
	s1 =	simm.s32 @!p0 $0x80;
	s8 =	rddreg [dreg:$0x0];
	s2 =	sshrl.u32 @!p0 s2, $0x3  }
0x3e4: {  	s11 =	sadd.s32 @!p0 s8, s2;
	s2 =	simm.s32 @!p0 $0x400;
	s8 =	simm.s32 @!p0 $0x0  }
0x3e5: {  	[tilespmem:s8], [sflag:$0x1] =	stream.strided.gather @!p0 [hbm4b:s11+s1], $0xC800, s2, s1, $0x38;
	[tilespmem:$0x1E700] =	vst v63  }
0x3e6: {  	s2 =	simm.s32 $0x1A7F0  }
0x3e7: {  	v2 =	vld [tilespmem:s2+$0x0]  }
0x3e8: {  	v10 =	vld [tilespmem:s2+$0xFFFFFF20]  }
0x3e9: {  	v8 =	vld [tilespmem:s2+$0xFFFFFF30]  }
0x3ea: {  	v5 =	vld [tilespmem:s2+$0xFFFFFF40]  }
0x3eb: {  	v1 =	vld [tilespmem:s2+$0xFFFFFF50]  }
0x3ec: {  	v3 =	vld [tilespmem:s2+$0xFFFFFF60]  }
0x3ed: {  	v4 =	vld [tilespmem:s2+$0xFFFFFF70]  }
0x3ee: {  	v6 =	vld [tilespmem:s2+$0xFFFFFF80]  }
0x3ef: {  	v7 =	vld [tilespmem:s2+$0xFFFFFF90]  }
0x3f0: {  	v23 =	vld [tilespmem:s2+$0xFFFFFF10];
	v0 =	vadd.s32 $0xFFFF3800, v2;
	v12 =	vadd.s32 $0xFFFF3800, v10;
	v9 =	vadd.s32 $0xFFFE7980, v2  }
0x3f1: {  	v13 =	vld [tilespmem:s2+$0xFFFFFFC0];
	v16 =	vadd.s32 $0xFFFE7980, v10;
	v17 =	vadd.s32 $0xFFFF3800, v8;
	v18 =	vadd.s32 $0xFFFE7980, v8  }
0x3f2: {  	v14 =	vld [tilespmem:s2+$0xFFFFFFD0];
	v19 =	vadd.s32 $0xFFFF3800, v5;
	v20 =	vadd.s32 $0xFFFE7980, v5;
	v21 =	vadd.s32 $0xFFFF3800, v1  }
0x3f3: {  	v22 =	vadd.s32 $0xFFFE7980, v1;
	v24 =	vadd.s32 $0xFFFF3800, v3;
	v25 =	vadd.s32 $0xFFFE7980, v3  }
0x3f4: {  	v26 =	vadd.s32 $0xFFFF3800, v4;
	v27 =	vadd.s32 $0xFFFE7980, v4;
	v28 =	vadd.s32 $0xFFFF3800, v6  }
0x3f5: {  	v29 =	vadd.s32 $0xFFFE7980, v6;
	v30 =	vadd.s32 $0xFFFF3800, v7;
	v31 =	vadd.s32 $0xFFFE7980, v7  }
0x3f6: {  	v35 =	vadd.s32 $0xFFFF3800, v23;
	v37 =	vadd.s32 $0xFFFE7980, v23;
	v39 =	vadd.s32 $0xFFFF3800, v13  }
0x3f7: {  	v40 =	vadd.s32 $0xFFFE7980, v13;
	v42 =	vadd.s32 $0xFFFF3800, v14;
	v44 =	vadd.s32 $0xFFFE7980, v14  }
0x3f8: {  	vm12 =	vgt.s32 v6, $0x1867F;
	vm13 =	vlt.s32 v3, $0xC800;
	vm14 =	vlt.s32 v4, $0xC800  }
0x3f9: {  	vm15 =	vlt.s32 v6, $0xC800;
	vm0 =	vgt.s32 v0, $0x0;
	vm1 =	vgt.s32 v16, $0x0  }
0x3fa: {  	vm2 =	vgt.s32 v17, $0x0;
	vm3 =	vgt.s32 v35, $0x0;
	vm4 =	vgt.s32 v18, $0x0  }
0x3fb: {  	vm5 =	vgt.s32 v37, $0x0;
	vm6 =	vgt.s32 v19, $0x0;
	vm8 =	vgt.s32 v20, $0x0  }
0x3fc: {  	vm9 =	vgt.s32 v21, $0x0;
	vm7 =	vgt.s32 v22, $0x0;
	v0 =	vnsel vm0, $0x0, v0  }
0x3fd: {  	s8 =	simm.s32 $0x1C780;
	vm0 =	vgt.s32 v9, $0x0;
	v35 =	vnsel vm3, $0x0, v35;
	v0 =	vmin.u32 v0, $0xBE7F  }
0x3fe: {  	v46 =	vld [tilespmem:s8+$0xFFFFFF80];
	v17 =	vnsel vm2, $0x0, v17;
	v18 =	vnsel vm4, $0x0, v18;
	v35 =	vmin.u32 v35, $0xBE7F  }
0x3ff: {  	v47 =	vld [tilespmem:s8+$0xFFFFFF90];
	vm4 =	vgt.s32 v25, $0x0;
	vm2 =	vlt.s32 v2, $0xC800;
	v17 =	vmin.u32 v17, $0xBE7F  }
0x400: {  	v19 =	vnsel vm6, $0x0, v19;
	v11 =	vnsel vm0, $0x0, v9;
	v9 =	vld [tilespmem:s2+$0xFFFFFFA0];
	v18 =	vmin.u32 v18, $0x1F  }
0x401: {  	v20 =	vnsel vm8, $0x0, v20;
	v19 =	vmin.u32 v19, $0xBE7F;
	v15 =	vmin.u32 v11, $0x1F;
	v11 =	vld [tilespmem:s2+$0xFFFFFFB0]  }
0x402: {  	vm3 =	vgt.s32 v29, $0x0;
	v21 =	vnsel vm9, $0x0, v21;
	v20 =	vmin.u32 v20, $0x1F;
	v38 =	vld.idx.msk [tilespmem:v0+s19+$0x0], $0xffff  }
0x403: {  	vm6 =	vgt.s32 v23, $0x1867F;
	v22 =	vnsel vm7, $0x0, v22;
	v21 =	vmin.u32 v21, $0xBE7F;
	v35 =	vld.idx.msk [tilespmem:v35+s19+$0x0], $0xffff  }
0x404: {  	vm8 =	vgt.s32 v10, $0x1867F;
	vm7 =	vgt.s32 v30, $0x0;
	v22 =	vmin.u32 v22, $0x1F;
	v17 =	vld.idx.msk [tilespmem:v17+s19+$0x0], $0xffff  }
0x405: {  	vm9 =	vgt.s32 v31, $0x0;
	vm0 =	vgt.s32 v12, $0x0;
	v25 =	vnsel vm4, $0x0, v25;
	v18 =	vld.idx.msk [tilespmem:v18+s20+$0x0], $0xffff  }
0x406: {  	vm4 =	vgt.s32 v39, $0x0;
	v29 =	vnsel vm3, $0x0, v29;
	vm3 =	vgt.s32 v44, $0x0;
	v19 =	vld.idx.msk [tilespmem:v19+s19+$0x0], $0xffff  }
0x407: {  	v30 =	vnsel vm7, $0x0, v30;
	v31 =	vnsel vm9, $0x0, v31;
	vm7 =	vgt.s32 v5, $0x1867F;
	v20 =	vld.idx.msk [tilespmem:v20+s20+$0x0], $0xffff  }
0x408: {  	vm9 =	vgt.s32 v1, $0x1867F;
	v12 =	vnsel vm0, $0x0, v12;
	v25 =	vmin.u32 v25, $0x1F;
	v21 =	vld.idx.msk [tilespmem:v21+s19+$0x0], $0xffff  }
0x409: {  	vm0 =	vgt.s32 v24, $0x0;
	v12 =	vmin.u32 v12, $0xBE7F;
	v0 =	vnsel vm5, $0x0, v37;
	v22 =	vld.idx.msk [tilespmem:v22+s20+$0x0], $0xffff  }
0x40a: {  	v24 =	vnsel vm0, $0x0, v24;
	v62 =	vld.idx.msk [tilespmem:v15+s20+$0x0], $0xffff;
	v41 =	vmin.u32 v0, $0x1F;
	v0 =	vnsel vm1, $0x0, v16  }
0x40b: {  	vm0 =	vlt.s32 v23, $0xC800;
	v24 =	vmin.u32 v24, $0xBE7F;
	v15 =	vld [tilespmem:s2+$0xFFFFFFE0];
	v43 =	vmin.u32 v0, $0x1F  }
0x40c: {  	v32 =	vadd.s32 $0xFFFF3800, v9;
	v33 =	vadd.s32 $0xFFFE7980, v9;
	vm5 =	vgt.s32 v28, $0x0;
	v16 =	vld [tilespmem:s8+$0x70]  }
0x40d: {  	v34 =	vadd.s32 $0xFFFF3800, v11;
	v36 =	vadd.s32 $0xFFFE7980, v11;
	vm1 =	vgt.s32 v2, $0x1867F;
	v25 =	vld.idx.msk [tilespmem:v25+s20+$0x0], $0xffff  }
0x40e: {  	vm10 =	vgt.s32 v32, $0x0;
	vm11 =	vgt.s32 v33, $0x0;
	v28 =	vnsel vm5, $0x0, v28;
	v12 =	vld.idx.msk [tilespmem:v12+s19+$0x0], $0xffff  }
0x40f: {  	vm5 =	vgt.s32 v42, $0x0;
	v2 =	vimm.s32 $0x0;
	v19 =	vsel vm7, v20, v19;
	v41 =	vld.idx.msk [tilespmem:v41+s20+$0x0], $0xffff  }
0x410: {  	vm7 =	vlt.s32 v8, $0xC800;
	v21 =	vsel vm9, v22, v21;
	v22 =	vnsel vm11, $0x0, v33;
	v43 =	vld.idx.msk [tilespmem:v43+s20+$0x0], $0xffff  }
0x411: {  	v0 =	vld [tilespmem:s2+$0xFFFFFFF0];
	vm9 =	vgt.s32 v3, $0x1867F;
	vm11 =	vgt.s32 v7, $0x1867F;
	v45 =	vadd.s32 $0xFFFF3800, v15  }
0x412: {  	v24 =	vld.idx.msk [tilespmem:v24+s19+$0x0], $0xffff;
	v37 =	vsel vm1, v62, v38;
	vm1 =	vgt.s32 v26, $0x0;
	v63 =	vadd.s32 $0xFFFE7980, v15  }
0x413: {  	v23 =	vld [tilespmem:s8+$0xFFFFFFD0];
	v22 =	vmin.u32 v22, $0x1F;
	v56 =	vsel vm2, v16, v37;
	vm2 =	vgt.s32 v27, $0x0  }
0x414: {  	v26 =	vnsel vm1, $0x0, v26;
	vm1 =	vlt.s32 v10, $0xC800;
	v35 =	vsel vm6, v41, v35;
	v41 =	vld [tilespmem:s8+$0xFFFFFFA0]  }
0x415: {  	v2 =	vsel vm1, $0xFFFFFFFF, v2;
	vm6 =	vgt.s32 v8, $0x1867F;
	v12 =	vsel vm8, v43, v12;
	v43 =	vld [tilespmem:s8+$0xFFFFFFB0]  }
0x416: {  	v16 =	vadd.s32 $0xFFFF3800, v0;
	v10 =	vmin.u32 v26, $0xBE7F;
	v17 =	vsel vm6, v18, v17;
	v18 =	vld [tilespmem:s8+$0xFFFFFFC0];
	[tilespmem:$0x1FA60] =	vst v2  }
0x417: {  	v55 =	vadd.s32 $0xFFFE7980, v0;
	v51 =	vsel vm9, v25, v24;
	v24 =	vmin.u32 v30, $0xBE7F;
	v48 =	vld [tilespmem:s8+$0xFFFFFFE0]  }
0x418: {  	v27 =	vnsel vm2, $0x0, v27;
	vm2 =	vgt.s32 v40, $0x0;
	v30 =	vmin.u32 v31, $0x1F;
	v49 =	vld [tilespmem:s8+$0xFFFFFFF0]  }
0x419: {  	v26 =	vnsel vm10, $0x0, v32;
	vm10 =	vgt.s32 v45, $0x0;
	vm9 =	vgt.s32 v63, $0x0;
	v50 =	vld [tilespmem:s8+$0x0]  }
0x41a: {  	v31 =	vnsel vm5, $0x0, v42;
	v27 =	vmin.u32 v27, $0x1F;
	vm8 =	vgt.s32 v34, $0x0;
	v20 =	vld [tilespmem:s8+$0x10]  }
0x41b: {  	vm5 =	vgt.s32 v15, $0x1867F;
	v26 =	vmin.u32 v26, $0xBE7F;
	v25 =	vnsel vm8, $0x0, v34;
	v34 =	vld.idx.msk [tilespmem:v10+s19+$0x0], $0xffff  }
0x41c: {  	vm1 =	vlt.s32 v7, $0xC800;
	v59 =	vnsel vm10, $0x0, v45;
	vm10 =	vgt.s32 v9, $0x1867F;
	v60 =	vld.idx.msk [tilespmem:v24+s19+$0x0], $0xffff  }
0x41d: {  	v32 =	vmin.u32 v59, $0xBE7F;
	v8 =	vmin.u32 v28, $0xBE7F;
	v28 =	vmin.u32 v29, $0x1F;
	v62 =	vld.idx.msk [tilespmem:v30+s20+$0x0], $0xffff  }
0x41e: {  	vm6 =	vgt.s32 v36, $0x0;
	v2 =	vimm.s32 $0x0;
	vm8 =	vgt.s32 v16, $0x0;
	v53 =	vld.idx.msk [tilespmem:v22+s20+$0x0], $0xffff  }
0x41f: {  	v10 =	vnsel vm6, $0x0, v36;
	vm6 =	vgt.s32 v55, $0x0;
	v24 =	vnsel vm9, $0x0, v63;
	v36 =	vld.idx.msk [tilespmem:v27+s20+$0x0], $0xffff  }
0x420: {  	s2 =	simm.s32 $0x1A8F0;
	vm9 =	vlt.s32 v5, $0xC800;
	v5 =	vsel vm13, v23, v51;
	vm13 =	vgt.s32 v0, $0x1867F;
	v63 =	vld.idx.msk [tilespmem:v26+s19+$0x0], $0xffff  }
0x421: {  	v27 =	vnsel vm4, $0x0, v39;
	v25 =	vmin.u32 v25, $0xBE7F;
	v10 =	vmin.u32 v10, $0x1F;
	v26 =	vld [tilespmem:s2+$0xFFFFFF30]  }
0x422: {  	v16 =	vnsel vm8, $0x0, v16;
	vm4 =	vgt.s32 v14, $0x1867F;
	v61 =	vmin.u32 v27, $0xBE7F;
	v57 =	vld.idx.msk [tilespmem:v8+s19+$0x0], $0xffff  }
0x423: {  	v27 =	vnsel vm6, $0x0, v55;
	v30 =	vmin.u32 v16, $0xBE7F;
	v8 =	vnsel vm2, $0x0, v40;
	v58 =	vld.idx.msk [tilespmem:v28+s20+$0x0], $0xffff  }
0x424: {  	v37 =	vmin.u32 v8, $0x1F;
	v8 =	vsel vm0, v46, v35;
	vm0 =	vlt.s32 v1, $0xC800;
	v1 =	vld [tilespmem:$0x1FA60]  }
0x425: {  	vm6 =	vgt.s32 v4, $0x1867F;
	v28 =	vnsel vm3, $0x0, v44;
	v44 =	vmin.u32 v31, $0xBE7F;
	v35 =	vld [tilespmem:s2+$0x0]  }
0x426: {  	v29 =	vld [tilespmem:s8+$0x20];
	v31 =	vmin.u32 v24, $0x1F;
	v27 =	vmin.u32 v27, $0x1F;
	vm3 =	vgt.s32 v11, $0x1867F  }
0x427: {  	v22 =	vld [tilespmem:s2+$0xFFFFFF40];
	vm2 =	vgt.s32 v13, $0x1867F;
	v7 =	vsel vm0, v18, v21;
	vm0 =	vlt.s32 v15, $0xC800  }
0x428: {  	v52 =	vmin.u32 v28, $0x1F;
	v28 =	vld [tilespmem:s2+$0xFFFFFF20];
	v2 =	vsel vm0, $0xFFFFFFFF, v2;
	v15 =	vsel vm10, v53, v63  }
0x429: {  	v54 =	vld.idx.msk [tilespmem:v25+s19+$0x0], $0xffff;
	v53 =	vadd.s32 $0xFFFE7980, v26;
	v4 =	vsel vm12, v58, v57;
	vm8 =	vnez.u8 v1  }
0x42a: {  	v55 =	vld.idx.msk [tilespmem:v10+s20+$0x0], $0xffff;
	v1 =	vsel vm6, v36, v34;
	vm6 =	vlt.s32 v11, $0xC800;
	v6 =	vadd.s32 $0xFFFE7980, v35  }
0x42b: {  	v25 =	vld [tilespmem:s2+$0xFFFFFF50];
	v4 =	vsel vm15, v49, v4;
	v10 =	vsel vm8, v47, v12;
	vm8 =	vlt.s32 v9, $0xC800  }
0x42c: {  	v33 =	vld.idx.msk [tilespmem:v61+s19+$0x0], $0xffff;
	[tilespmem:$0x1FA80] =	vst v2;
	v12 =	vsel vm7, v41, v17;
	vm7 =	vlt.s32 v13, $0xC800;
	v9 =	vsel vm9, v43, v19  }
0x42d: {  	v24 =	vld [tilespmem:s2+$0xFFFFFF60];
	vm9 =	vlt.s32 v14, $0xC800;
	v2 =	vsel vm14, v48, v1;
	v1 =	vadd.s32 $0xFFFF3800, v35  }
0x42e: {  	v18 =	vld [tilespmem:s2+$0xFFFFFFC0];
	v13 =	vsel vm11, v62, v60;
	v19 =	vadd.s32 $0xFFFF3800, v28;
	v48 =	vadd.s32 $0xFFFE7980, v28  }
0x42f: {  	v34 =	vld [tilespmem:s2+$0xFFFFFF10];
	vm11 =	vmmov vm4;
	v62 =	vadd.s32 $0xFFFE7980, v22;
	vm12 =	vgt.s32 v1, $0x0  }
0x430: {  	v37 =	vld.idx.msk [tilespmem:v37+s20+$0x0], $0xffff;
	vm4 =	vmmov vm9;
	v63 =	vadd.s32 $0xFFFF3800, v25;
	v40 =	vadd.s32 $0xFFFE7980, v25  }
0x431: {  	v17 =	vld [tilespmem:s2+$0xFFFFFFD0];
	vm9 =	vlt.s32 v25, $0xC800;
	v11 =	vnsel vm12, $0x0, v1;
	vm12 =	vgt.s32 v6, $0x0  }
0x432: {  	v23 =	vld [tilespmem:s2+$0xFFFFFF70];
	v14 =	vmin.u32 v11, $0xBE7F;
	v11 =	vnsel vm12, $0x0, v6;
	v6 =	vsel vm1, v50, v13  }
0x433: {  	v21 =	vld [tilespmem:s2+$0xFFFFFF80];
	v50 =	vadd.s32 $0xFFFF3800, v26;
	vm12 =	vmmov vm2;
	v13 =	vmin.u32 v11, $0x1F  }
0x434: {  	v16 =	vld [tilespmem:s2+$0xFFFFFFA0];
	vm2 =	vmmov vm7;
	vm15 =	vlt.s32 v18, $0xC800;
	v49 =	vadd.s32 $0xFFFF3800, v34  }
0x435: {  	v1 =	vld [tilespmem:s2+$0xFFFFFF90];
	v51 =	vadd.s32 $0xFFFE7980, v34;
	v33 =	vsel vm12, v37, v33;
	vm1 =	vgt.s32 v49, $0x0  }
0x436: {  	v11 =	vld [tilespmem:s2+$0xFFFFFFB0];
	vm10 =	vgt.s32 v51, $0x0;
	v3 =	vadd.s32 $0xFFFF3800, v17;
	v38 =	vnsel vm1, $0x0, v49  }
0x437: {  	vm1 =	vgt.s32 v19, $0x0;
	v38 =	vmin.u32 v38, $0xBE7F;
	v57 =	vld.idx.msk [tilespmem:v14+s19+$0x0], $0xffff;
	v14 =	vnsel vm10, $0x0, v51  }
0x438: {  	vm10 =	vgt.s32 v48, $0x0;
	v58 =	vld.idx.msk [tilespmem:v13+s20+$0x0], $0xffff;
	v13 =	vnsel vm1, $0x0, v19;
	v14 =	vmin.u32 v14, $0x1F  }
0x439: {  	s29 =	simm.s32 $0x1C880;
	v44 =	vld.idx.msk [tilespmem:v44+s19+$0x0], $0xffff;
	v49 =	vadd.s32 $0xFFFE7980, v16;
	v36 =	vnsel vm10, $0x0, v48;
	v59 =	vmin.u32 v13, $0xBE7F  }
0x43a: {  	v60 =	vld [tilespmem:s29+$0x70];
	vm12 =	vgt.s32 v1, $0x1867F;
	vm1 =	vgt.s32 v50, $0x0;
	v36 =	vmin.u32 v36, $0x1F  }
0x43b: {  	v19 =	vld [tilespmem:s2+$0xFFFFFFE0];
	vm10 =	vgt.s32 v53, $0x0;
	v48 =	vadd.s32 $0xFFFE7980, v1;
	v39 =	vnsel vm1, $0x0, v50  }
0x43c: {  	vm1 =	vlt.s32 v0, $0xC800;
	v0 =	vnsel vm10, $0x0, v53;
	v39 =	vmin.u32 v39, $0xBE7F;
	v38 =	vld.idx.msk [tilespmem:v38+s19+$0x0], $0xffff  }
0x43d: {  	vm14 =	vlt.s32 v11, $0xC800;
	vm10 =	vmmov vm5;
	v0 =	vmin.u32 v0, $0x1F;
	v61 =	vld.idx.msk [tilespmem:v14+s20+$0x0], $0xffff  }
0x43e: {  	vm5 =	vmmov vm13;
	vm1 =	vmmov vm1;
	v14 =	vsel vm8, v20, v15;
	v43 =	vld.idx.msk [tilespmem:v59+s19+$0x0], $0xffff  }
0x43f: {  	v15 =	vsel vm3, v55, v54;
	vm3 =	vgt.s32 v35, $0x1867F;
	v54 =	vadd.s32 $0xFFFF3800, v24;
	v36 =	vld.idx.msk [tilespmem:v36+s20+$0x0], $0xffff  }
0x440: {  	v55 =	vadd.s32 $0xFFFE7980, v24;
	vm13 =	vgt.s32 v19, $0x1867F;
	v20 =	vsel vm3, v58, v57;
	v58 =	vld.idx.msk [tilespmem:v52+s20+$0x0], $0xffff  }
0x441: {  	v15 =	vsel vm6, v29, v15;
	v29 =	vadd.s32 $0xFFFF3800, v22;
	vm3 =	vlt.s32 v35, $0xC800;
	v53 =	vld.idx.msk [tilespmem:v39+s19+$0x0], $0xffff  }
0x442: {  	vm6 =	vgt.s32 v28, $0x1867F;
	v57 =	vadd.s32 $0xFFFF3800, v23;
	v59 =	vadd.s32 $0xFFFE7980, v23;
	v0 =	vld.idx.msk [tilespmem:v0+s20+$0x0], $0xffff  }
0x443: {  	v32 =	vld.idx.msk [tilespmem:v32+s19+$0x0], $0xffff;
	vm7 =	vgt.s32 v54, $0x0;
	v20 =	vsel vm3, v60, v20;
	vm3 =	vgt.s32 v34, $0x1867F  }
0x444: {  	v31 =	vld.idx.msk [tilespmem:v31+s20+$0x0], $0xffff;
	vm8 =	vgt.s32 v55, $0x0;
	v60 =	vadd.s32 $0xFFFF3800, v21;
	v38 =	vsel vm3, v61, v38  }
0x445: {  	v30 =	vld.idx.msk [tilespmem:v30+s19+$0x0], $0xffff;
	vm3 =	vgt.s32 v29, $0x0;
	v36 =	vsel vm6, v36, v43;
	vm6 =	vgt.s32 v62, $0x0  }
0x446: {  	v45 =	vld [tilespmem:s8+$0x50];
	v29 =	vnsel vm3, $0x0, v29;
	vm3 =	vgt.s32 v26, $0x1867F;
	v44 =	vsel vm11, v58, v44  }
0x447: {  	v13 =	vld [tilespmem:s2+$0xFFFFFFF0];
	v46 =	vnsel vm6, $0x0, v62;
	v29 =	vmin.u32 v29, $0xBE7F;
	v0 =	vsel vm3, v0, v53  }
0x448: {  	v61 =	vld.idx.msk [tilespmem:v27+s20+$0x0], $0xffff;
	vm3 =	vgt.s32 v63, $0x0;
	vm6 =	vgt.s32 v40, $0x0;
	v46 =	vmin.u32 v46, $0x1F  }
0x449: {  	v58 =	vadd.s32 $0xFFFE7980, v21;
	v62 =	vld [tilespmem:s29+$0xFFFFFF80];
	v27 =	vnsel vm3, $0x0, v63;
	v40 =	vnsel vm6, $0x0, v40  }
0x44a: {  	v63 =	vld [tilespmem:s29+$0xFFFFFF90];
	vm3 =	vgt.s32 v57, $0x0;
	v47 =	vmin.u32 v27, $0xBE7F;
	v27 =	vnsel vm7, $0x0, v54  }
0x44b: {  	vm6 =	vgt.s32 v59, $0x0;
	v54 =	vmin.u32 v27, $0xBE7F;
	v27 =	vsel vm10, v31, v32;
	v31 =	vld [tilespmem:s29+$0xFFFFFFA0]  }
0x44c: {  	v52 =	vmin.u32 v40, $0x1F;
	v43 =	vnsel vm6, $0x0, v59;
	vm6 =	vgt.s32 v22, $0x1867F;
	v53 =	vld.idx.msk [tilespmem:v29+s19+$0x0], $0xffff  }
0x44d: {  	vm7 =	vgt.s32 v58, $0x0;
	v43 =	vmin.u32 v43, $0x1F;
	vm10 =	vlt.s32 v24, $0xC800;
	v46 =	vld.idx.msk [tilespmem:v46+s20+$0x0], $0xffff  }
0x44e: {  	v29 =	vnsel vm8, $0x0, v55;
	v55 =	vnsel vm3, $0x0, v57;
	vm8 =	vlt.s32 v22, $0xC800;
	v22 =	vld [tilespmem:s29+$0xFFFFFFC0]  }
0x44f: {  	vm3 =	vlt.s32 v28, $0xC800;
	v57 =	vmin.u32 v29, $0x1F;
	v29 =	vsel vm5, v61, v30;
	v30 =	vld [tilespmem:s29+$0xFFFFFFB0]  }
0x450: {  	v28 =	vadd.s32 $0xFFFF3800, v1;
	v32 =	vmin.u32 v55, $0xBE7F;
	vm5 =	vlt.s32 v34, $0xC800;
	v47 =	vld.idx.msk [tilespmem:v47+s19+$0x0], $0xffff  }
0x451: {  	v34 =	vnsel vm7, $0x0, v58;
	vm7 =	vgt.s32 v25, $0x1867F;
	v37 =	vsel vm3, v63, v36;
	v39 =	vld.idx.msk [tilespmem:v52+s20+$0x0], $0xffff  }
0x452: {  	vm3 =	vgt.s32 v21, $0x1867F;
	v59 =	vld.idx.msk [tilespmem:v54+s19+$0x0], $0xffff;
	v46 =	vsel vm6, v46, v53;
	vm6 =	vgt.s32 v60, $0x0  }
0x453: {  	v63 =	vadd.s32 $0xFFFE7980, v17;
	v34 =	vmin.u32 v34, $0x1F;
	v43 =	vld.idx.msk [tilespmem:v43+s20+$0x0], $0xffff;
	v35 =	vnsel vm6, $0x0, v60  }
0x454: {  	v42 =	vsel vm5, v62, v38;
	v62 =	vadd.s32 $0xFFFE7980, v18;
	v41 =	vld.idx.msk [tilespmem:v57+s20+$0x0], $0xffff;
	v35 =	vmin.u32 v35, $0xBE7F  }
0x455: {  	v58 =	vadd.s32 $0xFFFE7980, v19;
	vm5 =	vgt.s32 v23, $0x1867F;
	vm11 =	vgt.s32 v62, $0x0;
	v32 =	vld.idx.msk [tilespmem:v32+s19+$0x0], $0xffff  }
0x456: {  	vm6 =	vlt.s32 v26, $0xC800;
	v25 =	vsel vm7, v39, v47;
	vm7 =	vgt.s32 v24, $0x1867F;
	v24 =	vld [tilespmem:s29+$0xFFFFFFD0]  }
0x457: {  	v26 =	vadd.s32 $0xFFFF3800, v16;
	v39 =	vadd.s32 $0xFFFF3800, v11;
	v47 =	vadd.s32 $0xFFFE7980, v11;
	v60 =	vld [tilespmem:s29+$0xFFFFFFE0]  }
0x458: {  	v34 =	vld.idx.msk [tilespmem:v34+s20+$0x0], $0xffff;
	v38 =	vsel vm8, v30, v46;
	v40 =	vsel vm6, v31, v0;
	vm6 =	vgt.s32 v48, $0x0  }
0x459: {  	v36 =	vsel vm9, v22, v25;
	vm9 =	vgt.s32 v39, $0x0;
	v30 =	vnsel vm6, $0x0, v48;
	v61 =	vld.idx.msk [tilespmem:v35+s19+$0x0], $0xffff  }
0x45a: {  	v0 =	vld [tilespmem:s29+$0xFFFFFFF0];
	vm6 =	vlt.s32 v1, $0xC800;
	v39 =	vnsel vm9, $0x0, v39;
	vm9 =	vgt.s32 v16, $0x1867F  }
0x45b: {  	[tilespmem:s8+$0xFFFFFF90] =	vst v10;
	v10 =	vmin.u32 v30, $0x1F;
	v32 =	vsel vm5, v43, v32;
	vm5 =	vlt.s32 v21, $0xC800;
	v21 =	vld [tilespmem:s8+$0x30]  }
0x45c: {  	v31 =	vld [tilespmem:s29+$0x50];
	v41 =	vsel vm7, v41, v59;
	vm7 =	vlt.s32 v23, $0xC800;
	v23 =	vadd.s32 $0xFFFF3800, v18  }
0x45d: {  	v48 =	vld [tilespmem:s8+$0x60];
	v22 =	vsel vm7, v60, v32;
	v35 =	vsel vm10, v24, v41;
	vm10 =	vgt.s32 v47, $0x0  }
0x45e: {  	[tilespmem:s8+$0x70] =	vst v56;
	v30 =	vld [tilespmem:s29+$0x40];
	vm7 =	vgt.s32 v26, $0x0;
	v1 =	vnsel vm10, $0x0, v47;
	v24 =	vsel vm3, v34, v61  }
0x45f: {  	[tilespmem:s8+$0xFFFFFF80] =	vst v8;
	v47 =	vld [tilespmem:s29+$0x20];
	vm10 =	vgt.s32 v18, $0x1867F;
	vm3 =	vgt.s32 v28, $0x0;
	v34 =	vsel vm5, v0, v24  }
0x460: {  	[tilespmem:s8+$0xFFFFFFC0] =	vst v7;
	v25 =	vnsel vm3, $0x0, v28;
	v28 =	vld [tilespmem:s8+$0x40];
	vm3 =	vgt.s32 v3, $0x0;
	v24 =	vsel vm2, v21, v33  }
0x461: {  	[tilespmem:s8+$0xFFFFFFA0] =	vst v12;
	v21 =	vld [tilespmem:s29+$0x0];
	v18 =	vnsel vm3, $0x0, v3;
	vm3 =	vlt.s32 v19, $0xC800;
	v3 =	vimm.s32 $0x0  }
0x462: {  	[tilespmem:s8+$0xFFFFFFB0] =	vst v9;
	v26 =	vnsel vm7, $0x0, v26;
	vm2 =	vlt.s32 v16, $0xC800;
	v16 =	vld [tilespmem:s29+$0x10];
	v3 =	vsel vm3, $0xFFFFFFFF, v3  }
0x463: {  	v57 =	vadd.s32 $0xFFFF3800, v19;
	v12 =	vmin.u32 v26, $0xBE7F;
	v8 =	vmin.u32 v25, $0xBE7F;
	v25 =	vld [tilespmem:s29+$0x30];
	[tilespmem:$0x1FA70] =	vst v3  }
0x464: {  	vm8 =	vgt.s32 v49, $0x0;
	vm0 =	vgt.s32 v57, $0x0;
	v59 =	vadd.s32 $0xFFFF3800, v13;
	[tilespmem:s8+$0xFFFFFFD0] =	vst v5  }
0x465: {  	v60 =	vadd.s32 $0xFFFE7980, v13;
	vm7 =	vgt.s32 v63, $0x0;
	v61 =	vnsel vm8, $0x0, v49;
	[tilespmem:s8+$0xFFFFFFE0] =	vst v2  }
0x466: {  	vm8 =	vgt.s32 v11, $0x1867F;
	vm5 =	vgt.s32 v23, $0x0;
	v9 =	vmin.u32 v61, $0x1F;
	[tilespmem:s8+$0xFFFFFFF0] =	vst v4  }
0x467: {  	v0 =	vnsel vm5, $0x0, v23;
	v23 =	vnsel vm11, $0x0, v62;
	vm11 =	vgt.s32 v17, $0x1867F;
	v33 =	vld [tilespmem:s29+$0x60];
	[tilespmem:s8+$0x0] =	vst v6  }
0x468: {  	vm5 =	vlt.s32 v17, $0xC800;
	v17 =	vmin.u32 v39, $0xBE7F;
	v19 =	vnsel vm7, $0x0, v63;
	v7 =	vld.idx.msk [tilespmem:v12+s19+$0x0], $0xffff;
	[tilespmem:s8+$0x10] =	vst v14  }
0x469: {  	v62 =	vmin.u32 v1, $0x1F;
	v0 =	vmin.u32 v0, $0xBE7F;
	vm3 =	vlt.s32 v13, $0xC800;
	v1 =	vld [tilespmem:$0x1FA80]  }
0x46a: {  	v26 =	vmin.u32 v18, $0xBE7F;
	v2 =	vnsel vm0, $0x0, v57;
	vm0 =	vgt.s32 v59, $0x0;
	v5 =	vld.idx.msk [tilespmem:v8+s19+$0x0], $0xffff  }
0x46b: {  	v32 =	vsel vm4, v28, v44;
	vm4 =	vgt.s32 v58, $0x0;
	v63 =	vnsel vm0, $0x0, v59;
	v8 =	vld.idx.msk [tilespmem:v10+s20+$0x0], $0xffff  }
0x46c: {  	vm0 =	vgt.s32 v60, $0x0;
	v28 =	vmin.u32 v23, $0x1F;
	v23 =	vmin.u32 v19, $0x1F;
	v10 =	vld.idx.msk [tilespmem:v9+s20+$0x0], $0xffff  }
0x46d: {  	v19 =	vmin.u32 v2, $0xBE7F;
	v4 =	vnsel vm4, $0x0, v58;
	v6 =	vnsel vm0, $0x0, v60;
	v9 =	vld.idx.msk [tilespmem:v17+s19+$0x0], $0xffff  }
0x46e: {  	[tilespmem:s8+$0x20] =	vst v15;
	vm4 =	vgt.s32 v13, $0x1867F;
	v12 =	vld.idx.msk [tilespmem:v62+s20+$0x0], $0xffff;
	v3 =	vmin.u32 v63, $0xBE7F;
	vm0 =	vnez.u8 v1  }
0x46f: {  	s30 =	sadd.s32 $0x1, s30;
	s1 =	simm.s32 $0x10;
	s2 =	simm.s32 $0x1A9F0;
	[tilespmem:s29+$0x70] =	vst v20;
	v17 =	vmin.u32 v4, $0x1F;
	v2 =	vmin.u32 v6, $0x1F;
	v11 =	vld.idx.msk [tilespmem:v0+s19+$0x0], $0xffff;
	vm0 =	vmmov vm0  }
.LBB2_15:
0x470: {  	v0 =	vmov v33  }
0x471: {  	v27 =	vsel vm0, v45, v27;
	vm0 =	vmmov vm10;
	[tilespmem:$0x1F8A0] =	vst v0;
	v0 =	vimm.s32 $0x0  }
0x472: {  	v0 =	vsel vm0, $0xFFFFFFFF, v0  }
0x473: {  	vm0 =	vmmov vm11;
	[tilespmem:$0x1F8B0] =	vst v0;
	v0 =	vimm.s32 $0x0  }
0x474: {  	v0 =	vsel vm0, $0xFFFFFFFF, v0  }
0x475: {  	vm0 =	vmmov vm13;
	[tilespmem:$0x1F8E0] =	vst v0;
	v0 =	vimm.s32 $0x0  }
0x476: {  	v0 =	vsel vm0, $0xFFFFFFFF, v0  }
0x477: {  	vm0 =	vmmov vm4;
	[tilespmem:$0x1F900] =	vst v0;
	v0 =	vimm.s32 $0x0  }
0x478: {  	v0 =	vsel vm0, $0xFFFFFFFF, v0  }
0x479: {  	vm0 =	vmmov vm15;
	[tilespmem:$0x1F910] =	vst v0;
	v0 =	vimm.s32 $0x0  }
0x47a: {  	v0 =	vsel vm0, $0xFFFFFFFF, v0  }
0x47b: {  	vm0 =	vmmov vm5;
	[tilespmem:$0x1FA20] =	vst v0;
	v0 =	vimm.s32 $0x0  }
0x47c: {  	v0 =	vsel vm0, $0xFFFFFFFF, v0  }
0x47d: {  	[tilespmem:$0x1FA40] =	vst v0;
	v0 =	vld [tilespmem:$0x1FA70];
	_ =	sdelay $0x1  }
0x47e: {  	v39 =	vld [tilespmem:s2+$0x0];
	_ =	sdelay $0x1  }
0x47f: {  	v6 =	vsel vm12, v8, v5;
	v5 =	vmov v25  }
0x480: {  	v29 =	vsel vm1, v48, v29;
	v8 =	vsel vm9, v10, v7;
	[tilespmem:$0x1FA10] =	vst v5;
	v5 =	vld [tilespmem:s2+$0xFFFFFF20];
	vm1 =	vnez.u8 v0  }
0x481: {  	v10 =	vsel vm8, v12, v9;
	v0 =	vimm.s32 $0x0;
	vm0 =	vmmov vm1  }
0x482: {  	v18 =	vsel vm6, v21, v6;
	v14 =	vadd.s32 $0xFFFF3800, v39;
	v0 =	vsel vm0, $0xFFFFFFFF, v0  }
0x483: {  	v21 =	vsel vm14, v47, v10;
	vm0 =	vmmov vm3;
	[tilespmem:$0x1F9E0] =	vst v0;
	v0 =	vimm.s32 $0x0  }
0x484: {  	[tilespmem:$0x1F8C0] =	vst v11;
	v6 =	vld [tilespmem:s2+$0xFFFFFF30];
	v20 =	vadd.s32 $0xFFFE7980, v39;
	v0 =	vsel vm0, $0xFFFFFFFF, v0;
	vm0 =	vgt.s32 v14, $0x0  }
0x485: {  	v10 =	vld [tilespmem:s2+$0xFFFFFF70];
	[tilespmem:s29+$0xFFFFFFE0] =	vst v22;
	v11 =	vadd.s32 $0xFFFF3800, v5;
	v22 =	vnsel vm0, $0x0, v14;
	vm0 =	vgt.s32 v20, $0x0  }
0x486: {  	[tilespmem:$0x1F950] =	vst v0;
	v0 =	vimm.s32 $0x0;
	v20 =	vnsel vm0, $0x0, v20;
	vm0 =	vgt.s32 v11, $0x0  }
0x487: {  	v25 =	vadd.s32 $0xFFFE7980, v5;
	v0 =	vsel vm0, $0xFFFFFFFF, v0  }
0x488: {  	v7 =	vld [tilespmem:s2+$0xFFFFFF40];
	vm0 =	vgt.s32 v25, $0x0;
	[tilespmem:$0x1F7D0] =	vst v0;
	v0 =	vimm.s32 $0x0  }
0x489: {  	[tilespmem:s29+$0xFFFFFF80] =	vst v42;
	v4 =	vmov v30;
	v30 =	vadd.s32 $0xFFFF3800, v6;
	v0 =	vsel vm0, $0xFFFFFFFF, v0  }
0x48a: {  	vm0 =	vgt.s32 v30, $0x0;
	[tilespmem:$0x1F7E0] =	vst v0;
	v0 =	vimm.s32 $0x0  }
0x48b: {  	[tilespmem:s29+$0xFFFFFFB0] =	vst v38;
	v33 =	vadd.s32 $0xFFFE7980, v6;
	v0 =	vsel vm0, $0xFFFFFFFF, v0  }
0x48c: {  	v16 =	vsel vm2, v16, v8;
	v8 =	vld [tilespmem:s2+$0xFFFFFF50];
	vm0 =	vgt.s32 v33, $0x0;
	[tilespmem:$0x1F7F0] =	vst v0;
	v0 =	vimm.s32 $0x0  }
0x48d: {  	v43 =	vadd.s32 $0xFFFF3800, v7;
	v14 =	vld [tilespmem:s2+$0xFFFFFF90];
	[tilespmem:s29+$0x0] =	vst v18;
	v0 =	vsel vm0, $0xFFFFFFFF, v0  }
0x48e: {  	vm0 =	vgt.s32 v43, $0x0;
	[tilespmem:$0x1F800] =	vst v0;
	v0 =	vimm.s32 $0x0  }
0x48f: {  	v18 =	vld [tilespmem:s2+$0xFFFFFFA0];
	[tilespmem:s29+$0x10] =	vst v16;
	v16 =	vadd.s32 $0xFFFE7980, v7;
	v0 =	vsel vm0, $0xFFFFFFFF, v0  }
0x490: {  	v9 =	vld [tilespmem:s2+$0xFFFFFF60];
	vm0 =	vgt.s32 v16, $0x0;
	[tilespmem:$0x1F810] =	vst v0;
	v0 =	vimm.s32 $0x0  }
0x491: {  	[tilespmem:s29+$0xFFFFFFD0] =	vst v35;
	v45 =	vadd.s32 $0xFFFF3800, v8;
	v0 =	vsel vm0, $0xFFFFFFFF, v0  }
0x492: {  	vm0 =	vgt.s32 v45, $0x0;
	[tilespmem:$0x1F820] =	vst v0;
	v0 =	vimm.s32 $0x0  }
0x493: {  	v12 =	vld [tilespmem:s2+$0xFFFFFF80];
	[tilespmem:s29+$0xFFFFFFF0] =	vst v34;
	v46 =	vadd.s32 $0xFFFE7980, v8;
	v0 =	vsel vm0, $0xFFFFFFFF, v0  }
0x494: {  	vm0 =	vgt.s32 v46, $0x0;
	[tilespmem:$0x1F830] =	vst v0;
	v0 =	vimm.s32 $0x0  }
0x495: {  	v42 =	vmin.u32 v20, $0x1F;
	v20 =	vld [tilespmem:s2+$0xFFFFFFB0];
	[tilespmem:s29+$0x20] =	vst v21;
	v21 =	vadd.s32 $0xFFFF3800, v9;
	v0 =	vsel vm0, $0xFFFFFFFF, v0  }
0x496: {  	vm0 =	vgt.s32 v21, $0x0;
	[tilespmem:$0x1F840] =	vst v0;
	v0 =	vimm.s32 $0x0  }
0x497: {  	[tilespmem:s29+$0xFFFFFF90] =	vst v37;
	v49 =	vadd.s32 $0xFFFE7980, v9;
	v0 =	vsel vm0, $0xFFFFFFFF, v0  }
0x498: {  	vm0 =	vgt.s32 v49, $0x0;
	[tilespmem:$0x1F850] =	vst v0;
	v0 =	vimm.s32 $0x0  }
0x499: {  	v1 =	vmov v31;
	v31 =	vmin.u32 v22, $0xBE7F;
	v22 =	vld [tilespmem:s2+$0xFFFFFFC0];
	[tilespmem:s8+$0x30] =	vst v24;
	v0 =	vsel vm0, $0xFFFFFFFF, v0  }
0x49a: {  	[tilespmem:$0x1F860] =	vst v0;
	v0 =	vld.idx.msk [tilespmem:v28+s20+$0x0], $0xffff  }
0x49b: {  	[tilespmem:s29+$0xFFFFFFA0] =	vst v40  }
0x49c: {  	[tilespmem:s29+$0xFFFFFFC0] =	vst v36  }
0x49d: {  	[tilespmem:s8+$0x50] =	vst v27;
	v24 =	vld [tilespmem:s2+$0xFFFFFFD0]  }
0x49e: {  	[tilespmem:s8+$0x40] =	vst v32;
	v31 =	vld.idx.msk [tilespmem:v31+s19+$0x0], $0xffff  }
0x49f: {  	[tilespmem:$0x1F8D0] =	vst v0;
	v0 =	vld.idx.msk [tilespmem:v26+s19+$0x0], $0xffff  }
0x4a0: {  	[tilespmem:s8+$0x60] =	vst v29;
	s8 =	smov.u32 s29;
	s29 =	sadd.s32 $0x100, s29;
	v47 =	vld.idx.msk [tilespmem:v42+s20+$0x0], $0xffff  }
0x4a1: {  	v48 =	vld [tilespmem:s29+$0x70];
	_ =	sdelay $0x1  }
0x4a2: {  	v52 =	vadd.s32 $0xFFFF3800, v12;
	v50 =	vadd.s32 $0xFFFF3800, v10;
	v51 =	vadd.s32 $0xFFFE7980, v10  }
0x4a3: {  	vm1 =	vgt.s32 v50, $0x0;
	vm0 =	vgt.s32 v39, $0x1867F;
	[tilespmem:$0x1F8F0] =	vst v0;
	v0 =	vimm.s32 $0x0  }
0x4a4: {  	v31 =	vsel vm0, v47, v31;
	vm0 =	vlt.s32 v39, $0xC800;
	v0 =	vsel vm1, $0xFFFFFFFF, v0  }
0x4a5: {  	v31 =	vsel vm0, v48, v31;
	vm0 =	vgt.s32 v51, $0x0;
	[tilespmem:$0x1F870] =	vst v0;
	v0 =	vimm.s32 $0x0  }
0x4a6: {  	[tilespmem:$0x1F930] =	vst v1;
	v1 =	vimm.s32 $0x0;
	v0 =	vsel vm0, $0xFFFFFFFF, v0;
	vm0 =	vgt.s32 v52, $0x0  }
0x4a7: {  	v1 =	vsel vm0, $0xFFFFFFFF, v1  }
0x4a8: {  	[tilespmem:$0x1F890] =	vst v1;
	v1 =	vld [tilespmem:s29+$0xFFFFFF80];
	_ =	sdelay $0x4  }
0x4a9: {  	[tilespmem:$0x1F920] =	vst v1;
	v1 =	vld [tilespmem:s29+$0xFFFFFFA0];
	_ =	sdelay $0x2  }
0x4aa: {  	v35 =	vld [tilespmem:s2+$0xFFFFFF10];
	_ =	sdelay $0x1  }
0x4ab: {  	[tilespmem:$0x1F960] =	vst v1;
	v1 =	vld [tilespmem:$0x1F7D0];
	_ =	sdelay $0x2  }
0x4ac: {  	[tilespmem:s29+$0x70] =	vst v31;
	v31 =	vadd.s32 $0xFFFE7980, v35  }
0x4ad: {  	vm0 =	vgt.s32 v31, $0x0  }
0x4ae: {  	v15 =	vnsel vm0, $0x0, v31;
	vm0 =	vnez.u8 v1;
	v1 =	vld [tilespmem:$0x1F7E0];
	_ =	sdelay $0x3  }
0x4af: {  	v27 =	vld.idx.msk [tilespmem:v17+s20+$0x0], $0xffff  }
0x4b0: {  	v17 =	vnsel vm0, $0x0, v11;
	vm0 =	vnez.u8 v1;
	v1 =	vld [tilespmem:s29+$0xFFFFFFC0];
	_ =	sdelay $0x4  }
0x4b1: {  	[tilespmem:$0x1F990] =	vst v1;
	v1 =	vld [tilespmem:$0x1F7F0];
	_ =	sdelay $0x2  }
0x4b2: {  	v42 =	vld.idx.msk [tilespmem:v19+s19+$0x0], $0xffff;
	v19 =	vadd.s32 $0xFFFF3800, v35  }
0x4b3: {  	vm6 =	vgt.s32 v19, $0x0  }
0x4b4: {  	v13 =	vnsel vm6, $0x0, v19;
	v19 =	vnsel vm0, $0x0, v25;
	vm0 =	vnez.u8 v1;
	v1 =	vld [tilespmem:$0x1F800]  }
0x4b5: {  	[tilespmem:$0x1FA30] =	vst v4;
	v4 =	vld [tilespmem:s29+$0xFFFFFFD0];
	_ =	sdelay $0x2  }
0x4b6: {  	v29 =	vld.idx.msk [tilespmem:v2+s20+$0x0], $0xffff  }
0x4b7: {  	v2 =	vnsel vm0, $0x0, v30;
	vm0 =	vnez.u8 v1;
	v1 =	vld [tilespmem:$0x1F810]  }
0x4b8: {  	[tilespmem:$0x1F9B0] =	vst v4;
	v4 =	vld [tilespmem:$0x1F820]  }
0x4b9: {  	v11 =	vld [tilespmem:$0x1F830];
	_ =	sdelay $0x2  }
0x4ba: {  	v36 =	vld.idx.msk [tilespmem:v3+s19+$0x0], $0xffff;
	v3 =	vnsel vm0, $0x0, v33;
	vm0 =	vnez.u8 v1  }
0x4bb: {  	v1 =	vnsel vm0, $0x0, v43;
	vm0 =	vnez.u8 v4  }
0x4bc: {  	v4 =	vnsel vm0, $0x0, v16;
	vm0 =	vnez.u8 v11;
	v11 =	vld [tilespmem:$0x1F840];
	_ =	sdelay $0x4  }
0x4bd: {  	v41 =	vnsel vm0, $0x0, v45;
	vm0 =	vnez.u8 v11;
	v11 =	vld [tilespmem:s29+$0xFFFFFFE0];
	_ =	sdelay $0x2  }
0x4be: {  	v34 =	vld [tilespmem:s2+$0xFFFFFFF0];
	_ =	sdelay $0x1  }
0x4bf: {  	[tilespmem:$0x1F9D0] =	vst v11;
	v11 =	vld [tilespmem:$0x1F850];
	_ =	sdelay $0x1  }
0x4c0: {  	v13 =	vmin.u32 v13, $0xBE7F  }
0x4c1: {  	v40 =	vld.idx.msk [tilespmem:v23+s20+$0x0], $0xffff;
	v23 =	vadd.s32 $0xFFFF3800, v34;
	v15 =	vmin.u32 v15, $0x1F  }
0x4c2: {  	v32 =	vld [tilespmem:s2+$0xFFFFFFE0];
	vm12 =	vgt.s32 v23, $0x0;
	v17 =	vmin.u32 v17, $0xBE7F  }
0x4c3: {  	v57 =	vadd.s32 $0xFFFE7980, v18;
	v46 =	vnsel vm0, $0x0, v46;
	vm0 =	vnez.u8 v11;
	v11 =	vld [tilespmem:$0x1F860]  }
0x4c4: {  	v61 =	vadd.s32 $0xFFFE7980, v22;
	v62 =	vadd.s32 $0xFFFF3800, v24;
	v63 =	vadd.s32 $0xFFFE7980, v24;
	v16 =	vld [tilespmem:s29+$0xFFFFFFF0]  }
0x4c5: {  	vm7 =	vgt.s32 v57, $0x0;
	vm4 =	vgt.s32 v61, $0x0;
	v47 =	vld.idx.msk [tilespmem:v13+s19+$0x0], $0xffff;
	v19 =	vmin.u32 v19, $0x1F  }
0x4c6: {  	vm9 =	vgt.s32 v62, $0x0;
	vm5 =	vgt.s32 v63, $0x0;
	v57 =	vnsel vm7, $0x0, v57;
	v48 =	vld.idx.msk [tilespmem:v15+s20+$0x0], $0xffff  }
0x4c7: {  	vm7 =	vgt.s32 v6, $0x1867F;
	v61 =	vnsel vm4, $0x0, v61;
	v13 =	vld.idx.msk [tilespmem:v17+s19+$0x0], $0xffff;
	v2 =	vmin.u32 v2, $0xBE7F  }
0x4c8: {  	[tilespmem:$0x1F880] =	vst v0;
	v3 =	vmin.u32 v3, $0x1F;
	v44 =	vnsel vm0, $0x0, v21;
	vm0 =	vnez.u8 v11;
	v11 =	vld [tilespmem:$0x1F870]  }
0x4c9: {  	v62 =	vnsel vm9, $0x0, v62;
	v28 =	vadd.s32 $0xFFFF3800, v32;
	v0 =	vadd.s32 $0xFFFE7980, v34;
	[tilespmem:$0x1FA00] =	vst v16;
	v16 =	vld [tilespmem:$0x1F880]  }
0x4ca: {  	v63 =	vnsel vm5, $0x0, v63;
	vm10 =	vgt.s32 v28, $0x0;
	vm6 =	vgt.s32 v0, $0x0;
	v15 =	vld.idx.msk [tilespmem:v19+s20+$0x0], $0xffff  }
0x4cb: {  	v26 =	vadd.s32 $0xFFFE7980, v32;
	v0 =	vnsel vm6, $0x0, v0;
	v43 =	vnsel vm10, $0x0, v28  }
0x4cc: {  	v28 =	vmin.u32 v61, $0x1F;
	v61 =	vld.idx.msk [tilespmem:v2+s19+$0x0], $0xffff;
	v1 =	vmin.u32 v1, $0xBE7F;
	v19 =	vmin.u32 v43, $0xBE7F  }
0x4cd: {  	v43 =	vld.idx.msk [tilespmem:v3+s20+$0x0], $0xffff;
	v4 =	vmin.u32 v4, $0x1F;
	v49 =	vnsel vm0, $0x0, v49;
	vm0 =	vnez.u8 v11  }
0x4ce: {  	vm6 =	vgt.s32 v5, $0x1867F;
	v11 =	vnsel vm0, $0x0, v50;
	vm0 =	vnez.u8 v16;
	v16 =	vld [tilespmem:$0x1F890]  }
0x4cf: {  	vm11 =	vgt.s32 v26, $0x0;
	v13 =	vsel vm6, v15, v13;
	v2 =	vmin.u32 v0, $0x1F  }
0x4d0: {  	v45 =	vnsel vm11, $0x0, v26;
	v26 =	vmin.u32 v62, $0xBE7F;
	v62 =	vimm.s32 $0x0  }
0x4d1: {  	v41 =	vmin.u32 v41, $0xBE7F;
	v17 =	vmin.u32 v45, $0x1F;
	v45 =	vimm.s32 $0x0;
	v0 =	vld.idx.msk [tilespmem:v1+s19+$0x0], $0xffff  }
0x4d2: {  	v15 =	vsel vm7, v43, v61;
	v1 =	vld.idx.msk [tilespmem:v4+s20+$0x0], $0xffff;
	v4 =	vimm.s32 $0x0;
	v49 =	vmin.u32 v49, $0x1F  }
0x4d3: {  	v50 =	vnsel vm12, $0x0, v23;
	v51 =	vnsel vm0, $0x0, v51;
	vm0 =	vnez.u8 v16  }
0x4d4: {  	v23 =	vmin.u32 v63, $0x1F;
	v52 =	vnsel vm0, $0x0, v52;
	vm0 =	vgt.s32 v10, $0x1867F  }
0x4d5: {  	v38 =	vld [tilespmem:s29+$0xFFFFFFB0];
	v63 =	vimm.s32 $0x0;
	v4 =	vsel vm0, $0xFFFFFFFF, v4;
	vm0 =	vgt.s32 v12, $0x1867F  }
0x4d6: {  	v3 =	vmin.u32 v50, $0xBE7F;
	[tilespmem:$0x1F940] =	vst v4;
	v4 =	vld.idx.msk [tilespmem:v41+s19+$0x0], $0xffff;
	v41 =	vsel vm0, $0xFFFFFFFF, v63;
	vm0 =	vgt.s32 v14, $0x1867F  }
0x4d7: {  	v61 =	vld [tilespmem:$0x1F8B0];
	v50 =	vimm.s32 $0x0;
	[tilespmem:$0x1F9F0] =	vst v41;
	v41 =	vsel vm0, $0xFFFFFFFF, v45;
	vm0 =	vgt.s32 v20, $0x1867F  }
0x4d8: {  	v46 =	vmin.u32 v46, $0x1F;
	v43 =	vld.idx.msk [tilespmem:v49+s20+$0x0], $0xffff;
	v45 =	vsel vm0, $0xFFFFFFFF, v50;
	vm0 =	vgt.s32 v22, $0x1867F  }
0x4d9: {  	v49 =	vld [tilespmem:$0x1F8E0];
	v63 =	vimm.s32 $0x0;
	[tilespmem:$0x1FA50] =	vst v45;
	v45 =	vsel vm0, $0xFFFFFFFF, v62;
	vm0 =	vgt.s32 v24, $0x1867F  }
0x4da: {  	vm5 =	vgt.s32 v7, $0x1867F;
	v62 =	vld [tilespmem:$0x1F8C0];
	[tilespmem:$0x1F970] =	vst v45;
	v45 =	vsel vm0, $0xFFFFFFFF, v63  }
0x4db: {  	vm11 =	vlt.s32 v7, $0xC800;
	v0 =	vsel vm5, v1, v0;
	v63 =	vld [tilespmem:$0x1F8D0];
	[tilespmem:$0x1F980] =	vst v45  }
0x4dc: {  	v38 =	vsel vm11, v38, v0;
	v0 =	vld [tilespmem:$0x1F980]  }
0x4dd: {  	[tilespmem:$0x1F9A0] =	vst v41;
	v41 =	vld.idx.msk [tilespmem:v46+s20+$0x0], $0xffff;
	v50 =	vimm.s32 $0x0;
	vm0 =	vgt.s32 v32, $0x1867F  }
0x4de: {  	v46 =	vsel vm0, $0xFFFFFFFF, v50;
	v50 =	vld [tilespmem:$0x1F8F0]  }
0x4df: {  	vm0 =	vnez.u8 v61;
	v61 =	vld [tilespmem:$0x1F900]  }
0x4e0: {  	v59 =	vadd.s32 $0xFFFE7980, v20;
	[tilespmem:$0x1F9C0] =	vst v46;
	v46 =	vsel vm0, v63, v62;
	v62 =	vld [tilespmem:$0x1F910]  }
0x4e1: {  	vm2 =	vgt.s32 v59, $0x0;
	vm11 =	vnez.u8 v0;
	v0 =	vld [tilespmem:$0x1F990]  }
0x4e2: {  	vm4 =	vgt.s32 v35, $0x1867F;
	v59 =	vnsel vm2, $0x0, v59;
	v44 =	vmin.u32 v44, $0xBE7F  }
0x4e3: {  	vm2 =	vgt.s32 v8, $0x1867F;
	vm12 =	vlt.s32 v8, $0xC800;
	vm0 =	vnez.u8 v49  }
0x4e4: {  	v45 =	vsel vm4, v48, v47;
	v47 =	vsel vm0, v40, v50;
	vm0 =	vnez.u8 v61  }
0x4e5: {  	v4 =	vsel vm2, v41, v4;
	v27 =	vsel vm0, v27, v42;
	vm0 =	vnez.u8 v62  }
0x4e6: {  	v29 =	vsel vm0, v29, v36;
	v36 =	vsel vm12, v0, v4;
	v0 =	vld [tilespmem:$0x1F9A0]  }
0x4e7: {  	v44 =	vld.idx.msk [tilespmem:v44+s19+$0x0], $0xffff  }
0x4e8: {  	v55 =	vadd.s32 $0xFFFE7980, v14;
	v60 =	vadd.s32 $0xFFFF3800, v22  }
0x4e9: {  	v53 =	vadd.s32 $0xFFFE7980, v12;
	vm13 =	vgt.s32 v55, $0x0;
	vm3 =	vgt.s32 v60, $0x0  }
0x4ea: {  	v55 =	vnsel vm13, $0x0, v55;
	vm13 =	vlt.s32 v9, $0xC800;
	v60 =	vnsel vm3, $0x0, v60  }
0x4eb: {  	vm3 =	vgt.s32 v9, $0x1867F;
	v9 =	vimm.s32 $0x0;
	vm12 =	vnez.u8 v0;
	v0 =	vld [tilespmem:$0x1F9B0]  }
0x4ec: {  	vm7 =	vlt.s32 v12, $0xC800;
	v12 =	vsel vm3, v43, v44;
	vm3 =	vlt.s32 v32, $0xC800  }
0x4ed: {  	v11 =	vmin.u32 v11, $0xBE7F;
	v9 =	vsel vm3, $0xFFFFFFFF, v9  }
0x4ee: {  	v56 =	vadd.s32 $0xFFFF3800, v18;
	[tilespmem:$0x1FA70] =	vst v9;
	v9 =	vld [tilespmem:$0x1F920]  }
0x4ef: {  	vm8 =	vgt.s32 v56, $0x0;
	v51 =	vmin.u32 v51, $0x1F  }
0x4f0: {  	v56 =	vnsel vm8, $0x0, v56;
	vm8 =	vlt.s32 v35, $0xC800;
	v35 =	vsel vm13, v0, v12;
	v0 =	vld [tilespmem:$0x1F9C0]  }
0x4f1: {  	v37 =	vld [tilespmem:s29+$0xFFFFFF90]  }
0x4f2: {  	v11 =	vld.idx.msk [tilespmem:v11+s19+$0x0], $0xffff  }
0x4f3: {  	v54 =	vadd.s32 $0xFFFF3800, v14;
	v42 =	vsel vm8, v9, v45;
	v9 =	vld [tilespmem:$0x1F940]  }
0x4f4: {  	vm15 =	vgt.s32 v54, $0x0;
	v1 =	vld.idx.msk [tilespmem:v51+s20+$0x0], $0xffff  }
0x4f5: {  	v58 =	vadd.s32 $0xFFFF3800, v20;
	v54 =	vnsel vm15, $0x0, v54;
	vm13 =	vnez.u8 v0;
	v0 =	vld [tilespmem:$0x1F9D0]  }
0x4f6: {  	vm14 =	vgt.s32 v53, $0x0;
	v54 =	vmin.u32 v54, $0xBE7F;
	vm1 =	vgt.s32 v58, $0x0  }
0x4f7: {  	vm9 =	vlt.s32 v5, $0xC800;
	v58 =	vnsel vm1, $0x0, v58;
	vm1 =	vgt.s32 v18, $0x1867F  }
0x4f8: {  	v37 =	vsel vm9, v37, v13;
	vm9 =	vmmov vm1;
	vm1 =	vnez.u8 v9  }
0x4f9: {  	v52 =	vmin.u32 v52, $0xBE7F;
	vm0 =	vlt.s32 v10, $0xC800;
	v1 =	vsel vm1, v1, v11  }
0x4fa: {  	v53 =	vnsel vm14, $0x0, v53;
	vm15 =	vlt.s32 v22, $0xC800;
	v22 =	vsel vm0, v0, v1;
	v0 =	vld [tilespmem:$0x1F9E0]  }
0x4fb: {  	v53 =	vmin.u32 v53, $0x1F;
	v39 =	vld [tilespmem:s29+$0x20]  }
0x4fc: {  	v31 =	vld [tilespmem:s29+$0x50]  }
0x4fd: {  	v5 =	vld.idx.msk [tilespmem:v54+s19+$0x0], $0xffff  }
0x4fe: {  	vm10 =	vlt.s32 v6, $0xC800;
	v6 =	vld.idx.msk [tilespmem:v52+s19+$0x0], $0xffff  }
0x4ff: {  	vm0 =	vnez.u8 v0;
	v0 =	vld [tilespmem:$0x1F9F0]  }
0x500: {  	v63 =	vld.idx.msk [tilespmem:v53+s20+$0x0], $0xffff  }
0x501: {  	v1 =	vld [tilespmem:$0x1FA00]  }
0x502: {  	v25 =	vld [tilespmem:s29+$0x30]  }
0x503: {  	v56 =	vmin.u32 v56, $0xBE7F;
	v30 =	vld [tilespmem:s29+$0x40]  }
0x504: {  	v33 =	vld [tilespmem:s29+$0x60];
	vm8 =	vnez.u8 v0  }
0x505: {  	v9 =	vld [tilespmem:$0x1F950];
	v0 =	vsel vm8, v63, v6  }
0x506: {  	vm3 =	vlt.s32 v34, $0xC800;
	vm4 =	vgt.s32 v34, $0x1867F;
	v34 =	vsel vm7, v1, v0;
	v1 =	vld [tilespmem:$0x1FA20]  }
0x507: {  	v0 =	vld [tilespmem:$0x1FA10]  }
0x508: {  	v55 =	vmin.u32 v55, $0x1F;
	v7 =	vld.idx.msk [tilespmem:v56+s19+$0x0], $0xffff  }
0x509: {  	v21 =	vld [tilespmem:s29+$0x0]  }
0x50a: {  	vm1 =	vnez.u8 v9;
	v9 =	vld [tilespmem:$0x1F960]  }
0x50b: {  	vm8 =	vnez.u8 v1;
	v1 =	vld [tilespmem:$0x1FA40]  }
0x50c: {  	vm5 =	vlt.s32 v24, $0xC800;
	v24 =	vsel vm8, v0, v46;
	v0 =	vld [tilespmem:$0x1FA30]  }
0x50d: {  	v8 =	vld.idx.msk [tilespmem:v55+s20+$0x0], $0xffff  }
0x50e: {  	v57 =	vmin.u32 v57, $0x1F;
	v16 =	vld [tilespmem:s29+$0x10]  }
0x50f: {  	v60 =	vmin.u32 v60, $0xBE7F;
	v48 =	vld [tilespmem:$0x1F8A0]  }
0x510: {  	s1 =	sadd.s32 $0x10, s1;
	v59 =	vmin.u32 v59, $0x1F;
	v40 =	vsel vm10, v9, v15;
	v9 =	vld [tilespmem:$0x1F970];
	vm8 =	vnez.u8 v1  }
0x511: {  	p1 =	slt.u32 s1, $0xF0;
	v58 =	vmin.u32 v58, $0xBE7F;
	v32 =	vsel vm8, v0, v47;
	v0 =	vld [tilespmem:$0x1FA50]  }
.Ltmp6:
0x512: {  	v45 =	vld [tilespmem:$0x1F930];
	(pc) =	sbr.rel @p1 .LBB2_15-.Ltmp6, $4  }
0x513: {  	v10 =	vld.idx.msk [tilespmem:v57+s20+$0x0], $0xffff  }
0x514: {  	v11 =	vld.idx.msk [tilespmem:v60+s19+$0x0], $0xffff  }
0x515: {  	vm14 =	vlt.s32 v20, $0xC800;
	vm6 =	vlt.s32 v14, $0xC800;
	v12 =	vld.idx.msk [tilespmem:v59+s20+$0x0], $0xffff  }
0x516: {  	s2 =	sadd.s32 $0x100, s2;
	vm2 =	vlt.s32 v18, $0xC800;
	vm10 =	vnez.u8 v9;
	v9 =	vld.idx.msk [tilespmem:v58+s19+$0x0], $0xffff;
	v47 =	vmovc v39;
	vm8 =	vnez.u8 v0  }
0x517: {  	[tilespmem:s29+$0xFFFFFF80] =	vst v42  }
0x518: {  	[tilespmem:s29+$0xFFFFFF90] =	vst v37  }
0x519: {  	[tilespmem:s29+$0xFFFFFFA0] =	vst v40  }
0x51a: {  	[tilespmem:s29+$0xFFFFFFB0] =	vst v38  }
0x51b: {  	[tilespmem:s29+$0xFFFFFFC0] =	vst v36  }
0x51c: {  	[tilespmem:s29+$0xFFFFFFD0] =	vst v35  }
0x51d: {  	[tilespmem:s29+$0xFFFFFFE0] =	vst v22  }
0x51e: {  	[tilespmem:s29+$0xFFFFFFF0] =	vst v34  }
0x51f: {  	[tilespmem:s8+$0x30] =	vst v24  }
0x520: {  	v1 =	vsel vm12, v8, v5;
	v4 =	vld.idx.msk [tilespmem:v26+s19+$0x0], $0xffff;
	v8 =	vsel vm1, v48, v29;
	[tilespmem:s8+$0x40] =	vst v32  }
0x521: {  	v6 =	vld.idx.msk [tilespmem:v23+s20+$0x0], $0xffff;
	v1 =	vsel vm6, v21, v1;
	v5 =	vsel vm9, v10, v7;
	[tilespmem:s8+$0x60] =	vst v8  }
0x522: {  	v0 =	vld.idx.msk [tilespmem:v28+s20+$0x0], $0xffff;
	v5 =	vsel vm2, v16, v5;
	[tilespmem:s29+$0x0] =	vst v1;
	v7 =	vsel vm8, v12, v9  }
0x523: {  	v3 =	vld.idx.msk [tilespmem:v3+s19+$0x0], $0xffff;
	[tilespmem:s29+$0x10] =	vst v5;
	v7 =	vsel vm14, v47, v7  }
0x524: {  	v2 =	vld.idx.msk [tilespmem:v2+s20+$0x0], $0xffff;
	[tilespmem:s29+$0x20] =	vst v7;
	v7 =	vsel vm0, v45, v27  }
0x525: {  	vm1 =	vmmov vm11;
	v1 =	vld.idx.msk [tilespmem:v19+s19+$0x0], $0xffff;
	[tilespmem:s8+$0x50] =	vst v7  }
0x526: {  	v4 =	vsel vm1, v6, v4;
	v6 =	vld [tilespmem:$0x1FA70]  }
0x527: {  	v5 =	vld.idx.msk [tilespmem:v17+s20+$0x0], $0xffff  }
0x528: {  	vm4 =	vmmov vm4;
	vm0 =	vmmov vm10  }
0x529: {  	vm6 =	vmmov vm15;
	v0 =	vsel vm0, v0, v11;
	vm0 =	vmmov vm5  }
0x52a: {  	vm2 =	vmmov vm13;
	v0 =	vsel vm6, v25, v0;
	v4 =	vsel vm0, v30, v4  }
0x52b: {  	vm0 =	vmmov vm3;
	[tilespmem:s29+$0x30] =	vst v0;
	v0 =	vsel vm4, v2, v3;
	vm1 =	vnez.u8 v6  }
0x52c: {  	v1 =	vsel vm2, v5, v1;
	[tilespmem:s29+$0x40] =	vst v4;
	v0 =	vsel vm0, v33, v0;
	vm1 =	vmmov vm1  }
0x52d: {  	[tilespmem:s29+$0x60] =	vst v0;
	v1 =	vsel vm1, v31, v1  }
0x52e: {  	s1 =	simm.s32 $0x1B7F0;
	[tilespmem:s29+$0x50] =	vst v1  }
0x52f: {  	[hbm4b:s15+s16] =	stream.strided.scatter [tilespmem:s24], [sflag:$0x5], $0x1000, s17, s16, $0x38;
	[tilespmem:$0x1E700] =	vst v63  }
0x530: {  	v2 =	vld [tilespmem:s1+$0x0]  }
0x531: {  	v10 =	vld [tilespmem:s1+$0xFFFFFF20]  }
0x532: {  	v8 =	vld [tilespmem:s1+$0xFFFFFF30]  }
0x533: {  	v5 =	vld [tilespmem:s1+$0xFFFFFF40]  }
0x534: {  	v1 =	vld [tilespmem:s1+$0xFFFFFF50]  }
0x535: {  	v3 =	vld [tilespmem:s1+$0xFFFFFF60]  }
0x536: {  	v4 =	vld [tilespmem:s1+$0xFFFFFF70]  }
0x537: {  	v6 =	vld [tilespmem:s1+$0xFFFFFF80]  }
0x538: {  	v7 =	vld [tilespmem:s1+$0xFFFFFF90]  }
0x539: {  	v23 =	vld [tilespmem:s1+$0xFFFFFF10];
	v0 =	vadd.s32 $0xFFFF3800, v2;
	v14 =	vadd.s32 $0xFFFF3800, v10;
	v9 =	vadd.s32 $0xFFFE7980, v2  }
0x53a: {  	v12 =	vld [tilespmem:s1+$0xFFFFFFC0];
	v15 =	vadd.s32 $0xFFFE7980, v10;
	v16 =	vadd.s32 $0xFFFF3800, v8;
	v17 =	vadd.s32 $0xFFFE7980, v8  }
0x53b: {  	v13 =	vld [tilespmem:s1+$0xFFFFFFD0];
	v18 =	vadd.s32 $0xFFFF3800, v5;
	v20 =	vadd.s32 $0xFFFE7980, v5;
	v21 =	vadd.s32 $0xFFFF3800, v1  }
0x53c: {  	v22 =	vadd.s32 $0xFFFE7980, v1;
	v24 =	vadd.s32 $0xFFFF3800, v3;
	v25 =	vadd.s32 $0xFFFE7980, v3  }
0x53d: {  	v26 =	vadd.s32 $0xFFFF3800, v4;
	v27 =	vadd.s32 $0xFFFE7980, v4;
	v28 =	vadd.s32 $0xFFFF3800, v6  }
0x53e: {  	v29 =	vadd.s32 $0xFFFE7980, v6;
	v30 =	vadd.s32 $0xFFFF3800, v7;
	v31 =	vadd.s32 $0xFFFE7980, v7  }
0x53f: {  	v62 =	vadd.s32 $0xFFFF3800, v23;
	v57 =	vadd.s32 $0xFFFE7980, v23;
	v39 =	vadd.s32 $0xFFFF3800, v12  }
0x540: {  	v37 =	vadd.s32 $0xFFFE7980, v12;
	v42 =	vadd.s32 $0xFFFF3800, v13;
	v44 =	vadd.s32 $0xFFFE7980, v13  }
0x541: {  	vm12 =	vgt.s32 v6, $0x1867F;
	vm13 =	vlt.s32 v3, $0xC800;
	vm14 =	vlt.s32 v4, $0xC800  }
0x542: {  	vm15 =	vlt.s32 v6, $0xC800;
	vm0 =	vgt.s32 v0, $0x0;
	vm1 =	vgt.s32 v15, $0x0  }
0x543: {  	vm2 =	vgt.s32 v16, $0x0;
	vm3 =	vgt.s32 v62, $0x0;
	v0 =	vnsel vm0, $0x0, v0  }
0x544: {  	vm4 =	vgt.s32 v17, $0x0;
	vm5 =	vgt.s32 v57, $0x0;
	v0 =	vmin.u32 v0, $0xBE7F  }
0x545: {  	s8 =	simm.s32 $0x1D780;
	vm6 =	vgt.s32 v18, $0x0;
	vm8 =	vgt.s32 v20, $0x0;
	v35 =	vnsel vm3, $0x0, v62  }
0x546: {  	v59 =	vld [tilespmem:s8+$0x70];
	vm0 =	vgt.s32 v9, $0x0;
	v16 =	vnsel vm2, $0x0, v16;
	v35 =	vmin.u32 v35, $0xBE7F  }
0x547: {  	vm9 =	vgt.s32 v21, $0x0;
	v11 =	vnsel vm0, $0x0, v9;
	v9 =	vld [tilespmem:s1+$0xFFFFFFA0];
	v16 =	vmin.u32 v16, $0xBE7F  }
0x548: {  	vm7 =	vgt.s32 v22, $0x0;
	v17 =	vnsel vm4, $0x0, v17;
	v19 =	vmin.u32 v11, $0x1F;
	v11 =	vld [tilespmem:s1+$0xFFFFFFB0]  }
0x549: {  	vm4 =	vgt.s32 v25, $0x0;
	vm0 =	vgt.s32 v14, $0x0;
	v38 =	vld.idx.msk [tilespmem:v0+s19+$0x0], $0xffff;
	v0 =	vnsel vm5, $0x0, v57  }
0x54a: {  	vm2 =	vlt.s32 v2, $0xC800;
	v58 =	vnsel vm0, $0x0, v14;
	v14 =	vld [tilespmem:s1+$0xFFFFFFE0];
	v41 =	vmin.u32 v0, $0x1F  }
0x54b: {  	vm3 =	vgt.s32 v29, $0x0;
	v35 =	vld.idx.msk [tilespmem:v35+s19+$0x0], $0xffff;
	v0 =	vnsel vm1, $0x0, v15;
	v15 =	vmin.u32 v58, $0xBE7F  }
0x54c: {  	v18 =	vnsel vm6, $0x0, v18;
	v20 =	vnsel vm8, $0x0, v20;
	v16 =	vld.idx.msk [tilespmem:v16+s19+$0x0], $0xffff;
	v43 =	vmin.u32 v0, $0x1F  }
0x54d: {  	vm6 =	vgt.s32 v23, $0x1867F;
	vm8 =	vgt.s32 v10, $0x1867F;
	v17 =	vmin.u32 v17, $0x1F;
	v19 =	vld.idx.msk [tilespmem:v19+s20+$0x0], $0xffff  }
0x54e: {  	v21 =	vnsel vm9, $0x0, v21;
	vm9 =	vgt.s32 v31, $0x0;
	v18 =	vmin.u32 v18, $0xBE7F;
	v0 =	vld [tilespmem:s1+$0xFFFFFFF0]  }
0x54f: {  	v20 =	vmin.u32 v20, $0x1F;
	v21 =	vmin.u32 v21, $0xBE7F;
	vm0 =	vgt.s32 v24, $0x0;
	v41 =	vld.idx.msk [tilespmem:v41+s20+$0x0], $0xffff  }
0x550: {  	v53 =	vadd.s32 $0xFFFF3800, v9;
	v33 =	vadd.s32 $0xFFFE7980, v9;
	vm5 =	vgt.s32 v28, $0x0;
	v15 =	vld.idx.msk [tilespmem:v15+s19+$0x0], $0xffff  }
0x551: {  	v34 =	vadd.s32 $0xFFFF3800, v11;
	v63 =	vadd.s32 $0xFFFE7980, v11;
	vm1 =	vgt.s32 v2, $0x1867F;
	v43 =	vld.idx.msk [tilespmem:v43+s20+$0x0], $0xffff  }
0x552: {  	v17 =	vld.idx.msk [tilespmem:v17+s20+$0x0], $0xffff;
	v60 =	vadd.s32 $0xFFFF3800, v14;
	v61 =	vadd.s32 $0xFFFE7980, v14;
	vm10 =	vgt.s32 v53, $0x0  }
0x553: {  	vm11 =	vgt.s32 v33, $0x0;
	v2 =	vimm.s32 $0x0;
	v19 =	vsel vm1, v19, v38  }
0x554: {  	v46 =	vld [tilespmem:s8+$0xFFFFFF80];
	vm1 =	vgt.s32 v26, $0x0;
	v56 =	vsel vm2, v59, v19;
	vm2 =	vgt.s32 v27, $0x0  }
0x555: {  	v47 =	vld [tilespmem:s8+$0xFFFFFF90];
	v19 =	vadd.s32 $0xFFFF3800, v0;
	v62 =	vadd.s32 $0xFFFE7980, v0;
	v35 =	vsel vm6, v41, v35  }
0x556: {  	v48 =	vld [tilespmem:s8+$0xFFFFFFB0];
	vm6 =	vgt.s32 v8, $0x1867F;
	v43 =	vsel vm8, v43, v15;
	v15 =	vnsel vm7, $0x0, v22  }
0x557: {  	v18 =	vld.idx.msk [tilespmem:v18+s19+$0x0], $0xffff;
	v16 =	vsel vm6, v17, v16;
	v22 =	vnsel vm0, $0x0, v24;
	vm0 =	vlt.s32 v23, $0xC800  }
0x558: {  	v20 =	vld.idx.msk [tilespmem:v20+s20+$0x0], $0xffff;
	v24 =	vnsel vm4, $0x0, v25;
	vm7 =	vgt.s32 v30, $0x0;
	v15 =	vmin.u32 v15, $0x1F  }
0x559: {  	v21 =	vld.idx.msk [tilespmem:v21+s19+$0x0], $0xffff;
	vm8 =	vgt.s32 v34, $0x0;
	vm6 =	vgt.s32 v63, $0x0;
	v22 =	vmin.u32 v22, $0xBE7F  }
0x55a: {  	v41 =	vld [tilespmem:s8+$0xFFFFFFA0];
	v25 =	vnsel vm1, $0x0, v26;
	vm4 =	vgt.s32 v39, $0x0;
	v24 =	vmin.u32 v24, $0x1F  }
0x55b: {  	v17 =	vld [tilespmem:s8+$0xFFFFFFC0];
	v26 =	vnsel vm2, $0x0, v27;
	vm2 =	vgt.s32 v37, $0x0;
	v27 =	vnsel vm5, $0x0, v28  }
0x55c: {  	v23 =	vld [tilespmem:s8+$0xFFFFFFD0];
	vm5 =	vgt.s32 v42, $0x0;
	v28 =	vnsel vm3, $0x0, v29;
	vm3 =	vgt.s32 v44, $0x0  }
0x55d: {  	vm1 =	vlt.s32 v10, $0xC800;
	v29 =	vnsel vm7, $0x0, v30;
	v30 =	vnsel vm9, $0x0, v31;
	v15 =	vld.idx.msk [tilespmem:v15+s20+$0x0], $0xffff  }
0x55e: {  	vm7 =	vgt.s32 v5, $0x1867F;
	v2 =	vsel vm1, $0xFFFFFFFF, v2;
	v10 =	vmin.u32 v25, $0xBE7F;
	v22 =	vld.idx.msk [tilespmem:v22+s19+$0x0], $0xffff  }
0x55f: {  	v18 =	vsel vm7, v20, v18;
	vm7 =	vlt.s32 v8, $0xC800;
	v8 =	vmin.u32 v27, $0xBE7F;
	v24 =	vld.idx.msk [tilespmem:v24+s20+$0x0], $0xffff;
	[tilespmem:$0x1F7A0] =	vst v2  }
0x560: {  	v25 =	vnsel vm10, $0x0, v53;
	v28 =	vmin.u32 v28, $0x1F;
	v27 =	vnsel vm11, $0x0, v33;
	v49 =	vld [tilespmem:s8+$0xFFFFFFE0]  }
0x561: {  	v26 =	vmin.u32 v26, $0x1F;
	vm9 =	vgt.s32 v1, $0x1867F;
	v27 =	vmin.u32 v27, $0x1F;
	v50 =	vld [tilespmem:s8+$0xFFFFFFF0]  }
0x562: {  	vm10 =	vgt.s32 v60, $0x0;
	vm1 =	vlt.s32 v7, $0xC800;
	v25 =	vmin.u32 v25, $0xBE7F;
	v51 =	vld [tilespmem:s8+$0x0]  }
0x563: {  	v31 =	vnsel vm10, $0x0, v60;
	vm11 =	vgt.s32 v7, $0x1867F;
	vm10 =	vgt.s32 v9, $0x1867F;
	v20 =	vld [tilespmem:s8+$0x20]  }
0x564: {  	v31 =	vmin.u32 v31, $0xBE7F;
	v2 =	vimm.s32 $0x0;
	v57 =	vld.idx.msk [tilespmem:v8+s19+$0x0], $0xffff;
	v8 =	vnsel vm2, $0x0, v37  }
0x565: {  	v58 =	vld.idx.msk [tilespmem:v28+s20+$0x0], $0xffff;
	v28 =	vnsel vm3, $0x0, v44;
	vm3 =	vgt.s32 v11, $0x1867F;
	vm2 =	vgt.s32 v12, $0x1867F  }
0x566: {  	s29 =	simm.s32 $0x1B8F0;
	v40 =	vmin.u32 v8, $0x1F;
	v52 =	vmin.u32 v28, $0x1F;
	v53 =	vld.idx.msk [tilespmem:v27+s20+$0x0], $0xffff;
	v8 =	vsel vm0, v46, v35  }
0x567: {  	v35 =	vld [tilespmem:s29+$0x0];
	vm0 =	vlt.s32 v1, $0xC800;
	v21 =	vsel vm9, v15, v21;
	vm9 =	vgt.s32 v3, $0x1867F  }
0x568: {  	v1 =	vld [tilespmem:$0x1F7A0];
	v33 =	vsel vm9, v24, v22;
	v22 =	vmin.u32 v29, $0xBE7F;
	vm9 =	vgt.s32 v61, $0x0  }
0x569: {  	v24 =	vnsel vm8, $0x0, v34;
	v29 =	vmin.u32 v30, $0x1F;
	v34 =	vld.idx.msk [tilespmem:v10+s19+$0x0], $0xffff;
	vm8 =	vgt.s32 v19, $0x0  }
0x56a: {  	v10 =	vnsel vm6, $0x0, v63;
	v63 =	vld.idx.msk [tilespmem:v26+s20+$0x0], $0xffff;
	vm6 =	vgt.s32 v62, $0x0;
	v26 =	vnsel vm4, $0x0, v39  }
0x56b: {  	v28 =	vld [tilespmem:s29+$0xFFFFFF20];
	v30 =	vnsel vm5, $0x0, v42;
	vm4 =	vgt.s32 v13, $0x1867F;
	vm5 =	vgt.s32 v14, $0x1867F  }
0x56c: {  	v15 =	vld [tilespmem:s8+$0x10];
	v7 =	vsel vm0, v17, v21;
	vm0 =	vlt.s32 v14, $0xC800;
	v24 =	vmin.u32 v24, $0xBE7F  }
0x56d: {  	v10 =	vmin.u32 v10, $0x1F;
	v19 =	vnsel vm8, $0x0, v19;
	v26 =	vmin.u32 v26, $0xBE7F;
	v59 =	vld.idx.msk [tilespmem:v22+s19+$0x0], $0xffff  }
0x56e: {  	v44 =	vmin.u32 v30, $0xBE7F;
	vm8 =	vnez.u8 v1;
	v2 =	vsel vm0, $0xFFFFFFFF, v2;
	v60 =	vld.idx.msk [tilespmem:v29+s20+$0x0], $0xffff  }
0x56f: {  	v6 =	vadd.s32 $0xFFFE7980, v35;
	v22 =	vnsel vm9, $0x0, v61;
	v61 =	vnsel vm6, $0x0, v62;
	v62 =	vld.idx.msk [tilespmem:v25+s19+$0x0], $0xffff  }
0x570: {  	v46 =	vadd.s32 $0xFFFE7980, v28;
	v29 =	vmin.u32 v19, $0xBE7F;
	vm6 =	vgt.s32 v4, $0x1867F;
	v25 =	vld [tilespmem:s29+$0xFFFFFF50]  }
0x571: {  	vm9 =	vlt.s32 v5, $0xC800;
	v5 =	vsel vm13, v23, v33;
	v4 =	vsel vm12, v58, v57;
	v54 =	vld.idx.msk [tilespmem:v24+s19+$0x0], $0xffff  }
0x572: {  	v19 =	vadd.s32 $0xFFFF3800, v28;
	vm13 =	vgt.s32 v0, $0x1867F;
	v30 =	vmin.u32 v22, $0x1F;
	v55 =	vld.idx.msk [tilespmem:v10+s20+$0x0], $0xffff  }
0x573: {  	v27 =	vmin.u32 v61, $0x1F;
	v32 =	vld.idx.msk [tilespmem:v26+s19+$0x0], $0xffff;
	v10 =	vsel vm8, v47, v43;
	vm8 =	vlt.s32 v9, $0xC800  }
0x574: {  	v26 =	vld [tilespmem:s29+$0xFFFFFF30];
	v1 =	vsel vm6, v63, v34;
	vm6 =	vlt.s32 v11, $0xC800;
	v11 =	vsel vm7, v41, v16  }
0x575: {  	v22 =	vld [tilespmem:s29+$0xFFFFFF40];
	vm7 =	vlt.s32 v12, $0xC800;
	[tilespmem:$0x1F7C0] =	vst v2;
	v2 =	vsel vm14, v49, v1;
	v1 =	vadd.s32 $0xFFFF3800, v35  }
0x576: {  	v9 =	vsel vm9, v48, v18;
	vm9 =	vlt.s32 v13, $0xC800;
	v24 =	vld [tilespmem:s29+$0xFFFFFF60];
	vm12 =	vgt.s32 v1, $0x0  }
0x577: {  	v4 =	vsel vm15, v50, v4;
	v33 =	vld [tilespmem:s29+$0xFFFFFF10];
	v12 =	vnsel vm12, $0x0, v1;
	vm12 =	vgt.s32 v6, $0x0  }
0x578: {  	v40 =	vld.idx.msk [tilespmem:v40+s20+$0x0], $0xffff;
	v13 =	vsel vm11, v60, v59;
	v14 =	vmin.u32 v12, $0xBE7F;
	v12 =	vnsel vm12, $0x0, v6  }
0x579: {  	v17 =	vld [tilespmem:s29+$0xFFFFFFC0];
	v63 =	vsel vm10, v53, v62;
	vm12 =	vmmov vm2;
	vm11 =	vmmov vm4  }
0x57a: {  	v23 =	vld [tilespmem:s29+$0xFFFFFF70];
	vm2 =	vmmov vm7;
	vm4 =	vmmov vm9;
	vm9 =	vlt.s32 v25, $0xC800  }
0x57b: {  	v1 =	vld [tilespmem:s29+$0xFFFFFF90];
	v6 =	vsel vm1, v51, v13;
	v13 =	vmin.u32 v12, $0x1F;
	v48 =	vadd.s32 $0xFFFF3800, v26  }
0x57c: {  	v21 =	vld [tilespmem:s29+$0xFFFFFF80];
	v50 =	vadd.s32 $0xFFFE7980, v26;
	v61 =	vadd.s32 $0xFFFF3800, v22;
	v62 =	vadd.s32 $0xFFFE7980, v22  }
0x57d: {  	v18 =	vld [tilespmem:s29+$0xFFFFFFA0];
	v47 =	vadd.s32 $0xFFFF3800, v33;
	v49 =	vadd.s32 $0xFFFE7980, v33;
	v32 =	vsel vm12, v40, v32  }
0x57e: {  	v12 =	vld [tilespmem:s29+$0xFFFFFFB0];
	v3 =	vadd.s32 $0xFFFE7980, v17;
	vm15 =	vlt.s32 v17, $0xC800;
	vm1 =	vgt.s32 v47, $0x0  }
0x57f: {  	v16 =	vld [tilespmem:s29+$0xFFFFFFD0];
	vm10 =	vgt.s32 v49, $0x0;
	v37 =	vnsel vm1, $0x0, v47;
	vm1 =	vgt.s32 v19, $0x0  }
0x580: {  	vm12 =	vgt.s32 v1, $0x1867F;
	v51 =	vld.idx.msk [tilespmem:v14+s19+$0x0], $0xffff;
	v14 =	vnsel vm10, $0x0, v49;
	v37 =	vmin.u32 v37, $0xBE7F  }
0x581: {  	s15 =	simm.s32 $0x1D880;
	vm10 =	vgt.s32 v46, $0x0;
	v53 =	vld.idx.msk [tilespmem:v13+s20+$0x0], $0xffff;
	v13 =	vnsel vm1, $0x0, v19;
	v14 =	vmin.u32 v14, $0x1F  }
0x582: {  	v58 =	vld [tilespmem:s15+$0x70];
	vm1 =	vgt.s32 v48, $0x0;
	v36 =	vnsel vm10, $0x0, v46;
	vm10 =	vgt.s32 v50, $0x0  }
0x583: {  	v19 =	vld [tilespmem:s29+$0xFFFFFFE0];
	v49 =	vadd.s32 $0xFFFF3800, v12;
	vm14 =	vlt.s32 v12, $0xC800;
	v57 =	vmin.u32 v13, $0xBE7F  }
0x584: {  	v44 =	vld.idx.msk [tilespmem:v44+s19+$0x0], $0xffff;
	v38 =	vnsel vm1, $0x0, v48;
	v36 =	vmin.u32 v36, $0x1F;
	vm1 =	vlt.s32 v0, $0xC800  }
0x585: {  	v31 =	vld.idx.msk [tilespmem:v31+s19+$0x0], $0xffff;
	v0 =	vnsel vm10, $0x0, v50;
	vm10 =	vmmov vm5;
	vm5 =	vmmov vm13  }
0x586: {  	v38 =	vmin.u32 v38, $0xBE7F;
	v0 =	vmin.u32 v0, $0x1F;
	vm1 =	vmmov vm1;
	v37 =	vld.idx.msk [tilespmem:v37+s19+$0x0], $0xffff  }
0x587: {  	v59 =	vld.idx.msk [tilespmem:v14+s20+$0x0], $0xffff;
	v14 =	vsel vm8, v15, v63;
	v15 =	vsel vm3, v55, v54;
	v63 =	vadd.s32 $0xFFFF3800, v25  }
0x588: {  	vm3 =	vgt.s32 v35, $0x1867F;
	v55 =	vadd.s32 $0xFFFF3800, v24;
	vm13 =	vgt.s32 v19, $0x1867F;
	v60 =	vld.idx.msk [tilespmem:v57+s19+$0x0], $0xffff  }
0x589: {  	v15 =	vsel vm6, v20, v15;
	v36 =	vld.idx.msk [tilespmem:v36+s20+$0x0], $0xffff;
	v20 =	vsel vm3, v53, v51;
	v53 =	vadd.s32 $0xFFFE7980, v25  }
0x58a: {  	v29 =	vld.idx.msk [tilespmem:v29+s19+$0x0], $0xffff;
	vm3 =	vlt.s32 v35, $0xC800;
	v57 =	vadd.s32 $0xFFFE7980, v24;
	vm6 =	vgt.s32 v28, $0x1867F  }
0x58b: {  	vm7 =	vgt.s32 v55, $0x0;
	v54 =	vld.idx.msk [tilespmem:v38+s19+$0x0], $0xffff;
	v20 =	vsel vm3, v58, v20;
	vm8 =	vgt.s32 v57, $0x0  }
0x58c: {  	vm3 =	vgt.s32 v33, $0x1867F;
	v0 =	vld.idx.msk [tilespmem:v0+s20+$0x0], $0xffff;
	v58 =	vadd.s32 $0xFFFF3800, v23;
	v42 =	vnsel vm8, $0x0, v57  }
0x58d: {  	v30 =	vld.idx.msk [tilespmem:v30+s20+$0x0], $0xffff;
	vm8 =	vlt.s32 v22, $0xC800;
	v37 =	vsel vm3, v59, v37;
	vm3 =	vgt.s32 v61, $0x0  }
0x58e: {  	v13 =	vld [tilespmem:s29+$0xFFFFFFF0];
	v34 =	vsel vm6, v36, v60;
	vm6 =	vgt.s32 v62, $0x0;
	v43 =	vnsel vm3, $0x0, v61  }
0x58f: {  	v48 =	vld [tilespmem:s8+$0x50];
	v57 =	vmin.u32 v42, $0x1F;
	v46 =	vnsel vm6, $0x0, v62;
	v43 =	vmin.u32 v43, $0xBE7F  }
0x590: {  	v59 =	vld.idx.msk [tilespmem:v52+s20+$0x0], $0xffff;
	v52 =	vadd.s32 $0xFFFF3800, v21;
	vm3 =	vgt.s32 v26, $0x1867F;
	v46 =	vmin.u32 v46, $0x1F  }
0x591: {  	v61 =	vld.idx.msk [tilespmem:v27+s20+$0x0], $0xffff;
	v0 =	vsel vm3, v0, v54;
	vm3 =	vgt.s32 v63, $0x0;
	vm6 =	vgt.s32 v53, $0x0  }
0x592: {  	v60 =	vadd.s32 $0xFFFE7980, v23;
	v62 =	vld [tilespmem:s15+$0xFFFFFF80];
	v27 =	vnsel vm3, $0x0, v63;
	v39 =	vnsel vm6, $0x0, v53  }
0x593: {  	v63 =	vld [tilespmem:s15+$0xFFFFFF90];
	vm3 =	vgt.s32 v58, $0x0;
	vm6 =	vgt.s32 v60, $0x0;
	v47 =	vmin.u32 v27, $0xBE7F  }
0x594: {  	v27 =	vnsel vm7, $0x0, v55;
	v53 =	vmin.u32 v39, $0x1F;
	v36 =	vnsel vm6, $0x0, v60;
	v54 =	vld.idx.msk [tilespmem:v43+s19+$0x0], $0xffff  }
0x595: {  	vm6 =	vgt.s32 v22, $0x1867F;
	v44 =	vsel vm11, v59, v44;
	v55 =	vmin.u32 v27, $0xBE7F;
	v46 =	vld.idx.msk [tilespmem:v46+s20+$0x0], $0xffff  }
0x596: {  	v41 =	vld.idx.msk [tilespmem:v57+s20+$0x0], $0xffff;
	v27 =	vsel vm10, v30, v31;
	v31 =	vnsel vm3, $0x0, v58;
	v59 =	vadd.s32 $0xFFFE7980, v21  }
0x597: {  	v22 =	vld [tilespmem:s15+$0xFFFFFFC0];
	v36 =	vmin.u32 v36, $0x1F;
	vm3 =	vlt.s32 v28, $0xC800;
	v28 =	vadd.s32 $0xFFFF3800, v1  }
0x598: {  	v30 =	vld [tilespmem:s15+$0xFFFFFFA0];
	vm10 =	vlt.s32 v24, $0xC800;
	v31 =	vmin.u32 v31, $0xBE7F;
	vm7 =	vgt.s32 v59, $0x0  }
0x599: {  	v29 =	vsel vm5, v61, v29;
	vm5 =	vlt.s32 v33, $0xC800;
	v33 =	vnsel vm7, $0x0, v59;
	v60 =	vld.idx.msk [tilespmem:v47+s19+$0x0], $0xffff  }
0x59a: {  	v33 =	vmin.u32 v33, $0x1F;
	v38 =	vld.idx.msk [tilespmem:v53+s20+$0x0], $0xffff;
	v39 =	vsel vm6, v46, v54;
	vm6 =	vgt.s32 v52, $0x0  }
0x59b: {  	vm11 =	vgt.s32 v3, $0x0;
	vm7 =	vgt.s32 v25, $0x1867F;
	v43 =	vld.idx.msk [tilespmem:v55+s19+$0x0], $0xffff;
	v35 =	vnsel vm6, $0x0, v52  }
0x59c: {  	v42 =	vsel vm5, v62, v37;
	vm5 =	vgt.s32 v23, $0x1867F;
	v36 =	vld.idx.msk [tilespmem:v36+s20+$0x0], $0xffff;
	v35 =	vmin.u32 v35, $0xBE7F  }
0x59d: {  	v37 =	vsel vm3, v63, v34;
	vm3 =	vgt.s32 v21, $0x1867F;
	v47 =	vadd.s32 $0xFFFE7980, v18;
	v31 =	vld.idx.msk [tilespmem:v31+s19+$0x0], $0xffff  }
0x59e: {  	v61 =	vld [tilespmem:s15+$0xFFFFFFE0];
	v46 =	vadd.s32 $0xFFFE7980, v1;
	vm6 =	vlt.s32 v26, $0xC800;
	v26 =	vadd.s32 $0xFFFF3800, v18  }
0x59f: {  	v33 =	vld.idx.msk [tilespmem:v33+s20+$0x0], $0xffff;
	v25 =	vsel vm7, v38, v60;
	vm7 =	vgt.s32 v24, $0x1867F;
	v52 =	vadd.s32 $0xFFFF3800, v16  }
0x5a0: {  	v24 =	vld [tilespmem:s15+$0xFFFFFFD0];
	v41 =	vsel vm7, v41, v43;
	v43 =	vadd.s32 $0xFFFE7980, v12;
	vm7 =	vlt.s32 v23, $0xC800  }
0x5a1: {  	v23 =	vadd.s32 $0xFFFF3800, v17;
	v40 =	vsel vm6, v30, v0;
	vm6 =	vgt.s32 v46, $0x0;
	v62 =	vld.idx.msk [tilespmem:v35+s19+$0x0], $0xffff  }
0x5a2: {  	v0 =	vld [tilespmem:s15+$0xFFFFFFF0];
	v31 =	vsel vm5, v36, v31;
	vm5 =	vlt.s32 v21, $0xC800;
	v36 =	vsel vm9, v22, v25  }
0x5a3: {  	v51 =	vld [tilespmem:s8+$0x60];
	vm9 =	vgt.s32 v49, $0x0;
	v30 =	vnsel vm6, $0x0, v46;
	vm6 =	vlt.s32 v1, $0xC800  }
0x5a4: {  	[tilespmem:s8+$0xFFFFFF90] =	vst v10;
	v21 =	vld [tilespmem:s8+$0x30];
	v22 =	vsel vm7, v61, v31;
	vm7 =	vgt.s32 v26, $0x0;
	v10 =	vmin.u32 v30, $0x1F  }
0x5a5: {  	v58 =	vld [tilespmem:s15+$0xFFFFFFB0];
	v26 =	vnsel vm7, $0x0, v26;
	v35 =	vsel vm10, v24, v41;
	vm10 =	vgt.s32 v43, $0x0  }
0x5a6: {  	v30 =	vld [tilespmem:s15+$0x40];
	v1 =	vnsel vm10, $0x0, v43;
	vm10 =	vgt.s32 v17, $0x1867F;
	v24 =	vsel vm3, v33, v62  }
0x5a7: {  	[tilespmem:s8+$0x70] =	vst v56;
	v31 =	vld [tilespmem:s15+$0x50];
	vm3 =	vgt.s32 v28, $0x0;
	v62 =	vnsel vm9, $0x0, v49;
	v34 =	vsel vm5, v0, v24  }
0x5a8: {  	[tilespmem:s8+$0xFFFFFF80] =	vst v8;
	v43 =	vld [tilespmem:s15+$0x20];
	vm5 =	vgt.s32 v23, $0x0;
	v25 =	vnsel vm3, $0x0, v28;
	vm3 =	vgt.s32 v52, $0x0  }
0x5a9: {  	[tilespmem:s8+$0xFFFFFFA0] =	vst v11;
	v28 =	vld [tilespmem:s8+$0x40];
	v24 =	vsel vm2, v21, v32;
	v0 =	vnsel vm5, $0x0, v23;
	v23 =	vnsel vm11, $0x0, v3  }
0x5aa: {  	[tilespmem:s8+$0xFFFFFFB0] =	vst v9;
	v21 =	vld [tilespmem:s15+$0x0];
	v17 =	vnsel vm3, $0x0, v52;
	vm3 =	vlt.s32 v19, $0xC800;
	v3 =	vimm.s32 $0x0  }
0x5ab: {  	[tilespmem:s8+$0xFFFFFFC0] =	vst v7;
	vm9 =	vgt.s32 v18, $0x1867F;
	vm2 =	vlt.s32 v18, $0xC800;
	v18 =	vld [tilespmem:s15+$0x10];
	v3 =	vsel vm3, $0xFFFFFFFF, v3  }
0x5ac: {  	v57 =	vadd.s32 $0xFFFF3800, v19;
	v11 =	vmin.u32 v26, $0xBE7F;
	v8 =	vmin.u32 v25, $0xBE7F;
	v25 =	vld [tilespmem:s15+$0x30];
	[tilespmem:$0x1F7B0] =	vst v3  }
0x5ad: {  	vm0 =	vgt.s32 v57, $0x0;
	v59 =	vadd.s32 $0xFFFF3800, v13;
	v63 =	vadd.s32 $0xFFFE7980, v16;
	[tilespmem:s8+$0xFFFFFFD0] =	vst v5  }
0x5ae: {  	v38 =	vsel vm8, v58, v39;
	vm8 =	vgt.s32 v47, $0x0;
	v1 =	vmin.u32 v1, $0x1F;
	[tilespmem:s8+$0xFFFFFFE0] =	vst v2  }
0x5af: {  	v58 =	vadd.s32 $0xFFFE7980, v19;
	v60 =	vadd.s32 $0xFFFE7980, v13;
	v61 =	vnsel vm8, $0x0, v47;
	[tilespmem:s8+$0xFFFFFFF0] =	vst v4  }
0x5b0: {  	vm8 =	vgt.s32 v12, $0x1867F;
	vm7 =	vgt.s32 v63, $0x0;
	v9 =	vmin.u32 v61, $0x1F;
	v33 =	vld [tilespmem:s15+$0x60];
	[tilespmem:s8+$0x0] =	vst v6  }
0x5b1: {  	vm11 =	vgt.s32 v16, $0x1867F;
	vm5 =	vlt.s32 v16, $0xC800;
	v16 =	vmin.u32 v62, $0xBE7F;
	v7 =	vld.idx.msk [tilespmem:v11+s19+$0x0], $0xffff;
	[tilespmem:s8+$0x10] =	vst v14  }
0x5b2: {  	v19 =	vnsel vm7, $0x0, v63;
	v0 =	vmin.u32 v0, $0xBE7F;
	vm3 =	vlt.s32 v13, $0xC800;
	v3 =	vld [tilespmem:$0x1F7C0]  }
0x5b3: {  	v26 =	vmin.u32 v17, $0xBE7F;
	v2 =	vnsel vm0, $0x0, v57;
	vm0 =	vgt.s32 v59, $0x0;
	v11 =	vld.idx.msk [tilespmem:v1+s20+$0x0], $0xffff  }
0x5b4: {  	v32 =	vsel vm4, v28, v44;
	vm4 =	vgt.s32 v58, $0x0;
	v63 =	vnsel vm0, $0x0, v59;
	v5 =	vld.idx.msk [tilespmem:v8+s19+$0x0], $0xffff  }
0x5b5: {  	vm0 =	vgt.s32 v60, $0x0;
	v28 =	vmin.u32 v23, $0x1F;
	v23 =	vmin.u32 v19, $0x1F;
	v8 =	vld.idx.msk [tilespmem:v10+s20+$0x0], $0xffff  }
0x5b6: {  	v19 =	vmin.u32 v2, $0xBE7F;
	v4 =	vnsel vm4, $0x0, v58;
	v6 =	vnsel vm0, $0x0, v60;
	v10 =	vld.idx.msk [tilespmem:v9+s20+$0x0], $0xffff  }
0x5b7: {  	[tilespmem:s8+$0x20] =	vst v15;
	vm4 =	vgt.s32 v13, $0x1867F;
	v9 =	vld.idx.msk [tilespmem:v16+s19+$0x0], $0xffff;
	v16 =	vmin.u32 v4, $0x1F;
	vm0 =	vnez.u8 v3  }
0x5b8: {  	s2 =	simm.s32 $0x1B9F0;
	s1 =	simm.s32 $0x10;
	[tilespmem:s15+$0x70] =	vst v20;
	v2 =	vmin.u32 v6, $0x1F;
	v12 =	vld.idx.msk [tilespmem:v0+s19+$0x0], $0xffff;
	v3 =	vmin.u32 v63, $0xBE7F;
	vm0 =	vmmov vm0  }
.LBB2_17:
0x5b9: {  	v0 =	vmov v33  }
0x5ba: {  	v27 =	vsel vm0, v48, v27;
	vm0 =	vmmov vm10;
	[tilespmem:$0x1F660] =	vst v0;
	v0 =	vimm.s32 $0x0  }
0x5bb: {  	v0 =	vsel vm0, $0xFFFFFFFF, v0  }
0x5bc: {  	vm0 =	vmmov vm11;
	[tilespmem:$0x1F5F0] =	vst v0;
	v0 =	vimm.s32 $0x0  }
0x5bd: {  	v0 =	vsel vm0, $0xFFFFFFFF, v0  }
0x5be: {  	vm0 =	vmmov vm13;
	[tilespmem:$0x1F620] =	vst v0;
	v0 =	vimm.s32 $0x0  }
0x5bf: {  	v0 =	vsel vm0, $0xFFFFFFFF, v0  }
0x5c0: {  	vm0 =	vmmov vm4;
	[tilespmem:$0x1F640] =	vst v0;
	v0 =	vimm.s32 $0x0  }
0x5c1: {  	v0 =	vsel vm0, $0xFFFFFFFF, v0  }
0x5c2: {  	vm0 =	vmmov vm15;
	[tilespmem:$0x1F650] =	vst v0;
	v0 =	vimm.s32 $0x0  }
0x5c3: {  	v0 =	vsel vm0, $0xFFFFFFFF, v0  }
0x5c4: {  	vm0 =	vmmov vm5;
	[tilespmem:$0x1F760] =	vst v0;
	v0 =	vimm.s32 $0x0  }
0x5c5: {  	v0 =	vsel vm0, $0xFFFFFFFF, v0  }
0x5c6: {  	[tilespmem:$0x1F780] =	vst v0;
	v0 =	vld [tilespmem:$0x1F7B0];
	_ =	sdelay $0x1  }
0x5c7: {  	v39 =	vld [tilespmem:s2+$0x0];
	_ =	sdelay $0x1  }
0x5c8: {  	v6 =	vsel vm12, v8, v5;
	v5 =	vmov v25  }
0x5c9: {  	v29 =	vsel vm1, v51, v29;
	v8 =	vsel vm9, v10, v7;
	[tilespmem:$0x1F750] =	vst v5;
	v5 =	vld [tilespmem:s2+$0xFFFFFF20];
	vm1 =	vnez.u8 v0  }
0x5ca: {  	v10 =	vsel vm8, v11, v9;
	v0 =	vimm.s32 $0x0;
	vm0 =	vmmov vm1  }
0x5cb: {  	v17 =	vsel vm6, v21, v6;
	v14 =	vadd.s32 $0xFFFF3800, v39;
	v0 =	vsel vm0, $0xFFFFFFFF, v0  }
0x5cc: {  	v21 =	vsel vm14, v43, v10;
	vm0 =	vmmov vm3;
	[tilespmem:$0x1F730] =	vst v0;
	v0 =	vimm.s32 $0x0  }
0x5cd: {  	[tilespmem:$0x1F600] =	vst v12;
	v6 =	vld [tilespmem:s2+$0xFFFFFF30];
	v20 =	vadd.s32 $0xFFFE7980, v39;
	v0 =	vsel vm0, $0xFFFFFFFF, v0;
	vm0 =	vgt.s32 v14, $0x0  }
0x5ce: {  	v10 =	vld [tilespmem:s2+$0xFFFFFF70];
	[tilespmem:s15+$0xFFFFFFE0] =	vst v22;
	v12 =	vadd.s32 $0xFFFF3800, v5;
	v22 =	vnsel vm0, $0x0, v14;
	vm0 =	vgt.s32 v20, $0x0  }
0x5cf: {  	[tilespmem:$0x1F6A0] =	vst v0;
	v0 =	vimm.s32 $0x0;
	v20 =	vnsel vm0, $0x0, v20;
	vm0 =	vgt.s32 v12, $0x0  }
0x5d0: {  	v25 =	vadd.s32 $0xFFFE7980, v5;
	v0 =	vsel vm0, $0xFFFFFFFF, v0  }
0x5d1: {  	v7 =	vld [tilespmem:s2+$0xFFFFFF40];
	vm0 =	vgt.s32 v25, $0x0;
	[tilespmem:$0x1F510] =	vst v0;
	v0 =	vimm.s32 $0x0  }
0x5d2: {  	[tilespmem:s15+$0xFFFFFF80] =	vst v42;
	v4 =	vmov v30;
	v30 =	vadd.s32 $0xFFFF3800, v6;
	v0 =	vsel vm0, $0xFFFFFFFF, v0  }
0x5d3: {  	vm0 =	vgt.s32 v30, $0x0;
	[tilespmem:$0x1F520] =	vst v0;
	v0 =	vimm.s32 $0x0  }
0x5d4: {  	[tilespmem:s15+$0xFFFFFFB0] =	vst v38;
	v33 =	vadd.s32 $0xFFFE7980, v6;
	v0 =	vsel vm0, $0xFFFFFFFF, v0  }
0x5d5: {  	v18 =	vsel vm2, v18, v8;
	v8 =	vld [tilespmem:s2+$0xFFFFFF50];
	vm0 =	vgt.s32 v33, $0x0;
	[tilespmem:$0x1F530] =	vst v0;
	v0 =	vimm.s32 $0x0  }
0x5d6: {  	v43 =	vadd.s32 $0xFFFF3800, v7;
	v14 =	vld [tilespmem:s2+$0xFFFFFF90];
	[tilespmem:s15+$0x0] =	vst v17;
	v0 =	vsel vm0, $0xFFFFFFFF, v0  }
0x5d7: {  	vm0 =	vgt.s32 v43, $0x0;
	[tilespmem:$0x1F540] =	vst v0;
	v0 =	vimm.s32 $0x0  }
0x5d8: {  	v17 =	vld [tilespmem:s2+$0xFFFFFFA0];
	[tilespmem:s15+$0x10] =	vst v18;
	v18 =	vadd.s32 $0xFFFE7980, v7;
	v0 =	vsel vm0, $0xFFFFFFFF, v0  }
0x5d9: {  	v9 =	vld [tilespmem:s2+$0xFFFFFF60];
	vm0 =	vgt.s32 v18, $0x0;
	[tilespmem:$0x1F550] =	vst v0;
	v0 =	vimm.s32 $0x0  }
0x5da: {  	[tilespmem:s15+$0xFFFFFFD0] =	vst v35;
	v45 =	vadd.s32 $0xFFFF3800, v8;
	v0 =	vsel vm0, $0xFFFFFFFF, v0  }
0x5db: {  	vm0 =	vgt.s32 v45, $0x0;
	[tilespmem:$0x1F560] =	vst v0;
	v0 =	vimm.s32 $0x0  }
0x5dc: {  	v11 =	vld [tilespmem:s2+$0xFFFFFF80];
	[tilespmem:s15+$0xFFFFFFF0] =	vst v34;
	v46 =	vadd.s32 $0xFFFE7980, v8;
	v0 =	vsel vm0, $0xFFFFFFFF, v0  }
0x5dd: {  	vm0 =	vgt.s32 v46, $0x0;
	[tilespmem:$0x1F570] =	vst v0;
	v0 =	vimm.s32 $0x0  }
0x5de: {  	v42 =	vmin.u32 v20, $0x1F;
	v20 =	vld [tilespmem:s2+$0xFFFFFFB0];
	[tilespmem:s15+$0x20] =	vst v21;
	v21 =	vadd.s32 $0xFFFF3800, v9;
	v0 =	vsel vm0, $0xFFFFFFFF, v0  }
0x5df: {  	vm0 =	vgt.s32 v21, $0x0;
	[tilespmem:$0x1F580] =	vst v0;
	v0 =	vimm.s32 $0x0  }
0x5e0: {  	[tilespmem:s15+$0xFFFFFF90] =	vst v37;
	v49 =	vadd.s32 $0xFFFE7980, v9;
	v0 =	vsel vm0, $0xFFFFFFFF, v0  }
0x5e1: {  	vm0 =	vgt.s32 v49, $0x0;
	[tilespmem:$0x1F590] =	vst v0;
	v0 =	vimm.s32 $0x0  }
0x5e2: {  	v1 =	vmov v31;
	v31 =	vmin.u32 v22, $0xBE7F;
	v22 =	vld [tilespmem:s2+$0xFFFFFFC0];
	[tilespmem:s8+$0x30] =	vst v24;
	v0 =	vsel vm0, $0xFFFFFFFF, v0  }
0x5e3: {  	[tilespmem:$0x1F5A0] =	vst v0;
	v0 =	vld.idx.msk [tilespmem:v28+s20+$0x0], $0xffff  }
0x5e4: {  	[tilespmem:s15+$0xFFFFFFA0] =	vst v40  }
0x5e5: {  	[tilespmem:s15+$0xFFFFFFC0] =	vst v36  }
0x5e6: {  	[tilespmem:s8+$0x50] =	vst v27;
	v24 =	vld [tilespmem:s2+$0xFFFFFFD0]  }
0x5e7: {  	[tilespmem:s8+$0x40] =	vst v32;
	v31 =	vld.idx.msk [tilespmem:v31+s19+$0x0], $0xffff  }
0x5e8: {  	[tilespmem:$0x1F610] =	vst v0;
	v0 =	vld.idx.msk [tilespmem:v26+s19+$0x0], $0xffff  }
0x5e9: {  	[tilespmem:s8+$0x60] =	vst v29;
	s8 =	smov.u32 s15;
	s15 =	sadd.s32 $0x100, s15;
	v47 =	vld.idx.msk [tilespmem:v42+s20+$0x0], $0xffff  }
0x5ea: {  	v48 =	vld [tilespmem:s15+$0x70];
	_ =	sdelay $0x1  }
0x5eb: {  	v52 =	vadd.s32 $0xFFFF3800, v11;
	v50 =	vadd.s32 $0xFFFF3800, v10;
	v51 =	vadd.s32 $0xFFFE7980, v10  }
0x5ec: {  	vm1 =	vgt.s32 v50, $0x0;
	vm0 =	vgt.s32 v39, $0x1867F;
	[tilespmem:$0x1F630] =	vst v0;
	v0 =	vimm.s32 $0x0  }
0x5ed: {  	v31 =	vsel vm0, v47, v31;
	vm0 =	vlt.s32 v39, $0xC800;
	v0 =	vsel vm1, $0xFFFFFFFF, v0  }
0x5ee: {  	v31 =	vsel vm0, v48, v31;
	vm0 =	vgt.s32 v51, $0x0;
	[tilespmem:$0x1F5B0] =	vst v0;
	v0 =	vimm.s32 $0x0  }
0x5ef: {  	[tilespmem:$0x1F5E0] =	vst v1;
	v1 =	vimm.s32 $0x0;
	v0 =	vsel vm0, $0xFFFFFFFF, v0;
	vm0 =	vgt.s32 v52, $0x0  }
0x5f0: {  	v1 =	vsel vm0, $0xFFFFFFFF, v1  }
0x5f1: {  	[tilespmem:$0x1F5D0] =	vst v1;
	v1 =	vld [tilespmem:s15+$0xFFFFFF80];
	_ =	sdelay $0x4  }
0x5f2: {  	[tilespmem:$0x1F670] =	vst v1;
	v1 =	vld [tilespmem:s15+$0xFFFFFF90];
	_ =	sdelay $0x4  }
0x5f3: {  	[tilespmem:$0x1F680] =	vst v1;
	v1 =	vld [tilespmem:s15+$0xFFFFFFA0];
	_ =	sdelay $0x2  }
0x5f4: {  	v35 =	vld [tilespmem:s2+$0xFFFFFF10];
	_ =	sdelay $0x1  }
0x5f5: {  	[tilespmem:$0x1F6B0] =	vst v1;
	v1 =	vld [tilespmem:$0x1F510];
	_ =	sdelay $0x2  }
0x5f6: {  	[tilespmem:s15+$0x70] =	vst v31;
	v31 =	vadd.s32 $0xFFFE7980, v35  }
0x5f7: {  	vm0 =	vgt.s32 v31, $0x0  }
0x5f8: {  	v15 =	vnsel vm0, $0x0, v31;
	vm0 =	vnez.u8 v1;
	v1 =	vld [tilespmem:$0x1F520];
	_ =	sdelay $0x3  }
0x5f9: {  	v27 =	vld.idx.msk [tilespmem:v16+s20+$0x0], $0xffff  }
0x5fa: {  	v16 =	vnsel vm0, $0x0, v12;
	vm0 =	vnez.u8 v1;
	v1 =	vld [tilespmem:s15+$0xFFFFFFC0];
	_ =	sdelay $0x4  }
0x5fb: {  	[tilespmem:$0x1F6E0] =	vst v1;
	v1 =	vld [tilespmem:$0x1F530];
	_ =	sdelay $0x2  }
0x5fc: {  	v42 =	vld.idx.msk [tilespmem:v19+s19+$0x0], $0xffff;
	v19 =	vadd.s32 $0xFFFF3800, v35  }
0x5fd: {  	vm6 =	vgt.s32 v19, $0x0  }
0x5fe: {  	v13 =	vnsel vm6, $0x0, v19;
	v19 =	vnsel vm0, $0x0, v25;
	vm0 =	vnez.u8 v1;
	v1 =	vld [tilespmem:$0x1F540]  }
0x5ff: {  	[tilespmem:$0x1F770] =	vst v4;
	v4 =	vld [tilespmem:s15+$0xFFFFFFD0];
	_ =	sdelay $0x2  }
0x600: {  	v29 =	vld.idx.msk [tilespmem:v2+s20+$0x0], $0xffff  }
0x601: {  	v2 =	vnsel vm0, $0x0, v30;
	vm0 =	vnez.u8 v1;
	v1 =	vld [tilespmem:$0x1F550]  }
0x602: {  	[tilespmem:$0x1F700] =	vst v4;
	v4 =	vld [tilespmem:$0x1F560]  }
0x603: {  	v12 =	vld [tilespmem:$0x1F570];
	_ =	sdelay $0x2  }
0x604: {  	v37 =	vld.idx.msk [tilespmem:v3+s19+$0x0], $0xffff;
	v3 =	vnsel vm0, $0x0, v33;
	vm0 =	vnez.u8 v1  }
0x605: {  	v1 =	vnsel vm0, $0x0, v43;
	vm0 =	vnez.u8 v4  }
0x606: {  	v4 =	vnsel vm0, $0x0, v18;
	vm0 =	vnez.u8 v12;
	v12 =	vld [tilespmem:$0x1F580];
	_ =	sdelay $0x4  }
0x607: {  	v41 =	vnsel vm0, $0x0, v45;
	vm0 =	vnez.u8 v12;
	v12 =	vld [tilespmem:s15+$0xFFFFFFE0];
	_ =	sdelay $0x3  }
0x608: {  	v34 =	vld [tilespmem:s2+$0xFFFFFFF0]  }
0x609: {  	[tilespmem:$0x1F720] =	vst v12;
	v12 =	vld [tilespmem:$0x1F590];
	_ =	sdelay $0x3  }
0x60a: {  	v40 =	vld.idx.msk [tilespmem:v23+s20+$0x0], $0xffff  }
0x60b: {  	v23 =	vadd.s32 $0xFFFF3800, v34;
	v46 =	vnsel vm0, $0x0, v46;
	vm0 =	vnez.u8 v12;
	v12 =	vld [tilespmem:$0x1F5A0]  }
0x60c: {  	v32 =	vld [tilespmem:s2+$0xFFFFFFE0];
	vm12 =	vgt.s32 v23, $0x0;
	v57 =	vadd.s32 $0xFFFE7980, v17  }
0x60d: {  	v61 =	vadd.s32 $0xFFFE7980, v22;
	v62 =	vadd.s32 $0xFFFF3800, v24;
	v63 =	vadd.s32 $0xFFFE7980, v24  }
0x60e: {  	vm4 =	vgt.s32 v61, $0x0;
	vm9 =	vgt.s32 v62, $0x0;
	vm5 =	vgt.s32 v63, $0x0  }
0x60f: {  	v61 =	vnsel vm4, $0x0, v61;
	v62 =	vnsel vm9, $0x0, v62;
	v15 =	vmin.u32 v15, $0x1F  }
0x610: {  	[tilespmem:$0x1F5C0] =	vst v0;
	v16 =	vmin.u32 v16, $0xBE7F;
	v44 =	vnsel vm0, $0x0, v21;
	vm0 =	vnez.u8 v12;
	v12 =	vld [tilespmem:$0x1F5B0]  }
0x611: {  	v63 =	vnsel vm5, $0x0, v63;
	v13 =	vmin.u32 v13, $0xBE7F;
	v28 =	vadd.s32 $0xFFFF3800, v32;
	v18 =	vld [tilespmem:$0x1F5C0]  }
0x612: {  	vm10 =	vgt.s32 v28, $0x0;
	v0 =	vadd.s32 $0xFFFE7980, v34;
	v2 =	vmin.u32 v2, $0xBE7F  }
0x613: {  	v26 =	vadd.s32 $0xFFFE7980, v32;
	vm6 =	vgt.s32 v0, $0x0;
	v19 =	vmin.u32 v19, $0x1F  }
0x614: {  	vm11 =	vgt.s32 v26, $0x0;
	v0 =	vnsel vm6, $0x0, v0;
	v47 =	vld.idx.msk [tilespmem:v15+s20+$0x0], $0xffff;
	v1 =	vmin.u32 v1, $0xBE7F  }
0x615: {  	v48 =	vld.idx.msk [tilespmem:v16+s19+$0x0], $0xffff;
	v4 =	vmin.u32 v4, $0x1F;
	v49 =	vnsel vm0, $0x0, v49;
	vm0 =	vnez.u8 v12  }
0x616: {  	v3 =	vmin.u32 v3, $0x1F;
	v12 =	vnsel vm0, $0x0, v50;
	vm0 =	vnez.u8 v18;
	v18 =	vld [tilespmem:$0x1F5D0]  }
0x617: {  	v43 =	vnsel vm10, $0x0, v28;
	v28 =	vmin.u32 v61, $0x1F;
	v61 =	vld.idx.msk [tilespmem:v2+s19+$0x0], $0xffff;
	v2 =	vmin.u32 v0, $0x1F  }
0x618: {  	v15 =	vld.idx.msk [tilespmem:v19+s20+$0x0], $0xffff;
	v19 =	vmin.u32 v43, $0xBE7F;
	v45 =	vnsel vm11, $0x0, v26;
	v26 =	vmin.u32 v62, $0xBE7F  }
0x619: {  	v41 =	vmin.u32 v41, $0xBE7F;
	v16 =	vmin.u32 v45, $0x1F;
	v45 =	vimm.s32 $0x0;
	v0 =	vld.idx.msk [tilespmem:v1+s19+$0x0], $0xffff  }
0x61a: {  	v1 =	vld.idx.msk [tilespmem:v4+s20+$0x0], $0xffff;
	v4 =	vimm.s32 $0x0;
	v44 =	vmin.u32 v44, $0xBE7F;
	v49 =	vmin.u32 v49, $0x1F  }
0x61b: {  	v50 =	vnsel vm12, $0x0, v23;
	v51 =	vnsel vm0, $0x0, v51;
	vm0 =	vnez.u8 v18  }
0x61c: {  	v23 =	vmin.u32 v63, $0x1F;
	v52 =	vnsel vm0, $0x0, v52;
	vm0 =	vgt.s32 v10, $0x1867F  }
0x61d: {  	v43 =	vld.idx.msk [tilespmem:v3+s20+$0x0], $0xffff;
	v63 =	vimm.s32 $0x0;
	v4 =	vsel vm0, $0xFFFFFFFF, v4;
	vm0 =	vgt.s32 v11, $0x1867F  }
0x61e: {  	v3 =	vmin.u32 v50, $0xBE7F;
	[tilespmem:$0x1F690] =	vst v4;
	v4 =	vld.idx.msk [tilespmem:v41+s19+$0x0], $0xffff;
	v41 =	vsel vm0, $0xFFFFFFFF, v63;
	vm0 =	vgt.s32 v14, $0x1867F  }
0x61f: {  	v50 =	vimm.s32 $0x0;
	[tilespmem:$0x1F740] =	vst v41;
	v41 =	vsel vm0, $0xFFFFFFFF, v45;
	vm0 =	vgt.s32 v20, $0x1867F  }
0x620: {  	v62 =	vimm.s32 $0x0;
	v45 =	vsel vm0, $0xFFFFFFFF, v50;
	vm0 =	vgt.s32 v22, $0x1867F  }
0x621: {  	v63 =	vimm.s32 $0x0;
	[tilespmem:$0x1F790] =	vst v45;
	v45 =	vsel vm0, $0xFFFFFFFF, v62;
	vm0 =	vgt.s32 v24, $0x1867F  }
0x622: {  	v13 =	vld.idx.msk [tilespmem:v13+s19+$0x0], $0xffff;
	v50 =	vimm.s32 $0x0;
	[tilespmem:$0x1F6C0] =	vst v45;
	v45 =	vsel vm0, $0xFFFFFFFF, v63;
	vm0 =	vgt.s32 v34, $0x1867F  }
0x623: {  	vm7 =	vgt.s32 v57, $0x0;
	v44 =	vld.idx.msk [tilespmem:v44+s19+$0x0], $0xffff;
	[tilespmem:$0x1F6D0] =	vst v45;
	v45 =	vsel vm0, $0xFFFFFFFF, v50  }
0x624: {  	v57 =	vnsel vm7, $0x0, v57;
	vm7 =	vgt.s32 v6, $0x1867F;
	[tilespmem:$0x1F710] =	vst v45;
	v45 =	vld.idx.msk [tilespmem:v49+s20+$0x0], $0xffff  }
0x625: {  	v55 =	vadd.s32 $0xFFFE7980, v14;
	v60 =	vadd.s32 $0xFFFF3800, v22;
	v43 =	vsel vm7, v43, v61;
	v61 =	vld [tilespmem:$0x1F5F0]  }
0x626: {  	v53 =	vadd.s32 $0xFFFE7980, v11;
	vm13 =	vgt.s32 v55, $0x0;
	vm3 =	vgt.s32 v60, $0x0;
	v62 =	vld [tilespmem:$0x1F600]  }
0x627: {  	v55 =	vnsel vm13, $0x0, v55;
	vm13 =	vlt.s32 v9, $0xC800;
	v60 =	vnsel vm3, $0x0, v60;
	v63 =	vld [tilespmem:$0x1F610]  }
0x628: {  	vm3 =	vgt.s32 v9, $0x1867F;
	v9 =	vimm.s32 $0x0;
	vm7 =	vlt.s32 v11, $0xC800;
	v50 =	vld [tilespmem:$0x1F630]  }
0x629: {  	v46 =	vmin.u32 v46, $0x1F;
	v49 =	vld [tilespmem:$0x1F620];
	v11 =	vsel vm3, v45, v44;
	vm3 =	vlt.s32 v32, $0xC800  }
0x62a: {  	vm0 =	vnez.u8 v61;
	v61 =	vld [tilespmem:$0x1F640];
	v9 =	vsel vm3, $0xFFFFFFFF, v9  }
0x62b: {  	v56 =	vadd.s32 $0xFFFF3800, v17;
	[tilespmem:$0x1F7B0] =	vst v9;
	v9 =	vld [tilespmem:$0x1F670]  }
0x62c: {  	vm8 =	vgt.s32 v56, $0x0  }
0x62d: {  	v56 =	vnsel vm8, $0x0, v56;
	vm8 =	vlt.s32 v35, $0xC800  }
0x62e: {  	vm4 =	vgt.s32 v35, $0x1867F;
	[tilespmem:$0x1F6F0] =	vst v41;
	v41 =	vld.idx.msk [tilespmem:v46+s20+$0x0], $0xffff;
	v46 =	vsel vm0, v63, v62;
	vm0 =	vnez.u8 v49  }
0x62f: {  	v13 =	vsel vm4, v47, v13;
	v62 =	vld [tilespmem:$0x1F650];
	v47 =	vsel vm0, v40, v50;
	vm0 =	vnez.u8 v61  }
0x630: {  	v27 =	vsel vm0, v27, v42;
	v42 =	vsel vm8, v9, v13;
	v9 =	vld [tilespmem:$0x1F680];
	_ =	sdelay $0x1  }
0x631: {  	v12 =	vmin.u32 v12, $0xBE7F  }
0x632: {  	vm6 =	vgt.s32 v5, $0x1867F;
	v51 =	vmin.u32 v51, $0x1F  }
0x633: {  	v38 =	vld [tilespmem:s15+$0xFFFFFFB0];
	vm9 =	vlt.s32 v5, $0xC800;
	v15 =	vsel vm6, v15, v48;
	vm0 =	vnez.u8 v62  }
0x634: {  	v29 =	vsel vm0, v29, v37;
	v37 =	vsel vm9, v9, v15;
	v9 =	vld [tilespmem:$0x1F690];
	_ =	sdelay $0x1  }
0x635: {  	v58 =	vadd.s32 $0xFFFF3800, v20;
	vm5 =	vgt.s32 v7, $0x1867F;
	v12 =	vld.idx.msk [tilespmem:v12+s19+$0x0], $0xffff  }
0x636: {  	vm1 =	vgt.s32 v58, $0x0;
	vm11 =	vlt.s32 v7, $0xC800;
	v0 =	vsel vm5, v1, v0;
	v1 =	vld.idx.msk [tilespmem:v51+s20+$0x0], $0xffff  }
0x637: {  	v58 =	vnsel vm1, $0x0, v58;
	vm1 =	vgt.s32 v17, $0x1867F;
	v38 =	vsel vm11, v38, v0;
	v0 =	vld [tilespmem:$0x1F6D0]  }
0x638: {  	vm9 =	vmmov vm1;
	vm1 =	vnez.u8 v9;
	v9 =	vld [tilespmem:$0x1F6A0];
	_ =	sdelay $0x2  }
0x639: {  	v36 =	vld [tilespmem:s15+$0x20]  }
0x63a: {  	vm11 =	vnez.u8 v0;
	v0 =	vld [tilespmem:$0x1F6E0]  }
0x63b: {  	v1 =	vsel vm1, v1, v12;
	vm1 =	vnez.u8 v9;
	v9 =	vld [tilespmem:$0x1F6B0]  }
0x63c: {  	v59 =	vadd.s32 $0xFFFE7980, v20  }
0x63d: {  	vm2 =	vgt.s32 v59, $0x0  }
0x63e: {  	v59 =	vnsel vm2, $0x0, v59;
	vm2 =	vgt.s32 v8, $0x1867F  }
0x63f: {  	vm10 =	vlt.s32 v6, $0xC800;
	vm12 =	vlt.s32 v8, $0xC800;
	v4 =	vsel vm2, v41, v4  }
0x640: {  	v40 =	vsel vm10, v9, v43;
	v43 =	vmov v36;
	v36 =	vsel vm12, v0, v4;
	v0 =	vld [tilespmem:$0x1F6F0];
	_ =	sdelay $0x4  }
0x641: {  	vm12 =	vnez.u8 v0;
	v0 =	vld [tilespmem:$0x1F700];
	_ =	sdelay $0x4  }
0x642: {  	v35 =	vsel vm13, v0, v11;
	v0 =	vld [tilespmem:$0x1F710];
	_ =	sdelay $0x3  }
0x643: {  	vm4 =	vgt.s32 v32, $0x1867F  }
0x644: {  	vm13 =	vmmov vm4;
	vm4 =	vnez.u8 v0;
	v0 =	vld [tilespmem:$0x1F720];
	_ =	sdelay $0x1  }
0x645: {  	vm14 =	vgt.s32 v53, $0x0  }
0x646: {  	v53 =	vnsel vm14, $0x0, v53;
	v54 =	vadd.s32 $0xFFFF3800, v14  }
0x647: {  	vm15 =	vgt.s32 v54, $0x0;
	v52 =	vmin.u32 v52, $0xBE7F;
	vm0 =	vlt.s32 v10, $0xC800  }
0x648: {  	v54 =	vnsel vm15, $0x0, v54;
	vm15 =	vlt.s32 v22, $0xC800;
	v22 =	vsel vm0, v0, v1;
	v0 =	vld [tilespmem:$0x1F730]  }
0x649: {  	v53 =	vmin.u32 v53, $0x1F;
	_ =	sdelay $0x1  }
0x64a: {  	v54 =	vmin.u32 v54, $0xBE7F;
	v39 =	vld [tilespmem:s15+$0xFFFFFFF0]  }
0x64b: {  	v6 =	vld.idx.msk [tilespmem:v52+s19+$0x0], $0xffff  }
0x64c: {  	vm0 =	vnez.u8 v0;
	v0 =	vld [tilespmem:$0x1F740]  }
0x64d: {  	v63 =	vld.idx.msk [tilespmem:v53+s20+$0x0], $0xffff  }
0x64e: {  	v31 =	vld [tilespmem:s15+$0x50]  }
0x64f: {  	v5 =	vld.idx.msk [tilespmem:v54+s19+$0x0], $0xffff  }
0x650: {  	v25 =	vld [tilespmem:s15+$0x30]  }
0x651: {  	v56 =	vmin.u32 v56, $0xBE7F;
	v30 =	vld [tilespmem:s15+$0x40];
	vm8 =	vnez.u8 v0  }
0x652: {  	v1 =	vld [tilespmem:$0x1F760];
	v0 =	vsel vm8, v63, v6  }
0x653: {  	vm3 =	vlt.s32 v34, $0xC800;
	v34 =	vsel vm7, v39, v0;
	v0 =	vld [tilespmem:$0x1F750]  }
0x654: {  	v48 =	vld [tilespmem:$0x1F5E0]  }
0x655: {  	v55 =	vmin.u32 v55, $0x1F;
	v33 =	vld [tilespmem:s15+$0x60]  }
0x656: {  	v7 =	vld.idx.msk [tilespmem:v56+s19+$0x0], $0xffff  }
0x657: {  	vm8 =	vnez.u8 v1;
	v1 =	vld [tilespmem:$0x1F780]  }
0x658: {  	vm5 =	vlt.s32 v24, $0xC800;
	v24 =	vsel vm8, v0, v46;
	v0 =	vld [tilespmem:$0x1F770]  }
0x659: {  	v21 =	vld [tilespmem:s15+$0x0]  }
0x65a: {  	v57 =	vmin.u32 v57, $0x1F;
	v8 =	vld.idx.msk [tilespmem:v55+s20+$0x0], $0xffff  }
0x65b: {  	v60 =	vmin.u32 v60, $0xBE7F;
	v18 =	vld [tilespmem:s15+$0x10]  }
0x65c: {  	s1 =	sadd.s32 $0x10, s1;
	v58 =	vmin.u32 v58, $0xBE7F;
	v9 =	vld [tilespmem:$0x1F6C0];
	vm8 =	vnez.u8 v1  }
0x65d: {  	p1 =	slt.u32 s1, $0xF0;
	v59 =	vmin.u32 v59, $0x1F;
	v32 =	vsel vm8, v0, v47;
	v0 =	vld [tilespmem:$0x1F790]  }
.Ltmp7:
0x65e: {  	v51 =	vld [tilespmem:$0x1F660];
	(pc) =	sbr.rel @p1 .LBB2_17-.Ltmp7, $4  }
0x65f: {  	v10 =	vld.idx.msk [tilespmem:v57+s20+$0x0], $0xffff  }
0x660: {  	v12 =	vld.idx.msk [tilespmem:v60+s19+$0x0], $0xffff  }
0x661: {  	vm14 =	vlt.s32 v20, $0xC800;
	vm10 =	vnez.u8 v9;
	v9 =	vld.idx.msk [tilespmem:v58+s19+$0x0], $0xffff  }
0x662: {  	s2 =	sadd.s32 $0x100, s2;
	vm6 =	vlt.s32 v14, $0xC800;
	vm2 =	vlt.s32 v17, $0xC800;
	v11 =	vld.idx.msk [tilespmem:v59+s20+$0x0], $0xffff;
	vm8 =	vnez.u8 v0  }
0x663: {  	[tilespmem:s15+$0xFFFFFF80] =	vst v42  }
0x664: {  	[tilespmem:s15+$0xFFFFFF90] =	vst v37  }
0x665: {  	[tilespmem:s15+$0xFFFFFFA0] =	vst v40  }
0x666: {  	[tilespmem:s15+$0xFFFFFFB0] =	vst v38  }
0x667: {  	[tilespmem:s15+$0xFFFFFFC0] =	vst v36  }
0x668: {  	[tilespmem:s15+$0xFFFFFFD0] =	vst v35  }
0x669: {  	[tilespmem:s15+$0xFFFFFFE0] =	vst v22  }
0x66a: {  	[tilespmem:s15+$0xFFFFFFF0] =	vst v34  }
0x66b: {  	[tilespmem:s8+$0x30] =	vst v24  }
0x66c: {  	v0 =	vld.idx.msk [tilespmem:v28+s20+$0x0], $0xffff;
	v60 =	vsel vm0, v48, v27;
	[tilespmem:s8+$0x40] =	vst v32  }
0x66d: {  	v1 =	vsel vm12, v8, v5;
	v4 =	vld.idx.msk [tilespmem:v26+s19+$0x0], $0xffff;
	v61 =	vsel vm1, v51, v29;
	[tilespmem:s8+$0x50] =	vst v60  }
0x66e: {  	v6 =	vld.idx.msk [tilespmem:v23+s20+$0x0], $0xffff;
	v1 =	vsel vm6, v21, v1;
	v56 =	vsel vm9, v10, v7;
	[tilespmem:s8+$0x60] =	vst v61  }
0x66f: {  	v58 =	vld.idx.msk [tilespmem:v19+s19+$0x0], $0xffff;
	v5 =	vsel vm2, v18, v56;
	[tilespmem:s15+$0x0] =	vst v1;
	v57 =	vsel vm8, v11, v9  }
0x670: {  	v3 =	vld.idx.msk [tilespmem:v3+s19+$0x0], $0xffff;
	[tilespmem:s15+$0x10] =	vst v5;
	v7 =	vsel vm14, v43, v57  }
0x671: {  	v2 =	vld.idx.msk [tilespmem:v2+s20+$0x0], $0xffff;
	[tilespmem:s15+$0x20] =	vst v7  }
0x672: {  	v62 =	vld [tilespmem:$0x1F7B0]  }
0x673: {  	v59 =	vld.idx.msk [tilespmem:v16+s20+$0x0], $0xffff;
	vm4 =	vmmov vm4  }
0x674: {  	vm12 =	vmmov vm15;
	vm15 =	vmmov vm3;
	vm9 =	vmmov vm10  }
0x675: {  	vm10 =	vmmov vm11;
	vm11 =	vmmov vm13;
	v0 =	vsel vm9, v0, v12  }
0x676: {  	vm13 =	vmmov vm5;
	v4 =	vsel vm10, v6, v4;
	v0 =	vsel vm12, v25, v0  }
0x677: {  	v63 =	vsel vm4, v2, v3;
	v4 =	vsel vm13, v30, v4;
	[tilespmem:s15+$0x30] =	vst v0;
	vm14 =	vnez.u8 v62  }
0x678: {  	v1 =	vsel vm11, v59, v58;
	[tilespmem:s15+$0x40] =	vst v4;
	v0 =	vsel vm15, v33, v63;
	vm1 =	vmmov vm14  }
0x679: {  	[tilespmem:s15+$0x60] =	vst v0;
	v1 =	vsel vm1, v31, v1  }
0x67a: {  	s1 =	sadd.s32 @!p0 $0xC800, s11;
	[tilespmem:s15+$0x50] =	vst v1  }
0x67b: {  	[hbm4b:s3+s16] =	stream.strided.scatter [tilespmem:s25], [sflag:$0x6], $0x1000, s17, s16, $0x38;
	[tilespmem:$0x1E700] =	vst v63  }
0x67c: {  	s2 =	simm.s32 @!p0 $0x80;
	s8 =	simm.s32 @!p0 $0xC800;
	s3 =	simm.s32 @!p0 $0x400  }
0x67d: {  	[tilespmem:s8], [sflag:$0x2] =	stream.strided.gather @!p0 [hbm4b:s1+s2], $0xBE80, s3, s2, $0x38;
	[tilespmem:$0x1E700] =	vst v63  }
0x67e: {  	s1 =	sshll.u32 @!p0 s31, $0xD;
	s2 =	sshll.u32 @!p0 s9, $0xA  }
0x67f: {  	p1 =	sne.s32 @!p0 s18, $0x0;
	s1 =	sor.u32 @!p0 s1, s2  }
0x680: {  	p1 =	por p1, p0;
	s1 =	sor.u32 @!p0 s10, s1  }
0x681: {  	s0 =	sshll.u32 @!p1 s0, $0x5;
	s1 =	sshrl.u32 @!p0 s1, $0x3  }
0x682: {  	s3 =	simm.s32 @!p0 $0x18680;
	s2 =	simm.s32 @!p0 $0x0;
	s1 =	sadd.s32 @!p0 s7, s1  }
0x683: {  	[tilespmem:s3], [sflag:$0x3] =	stream.linear.gather @!p0 [hbm4b:s1+s2], $0x80, $0x38;
	[tilespmem:$0x1E700] =	vst v63  }
0x684: {  	s0 =	sand.u32 @!p1 $0xFFFC000, s0;
	s1 =	sshll.u32 @!p1 s31, $0x4;
	s2 =	rddreg [dreg:$0x1]  }
0x685: {  	s3 =	simm.s32 @!p1 $0x18700;
	s1 =	sand.u32 @!p1 $0x70, s1;
	s0 =	sadd.s32 @!p1 s2, s0  }
0x686: {  	s2 =	simm.s32 @!p1 $0x400;
	s0 =	sadd.s32 @!p1 s1, s0;
	s1 =	simm.s32 @!p1 $0x80  }
0x687: {  	[tilespmem:s3], [sflag:$0x4] =	stream.strided.gather @!p1 [hbm4b:s0+s1], $0x4000, s2, s1, $0x38;
	[tilespmem:$0x1E700] =	vst v63  }
0x688: {  	p1 =	sne.s32 @!p0 s30, $0x34  }
0x689: {  	p0 =	por p0, !p1  }
.Ltmp8:
0x68a: {  	_ = 	snop;
	(pc) =	sbr.rel @!p0 .LBB2_2-.Ltmp8, $1  }
0x68b: {  	_ =	sdelay $0x3  }
0x68c: {  	_ =	swait.ge [sflag:s26], $0x1000  }
0x68d: {  	[sflag:s26] =	ssyncset.done $0x0  }
0x68e: {  	[sflag:s26] =	ssyncadd.s32 $0xFFFFF000  }
0x68f: {  	_ =	swait.ge [sflag:s28], $0x1000  }
0x690: {  	s1 =	rddreg [dreg:$0xa]  }
0x691: {  	s0 =	rddreg [dreg:$0x9];
	s1 =	sadd.s32 $0x1, s1  }
0x692: {  	p0 =	sne.s32 s1, s0  }
.Ltmp9:
0x693: {  	_ = 	snop;
	(pc) =	sbr.rel @p0 .LBB2_1-.Ltmp9, $3  }
0x694: {  	_ =	sdelay $0x1  }
0x695: {  	[sflag:s28] =	ssyncset.done $0x0  }
0x696: {  	[sflag:s28] =	ssyncadd.s32 $0xFFFFF000  }
0x697: {  	_ =	sfence.sel $0x180000  }
0x698: {  	[bflag:$0x0] =	sbarrier.arrive $0xFFFF  }
0x699: {  	_ =	strace $0x90000047  }
0x69a: {  	s0 =	stileid.u32;
	[bflag:$0x2] =	sbarrier.arrive $0xFFFF  }
0x69b: {  	p0 =	sne.s32 s0, $0x0;
	s0 =	rddreg [dreg:$0x4]  }
0x69c: {  	s0 =	sadd.s32 @!p0 $0x100000, s0  }
0x69d: {  	[sflag:s0] =	ssyncadd.tile.s32 @!p0 $0x1;
	_ =	shalt  }
.Lfunc_end2:
_tile_overlayer_lowered:
.L_overlay_start_2:
0x69e: {  	(tag) =	ssettag $0x2  }
0x69f: {  	s0 =	rddreg [dreg:$0x0];
	s2 =	stileid.u32  }
0x6a0: {  	s1 =	rddreg [dreg:$0x1];
	p0 =	sne.s32 s2, $0x0  }
0x6a1: {  	s3 =	rddreg [dreg:$0x2];
	[bflag:$0x3] =	sbarrier.arrive $0xFFFF;
	s2 =	simm.s32 @!p0 $0x1C07  }
0x6a2: {  	[timem:s3], [sflag:s2] =	dma.local @!p0 [hbm:s0], s1  }
0x6a3: {  	s0 =	simm.s32 @!p0 $0x7  }
0x6a4: {  	_ =	swait.ge @!p0 [sflag:s0], s1  }
0x6a5: {  	s1 =	ssub.s32 @!p0 $0x0, s1;
	[sflag:s0] =	ssyncset.done @!p0 $0x0  }
0x6a6: {  	[sflag:s0] =	ssyncadd.s32 @!p0 s1  }
0x6a7: {  	[bflag:$0x3] =	sbarrier.arrive $0xFFFF  }
0x6a8: {  	_ =	shalt  }

</sc_bundles>
